<compile_context>
chip_gen: v7x
topology: tpu7x:2x2x1
jax: 0.10.2.dev20260603
libtpu: 0.0.44.dev20260713+nightly
codegen_flags: <defaults>
</compile_context>

<pallas_src>
import functools

import jax
import jax.numpy as jnp
from jax import lax
from jax.experimental import pallas as pl
from jax.experimental.pallas import tpu as pltpu
from jax.experimental.pallas import tpu_sc as plsc

B, N, M, K = 4, 8192, 2048, 16
CP, CF, COUT = 64, 128, 256
CA = CP + CF
KK = K * K

MB_KNN = 256
MB_D = 256

NW = 32
R = B * M * K
RPW = R // NW
CH = 128
CH_N = RPW // CH
PWW = 128


def _elu(x):
    return jnp.where(x > 0, x, jnp.exp(jnp.minimum(x, 0.0)) - 1.0)


def _knn_body(cx_ref, xyzT_ref, idx_ref, d2_ref, iota_ref):
    b = pl.program_id(0)
    cb = cx_ref[0]
    xT = xyzT_ref[0]
    cn2 = ((cb[:, 0:1] * cb[:, 0:1] + cb[:, 1:2] * cb[:, 1:2])
           + cb[:, 2:3] * cb[:, 2:3])
    xn2 = ((xT[0:1, :] * xT[0:1, :] + xT[1:2, :] * xT[1:2, :])
           + xT[2:3, :] * xT[2:3, :])
    dot = lax.dot_general(cb, xT, (((1,), (0,)), ((), ())),
                          preferred_element_type=jnp.float32)
    d2_ref[...] = (cn2 - 2.0 * dot) + xn2

    iota_ref[...] = lax.broadcasted_iota(
        jnp.int32, (MB_KNN, N), 1).astype(jnp.float32)
    iota = iota_ref[...]
    cols = []
    ik = None
    for _ in range(K):
        if ik is None:
            d2 = d2_ref[...]
        else:
            d2 = jnp.where(iota == ik, jnp.float32(jnp.inf), d2_ref[...])
            d2_ref[...] = d2
        mv = jnp.min(d2, axis=1, keepdims=True)
        ik = jnp.min(jnp.where(d2 <= mv, iota, jnp.float32(N)), axis=1,
                     keepdims=True)
        cols.append(ik)
    idx_ref[...] = (jnp.concatenate(cols, axis=1).astype(jnp.int32)
                    + b * N)[None]


def _knn(center_xyz, xyzT):
    return pl.pallas_call(
        _knn_body,
        grid=(B, M // MB_KNN),
        in_specs=[
            pl.BlockSpec((1, MB_KNN, 3), lambda b, m: (b, m, 0)),
            pl.BlockSpec((1, 3, N), lambda b, m: (b, 0, 0)),
        ],
        out_specs=pl.BlockSpec((1, MB_KNN, K), lambda b, m: (b, m, 0)),
        out_shape=jax.ShapeDtypeStruct((B, M, K), jnp.int32),
        scratch_shapes=[pltpu.VMEM((MB_KNN, N), jnp.float32),
                        pltpu.VMEM((MB_KNN, N), jnp.float32)],
    )(center_xyz, xyzT)


def _sc_gather_body(idx_hbm, ftab_hbm, ptab_hbm, outf_hbm, outp_hbm,
                    idx_v, buff, bufp, semf, semp):
    wid = lax.axis_index("s") * 2 + lax.axis_index("c")
    base = wid * RPW
    pltpu.sync_copy(idx_hbm.at[wid], idx_v)

    def body(j, carry):
        cf = pltpu.async_copy(ftab_hbm.at[idx_v.at[j]], buff, semf)
        cp = pltpu.async_copy(ptab_hbm.at[idx_v.at[j]], bufp, semp)
        cf.wait()
        cp.wait()
        pltpu.sync_copy(buff, outf_hbm.at[pl.ds(base + j * CH, CH)])
        pltpu.sync_copy(bufp, outp_hbm.at[pl.ds(base + j * CH, CH)])
        return carry

    lax.fori_loop(0, CH_N, body, 0)


def _sc_gather(idx3, ftab, ptab):
    mesh = plsc.VectorSubcoreMesh(core_axis_name="c", subcore_axis_name="s")
    fn = functools.partial(
        pl.kernel,
        out_type=(jax.ShapeDtypeStruct((R, CF), jnp.float32),
                  jax.ShapeDtypeStruct((R, PWW), jnp.float32)),
        mesh=mesh,
        scratch_types=[
            pltpu.VMEM((CH_N, CH), jnp.int32),
            pltpu.VMEM((CH, CF), jnp.float32),
            pltpu.VMEM((CH, PWW), jnp.float32),
            pltpu.SemaphoreType.DMA,
            pltpu.SemaphoreType.DMA,
        ],
    )(_sc_gather_body)
    return fn(idx3, ftab, ptab)


def _dense_body(gf_ref, gp_ref, ctr_ref,
                W1_ref, b1_ref, W2_ref, b2_ref,
                Wt1_ref, bt1_ref, Wt2_ref, bt2_ref, Wt3_ref, bt3_ref,
                WoutT_ref, bout_ref, out_ref, fa_scr):
    ctr = ctr_ref[...]
    W1 = W1_ref[...]
    b1 = b1_ref[...]
    W2 = W2_ref[...]
    b2 = b2_ref[...]

    acc = None
    for k in range(K):
        pk = gp_ref[:, k * PWW:k * PWW + 3] - ctr
        h = _elu(lax.dot_general(pk, W1, (((1,), (0,)), ((), ())),
                                 preferred_element_type=jnp.float32) + b1)
        fd = _elu(lax.dot_general(h, W2, (((1,), (0,)), ((), ())),
                                  preferred_element_type=jnp.float32) + b2)
        fa_k = jnp.concatenate([fd, gf_ref[:, k * CF:(k + 1) * CF]], axis=1)
        fa_scr[k] = fa_k.T
        part = lax.dot_general(fa_k, Wt1_ref[k * CA:(k + 1) * CA, :],
                               (((1,), (0,)), ((), ())),
                               preferred_element_type=jnp.float32)
        acc = part if acc is None else acc + part

    t = _elu(acc + bt1_ref[...])
    t = _elu(lax.dot_general(t, Wt2_ref[...], (((1,), (0,)), ((), ())),
                             preferred_element_type=jnp.float32) + bt2_ref[...])
    trans = lax.dot_general(t, Wt3_ref[...], (((1,), (0,)), ((), ())),
                            preferred_element_type=jnp.float32) + bt3_ref[...]

    transT = trans.T
    oacc = None
    for i in range(K):
        fx_i = None
        for j in range(K):
            w = transT[i * K + j:i * K + j + 1, :]
            term = w * fa_scr[j]
            fx_i = term if fx_i is None else fx_i + term
        part = lax.dot_general(WoutT_ref[:, i * CA:(i + 1) * CA], fx_i,
                               (((1,), (0,)), ((), ())),
                               preferred_element_type=jnp.float32)
        oacc = part if oacc is None else oacc + part
    out_ref[...] = oacc.T + bout_ref[...]


def _dense(gf, gp, ctr, W1, b1, W2, b2, Wt1, bt1, Wt2, bt2, Wt3, bt3,
           Wout, bout):
    full = lambda shape: pl.BlockSpec(shape, lambda i: tuple(0 for _ in shape))
    return pl.pallas_call(
        _dense_body,
        grid=(B * M // MB_D,),
        in_specs=[
            pl.BlockSpec((MB_D, K * CF), lambda i: (i, 0)),
            pl.BlockSpec((MB_D, K * PWW), lambda i: (i, 0)),
            pl.BlockSpec((MB_D, 3), lambda i: (i, 0)),
            full((3, CP)), full((1, CP)), full((CP, CP)), full((1, CP)),
            full((K * CA, KK)), full((1, KK)), full((KK, KK)), full((1, KK)),
            full((KK, KK)), full((1, KK)),
            full((COUT, K * CA)), full((1, COUT)),
        ],
        out_specs=pl.BlockSpec((MB_D, COUT), lambda i: (i, 0)),
        out_shape=jax.ShapeDtypeStruct((B * M, COUT), jnp.float32),
        scratch_shapes=[pltpu.VMEM((K, CA, MB_D), jnp.float32)],
    )(gf, gp, ctr, W1, b1, W2, b2, Wt1, bt1, Wt2, bt2, Wt3, bt3,
      Wout.T, bout)


def kernel(fts, center_xyz, center_points, xyz, points,
           W1, b1, W2, b2, Wt1, bt1, Wt2, bt2, Wt3, bt3, Wout, bout):
    xyzT = jnp.swapaxes(xyz, 1, 2)
    idx = _knn(center_xyz, xyzT)
    idx3 = idx.reshape(NW, CH_N, CH)

    ftab = fts.reshape(B * N, CF)
    ptab = jnp.pad(points.reshape(B * N, 3), ((0, 0), (0, PWW - 3)))
    outf, outp = _sc_gather(idx3, ftab, ptab)
    gf = outf.reshape(B * M, K * CF)
    gp = outp.reshape(B * M, K * PWW)
    ctr = center_points.reshape(B * M, 3)

    out = _dense(gf, gp, ctr,
                 W1, b1.reshape(1, CP), W2, b2.reshape(1, CP),
                 Wt1, bt1.reshape(1, KK), Wt2, bt2.reshape(1, KK),
                 Wt3, bt3.reshape(1, KK), Wout, bout.reshape(1, COUT))
    return out.reshape(B, M, COUT)

# --- scband reference (transcript-rebuilt; emitter-appended) ---
"""Pipeline reference for scband-xconv-58669253263647 (READ-ONLY COPY).

The authoritative reference and input builder live on the scoring server;
editing this copy changes nothing except your own understanding.
"""

import jax, jax.numpy as jnp
import numpy as np

B, N, M, K = 4, 8192, 2048, 16
CP, CF, COUT = 64, 128, 256
CA = CP + CF


def setup_inputs(seed: int = 0):
    key = jax.random.key(seed)
    ks = jax.random.split(key, 17)
    s = 0.05
    inp = {
        'fts': jax.random.normal(ks[0], (B, N, CF), dtype=jnp.float32),
        'center_xyz': jax.random.uniform(ks[1], (B, M, 3), dtype=jnp.float32),
        'center_points': jax.random.uniform(ks[2], (B, M, 3), dtype=jnp.float32),
        'xyz': jax.random.uniform(ks[3], (B, N, 3), dtype=jnp.float32),
        'points': jax.random.uniform(ks[4], (B, N, 3), dtype=jnp.float32),
        'W1': jax.random.normal(ks[5], (3, CP), dtype=jnp.float32) * s,
        'b1': jnp.zeros((CP,), dtype=jnp.float32),
        'W2': jax.random.normal(ks[6], (CP, CP), dtype=jnp.float32) * s,
        'b2': jnp.zeros((CP,), dtype=jnp.float32),
        'Wt1': jax.random.normal(ks[7], (K * CA, K * K), dtype=jnp.float32) * s,
        'bt1': jnp.zeros((K * K,), dtype=jnp.float32),
        'Wt2': jax.random.normal(ks[8], (K * K, K * K), dtype=jnp.float32) * s,
        'bt2': jnp.zeros((K * K,), dtype=jnp.float32),
        'Wt3': jax.random.normal(ks[9], (K * K, K * K), dtype=jnp.float32) * s,
        'bt3': jnp.zeros((K * K,), dtype=jnp.float32),
        'Wout': jax.random.normal(ks[10], (K * CA, COUT), dtype=jnp.float32) * s,
        'bout': jnp.zeros((COUT,), dtype=jnp.float32),
    }
    return inp


def _gather(p, idx):
    # p: [B, N, C], idx: [B, M, K] -> [B, M, K, C]
    return jax.vmap(lambda a, i: a[i])(p, idx)


def reference(fts, center_xyz, center_points, xyz, points, W1, b1, W2, b2, Wt1, bt1, Wt2, bt2, Wt3, bt3, Wout, bout):
    # k-nearest neighbors of each center among xyz
    d2 = (jnp.sum(center_xyz ** 2, axis=-1, keepdims=True)
          - 2.0 * jnp.einsum('bmc,bnc->bmn', center_xyz, xyz)
          + jnp.sum(xyz ** 2, axis=-1)[:, None, :])
    _, knn_idx = jax.lax.top_k(-d2, K)  # [B, M, K]
    # gather neighbor points and localize around center
    knn_points = _gather(points, knn_idx)  # [B, M, K, 3]
    local = knn_points - center_points[:, :, None, :]
    # mlp_d: two pointwise conv layers (3 -> CP -> CP)
    h = jax.nn.elu(local @ W1 + b1)
    feature_d = jax.nn.elu(h @ W2 + b2)  # [B, M, K, CP]
    # gather previous features and concat
    prev = _gather(fts, knn_idx)  # [B, M, K, CF]
    feature_a = jnp.concatenate([feature_d, prev], axis=-1)  # [B, M, K, CA]
    # X-transformation: per-neighborhood K x K matrix
    flat = feature_a.reshape(B, M, K * CA)
    t = jax.nn.elu(flat @ Wt1 + bt1)
    t = jax.nn.elu(t @ Wt2 + bt2)
    trans = (t @ Wt3 + bt3).reshape(B, M, K, K)
    fx = jnp.einsum('bmij,bmjc->bmic', trans, feature_a)  # [B, M, K, CA]
    # final projection over (K, CA) to out_channel
    out = fx.reshape(B, M, K * CA) @ Wout + bout  # [B, M, COUT]
    return out

if __name__ == "__main__":
    import jax
    _d = setup_inputs()
    print(jax.jit(kernel)(*tuple(_d.values())))

</pallas_src>

<mosaic_0001>
#map = affine_map<(d0, d1) -> (0, 0, 0)>
#map1 = affine_map<(d0, d1) -> (0, 0)>
module attributes {stable_mosaic.version = 14 : i64} {
  func.func @_sc_gather_body(%arg0: i32, %arg1: i32, %arg2: memref<32x32x128xi32, #tpu.memory_space<hbm>>, %arg3: memref<32768x128xf32, #tpu.memory_space<hbm>>, %arg4: memref<32768x128xf32, #tpu.memory_space<hbm>>, %arg5: memref<131072x128xf32, #tpu.memory_space<hbm>>, %arg6: memref<131072x128xf32, #tpu.memory_space<hbm>>, %arg7: memref<32x128xi32, #tpu.memory_space<vmem>>, %arg8: memref<128x128xf32, #tpu.memory_space<vmem>>, %arg9: memref<128x128xf32, #tpu.memory_space<vmem>>, %arg10: memref<!tpu.dma_semaphore, #tpu.memory_space<semaphore_mem>>, %arg11: memref<!tpu.dma_semaphore, #tpu.memory_space<semaphore_mem>>) attributes {dimension_semantics = [#tpu.dimension_semantics<core_parallel>, #tpu.dimension_semantics<subcore_parallel>], iteration_bounds = array<i64: 2, 16>, scalar_prefetch = 0 : i64, scratch_operands = 5 : i64, tpu.core_type = #tpu.core_type<sc_vector_subcore>, window_params = [{transform_indices = #map}, {transform_indices = #map1}, {transform_indices = #map1}, {transform_indices = #map1}, {transform_indices = #map1}]} {
    %mul3A = arith.constant 2 : i32
    %mul3A_0 = arith.muli %arg1, %mul3A : i32
    %add3A = arith.addi %mul3A_0, %arg0 : i32
    %mul3A_1 = arith.constant 4096 : i32
    %mul3A_2 = arith.muli %add3A, %mul3A_1 : i32
    "tpu.region"() ({
      %run_scoped3A = tpu.sem_alloc : memref<!tpu.dma_semaphore, #tpu.memory_space<semaphore_mem>>
      %dma_start3A = arith.constant 0 : i32
      %dma_start3A_8 = arith.constant 0 : i32
      %dma_start3A_9 = tpu.memref_slice %arg2[%add3A, %dma_start3A, %dma_start3A_8] : memref<32x32x128xi32, #tpu.memory_space<hbm>> -> memref<1x32x128xi32, #tpu.memory_space<hbm>>
      %dma_start3A_10 = tpu.memref_squeeze %dma_start3A_9 : memref<1x32x128xi32, #tpu.memory_space<hbm>> -> memref<32x128xi32, #tpu.memory_space<hbm>>
      %dma_start3A_11 = arith.constant 0 : i32
      %dma_start3A_12 = arith.constant 0 : i32
      %dma_start3A_13 = tpu.memref_slice %arg2[%add3A, %dma_start3A_11, %dma_start3A_12] : memref<32x32x128xi32, #tpu.memory_space<hbm>> -> memref<1x32x128xi32, #tpu.memory_space<hbm>>
      %dma_start3A_14 = tpu.memref_squeeze %dma_start3A_13 : memref<1x32x128xi32, #tpu.memory_space<hbm>> -> memref<32x128xi32, #tpu.memory_space<hbm>>
      tpu.enqueue_dma source(%dma_start3A_14 : memref<32x128xi32, #tpu.memory_space<hbm>>) target(%arg7 : memref<32x128xi32, #tpu.memory_space<vmem>>) target_semaphore(%run_scoped3A : memref<!tpu.dma_semaphore, #tpu.memory_space<semaphore_mem>>)
      %dma_wait3A = arith.constant 0 : i32
      %dma_wait3A_15 = arith.constant 0 : i32
      %dma_wait3A_16 = tpu.memref_slice %arg2[%add3A, %dma_wait3A, %dma_wait3A_15] : memref<32x32x128xi32, #tpu.memory_space<hbm>> -> memref<1x32x128xi32, #tpu.memory_space<hbm>>
      %dma_wait3A_17 = tpu.memref_squeeze %dma_wait3A_16 : memref<1x32x128xi32, #tpu.memory_space<hbm>> -> memref<32x128xi32, #tpu.memory_space<hbm>>
      %dma_wait3A_18 = arith.constant 0 : i32
      %dma_wait3A_19 = arith.constant 0 : i32
      %dma_wait3A_20 = tpu.memref_slice %arg2[%add3A, %dma_wait3A_18, %dma_wait3A_19] : memref<32x32x128xi32, #tpu.memory_space<hbm>> -> memref<1x32x128xi32, #tpu.memory_space<hbm>>
      %dma_wait3A_21 = tpu.memref_squeeze %dma_wait3A_20 : memref<1x32x128xi32, #tpu.memory_space<hbm>> -> memref<32x128xi32, #tpu.memory_space<hbm>>
      tpu.wait_dma2 semaphore(%run_scoped3A : memref<!tpu.dma_semaphore, #tpu.memory_space<semaphore_mem>>) src(%dma_wait3A_21 : memref<32x128xi32, #tpu.memory_space<hbm>>) dst(%arg7 : memref<32x128xi32, #tpu.memory_space<vmem>>)
      tpu.yield
    }) : () -> ()
    %scan3A = arith.constant 0 : i32
    %scan3A_3 = arith.constant 0 : i32
    %scan3A_4 = arith.constant 32 : i32
    %scan3A_5 = arith.addi %scan3A_3, %scan3A_4 : i32
    %scan3A_6 = arith.constant 1 : i32
    scf.for %scan3A_8 = %scan3A_3 to %scan3A_5 step %scan3A_6  : i32 {
      %dma_start3A = arith.constant 0 : i32
      %dma_start3A_9 = tpu.memref_slice %arg7[%scan3A_8, %dma_start3A] : memref<32x128xi32, #tpu.memory_space<vmem>> -> memref<1x128xi32, #tpu.memory_space<vmem>>
      %dma_start3A_10 = tpu.memref_squeeze %dma_start3A_9 : memref<1x128xi32, #tpu.memory_space<vmem>> -> memref<128xi32, #tpu.memory_space<vmem>>
      %dma_start3A_11 = arith.constant 0 : i32
      %dma_start3A_12 = arith.constant 0 : i32
      %dma_start3A_13 = tpu.memref_slice %arg3[%dma_start3A_11, %dma_start3A_12] : memref<32768x128xf32, #tpu.memory_space<hbm>> -> memref<32768x128xf32, #tpu.memory_space<hbm>>
      tpu.enqueue_indirect_dma source(%dma_start3A_13 : memref<32768x128xf32, #tpu.memory_space<hbm>>) target(%arg8 : memref<128x128xf32, #tpu.memory_space<vmem>>) offsets(%dma_start3A_10 : memref<128xi32, #tpu.memory_space<vmem>>) semaphore(%arg10 : memref<!tpu.dma_semaphore, #tpu.memory_space<semaphore_mem>>)
      %dma_start3A_14 = arith.constant 0 : i32
      %dma_start3A_15 = tpu.memref_slice %arg7[%scan3A_8, %dma_start3A_14] : memref<32x128xi32, #tpu.memory_space<vmem>> -> memref<1x128xi32, #tpu.memory_space<vmem>>
      %dma_start3A_16 = tpu.memref_squeeze %dma_start3A_15 : memref<1x128xi32, #tpu.memory_space<vmem>> -> memref<128xi32, #tpu.memory_space<vmem>>
      %dma_start3A_17 = arith.constant 0 : i32
      %dma_start3A_18 = arith.constant 0 : i32
      %dma_start3A_19 = tpu.memref_slice %arg4[%dma_start3A_17, %dma_start3A_18] : memref<32768x128xf32, #tpu.memory_space<hbm>> -> memref<32768x128xf32, #tpu.memory_space<hbm>>
      tpu.enqueue_indirect_dma source(%dma_start3A_19 : memref<32768x128xf32, #tpu.memory_space<hbm>>) target(%arg9 : memref<128x128xf32, #tpu.memory_space<vmem>>) offsets(%dma_start3A_16 : memref<128xi32, #tpu.memory_space<vmem>>) semaphore(%arg11 : memref<!tpu.dma_semaphore, #tpu.memory_space<semaphore_mem>>)
      %dma_wait3A = arith.constant 0 : i32
      %dma_wait3A_20 = tpu.memref_slice %arg7[%scan3A_8, %dma_wait3A] : memref<32x128xi32, #tpu.memory_space<vmem>> -> memref<1x128xi32, #tpu.memory_space<vmem>>
      %dma_wait3A_21 = tpu.memref_squeeze %dma_wait3A_20 : memref<1x128xi32, #tpu.memory_space<vmem>> -> memref<128xi32, #tpu.memory_space<vmem>>
      %dma_wait3A_22 = arith.constant 0 : i32
      %dma_wait3A_23 = arith.constant 0 : i32
      %dma_wait3A_24 = tpu.memref_slice %arg3[%dma_wait3A_22, %dma_wait3A_23] : memref<32768x128xf32, #tpu.memory_space<hbm>> -> memref<32768x128xf32, #tpu.memory_space<hbm>>
      tpu.wait_indirect_dma semaphore(%arg10 : memref<!tpu.dma_semaphore, #tpu.memory_space<semaphore_mem>>) src(%dma_wait3A_24 : memref<32768x128xf32, #tpu.memory_space<hbm>>) dst(%arg8 : memref<128x128xf32, #tpu.memory_space<vmem>>)
      %dma_wait3A_25 = arith.constant 0 : i32
      %dma_wait3A_26 = tpu.memref_slice %arg7[%scan3A_8, %dma_wait3A_25] : memref<32x128xi32, #tpu.memory_space<vmem>> -> memref<1x128xi32, #tpu.memory_space<vmem>>
      %dma_wait3A_27 = tpu.memref_squeeze %dma_wait3A_26 : memref<1x128xi32, #tpu.memory_space<vmem>> -> memref<128xi32, #tpu.memory_space<vmem>>
      %dma_wait3A_28 = arith.constant 0 : i32
      %dma_wait3A_29 = arith.constant 0 : i32
      %dma_wait3A_30 = tpu.memref_slice %arg4[%dma_wait3A_28, %dma_wait3A_29] : memref<32768x128xf32, #tpu.memory_space<hbm>> -> memref<32768x128xf32, #tpu.memory_space<hbm>>
      tpu.wait_indirect_dma semaphore(%arg11 : memref<!tpu.dma_semaphore, #tpu.memory_space<semaphore_mem>>) src(%dma_wait3A_30 : memref<32768x128xf32, #tpu.memory_space<hbm>>) dst(%arg9 : memref<128x128xf32, #tpu.memory_space<vmem>>)
      %mul3A_31 = arith.constant 128 : i32
      %mul3A_32 = arith.muli %scan3A_8, %mul3A_31 : i32
      %add3A_33 = arith.addi %mul3A_2, %mul3A_32 : i32
      "tpu.region"() ({
        %run_scoped3A = tpu.sem_alloc : memref<!tpu.dma_semaphore, #tpu.memory_space<semaphore_mem>>
        %dma_start3A_37 = arith.constant 0 : i32
        %dma_start3A_38 = tpu.memref_slice %arg5[%add3A_33, %dma_start3A_37] : memref<131072x128xf32, #tpu.memory_space<hbm>> -> memref<128x128xf32, #tpu.memory_space<hbm>>
        %dma_start3A_39 = arith.constant 0 : i32
        %dma_start3A_40 = tpu.memref_slice %arg5[%add3A_33, %dma_start3A_39] : memref<131072x128xf32, #tpu.memory_space<hbm>> -> memref<128x128xf32, #tpu.memory_space<hbm>>
        tpu.enqueue_dma source(%arg8 : memref<128x128xf32, #tpu.memory_space<vmem>>) target(%dma_start3A_40 : memref<128x128xf32, #tpu.memory_space<hbm>>) target_semaphore(%run_scoped3A : memref<!tpu.dma_semaphore, #tpu.memory_space<semaphore_mem>>)
        %dma_wait3A_41 = arith.constant 0 : i32
        %dma_wait3A_42 = tpu.memref_slice %arg5[%add3A_33, %dma_wait3A_41] : memref<131072x128xf32, #tpu.memory_space<hbm>> -> memref<128x128xf32, #tpu.memory_space<hbm>>
        %dma_wait3A_43 = arith.constant 0 : i32
        %dma_wait3A_44 = tpu.memref_slice %arg5[%add3A_33, %dma_wait3A_43] : memref<131072x128xf32, #tpu.memory_space<hbm>> -> memref<128x128xf32, #tpu.memory_space<hbm>>
        tpu.wait_dma2 semaphore(%run_scoped3A : memref<!tpu.dma_semaphore, #tpu.memory_space<semaphore_mem>>) src(%arg8 : memref<128x128xf32, #tpu.memory_space<vmem>>) dst(%dma_wait3A_44 : memref<128x128xf32, #tpu.memory_space<hbm>>)
        tpu.yield
      }) : () -> ()
      %mul3A_34 = arith.constant 128 : i32
      %mul3A_35 = arith.muli %scan3A_8, %mul3A_34 : i32
      %add3A_36 = arith.addi %mul3A_2, %mul3A_35 : i32
      "tpu.region"() ({
        %run_scoped3A = tpu.sem_alloc : memref<!tpu.dma_semaphore, #tpu.memory_space<semaphore_mem>>
        %dma_start3A_37 = arith.constant 0 : i32
        %dma_start3A_38 = tpu.memref_slice %arg6[%add3A_36, %dma_start3A_37] : memref<131072x128xf32, #tpu.memory_space<hbm>> -> memref<128x128xf32, #tpu.memory_space<hbm>>
        %dma_start3A_39 = arith.constant 0 : i32
        %dma_start3A_40 = tpu.memref_slice %arg6[%add3A_36, %dma_start3A_39] : memref<131072x128xf32, #tpu.memory_space<hbm>> -> memref<128x128xf32, #tpu.memory_space<hbm>>
        tpu.enqueue_dma source(%arg9 : memref<128x128xf32, #tpu.memory_space<vmem>>) target(%dma_start3A_40 : memref<128x128xf32, #tpu.memory_space<hbm>>) target_semaphore(%run_scoped3A : memref<!tpu.dma_semaphore, #tpu.memory_space<semaphore_mem>>)
        %dma_wait3A_41 = arith.constant 0 : i32
        %dma_wait3A_42 = tpu.memref_slice %arg6[%add3A_36, %dma_wait3A_41] : memref<131072x128xf32, #tpu.memory_space<hbm>> -> memref<128x128xf32, #tpu.memory_space<hbm>>
        %dma_wait3A_43 = arith.constant 0 : i32
        %dma_wait3A_44 = tpu.memref_slice %arg6[%add3A_36, %dma_wait3A_43] : memref<131072x128xf32, #tpu.memory_space<hbm>> -> memref<128x128xf32, #tpu.memory_space<hbm>>
        tpu.wait_dma2 semaphore(%run_scoped3A : memref<!tpu.dma_semaphore, #tpu.memory_space<semaphore_mem>>) src(%arg9 : memref<128x128xf32, #tpu.memory_space<vmem>>) dst(%dma_wait3A_44 : memref<128x128xf32, #tpu.memory_space<hbm>>)
        tpu.yield
      }) : () -> ()
    }
    %scan3A_7 = arith.constant 32 : i32
    return
  }
}

module attributes {stable_mosaic.version = 14 : i64} {
  func.func @_knn_body(%arg0: i32, %arg1: i32, %arg2: memref<1x256x3xf32, #tpu.memory_space<vmem>>, %arg3: memref<1x3x8192xf32, #tpu.memory_space<vmem>>, %arg4: memref<1x256x16xi32, #tpu.memory_space<vmem>>, %arg5: memref<256x8192xf32, #tpu.memory_space<vmem>>, %arg6: memref<256x8192xf32, #tpu.memory_space<vmem>>) attributes {dimension_semantics = [#tpu.dimension_semantics<arbitrary>, #tpu.dimension_semantics<arbitrary>], iteration_bounds = array<i64: 4, 8>, scalar_prefetch = 0 : i64, scratch_operands = 2 : i64, tpu.core_type = #tpu.core_type<tc>, window_params = [{transform_indices = @transform_0, window_bounds = array<i64: 1, 256, 3>}, {transform_indices = @transform_1, window_bounds = array<i64: 1, 3, 8192>}, {transform_indices = @transform_2, window_bounds = array<i64: 1, 256, 16>}]} {
    %get3A = arith.constant 0 : index
    %get3A_0 = arith.constant 0 : index
    %get3A_1 = arith.constant 0 : index
    %get3A_2 = vector.load %arg2[%get3A, %get3A_0, %get3A_1] : memref<1x256x3xf32, #tpu.memory_space<vmem>>, vector<1x256x3xf32>
    %get3A_3 = vector.shape_cast %get3A_2 : vector<1x256x3xf32> to vector<256x3xf32>
    %get3A_4 = arith.constant 0 : index
    %get3A_5 = arith.constant 0 : index
    %get3A_6 = arith.constant 0 : index
    %get3A_7 = vector.load %arg3[%get3A_4, %get3A_5, %get3A_6] : memref<1x3x8192xf32, #tpu.memory_space<vmem>>, vector<1x3x8192xf32>
    %get3A_8 = vector.shape_cast %get3A_7 : vector<1x3x8192xf32> to vector<3x8192xf32>
    %slice3A = vector.extract_strided_slice %get3A_3 {offsets = [0, 0], sizes = [256, 1], strides = [1, 1]} : vector<256x3xf32> to vector<256x1xf32>
    %slice3A_9 = vector.extract_strided_slice %get3A_3 {offsets = [0, 0], sizes = [256, 1], strides = [1, 1]} : vector<256x3xf32> to vector<256x1xf32>
    %mul3A = arith.mulf %slice3A, %slice3A_9 : vector<256x1xf32>
    %slice3A_10 = vector.extract_strided_slice %get3A_3 {offsets = [0, 1], sizes = [256, 1], strides = [1, 1]} : vector<256x3xf32> to vector<256x1xf32>
    %slice3A_11 = vector.extract_strided_slice %get3A_3 {offsets = [0, 1], sizes = [256, 1], strides = [1, 1]} : vector<256x3xf32> to vector<256x1xf32>
    %mul3A_12 = arith.mulf %slice3A_10, %slice3A_11 : vector<256x1xf32>
    %add3A = arith.addf %mul3A, %mul3A_12 : vector<256x1xf32>
    %slice3A_13 = vector.extract_strided_slice %get3A_3 {offsets = [0, 2], sizes = [256, 1], strides = [1, 1]} : vector<256x3xf32> to vector<256x1xf32>
    %slice3A_14 = vector.extract_strided_slice %get3A_3 {offsets = [0, 2], sizes = [256, 1], strides = [1, 1]} : vector<256x3xf32> to vector<256x1xf32>
    %mul3A_15 = arith.mulf %slice3A_13, %slice3A_14 : vector<256x1xf32>
    %add3A_16 = arith.addf %add3A, %mul3A_15 : vector<256x1xf32>
    %slice3A_17 = vector.extract_strided_slice %get3A_8 {offsets = [0, 0], sizes = [1, 8192], strides = [1, 1]} : vector<3x8192xf32> to vector<1x8192xf32>
    %slice3A_18 = vector.extract_strided_slice %get3A_8 {offsets = [0, 0], sizes = [1, 8192], strides = [1, 1]} : vector<3x8192xf32> to vector<1x8192xf32>
    %mul3A_19 = arith.mulf %slice3A_17, %slice3A_18 : vector<1x8192xf32>
    %slice3A_20 = vector.extract_strided_slice %get3A_8 {offsets = [1, 0], sizes = [1, 8192], strides = [1, 1]} : vector<3x8192xf32> to vector<1x8192xf32>
    %slice3A_21 = vector.extract_strided_slice %get3A_8 {offsets = [1, 0], sizes = [1, 8192], strides = [1, 1]} : vector<3x8192xf32> to vector<1x8192xf32>
    %mul3A_22 = arith.mulf %slice3A_20, %slice3A_21 : vector<1x8192xf32>
    %add3A_23 = arith.addf %mul3A_19, %mul3A_22 : vector<1x8192xf32>
    %slice3A_24 = vector.extract_strided_slice %get3A_8 {offsets = [2, 0], sizes = [1, 8192], strides = [1, 1]} : vector<3x8192xf32> to vector<1x8192xf32>
    %slice3A_25 = vector.extract_strided_slice %get3A_8 {offsets = [2, 0], sizes = [1, 8192], strides = [1, 1]} : vector<3x8192xf32> to vector<1x8192xf32>
    %mul3A_26 = arith.mulf %slice3A_24, %slice3A_25 : vector<1x8192xf32>
    %add3A_27 = arith.addf %add3A_23, %mul3A_26 : vector<1x8192xf32>
    %dot_general3A = arith.constant dense<0.000000e+00> : vector<256x8192xf32>
    %dot_general3A_28 = tpu.matmul %get3A_3, %get3A_8, %dot_general3A {dimension_numbers = #tpu.dot_dimension_numbers<[1], [0], [0], [1], [0, 0, 1, 1], [], []>, transpose_lhs_hint = false} : vector<256x3xf32>, vector<3x8192xf32>, vector<256x8192xf32> -> vector<256x8192xf32>
    %mul3A_29 = arith.constant 2.000000e+00 : f32
    %mul3A_30 = vector.broadcast %mul3A_29 : f32 to vector<256x8192xf32>
    %mul3A_31 = arith.mulf %mul3A_30, %dot_general3A_28 : vector<256x8192xf32>
    %sub3A = vector.broadcast %add3A_16 : vector<256x1xf32> to vector<256x8192xf32>
    %sub3A_32 = arith.subf %sub3A, %mul3A_31 : vector<256x8192xf32>
    %add3A_33 = vector.broadcast %add3A_27 : vector<1x8192xf32> to vector<256x8192xf32>
    %add3A_34 = arith.addf %sub3A_32, %add3A_33 : vector<256x8192xf32>
    %swap3A = arith.constant 0 : index
    %swap3A_35 = arith.constant 0 : index
    %swap3A_36 = vector.load %arg5[%swap3A, %swap3A_35] : memref<256x8192xf32, #tpu.memory_space<vmem>>, vector<256x8192xf32>
    tpu.vector_store %arg5[%swap3A, %swap3A_35], %add3A_34 {strides = array<i32>} : memref<256x8192xf32, #tpu.memory_space<vmem>>, vector<256x8192xf32>,
    %iota3A = tpu.iota {dimensions = array<i32: 1>} : vector<256x8192xi32>
    %convert_element_type3A = arith.sitofp %iota3A : vector<256x8192xi32> to vector<256x8192xf32>
    %swap3A_37 = arith.constant 0 : index
    %swap3A_38 = arith.constant 0 : index
    %swap3A_39 = vector.load %arg6[%swap3A_37, %swap3A_38] : memref<256x8192xf32, #tpu.memory_space<vmem>>, vector<256x8192xf32>
    tpu.vector_store %arg6[%swap3A_37, %swap3A_38], %convert_element_type3A {strides = array<i32>} : memref<256x8192xf32, #tpu.memory_space<vmem>>, vector<256x8192xf32>,
    %get3A_40 = arith.constant 0 : index
    %get3A_41 = arith.constant 0 : index
    %get3A_42 = vector.load %arg6[%get3A_40, %get3A_41] : memref<256x8192xf32, #tpu.memory_space<vmem>>, vector<256x8192xf32>
    %get3A_43 = arith.constant 0 : index
    %get3A_44 = arith.constant 0 : index
    %get3A_45 = vector.load %arg5[%get3A_43, %get3A_44] : memref<256x8192xf32, #tpu.memory_space<vmem>>, vector<256x8192xf32>
    %reduce_min3A = arith.constant dense<0x7F800000> : vector<256xf32>
    %reduce_min3A_46 = vector.multi_reduction <minimumf>, %get3A_45, %reduce_min3A [1] : vector<256x8192xf32> to vector<256xf32>
    %broadcast_in_dim3A = vector.shape_cast %reduce_min3A_46 : vector<256xf32> to vector<256x1xf32>
    %le3A = vector.broadcast %broadcast_in_dim3A : vector<256x1xf32> to vector<256x8192xf32>
    %le3A_47 = arith.cmpf ole, %get3A_45, %le3A : vector<256x8192xf32>
    %jit3A = arith.constant 8.192000e+03 : f32
    %broadcast_in_dim3A_48 = vector.broadcast %jit3A : f32 to vector<256x8192xf32>
    %select_n3A = arith.select %le3A_47, %get3A_42, %broadcast_in_dim3A_48 : vector<256x8192xi1>, vector<256x8192xf32>
    %reduce_min3A_49 = arith.constant dense<0x7F800000> : vector<256xf32>
    %reduce_min3A_50 = vector.multi_reduction <minimumf>, %select_n3A, %reduce_min3A_49 [1] : vector<256x8192xf32> to vector<256xf32>
    %broadcast_in_dim3A_51 = vector.shape_cast %reduce_min3A_50 : vector<256xf32> to vector<256x1xf32>
    %eq3A = vector.broadcast %broadcast_in_dim3A_51 : vector<256x1xf32> to vector<256x8192xf32>
    %eq3A_52 = arith.cmpf oeq, %get3A_42, %eq3A : vector<256x8192xf32>
    %get3A_53 = arith.constant 0 : index
    %get3A_54 = arith.constant 0 : index
    %get3A_55 = vector.load %arg5[%get3A_53, %get3A_54] : memref<256x8192xf32, #tpu.memory_space<vmem>>, vector<256x8192xf32>
    %jit3A_56 = arith.constant 0x7F800000 : f32
    %broadcast_in_dim3A_57 = vector.broadcast %jit3A_56 : f32 to vector<256x8192xf32>
    %select_n3A_58 = arith.select %eq3A_52, %broadcast_in_dim3A_57, %get3A_55 : vector<256x8192xi1>, vector<256x8192xf32>
    %swap3A_59 = arith.constant 0 : index
    %swap3A_60 = arith.constant 0 : index
    %swap3A_61 = vector.load %arg5[%swap3A_59, %swap3A_60] : memref<256x8192xf32, #tpu.memory_space<vmem>>, vector<256x8192xf32>
    tpu.vector_store %arg5[%swap3A_59, %swap3A_60], %select_n3A_58 {strides = array<i32>} : memref<256x8192xf32, #tpu.memory_space<vmem>>, vector<256x8192xf32>,
    %reduce_min3A_62 = arith.constant dense<0x7F800000> : vector<256xf32>
    %reduce_min3A_63 = vector.multi_reduction <minimumf>, %select_n3A_58, %reduce_min3A_62 [1] : vector<256x8192xf32> to vector<256xf32>
    %broadcast_in_dim3A_64 = vector.shape_cast %reduce_min3A_63 : vector<256xf32> to vector<256x1xf32>
    %le3A_65 = vector.broadcast %broadcast_in_dim3A_64 : vector<256x1xf32> to vector<256x8192xf32>
    %le3A_66 = arith.cmpf ole, %select_n3A_58, %le3A_65 : vector<256x8192xf32>
    %jit3A_67 = arith.constant 8.192000e+03 : f32
    %broadcast_in_dim3A_68 = vector.broadcast %jit3A_67 : f32 to vector<256x8192xf32>
    %select_n3A_69 = arith.select %le3A_66, %get3A_42, %broadcast_in_dim3A_68 : vector<256x8192xi1>, vector<256x8192xf32>
    %reduce_min3A_70 = arith.constant dense<0x7F800000> : vector<256xf32>
    %reduce_min3A_71 = vector.multi_reduction <minimumf>, %select_n3A_69, %reduce_min3A_70 [1] : vector<256x8192xf32> to vector<256xf32>
    %broadcast_in_dim3A_72 = vector.shape_cast %reduce_min3A_71 : vector<256xf32> to vector<256x1xf32>
    %eq3A_73 = vector.broadcast %broadcast_in_dim3A_72 : vector<256x1xf32> to vector<256x8192xf32>
    %eq3A_74 = arith.cmpf oeq, %get3A_42, %eq3A_73 : vector<256x8192xf32>
    %get3A_75 = arith.constant 0 : index
    %get3A_76 = arith.constant 0 : index
    %get3A_77 = vector.load %arg5[%get3A_75, %get3A_76] : memref<256x8192xf32, #tpu.memory_space<vmem>>, vector<256x8192xf32>
    %jit3A_78 = arith.constant 0x7F800000 : f32
    %broadcast_in_dim3A_79 = vector.broadcast %jit3A_78 : f32 to vector<256x8192xf32>
    %select_n3A_80 = arith.select %eq3A_74, %broadcast_in_dim3A_79, %get3A_77 : vector<256x8192xi1>, vector<256x8192xf32>
    %swap3A_81 = arith.constant 0 : index
    %swap3A_82 = arith.constant 0 : index
    %swap3A_83 = vector.load %arg5[%swap3A_81, %swap3A_82] : memref<256x8192xf32, #tpu.memory_space<vmem>>, vector<256x8192xf32>
    tpu.vector_store %arg5[%swap3A_81, %swap3A_82], %select_n3A_80 {strides = array<i32>} : memref<256x8192xf32, #tpu.memory_space<vmem>>, vector<256x8192xf32>,
    %reduce_min3A_84 = arith.constant dense<0x7F800000> : vector<256xf32>
    %reduce_min3A_85 = vector.multi_reduction <minimumf>, %select_n3A_80, %reduce_min3A_84 [1] : vector<256x8192xf32> to vector<256xf32>
    %broadcast_in_dim3A_86 = vector.shape_cast %reduce_min3A_85 : vector<256xf32> to vector<256x1xf32>
    %le3A_87 = vector.broadcast %broadcast_in_dim3A_86 : vector<256x1xf32> to vector<256x8192xf32>
    %le3A_88 = arith.cmpf ole, %select_n3A_80, %le3A_87 : vector<256x8192xf32>
    %jit3A_89 = arith.constant 8.192000e+03 : f32
    %broadcast_in_dim3A_90 = vector.broadcast %jit3A_89 : f32 to vector<256x8192xf32>
    %select_n3A_91 = arith.select %le3A_88, %get3A_42, %broadcast_in_dim3A_90 : vector<256x8192xi1>, vector<256x8192xf32>
    %reduce_min3A_92 = arith.constant dense<0x7F800000> : vector<256xf32>
    %reduce_min3A_93 = vector.multi_reduction <minimumf>, %select_n3A_91, %reduce_min3A_92 [1] : vector<256x8192xf32> to vector<256xf32>
    %broadcast_in_dim3A_94 = vector.shape_cast %reduce_min3A_93 : vector<256xf32> to vector<256x1xf32>
    %eq3A_95 = vector.broadcast %broadcast_in_dim3A_94 : vector<256x1xf32> to vector<256x8192xf32>
    %eq3A_96 = arith.cmpf oeq, %get3A_42, %eq3A_95 : vector<256x8192xf32>
    %get3A_97 = arith.constant 0 : index
    %get3A_98 = arith.constant 0 : index
    %get3A_99 = vector.load %arg5[%get3A_97, %get3A_98] : memref<256x8192xf32, #tpu.memory_space<vmem>>, vector<256x8192xf32>
    %jit3A_100 = arith.constant 0x7F800000 : f32
    %broadcast_in_dim3A_101 = vector.broadcast %jit3A_100 : f32 to vector<256x8192xf32>
    %select_n3A_102 = arith.select %eq3A_96, %broadcast_in_dim3A_101, %get3A_99 : vector<256x8192xi1>, vector<256x8192xf32>
    %swap3A_103 = arith.constant 0 : index
    %swap3A_104 = arith.constant 0 : index
    %swap3A_105 = vector.load %arg5[%swap3A_103, %swap3A_104] : memref<256x8192xf32, #tpu.memory_space<vmem>>, vector<256x8192xf32>
    tpu.vector_store %arg5[%swap3A_103, %swap3A_104], %select_n3A_102 {strides = array<i32>} : memref<256x8192xf32, #tpu.memory_space<vmem>>, vector<256x8192xf32>,
    %reduce_min3A_106 = arith.constant dense<0x7F800000> : vector<256xf32>
    %reduce_min3A_107 = vector.multi_reduction <minimumf>, %select_n3A_102, %reduce_min3A_106 [1] : vector<256x8192xf32> to vector<256xf32>
    %broadcast_in_dim3A_108 = vector.shape_cast %reduce_min3A_107 : vector<256xf32> to vector<256x1xf32>
    %le3A_109 = vector.broadcast %broadcast_in_dim3A_108 : vector<256x1xf32> to vector<256x8192xf32>
    %le3A_110 = arith.cmpf ole, %select_n3A_102, %le3A_109 : vector<256x8192xf32>
    %jit3A_111 = arith.constant 8.192000e+03 : f32
    %broadcast_in_dim3A_112 = vector.broadcast %jit3A_111 : f32 to vector<256x8192xf32>
    %select_n3A_113 = arith.select %le3A_110, %get3A_42, %broadcast_in_dim3A_112 : vector<256x8192xi1>, vector<256x8192xf32>
    %reduce_min3A_114 = arith.constant dense<0x7F800000> : vector<256xf32>
    %reduce_min3A_115 = vector.multi_reduction <minimumf>, %select_n3A_113, %reduce_min3A_114 [1] : vector<256x8192xf32> to vector<256xf32>
    %broadcast_in_dim3A_116 = vector.shape_cast %reduce_min3A_115 : vector<256xf32> to vector<256x1xf32>
    %eq3A_117 = vector.broadcast %broadcast_in_dim3A_116 : vector<256x1xf32> to vector<256x8192xf32>
    %eq3A_118 = arith.cmpf oeq, %get3A_42, %eq3A_117 : vector<256x8192xf32>
    %get3A_119 = arith.constant 0 : index
    %get3A_120 = arith.constant 0 : index
    %get3A_121 = vector.load %arg5[%get3A_119, %get3A_120] : memref<256x8192xf32, #tpu.memory_space<vmem>>, vector<256x8192xf32>
    %jit3A_122 = arith.constant 0x7F800000 : f32
    %broadcast_in_dim3A_123 = vector.broadcast %jit3A_122 : f32 to vector<256x8192xf32>
    %select_n3A_124 = arith.select %eq3A_118, %broadcast_in_dim3A_123, %get3A_121 : vector<256x8192xi1>, vector<256x8192xf32>
    %swap3A_125 = arith.constant 0 : index
    %swap3A_126 = arith.constant 0 : index
    %swap3A_127 = vector.load %arg5[%swap3A_125, %swap3A_126] : memref<256x8192xf32, #tpu.memory_space<vmem>>, vector<256x8192xf32>
    tpu.vector_store %arg5[%swap3A_125, %swap3A_126], %select_n3A_124 {strides = array<i32>} : memref<256x8192xf32, #tpu.memory_space<vmem>>, vector<256x8192xf32>,
    %reduce_min3A_128 = arith.constant dense<0x7F800000> : vector<256xf32>
    %reduce_min3A_129 = vector.multi_reduction <minimumf>, %select_n3A_124, %reduce_min3A_128 [1] : vector<256x8192xf32> to vector<256xf32>
    %broadcast_in_dim3A_130 = vector.shape_cast %reduce_min3A_129 : vector<256xf32> to vector<256x1xf32>
    %le3A_131 = vector.broadcast %broadcast_in_dim3A_130 : vector<256x1xf32> to vector<256x8192xf32>
    %le3A_132 = arith.cmpf ole, %select_n3A_124, %le3A_131 : vector<256x8192xf32>
    %jit3A_133 = arith.constant 8.192000e+03 : f32
    %broadcast_in_dim3A_134 = vector.broadcast %jit3A_133 : f32 to vector<256x8192xf32>
    %select_n3A_135 = arith.select %le3A_132, %get3A_42, %broadcast_in_dim3A_134 : vector<256x8192xi1>, vector<256x8192xf32>
    %reduce_min3A_136 = arith.constant dense<0x7F800000> : vector<256xf32>
    %reduce_min3A_137 = vector.multi_reduction <minimumf>, %select_n3A_135, %reduce_min3A_136 [1] : vector<256x8192xf32> to vector<256xf32>
    %broadcast_in_dim3A_138 = vector.shape_cast %reduce_min3A_137 : vector<256xf32> to vector<256x1xf32>
    %eq3A_139 = vector.broadcast %broadcast_in_dim3A_138 : vector<256x1xf32> to vector<256x8192xf32>
    %eq3A_140 = arith.cmpf oeq, %get3A_42, %eq3A_139 : vector<256x8192xf32>
    %get3A_141 = arith.constant 0 : index
    %get3A_142 = arith.constant 0 : index
    %get3A_143 = vector.load %arg5[%get3A_141, %get3A_142] : memref<256x8192xf32, #tpu.memory_space<vmem>>, vector<256x8192xf32>
    %jit3A_144 = arith.constant 0x7F800000 : f32
    %broadcast_in_dim3A_145 = vector.broadcast %jit3A_144 : f32 to vector<256x8192xf32>
    %select_n3A_146 = arith.select %eq3A_140, %broadcast_in_dim3A_145, %get3A_143 : vector<256x8192xi1>, vector<256x8192xf32>
    %swap3A_147 = arith.constant 0 : index
    %swap3A_148 = arith.constant 0 : index
    %swap3A_149 = vector.load %arg5[%swap3A_147, %swap3A_148] : memref<256x8192xf32, #tpu.memory_space<vmem>>, vector<256x8192xf32>
    tpu.vector_store %arg5[%swap3A_147, %swap3A_148], %select_n3A_146 {strides = array<i32>} : memref<256x8192xf32, #tpu.memory_space<vmem>>, vector<256x8192xf32>,
    %reduce_min3A_150 = arith.constant dense<0x7F800000> : vector<256xf32>
    %reduce_min3A_151 = vector.multi_reduction <minimumf>, %select_n3A_146, %reduce_min3A_150 [1] : vector<256x8192xf32> to vector<256xf32>
    %broadcast_in_dim3A_152 = vector.shape_cast %reduce_min3A_151 : vector<256xf32> to vector<256x1xf32>
    %le3A_153 = vector.broadcast %broadcast_in_dim3A_152 : vector<256x1xf32> to vector<256x8192xf32>
    %le3A_154 = arith.cmpf ole, %select_n3A_146, %le3A_153 : vector<256x8192xf32>
    %jit3A_155 = arith.constant 8.192000e+03 : f32
    %broadcast_in_dim3A_156 = vector.broadcast %jit3A_155 : f32 to vector<256x8192xf32>
    %select_n3A_157 = arith.select %le3A_154, %get3A_42, %broadcast_in_dim3A_156 : vector<256x8192xi1>, vector<256x8192xf32>
    %reduce_min3A_158 = arith.constant dense<0x7F800000> : vector<256xf32>
    %reduce_min3A_159 = vector.multi_reduction <minimumf>, %select_n3A_157, %reduce_min3A_158 [1] : vector<256x8192xf32> to vector<256xf32>
    %broadcast_in_dim3A_160 = vector.shape_cast %reduce_min3A_159 : vector<256xf32> to vector<256x1xf32>
    %eq3A_161 = vector.broadcast %broadcast_in_dim3A_160 : vector<256x1xf32> to vector<256x8192xf32>
    %eq3A_162 = arith.cmpf oeq, %get3A_42, %eq3A_161 : vector<256x8192xf32>
    %get3A_163 = arith.constant 0 : index
    %get3A_164 = arith.constant 0 : index
    %get3A_165 = vector.load %arg5[%get3A_163, %get3A_164] : memref<256x8192xf32, #tpu.memory_space<vmem>>, vector<256x8192xf32>
    %jit3A_166 = arith.constant 0x7F800000 : f32
    %broadcast_in_dim3A_167 = vector.broadcast %jit3A_166 : f32 to vector<256x8192xf32>
    %select_n3A_168 = arith.select %eq3A_162, %broadcast_in_dim3A_167, %get3A_165 : vector<256x8192xi1>, vector<256x8192xf32>
    %swap3A_169 = arith.constant 0 : index
    %swap3A_170 = arith.constant 0 : index
    %swap3A_171 = vector.load %arg5[%swap3A_169, %swap3A_170] : memref<256x8192xf32, #tpu.memory_space<vmem>>, vector<256x8192xf32>
    tpu.vector_store %arg5[%swap3A_169, %swap3A_170], %select_n3A_168 {strides = array<i32>} : memref<256x8192xf32, #tpu.memory_space<vmem>>, vector<256x8192xf32>,
    %reduce_min3A_172 = arith.constant dense<0x7F800000> : vector<256xf32>
    %reduce_min3A_173 = vector.multi_reduction <minimumf>, %select_n3A_168, %reduce_min3A_172 [1] : vector<256x8192xf32> to vector<256xf32>
    %broadcast_in_dim3A_174 = vector.shape_cast %reduce_min3A_173 : vector<256xf32> to vector<256x1xf32>
    %le3A_175 = vector.broadcast %broadcast_in_dim3A_174 : vector<256x1xf32> to vector<256x8192xf32>
    %le3A_176 = arith.cmpf ole, %select_n3A_168, %le3A_175 : vector<256x8192xf32>
    %jit3A_177 = arith.constant 8.192000e+03 : f32
    %broadcast_in_dim3A_178 = vector.broadcast %jit3A_177 : f32 to vector<256x8192xf32>
    %select_n3A_179 = arith.select %le3A_176, %get3A_42, %broadcast_in_dim3A_178 : vector<256x8192xi1>, vector<256x8192xf32>
    %reduce_min3A_180 = arith.constant dense<0x7F800000> : vector<256xf32>
    %reduce_min3A_181 = vector.multi_reduction <minimumf>, %select_n3A_179, %reduce_min3A_180 [1] : vector<256x8192xf32> to vector<256xf32>
    %broadcast_in_dim3A_182 = vector.shape_cast %reduce_min3A_181 : vector<256xf32> to vector<256x1xf32>
    %eq3A_183 = vector.broadcast %broadcast_in_dim3A_182 : vector<256x1xf32> to vector<256x8192xf32>
    %eq3A_184 = arith.cmpf oeq, %get3A_42, %eq3A_183 : vector<256x8192xf32>
    %get3A_185 = arith.constant 0 : index
    %get3A_186 = arith.constant 0 : index
    %get3A_187 = vector.load %arg5[%get3A_185, %get3A_186] : memref<256x8192xf32, #tpu.memory_space<vmem>>, vector<256x8192xf32>
    %jit3A_188 = arith.constant 0x7F800000 : f32
    %broadcast_in_dim3A_189 = vector.broadcast %jit3A_188 : f32 to vector<256x8192xf32>
    %select_n3A_190 = arith.select %eq3A_184, %broadcast_in_dim3A_189, %get3A_187 : vector<256x8192xi1>, vector<256x8192xf32>
    %swap3A_191 = arith.constant 0 : index
    %swap3A_192 = arith.constant 0 : index
    %swap3A_193 = vector.load %arg5[%swap3A_191, %swap3A_192] : memref<256x8192xf32, #tpu.memory_space<vmem>>, vector<256x8192xf32>
    tpu.vector_store %arg5[%swap3A_191, %swap3A_192], %select_n3A_190 {strides = array<i32>} : memref<256x8192xf32, #tpu.memory_space<vmem>>, vector<256x8192xf32>,
    %reduce_min3A_194 = arith.constant dense<0x7F800000> : vector<256xf32>
    %reduce_min3A_195 = vector.multi_reduction <minimumf>, %select_n3A_190, %reduce_min3A_194 [1] : vector<256x8192xf32> to vector<256xf32>
    %broadcast_in_dim3A_196 = vector.shape_cast %reduce_min3A_195 : vector<256xf32> to vector<256x1xf32>
    %le3A_197 = vector.broadcast %broadcast_in_dim3A_196 : vector<256x1xf32> to vector<256x8192xf32>
    %le3A_198 = arith.cmpf ole, %select_n3A_190, %le3A_197 : vector<256x8192xf32>
    %jit3A_199 = arith.constant 8.192000e+03 : f32
    %broadcast_in_dim3A_200 = vector.broadcast %jit3A_199 : f32 to vector<256x8192xf32>
    %select_n3A_201 = arith.select %le3A_198, %get3A_42, %broadcast_in_dim3A_200 : vector<256x8192xi1>, vector<256x8192xf32>
    %reduce_min3A_202 = arith.constant dense<0x7F800000> : vector<256xf32>
    %reduce_min3A_203 = vector.multi_reduction <minimumf>, %select_n3A_201, %reduce_min3A_202 [1] : vector<256x8192xf32> to vector<256xf32>
    %broadcast_in_dim3A_204 = vector.shape_cast %reduce_min3A_203 : vector<256xf32> to vector<256x1xf32>
    %eq3A_205 = vector.broadcast %broadcast_in_dim3A_204 : vector<256x1xf32> to vector<256x8192xf32>
    %eq3A_206 = arith.cmpf oeq, %get3A_42, %eq3A_205 : vector<256x8192xf32>
    %get3A_207 = arith.constant 0 : index
    %get3A_208 = arith.constant 0 : index
    %get3A_209 = vector.load %arg5[%get3A_207, %get3A_208] : memref<256x8192xf32, #tpu.memory_space<vmem>>, vector<256x8192xf32>
    %jit3A_210 = arith.constant 0x7F800000 : f32
    %broadcast_in_dim3A_211 = vector.broadcast %jit3A_210 : f32 to vector<256x8192xf32>
    %select_n3A_212 = arith.select %eq3A_206, %broadcast_in_dim3A_211, %get3A_209 : vector<256x8192xi1>, vector<256x8192xf32>
    %swap3A_213 = arith.constant 0 : index
    %swap3A_214 = arith.constant 0 : index
    %swap3A_215 = vector.load %arg5[%swap3A_213, %swap3A_214] : memref<256x8192xf32, #tpu.memory_space<vmem>>, vector<256x8192xf32>
    tpu.vector_store %arg5[%swap3A_213, %swap3A_214], %select_n3A_212 {strides = array<i32>} : memref<256x8192xf32, #tpu.memory_space<vmem>>, vector<256x8192xf32>,
    %reduce_min3A_216 = arith.constant dense<0x7F800000> : vector<256xf32>
    %reduce_min3A_217 = vector.multi_reduction <minimumf>, %select_n3A_212, %reduce_min3A_216 [1] : vector<256x8192xf32> to vector<256xf32>
    %broadcast_in_dim3A_218 = vector.shape_cast %reduce_min3A_217 : vector<256xf32> to vector<256x1xf32>
    %le3A_219 = vector.broadcast %broadcast_in_dim3A_218 : vector<256x1xf32> to vector<256x8192xf32>
    %le3A_220 = arith.cmpf ole, %select_n3A_212, %le3A_219 : vector<256x8192xf32>
    %jit3A_221 = arith.constant 8.192000e+03 : f32
    %broadcast_in_dim3A_222 = vector.broadcast %jit3A_221 : f32 to vector<256x8192xf32>
    %select_n3A_223 = arith.select %le3A_220, %get3A_42, %broadcast_in_dim3A_222 : vector<256x8192xi1>, vector<256x8192xf32>
    %reduce_min3A_224 = arith.constant dense<0x7F800000> : vector<256xf32>
    %reduce_min3A_225 = vector.multi_reduction <minimumf>, %select_n3A_223, %reduce_min3A_224 [1] : vector<256x8192xf32> to vector<256xf32>
    %broadcast_in_dim3A_226 = vector.shape_cast %reduce_min3A_225 : vector<256xf32> to vector<256x1xf32>
    %eq3A_227 = vector.broadcast %broadcast_in_dim3A_226 : vector<256x1xf32> to vector<256x8192xf32>
    %eq3A_228 = arith.cmpf oeq, %get3A_42, %eq3A_227 : vector<256x8192xf32>
    %get3A_229 = arith.constant 0 : index
    %get3A_230 = arith.constant 0 : index
    %get3A_231 = vector.load %arg5[%get3A_229, %get3A_230] : memref<256x8192xf32, #tpu.memory_space<vmem>>, vector<256x8192xf32>
    %jit3A_232 = arith.constant 0x7F800000 : f32
    %broadcast_in_dim3A_233 = vector.broadcast %jit3A_232 : f32 to vector<256x8192xf32>
    %select_n3A_234 = arith.select %eq3A_228, %broadcast_in_dim3A_233, %get3A_231 : vector<256x8192xi1>, vector<256x8192xf32>
    %swap3A_235 = arith.constant 0 : index
    %swap3A_236 = arith.constant 0 : index
    %swap3A_237 = vector.load %arg5[%swap3A_235, %swap3A_236] : memref<256x8192xf32, #tpu.memory_space<vmem>>, vector<256x8192xf32>
    tpu.vector_store %arg5[%swap3A_235, %swap3A_236], %select_n3A_234 {strides = array<i32>} : memref<256x8192xf32, #tpu.memory_space<vmem>>, vector<256x8192xf32>,
    %reduce_min3A_238 = arith.constant dense<0x7F800000> : vector<256xf32>
    %reduce_min3A_239 = vector.multi_reduction <minimumf>, %select_n3A_234, %reduce_min3A_238 [1] : vector<256x8192xf32> to vector<256xf32>
    %broadcast_in_dim3A_240 = vector.shape_cast %reduce_min3A_239 : vector<256xf32> to vector<256x1xf32>
    %le3A_241 = vector.broadcast %broadcast_in_dim3A_240 : vector<256x1xf32> to vector<256x8192xf32>
    %le3A_242 = arith.cmpf ole, %select_n3A_234, %le3A_241 : vector<256x8192xf32>
    %jit3A_243 = arith.constant 8.192000e+03 : f32
    %broadcast_in_dim3A_244 = vector.broadcast %jit3A_243 : f32 to vector<256x8192xf32>
    %select_n3A_245 = arith.select %le3A_242, %get3A_42, %broadcast_in_dim3A_244 : vector<256x8192xi1>, vector<256x8192xf32>
    %reduce_min3A_246 = arith.constant dense<0x7F800000> : vector<256xf32>
    %reduce_min3A_247 = vector.multi_reduction <minimumf>, %select_n3A_245, %reduce_min3A_246 [1] : vector<256x8192xf32> to vector<256xf32>
    %broadcast_in_dim3A_248 = vector.shape_cast %reduce_min3A_247 : vector<256xf32> to vector<256x1xf32>
    %eq3A_249 = vector.broadcast %broadcast_in_dim3A_248 : vector<256x1xf32> to vector<256x8192xf32>
    %eq3A_250 = arith.cmpf oeq, %get3A_42, %eq3A_249 : vector<256x8192xf32>
    %get3A_251 = arith.constant 0 : index
    %get3A_252 = arith.constant 0 : index
    %get3A_253 = vector.load %arg5[%get3A_251, %get3A_252] : memref<256x8192xf32, #tpu.memory_space<vmem>>, vector<256x8192xf32>
    %jit3A_254 = arith.constant 0x7F800000 : f32
    %broadcast_in_dim3A_255 = vector.broadcast %jit3A_254 : f32 to vector<256x8192xf32>
    %select_n3A_256 = arith.select %eq3A_250, %broadcast_in_dim3A_255, %get3A_253 : vector<256x8192xi1>, vector<256x8192xf32>
    %swap3A_257 = arith.constant 0 : index
    %swap3A_258 = arith.constant 0 : index
    %swap3A_259 = vector.load %arg5[%swap3A_257, %swap3A_258] : memref<256x8192xf32, #tpu.memory_space<vmem>>, vector<256x8192xf32>
    tpu.vector_store %arg5[%swap3A_257, %swap3A_258], %select_n3A_256 {strides = array<i32>} : memref<256x8192xf32, #tpu.memory_space<vmem>>, vector<256x8192xf32>,
    %reduce_min3A_260 = arith.constant dense<0x7F800000> : vector<256xf32>
    %reduce_min3A_261 = vector.multi_reduction <minimumf>, %select_n3A_256, %reduce_min3A_260 [1] : vector<256x8192xf32> to vector<256xf32>
    %broadcast_in_dim3A_262 = vector.shape_cast %reduce_min3A_261 : vector<256xf32> to vector<256x1xf32>
    %le3A_263 = vector.broadcast %broadcast_in_dim3A_262 : vector<256x1xf32> to vector<256x8192xf32>
    %le3A_264 = arith.cmpf ole, %select_n3A_256, %le3A_263 : vector<256x8192xf32>
    %jit3A_265 = arith.constant 8.192000e+03 : f32
    %broadcast_in_dim3A_266 = vector.broadcast %jit3A_265 : f32 to vector<256x8192xf32>
    %select_n3A_267 = arith.select %le3A_264, %get3A_42, %broadcast_in_dim3A_266 : vector<256x8192xi1>, vector<256x8192xf32>
    %reduce_min3A_268 = arith.constant dense<0x7F800000> : vector<256xf32>
    %reduce_min3A_269 = vector.multi_reduction <minimumf>, %select_n3A_267, %reduce_min3A_268 [1] : vector<256x8192xf32> to vector<256xf32>
    %broadcast_in_dim3A_270 = vector.shape_cast %reduce_min3A_269 : vector<256xf32> to vector<256x1xf32>
    %eq3A_271 = vector.broadcast %broadcast_in_dim3A_270 : vector<256x1xf32> to vector<256x8192xf32>
    %eq3A_272 = arith.cmpf oeq, %get3A_42, %eq3A_271 : vector<256x8192xf32>
    %get3A_273 = arith.constant 0 : index
    %get3A_274 = arith.constant 0 : index
    %get3A_275 = vector.load %arg5[%get3A_273, %get3A_274] : memref<256x8192xf32, #tpu.memory_space<vmem>>, vector<256x8192xf32>
    %jit3A_276 = arith.constant 0x7F800000 : f32
    %broadcast_in_dim3A_277 = vector.broadcast %jit3A_276 : f32 to vector<256x8192xf32>
    %select_n3A_278 = arith.select %eq3A_272, %broadcast_in_dim3A_277, %get3A_275 : vector<256x8192xi1>, vector<256x8192xf32>
    %swap3A_279 = arith.constant 0 : index
    %swap3A_280 = arith.constant 0 : index
    %swap3A_281 = vector.load %arg5[%swap3A_279, %swap3A_280] : memref<256x8192xf32, #tpu.memory_space<vmem>>, vector<256x8192xf32>
    tpu.vector_store %arg5[%swap3A_279, %swap3A_280], %select_n3A_278 {strides = array<i32>} : memref<256x8192xf32, #tpu.memory_space<vmem>>, vector<256x8192xf32>,
    %reduce_min3A_282 = arith.constant dense<0x7F800000> : vector<256xf32>
    %reduce_min3A_283 = vector.multi_reduction <minimumf>, %select_n3A_278, %reduce_min3A_282 [1] : vector<256x8192xf32> to vector<256xf32>
    %broadcast_in_dim3A_284 = vector.shape_cast %reduce_min3A_283 : vector<256xf32> to vector<256x1xf32>
    %le3A_285 = vector.broadcast %broadcast_in_dim3A_284 : vector<256x1xf32> to vector<256x8192xf32>
    %le3A_286 = arith.cmpf ole, %select_n3A_278, %le3A_285 : vector<256x8192xf32>
    %jit3A_287 = arith.constant 8.192000e+03 : f32
    %broadcast_in_dim3A_288 = vector.broadcast %jit3A_287 : f32 to vector<256x8192xf32>
    %select_n3A_289 = arith.select %le3A_286, %get3A_42, %broadcast_in_dim3A_288 : vector<256x8192xi1>, vector<256x8192xf32>
    %reduce_min3A_290 = arith.constant dense<0x7F800000> : vector<256xf32>
    %reduce_min3A_291 = vector.multi_reduction <minimumf>, %select_n3A_289, %reduce_min3A_290 [1] : vector<256x8192xf32> to vector<256xf32>
    %broadcast_in_dim3A_292 = vector.shape_cast %reduce_min3A_291 : vector<256xf32> to vector<256x1xf32>
    %eq3A_293 = vector.broadcast %broadcast_in_dim3A_292 : vector<256x1xf32> to vector<256x8192xf32>
    %eq3A_294 = arith.cmpf oeq, %get3A_42, %eq3A_293 : vector<256x8192xf32>
    %get3A_295 = arith.constant 0 : index
    %get3A_296 = arith.constant 0 : index
    %get3A_297 = vector.load %arg5[%get3A_295, %get3A_296] : memref<256x8192xf32, #tpu.memory_space<vmem>>, vector<256x8192xf32>
    %jit3A_298 = arith.constant 0x7F800000 : f32
    %broadcast_in_dim3A_299 = vector.broadcast %jit3A_298 : f32 to vector<256x8192xf32>
    %select_n3A_300 = arith.select %eq3A_294, %broadcast_in_dim3A_299, %get3A_297 : vector<256x8192xi1>, vector<256x8192xf32>
    %swap3A_301 = arith.constant 0 : index
    %swap3A_302 = arith.constant 0 : index
    %swap3A_303 = vector.load %arg5[%swap3A_301, %swap3A_302] : memref<256x8192xf32, #tpu.memory_space<vmem>>, vector<256x8192xf32>
    tpu.vector_store %arg5[%swap3A_301, %swap3A_302], %select_n3A_300 {strides = array<i32>} : memref<256x8192xf32, #tpu.memory_space<vmem>>, vector<256x8192xf32>,
    %reduce_min3A_304 = arith.constant dense<0x7F800000> : vector<256xf32>
    %reduce_min3A_305 = vector.multi_reduction <minimumf>, %select_n3A_300, %reduce_min3A_304 [1] : vector<256x8192xf32> to vector<256xf32>
    %broadcast_in_dim3A_306 = vector.shape_cast %reduce_min3A_305 : vector<256xf32> to vector<256x1xf32>
    %le3A_307 = vector.broadcast %broadcast_in_dim3A_306 : vector<256x1xf32> to vector<256x8192xf32>
    %le3A_308 = arith.cmpf ole, %select_n3A_300, %le3A_307 : vector<256x8192xf32>
    %jit3A_309 = arith.constant 8.192000e+03 : f32
    %broadcast_in_dim3A_310 = vector.broadcast %jit3A_309 : f32 to vector<256x8192xf32>
    %select_n3A_311 = arith.select %le3A_308, %get3A_42, %broadcast_in_dim3A_310 : vector<256x8192xi1>, vector<256x8192xf32>
    %reduce_min3A_312 = arith.constant dense<0x7F800000> : vector<256xf32>
    %reduce_min3A_313 = vector.multi_reduction <minimumf>, %select_n3A_311, %reduce_min3A_312 [1] : vector<256x8192xf32> to vector<256xf32>
    %broadcast_in_dim3A_314 = vector.shape_cast %reduce_min3A_313 : vector<256xf32> to vector<256x1xf32>
    %eq3A_315 = vector.broadcast %broadcast_in_dim3A_314 : vector<256x1xf32> to vector<256x8192xf32>
    %eq3A_316 = arith.cmpf oeq, %get3A_42, %eq3A_315 : vector<256x8192xf32>
    %get3A_317 = arith.constant 0 : index
    %get3A_318 = arith.constant 0 : index
    %get3A_319 = vector.load %arg5[%get3A_317, %get3A_318] : memref<256x8192xf32, #tpu.memory_space<vmem>>, vector<256x8192xf32>
    %jit3A_320 = arith.constant 0x7F800000 : f32
    %broadcast_in_dim3A_321 = vector.broadcast %jit3A_320 : f32 to vector<256x8192xf32>
    %select_n3A_322 = arith.select %eq3A_316, %broadcast_in_dim3A_321, %get3A_319 : vector<256x8192xi1>, vector<256x8192xf32>
    %swap3A_323 = arith.constant 0 : index
    %swap3A_324 = arith.constant 0 : index
    %swap3A_325 = vector.load %arg5[%swap3A_323, %swap3A_324] : memref<256x8192xf32, #tpu.memory_space<vmem>>, vector<256x8192xf32>
    tpu.vector_store %arg5[%swap3A_323, %swap3A_324], %select_n3A_322 {strides = array<i32>} : memref<256x8192xf32, #tpu.memory_space<vmem>>, vector<256x8192xf32>,
    %reduce_min3A_326 = arith.constant dense<0x7F800000> : vector<256xf32>
    %reduce_min3A_327 = vector.multi_reduction <minimumf>, %select_n3A_322, %reduce_min3A_326 [1] : vector<256x8192xf32> to vector<256xf32>
    %broadcast_in_dim3A_328 = vector.shape_cast %reduce_min3A_327 : vector<256xf32> to vector<256x1xf32>
    %le3A_329 = vector.broadcast %broadcast_in_dim3A_328 : vector<256x1xf32> to vector<256x8192xf32>
    %le3A_330 = arith.cmpf ole, %select_n3A_322, %le3A_329 : vector<256x8192xf32>
    %jit3A_331 = arith.constant 8.192000e+03 : f32
    %broadcast_in_dim3A_332 = vector.broadcast %jit3A_331 : f32 to vector<256x8192xf32>
    %select_n3A_333 = arith.select %le3A_330, %get3A_42, %broadcast_in_dim3A_332 : vector<256x8192xi1>, vector<256x8192xf32>
    %reduce_min3A_334 = arith.constant dense<0x7F800000> : vector<256xf32>
    %reduce_min3A_335 = vector.multi_reduction <minimumf>, %select_n3A_333, %reduce_min3A_334 [1] : vector<256x8192xf32> to vector<256xf32>
    %broadcast_in_dim3A_336 = vector.shape_cast %reduce_min3A_335 : vector<256xf32> to vector<256x1xf32>
    %eq3A_337 = vector.broadcast %broadcast_in_dim3A_336 : vector<256x1xf32> to vector<256x8192xf32>
    %eq3A_338 = arith.cmpf oeq, %get3A_42, %eq3A_337 : vector<256x8192xf32>
    %get3A_339 = arith.constant 0 : index
    %get3A_340 = arith.constant 0 : index
    %get3A_341 = vector.load %arg5[%get3A_339, %get3A_340] : memref<256x8192xf32, #tpu.memory_space<vmem>>, vector<256x8192xf32>
    %jit3A_342 = arith.constant 0x7F800000 : f32
    %broadcast_in_dim3A_343 = vector.broadcast %jit3A_342 : f32 to vector<256x8192xf32>
    %select_n3A_344 = arith.select %eq3A_338, %broadcast_in_dim3A_343, %get3A_341 : vector<256x8192xi1>, vector<256x8192xf32>
    %swap3A_345 = arith.constant 0 : index
    %swap3A_346 = arith.constant 0 : index
    %swap3A_347 = vector.load %arg5[%swap3A_345, %swap3A_346] : memref<256x8192xf32, #tpu.memory_space<vmem>>, vector<256x8192xf32>
    tpu.vector_store %arg5[%swap3A_345, %swap3A_346], %select_n3A_344 {strides = array<i32>} : memref<256x8192xf32, #tpu.memory_space<vmem>>, vector<256x8192xf32>,
    %reduce_min3A_348 = arith.constant dense<0x7F800000> : vector<256xf32>
    %reduce_min3A_349 = vector.multi_reduction <minimumf>, %select_n3A_344, %reduce_min3A_348 [1] : vector<256x8192xf32> to vector<256xf32>
    %broadcast_in_dim3A_350 = vector.shape_cast %reduce_min3A_349 : vector<256xf32> to vector<256x1xf32>
    %le3A_351 = vector.broadcast %broadcast_in_dim3A_350 : vector<256x1xf32> to vector<256x8192xf32>
    %le3A_352 = arith.cmpf ole, %select_n3A_344, %le3A_351 : vector<256x8192xf32>
    %jit3A_353 = arith.constant 8.192000e+03 : f32
    %broadcast_in_dim3A_354 = vector.broadcast %jit3A_353 : f32 to vector<256x8192xf32>
    %select_n3A_355 = arith.select %le3A_352, %get3A_42, %broadcast_in_dim3A_354 : vector<256x8192xi1>, vector<256x8192xf32>
    %reduce_min3A_356 = arith.constant dense<0x7F800000> : vector<256xf32>
    %reduce_min3A_357 = vector.multi_reduction <minimumf>, %select_n3A_355, %reduce_min3A_356 [1] : vector<256x8192xf32> to vector<256xf32>
    %broadcast_in_dim3A_358 = vector.shape_cast %reduce_min3A_357 : vector<256xf32> to vector<256x1xf32>
    %eq3A_359 = vector.broadcast %broadcast_in_dim3A_358 : vector<256x1xf32> to vector<256x8192xf32>
    %eq3A_360 = arith.cmpf oeq, %get3A_42, %eq3A_359 : vector<256x8192xf32>
    %get3A_361 = arith.constant 0 : index
    %get3A_362 = arith.constant 0 : index
    %get3A_363 = vector.load %arg5[%get3A_361, %get3A_362] : memref<256x8192xf32, #tpu.memory_space<vmem>>, vector<256x8192xf32>
    %jit3A_364 = arith.constant 0x7F800000 : f32
    %broadcast_in_dim3A_365 = vector.broadcast %jit3A_364 : f32 to vector<256x8192xf32>
    %select_n3A_366 = arith.select %eq3A_360, %broadcast_in_dim3A_365, %get3A_363 : vector<256x8192xi1>, vector<256x8192xf32>
    %swap3A_367 = arith.constant 0 : index
    %swap3A_368 = arith.constant 0 : index
    %swap3A_369 = vector.load %arg5[%swap3A_367, %swap3A_368] : memref<256x8192xf32, #tpu.memory_space<vmem>>, vector<256x8192xf32>
    tpu.vector_store %arg5[%swap3A_367, %swap3A_368], %select_n3A_366 {strides = array<i32>} : memref<256x8192xf32, #tpu.memory_space<vmem>>, vector<256x8192xf32>,
    %reduce_min3A_370 = arith.constant dense<0x7F800000> : vector<256xf32>
    %reduce_min3A_371 = vector.multi_reduction <minimumf>, %select_n3A_366, %reduce_min3A_370 [1] : vector<256x8192xf32> to vector<256xf32>
    %broadcast_in_dim3A_372 = vector.shape_cast %reduce_min3A_371 : vector<256xf32> to vector<256x1xf32>
    %le3A_373 = vector.broadcast %broadcast_in_dim3A_372 : vector<256x1xf32> to vector<256x8192xf32>
    %le3A_374 = arith.cmpf ole, %select_n3A_366, %le3A_373 : vector<256x8192xf32>
    %jit3A_375 = arith.constant 8.192000e+03 : f32
    %broadcast_in_dim3A_376 = vector.broadcast %jit3A_375 : f32 to vector<256x8192xf32>
    %select_n3A_377 = arith.select %le3A_374, %get3A_42, %broadcast_in_dim3A_376 : vector<256x8192xi1>, vector<256x8192xf32>
    %reduce_min3A_378 = arith.constant dense<0x7F800000> : vector<256xf32>
    %reduce_min3A_379 = vector.multi_reduction <minimumf>, %select_n3A_377, %reduce_min3A_378 [1] : vector<256x8192xf32> to vector<256xf32>
    %broadcast_in_dim3A_380 = vector.shape_cast %reduce_min3A_379 : vector<256xf32> to vector<256x1xf32>
    %concatenate3A = tpu.concatenate %broadcast_in_dim3A_51, %broadcast_in_dim3A_72, %broadcast_in_dim3A_94, %broadcast_in_dim3A_116, %broadcast_in_dim3A_138, %broadcast_in_dim3A_160, %broadcast_in_dim3A_182, %broadcast_in_dim3A_204, %broadcast_in_dim3A_226, %broadcast_in_dim3A_248, %broadcast_in_dim3A_270, %broadcast_in_dim3A_292, %broadcast_in_dim3A_314, %broadcast_in_dim3A_336, %broadcast_in_dim3A_358, %broadcast_in_dim3A_380 in 1 : vector<256x1xf32>, vector<256x1xf32>, vector<256x1xf32>, vector<256x1xf32>, vector<256x1xf32>, vector<256x1xf32>, vector<256x1xf32>, vector<256x1xf32>, vector<256x1xf32>, vector<256x1xf32>, vector<256x1xf32>, vector<256x1xf32>, vector<256x1xf32>, vector<256x1xf32>, vector<256x1xf32>, vector<256x1xf32> -> vector<256x16xf32>
    %convert_element_type3A_381 = arith.fptosi %concatenate3A : vector<256x16xf32> to vector<256x16xi32>
    %mul3A_382 = arith.constant 8192 : i32
    %mul3A_383 = arith.muli %arg0, %mul3A_382 : i32
    %add3A_384 = vector.broadcast %mul3A_383 : i32 to vector<256x16xi32>
    %add3A_385 = arith.addi %convert_element_type3A_381, %add3A_384 : vector<256x16xi32>
    %broadcast_in_dim3A_386 = vector.shape_cast %add3A_385 : vector<256x16xi32> to vector<1x256x16xi32>
    %swap3A_387 = arith.constant 0 : index
    %swap3A_388 = arith.constant 0 : index
    %swap3A_389 = arith.constant 0 : index
    %swap3A_390 = vector.load %arg4[%swap3A_387, %swap3A_388, %swap3A_389] : memref<1x256x16xi32, #tpu.memory_space<vmem>>, vector<1x256x16xi32>
    tpu.vector_store %arg4[%swap3A_387, %swap3A_388, %swap3A_389], %broadcast_in_dim3A_386 {strides = array<i32>} : memref<1x256x16xi32, #tpu.memory_space<vmem>>, vector<1x256x16xi32>,
    return
  }
  func.func @transform_0(%arg0: i32, %arg1: i32) -> (i32, i32, i32) {
    %c0_i32 = arith.constant 0 : i32
    %c0_i32_0 = arith.constant 0 : i32
    return %arg0, %arg1, %c0_i32 : i32, i32, i32
  }
  func.func @transform_1(%arg0: i32, %arg1: i32) -> (i32, i32, i32) {
    %c0_i32 = arith.constant 0 : i32
    %c0_i32_0 = arith.constant 0 : i32
    %c0_i32_1 = arith.constant 0 : i32
    return %arg0, %c0_i32, %c0_i32_0 : i32, i32, i32
  }
  func.func @transform_2(%arg0: i32, %arg1: i32) -> (i32, i32, i32) {
    %c0_i32 = arith.constant 0 : i32
    %c0_i32_0 = arith.constant 0 : i32
    return %arg0, %arg1, %c0_i32 : i32, i32, i32
  }
}

module attributes {stable_mosaic.version = 14 : i64} {
  func.func @_dense_body(%arg0: i32, %arg1: memref<256x2048xf32, #tpu.memory_space<vmem>>, %arg2: memref<256x2048xf32, #tpu.memory_space<vmem>>, %arg3: memref<256x3xf32, #tpu.memory_space<vmem>>, %arg4: memref<3x64xf32, #tpu.memory_space<vmem>>, %arg5: memref<1x64xf32, #tpu.memory_space<vmem>>, %arg6: memref<64x64xf32, #tpu.memory_space<vmem>>, %arg7: memref<1x64xf32, #tpu.memory_space<vmem>>, %arg8: memref<3072x256xf32, #tpu.memory_space<vmem>>, %arg9: memref<1x256xf32, #tpu.memory_space<vmem>>, %arg10: memref<256x256xf32, #tpu.memory_space<vmem>>, %arg11: memref<1x256xf32, #tpu.memory_space<vmem>>, %arg12: memref<256x256xf32, #tpu.memory_space<vmem>>, %arg13: memref<1x256xf32, #tpu.memory_space<vmem>>, %arg14: memref<256x3072xf32, #tpu.memory_space<vmem>>, %arg15: memref<1x256xf32, #tpu.memory_space<vmem>>, %arg16: memref<256x256xf32, #tpu.memory_space<vmem>>, %arg17: memref<16x192x256xf32, #tpu.memory_space<vmem>>) attributes {dimension_semantics = [#tpu.dimension_semantics<arbitrary>], iteration_bounds = array<i64: 32>, scalar_prefetch = 0 : i64, scratch_operands = 1 : i64, tpu.core_type = #tpu.core_type<tc>, window_params = [{transform_indices = @transform_0, window_bounds = array<i64: 256, 2048>}, {transform_indices = @transform_1, window_bounds = array<i64: 256, 2048>}, {transform_indices = @transform_2, window_bounds = array<i64: 256, 3>}, {pipeline_mode = #tpu.pipeline_mode<synchronous>, transform_indices = @transform_3, window_bounds = array<i64: 3, 64>}, {pipeline_mode = #tpu.pipeline_mode<synchronous>, transform_indices = @transform_4, window_bounds = array<i64: 1, 64>}, {pipeline_mode = #tpu.pipeline_mode<synchronous>, transform_indices = @transform_5, window_bounds = array<i64: 64, 64>}, {pipeline_mode = #tpu.pipeline_mode<synchronous>, transform_indices = @transform_6, window_bounds = array<i64: 1, 64>}, {pipeline_mode = #tpu.pipeline_mode<synchronous>, transform_indices = @transform_7, window_bounds = array<i64: 3072, 256>}, {pipeline_mode = #tpu.pipeline_mode<synchronous>, transform_indices = @transform_8, window_bounds = array<i64: 1, 256>}, {pipeline_mode = #tpu.pipeline_mode<synchronous>, transform_indices = @transform_9, window_bounds = array<i64: 256, 256>}, {pipeline_mode = #tpu.pipeline_mode<synchronous>, transform_indices = @transform_10, window_bounds = array<i64: 1, 256>}, {pipeline_mode = #tpu.pipeline_mode<synchronous>, transform_indices = @transform_11, window_bounds = array<i64: 256, 256>}, {pipeline_mode = #tpu.pipeline_mode<synchronous>, transform_indices = @transform_12, window_bounds = array<i64: 1, 256>}, {pipeline_mode = #tpu.pipeline_mode<synchronous>, transform_indices = @transform_13, window_bounds = array<i64: 256, 3072>}, {pipeline_mode = #tpu.pipeline_mode<synchronous>, transform_indices = @transform_14, window_bounds = array<i64: 1, 256>}, {transform_indices = @transform_15, window_bounds = array<i64: 256, 256>}]} {
    %get3A = arith.constant 0 : index
    %get3A_0 = arith.constant 0 : index
    %get3A_1 = vector.load %arg3[%get3A, %get3A_0] : memref<256x3xf32, #tpu.memory_space<vmem>>, vector<256x3xf32>
    %get3A_2 = arith.constant 0 : index
    %get3A_3 = arith.constant 0 : index
    %get3A_4 = vector.load %arg4[%get3A_2, %get3A_3] : memref<3x64xf32, #tpu.memory_space<vmem>>, vector<3x64xf32>
    %get3A_5 = arith.constant 0 : index
    %get3A_6 = arith.constant 0 : index
    %get3A_7 = vector.load %arg5[%get3A_5, %get3A_6] : memref<1x64xf32, #tpu.memory_space<vmem>>, vector<1x64xf32>
    %get3A_8 = arith.constant 0 : index
    %get3A_9 = arith.constant 0 : index
    %get3A_10 = vector.load %arg6[%get3A_8, %get3A_9] : memref<64x64xf32, #tpu.memory_space<vmem>>, vector<64x64xf32>
    %get3A_11 = arith.constant 0 : index
    %get3A_12 = arith.constant 0 : index
    %get3A_13 = vector.load %arg7[%get3A_11, %get3A_12] : memref<1x64xf32, #tpu.memory_space<vmem>>, vector<1x64xf32>
    %get3A_14 = arith.constant 0 : index
    %get3A_15 = arith.constant 0 : index
    %get3A_16 = vector.load %arg2[%get3A_14, %get3A_15] : memref<256x2048xf32, #tpu.memory_space<vmem>>, vector<256x3xf32>
    %sub3A = arith.subf %get3A_16, %get3A_1 : vector<256x3xf32>
    %dot_general3A = arith.constant dense<0.000000e+00> : vector<256x64xf32>
    %dot_general3A_17 = tpu.matmul %sub3A, %get3A_4, %dot_general3A {dimension_numbers = #tpu.dot_dimension_numbers<[1], [0], [0], [1], [0, 0, 1, 1], [], []>, transpose_lhs_hint = false} : vector<256x3xf32>, vector<3x64xf32>, vector<256x64xf32> -> vector<256x64xf32>
    %add3A = vector.broadcast %get3A_7 : vector<1x64xf32> to vector<256x64xf32>
    %add3A_18 = arith.addf %dot_general3A_17, %add3A : vector<256x64xf32>
    %gt3A = arith.constant 0.000000e+00 : f32
    %gt3A_19 = vector.broadcast %gt3A : f32 to vector<256x64xf32>
    %gt3A_20 = arith.cmpf ogt, %add3A_18, %gt3A_19 : vector<256x64xf32>
    %min3A = arith.constant 0.000000e+00 : f32
    %min3A_21 = vector.broadcast %min3A : f32 to vector<256x64xf32>
    %min3A_22 = arith.minimumf %add3A_18, %min3A_21 : vector<256x64xf32>
    %exp3A = math.exp %min3A_22 : vector<256x64xf32>
    %sub3A_23 = arith.constant 1.000000e+00 : f32
    %sub3A_24 = vector.broadcast %sub3A_23 : f32 to vector<256x64xf32>
    %sub3A_25 = arith.subf %exp3A, %sub3A_24 : vector<256x64xf32>
    %select_n3A = arith.select %gt3A_20, %add3A_18, %sub3A_25 : vector<256x64xi1>, vector<256x64xf32>
    %dot_general3A_26 = arith.constant dense<0.000000e+00> : vector<256x64xf32>
    %dot_general3A_27 = tpu.matmul %select_n3A, %get3A_10, %dot_general3A_26 {dimension_numbers = #tpu.dot_dimension_numbers<[1], [0], [0], [1], [0, 0, 1, 1], [], []>, transpose_lhs_hint = false} : vector<256x64xf32>, vector<64x64xf32>, vector<256x64xf32> -> vector<256x64xf32>
    %add3A_28 = vector.broadcast %get3A_13 : vector<1x64xf32> to vector<256x64xf32>
    %add3A_29 = arith.addf %dot_general3A_27, %add3A_28 : vector<256x64xf32>
    %gt3A_30 = arith.constant 0.000000e+00 : f32
    %gt3A_31 = vector.broadcast %gt3A_30 : f32 to vector<256x64xf32>
    %gt3A_32 = arith.cmpf ogt, %add3A_29, %gt3A_31 : vector<256x64xf32>
    %min3A_33 = arith.constant 0.000000e+00 : f32
    %min3A_34 = vector.broadcast %min3A_33 : f32 to vector<256x64xf32>
    %min3A_35 = arith.minimumf %add3A_29, %min3A_34 : vector<256x64xf32>
    %exp3A_36 = math.exp %min3A_35 : vector<256x64xf32>
    %sub3A_37 = arith.constant 1.000000e+00 : f32
    %sub3A_38 = vector.broadcast %sub3A_37 : f32 to vector<256x64xf32>
    %sub3A_39 = arith.subf %exp3A_36, %sub3A_38 : vector<256x64xf32>
    %select_n3A_40 = arith.select %gt3A_32, %add3A_29, %sub3A_39 : vector<256x64xi1>, vector<256x64xf32>
    %get3A_41 = arith.constant 0 : index
    %get3A_42 = arith.constant 0 : index
    %get3A_43 = vector.load %arg1[%get3A_41, %get3A_42] : memref<256x2048xf32, #tpu.memory_space<vmem>>, vector<256x128xf32>
    %concatenate3A = tpu.concatenate %select_n3A_40, %get3A_43 in 1 : vector<256x64xf32>, vector<256x128xf32> -> vector<256x192xf32>
    %transpose3A = tpu.transpose %concatenate3A, [1, 0] : vector<256x192xf32> -> vector<192x256xf32>
    %swap3A = arith.constant 0 : index
    %swap3A_44 = arith.constant 0 : index
    %swap3A_45 = arith.constant 0 : index
    %swap3A_46 = vector.load %arg17[%swap3A, %swap3A_44, %swap3A_45] : memref<16x192x256xf32, #tpu.memory_space<vmem>>, vector<1x192x256xf32>
    %swap3A_47 = vector.shape_cast %swap3A_46 : vector<1x192x256xf32> to vector<192x256xf32>
    %swap3A_48 = vector.shape_cast %transpose3A : vector<192x256xf32> to vector<1x192x256xf32>
    tpu.vector_store %arg17[%swap3A, %swap3A_44, %swap3A_45], %swap3A_48 {strides = array<i32>} : memref<16x192x256xf32, #tpu.memory_space<vmem>>, vector<1x192x256xf32>,
    %get3A_49 = arith.constant 0 : index
    %get3A_50 = arith.constant 0 : index
    %get3A_51 = vector.load %arg8[%get3A_49, %get3A_50] : memref<3072x256xf32, #tpu.memory_space<vmem>>, vector<192x256xf32>
    %dot_general3A_52 = arith.constant dense<0.000000e+00> : vector<256x256xf32>
    %dot_general3A_53 = tpu.matmul %concatenate3A, %get3A_51, %dot_general3A_52 {dimension_numbers = #tpu.dot_dimension_numbers<[1], [0], [0], [1], [0, 0, 1, 1], [], []>, transpose_lhs_hint = false} : vector<256x192xf32>, vector<192x256xf32>, vector<256x256xf32> -> vector<256x256xf32>
    %get3A_54 = arith.constant 0 : index
    %get3A_55 = arith.constant 128 : index
    %get3A_56 = vector.load %arg2[%get3A_54, %get3A_55] : memref<256x2048xf32, #tpu.memory_space<vmem>>, vector<256x3xf32>
    %sub3A_57 = arith.subf %get3A_56, %get3A_1 : vector<256x3xf32>
    %dot_general3A_58 = arith.constant dense<0.000000e+00> : vector<256x64xf32>
    %dot_general3A_59 = tpu.matmul %sub3A_57, %get3A_4, %dot_general3A_58 {dimension_numbers = #tpu.dot_dimension_numbers<[1], [0], [0], [1], [0, 0, 1, 1], [], []>, transpose_lhs_hint = false} : vector<256x3xf32>, vector<3x64xf32>, vector<256x64xf32> -> vector<256x64xf32>
    %add3A_60 = vector.broadcast %get3A_7 : vector<1x64xf32> to vector<256x64xf32>
    %add3A_61 = arith.addf %dot_general3A_59, %add3A_60 : vector<256x64xf32>
    %gt3A_62 = arith.constant 0.000000e+00 : f32
    %gt3A_63 = vector.broadcast %gt3A_62 : f32 to vector<256x64xf32>
    %gt3A_64 = arith.cmpf ogt, %add3A_61, %gt3A_63 : vector<256x64xf32>
    %min3A_65 = arith.constant 0.000000e+00 : f32
    %min3A_66 = vector.broadcast %min3A_65 : f32 to vector<256x64xf32>
    %min3A_67 = arith.minimumf %add3A_61, %min3A_66 : vector<256x64xf32>
    %exp3A_68 = math.exp %min3A_67 : vector<256x64xf32>
    %sub3A_69 = arith.constant 1.000000e+00 : f32
    %sub3A_70 = vector.broadcast %sub3A_69 : f32 to vector<256x64xf32>
    %sub3A_71 = arith.subf %exp3A_68, %sub3A_70 : vector<256x64xf32>
    %select_n3A_72 = arith.select %gt3A_64, %add3A_61, %sub3A_71 : vector<256x64xi1>, vector<256x64xf32>
    %dot_general3A_73 = arith.constant dense<0.000000e+00> : vector<256x64xf32>
    %dot_general3A_74 = tpu.matmul %select_n3A_72, %get3A_10, %dot_general3A_73 {dimension_numbers = #tpu.dot_dimension_numbers<[1], [0], [0], [1], [0, 0, 1, 1], [], []>, transpose_lhs_hint = false} : vector<256x64xf32>, vector<64x64xf32>, vector<256x64xf32> -> vector<256x64xf32>
    %add3A_75 = vector.broadcast %get3A_13 : vector<1x64xf32> to vector<256x64xf32>
    %add3A_76 = arith.addf %dot_general3A_74, %add3A_75 : vector<256x64xf32>
    %gt3A_77 = arith.constant 0.000000e+00 : f32
    %gt3A_78 = vector.broadcast %gt3A_77 : f32 to vector<256x64xf32>
    %gt3A_79 = arith.cmpf ogt, %add3A_76, %gt3A_78 : vector<256x64xf32>
    %min3A_80 = arith.constant 0.000000e+00 : f32
    %min3A_81 = vector.broadcast %min3A_80 : f32 to vector<256x64xf32>
    %min3A_82 = arith.minimumf %add3A_76, %min3A_81 : vector<256x64xf32>
    %exp3A_83 = math.exp %min3A_82 : vector<256x64xf32>
    %sub3A_84 = arith.constant 1.000000e+00 : f32
    %sub3A_85 = vector.broadcast %sub3A_84 : f32 to vector<256x64xf32>
    %sub3A_86 = arith.subf %exp3A_83, %sub3A_85 : vector<256x64xf32>
    %select_n3A_87 = arith.select %gt3A_79, %add3A_76, %sub3A_86 : vector<256x64xi1>, vector<256x64xf32>
    %get3A_88 = arith.constant 0 : index
    %get3A_89 = arith.constant 128 : index
    %get3A_90 = vector.load %arg1[%get3A_88, %get3A_89] : memref<256x2048xf32, #tpu.memory_space<vmem>>, vector<256x128xf32>
    %concatenate3A_91 = tpu.concatenate %select_n3A_87, %get3A_90 in 1 : vector<256x64xf32>, vector<256x128xf32> -> vector<256x192xf32>
    %transpose3A_92 = tpu.transpose %concatenate3A_91, [1, 0] : vector<256x192xf32> -> vector<192x256xf32>
    %swap3A_93 = arith.constant 1 : index
    %swap3A_94 = arith.constant 0 : index
    %swap3A_95 = arith.constant 0 : index
    %swap3A_96 = vector.load %arg17[%swap3A_93, %swap3A_94, %swap3A_95] : memref<16x192x256xf32, #tpu.memory_space<vmem>>, vector<1x192x256xf32>
    %swap3A_97 = vector.shape_cast %swap3A_96 : vector<1x192x256xf32> to vector<192x256xf32>
    %swap3A_98 = vector.shape_cast %transpose3A_92 : vector<192x256xf32> to vector<1x192x256xf32>
    tpu.vector_store %arg17[%swap3A_93, %swap3A_94, %swap3A_95], %swap3A_98 {strides = array<i32>} : memref<16x192x256xf32, #tpu.memory_space<vmem>>, vector<1x192x256xf32>,
    %get3A_99 = arith.constant 192 : index
    %get3A_100 = arith.constant 0 : index
    %get3A_101 = vector.load %arg8[%get3A_99, %get3A_100] : memref<3072x256xf32, #tpu.memory_space<vmem>>, vector<192x256xf32>
    %dot_general3A_102 = arith.constant dense<0.000000e+00> : vector<256x256xf32>
    %dot_general3A_103 = tpu.matmul %concatenate3A_91, %get3A_101, %dot_general3A_102 {dimension_numbers = #tpu.dot_dimension_numbers<[1], [0], [0], [1], [0, 0, 1, 1], [], []>, transpose_lhs_hint = false} : vector<256x192xf32>, vector<192x256xf32>, vector<256x256xf32> -> vector<256x256xf32>
    %add3A_104 = arith.addf %dot_general3A_53, %dot_general3A_103 : vector<256x256xf32>
    %get3A_105 = arith.constant 0 : index
    %get3A_106 = arith.constant 256 : index
    %get3A_107 = vector.load %arg2[%get3A_105, %get3A_106] : memref<256x2048xf32, #tpu.memory_space<vmem>>, vector<256x3xf32>
    %sub3A_108 = arith.subf %get3A_107, %get3A_1 : vector<256x3xf32>
    %dot_general3A_109 = arith.constant dense<0.000000e+00> : vector<256x64xf32>
    %dot_general3A_110 = tpu.matmul %sub3A_108, %get3A_4, %dot_general3A_109 {dimension_numbers = #tpu.dot_dimension_numbers<[1], [0], [0], [1], [0, 0, 1, 1], [], []>, transpose_lhs_hint = false} : vector<256x3xf32>, vector<3x64xf32>, vector<256x64xf32> -> vector<256x64xf32>
    %add3A_111 = vector.broadcast %get3A_7 : vector<1x64xf32> to vector<256x64xf32>
    %add3A_112 = arith.addf %dot_general3A_110, %add3A_111 : vector<256x64xf32>
    %gt3A_113 = arith.constant 0.000000e+00 : f32
    %gt3A_114 = vector.broadcast %gt3A_113 : f32 to vector<256x64xf32>
    %gt3A_115 = arith.cmpf ogt, %add3A_112, %gt3A_114 : vector<256x64xf32>
    %min3A_116 = arith.constant 0.000000e+00 : f32
    %min3A_117 = vector.broadcast %min3A_116 : f32 to vector<256x64xf32>
    %min3A_118 = arith.minimumf %add3A_112, %min3A_117 : vector<256x64xf32>
    %exp3A_119 = math.exp %min3A_118 : vector<256x64xf32>
    %sub3A_120 = arith.constant 1.000000e+00 : f32
    %sub3A_121 = vector.broadcast %sub3A_120 : f32 to vector<256x64xf32>
    %sub3A_122 = arith.subf %exp3A_119, %sub3A_121 : vector<256x64xf32>
    %select_n3A_123 = arith.select %gt3A_115, %add3A_112, %sub3A_122 : vector<256x64xi1>, vector<256x64xf32>
    %dot_general3A_124 = arith.constant dense<0.000000e+00> : vector<256x64xf32>
    %dot_general3A_125 = tpu.matmul %select_n3A_123, %get3A_10, %dot_general3A_124 {dimension_numbers = #tpu.dot_dimension_numbers<[1], [0], [0], [1], [0, 0, 1, 1], [], []>, transpose_lhs_hint = false} : vector<256x64xf32>, vector<64x64xf32>, vector<256x64xf32> -> vector<256x64xf32>
    %add3A_126 = vector.broadcast %get3A_13 : vector<1x64xf32> to vector<256x64xf32>
    %add3A_127 = arith.addf %dot_general3A_125, %add3A_126 : vector<256x64xf32>
    %gt3A_128 = arith.constant 0.000000e+00 : f32
    %gt3A_129 = vector.broadcast %gt3A_128 : f32 to vector<256x64xf32>
    %gt3A_130 = arith.cmpf ogt, %add3A_127, %gt3A_129 : vector<256x64xf32>
    %min3A_131 = arith.constant 0.000000e+00 : f32
    %min3A_132 = vector.broadcast %min3A_131 : f32 to vector<256x64xf32>
    %min3A_133 = arith.minimumf %add3A_127, %min3A_132 : vector<256x64xf32>
    %exp3A_134 = math.exp %min3A_133 : vector<256x64xf32>
    %sub3A_135 = arith.constant 1.000000e+00 : f32
    %sub3A_136 = vector.broadcast %sub3A_135 : f32 to vector<256x64xf32>
    %sub3A_137 = arith.subf %exp3A_134, %sub3A_136 : vector<256x64xf32>
    %select_n3A_138 = arith.select %gt3A_130, %add3A_127, %sub3A_137 : vector<256x64xi1>, vector<256x64xf32>
    %get3A_139 = arith.constant 0 : index
    %get3A_140 = arith.constant 256 : index
    %get3A_141 = vector.load %arg1[%get3A_139, %get3A_140] : memref<256x2048xf32, #tpu.memory_space<vmem>>, vector<256x128xf32>
    %concatenate3A_142 = tpu.concatenate %select_n3A_138, %get3A_141 in 1 : vector<256x64xf32>, vector<256x128xf32> -> vector<256x192xf32>
    %transpose3A_143 = tpu.transpose %concatenate3A_142, [1, 0] : vector<256x192xf32> -> vector<192x256xf32>
    %swap3A_144 = arith.constant 2 : index
    %swap3A_145 = arith.constant 0 : index
    %swap3A_146 = arith.constant 0 : index
    %swap3A_147 = vector.load %arg17[%swap3A_144, %swap3A_145, %swap3A_146] : memref<16x192x256xf32, #tpu.memory_space<vmem>>, vector<1x192x256xf32>
    %swap3A_148 = vector.shape_cast %swap3A_147 : vector<1x192x256xf32> to vector<192x256xf32>
    %swap3A_149 = vector.shape_cast %transpose3A_143 : vector<192x256xf32> to vector<1x192x256xf32>
    tpu.vector_store %arg17[%swap3A_144, %swap3A_145, %swap3A_146], %swap3A_149 {strides = array<i32>} : memref<16x192x256xf32, #tpu.memory_space<vmem>>, vector<1x192x256xf32>,
    %get3A_150 = arith.constant 384 : index
    %get3A_151 = arith.constant 0 : index
    %get3A_152 = vector.load %arg8[%get3A_150, %get3A_151] : memref<3072x256xf32, #tpu.memory_space<vmem>>, vector<192x256xf32>
    %dot_general3A_153 = arith.constant dense<0.000000e+00> : vector<256x256xf32>
    %dot_general3A_154 = tpu.matmul %concatenate3A_142, %get3A_152, %dot_general3A_153 {dimension_numbers = #tpu.dot_dimension_numbers<[1], [0], [0], [1], [0, 0, 1, 1], [], []>, transpose_lhs_hint = false} : vector<256x192xf32>, vector<192x256xf32>, vector<256x256xf32> -> vector<256x256xf32>
    %add3A_155 = arith.addf %add3A_104, %dot_general3A_154 : vector<256x256xf32>
    %get3A_156 = arith.constant 0 : index
    %get3A_157 = arith.constant 384 : index
    %get3A_158 = vector.load %arg2[%get3A_156, %get3A_157] : memref<256x2048xf32, #tpu.memory_space<vmem>>, vector<256x3xf32>
    %sub3A_159 = arith.subf %get3A_158, %get3A_1 : vector<256x3xf32>
    %dot_general3A_160 = arith.constant dense<0.000000e+00> : vector<256x64xf32>
    %dot_general3A_161 = tpu.matmul %sub3A_159, %get3A_4, %dot_general3A_160 {dimension_numbers = #tpu.dot_dimension_numbers<[1], [0], [0], [1], [0, 0, 1, 1], [], []>, transpose_lhs_hint = false} : vector<256x3xf32>, vector<3x64xf32>, vector<256x64xf32> -> vector<256x64xf32>
    %add3A_162 = vector.broadcast %get3A_7 : vector<1x64xf32> to vector<256x64xf32>
    %add3A_163 = arith.addf %dot_general3A_161, %add3A_162 : vector<256x64xf32>
    %gt3A_164 = arith.constant 0.000000e+00 : f32
    %gt3A_165 = vector.broadcast %gt3A_164 : f32 to vector<256x64xf32>
    %gt3A_166 = arith.cmpf ogt, %add3A_163, %gt3A_165 : vector<256x64xf32>
    %min3A_167 = arith.constant 0.000000e+00 : f32
    %min3A_168 = vector.broadcast %min3A_167 : f32 to vector<256x64xf32>
    %min3A_169 = arith.minimumf %add3A_163, %min3A_168 : vector<256x64xf32>
    %exp3A_170 = math.exp %min3A_169 : vector<256x64xf32>
    %sub3A_171 = arith.constant 1.000000e+00 : f32
    %sub3A_172 = vector.broadcast %sub3A_171 : f32 to vector<256x64xf32>
    %sub3A_173 = arith.subf %exp3A_170, %sub3A_172 : vector<256x64xf32>
    %select_n3A_174 = arith.select %gt3A_166, %add3A_163, %sub3A_173 : vector<256x64xi1>, vector<256x64xf32>
    %dot_general3A_175 = arith.constant dense<0.000000e+00> : vector<256x64xf32>
    %dot_general3A_176 = tpu.matmul %select_n3A_174, %get3A_10, %dot_general3A_175 {dimension_numbers = #tpu.dot_dimension_numbers<[1], [0], [0], [1], [0, 0, 1, 1], [], []>, transpose_lhs_hint = false} : vector<256x64xf32>, vector<64x64xf32>, vector<256x64xf32> -> vector<256x64xf32>
    %add3A_177 = vector.broadcast %get3A_13 : vector<1x64xf32> to vector<256x64xf32>
    %add3A_178 = arith.addf %dot_general3A_176, %add3A_177 : vector<256x64xf32>
    %gt3A_179 = arith.constant 0.000000e+00 : f32
    %gt3A_180 = vector.broadcast %gt3A_179 : f32 to vector<256x64xf32>
    %gt3A_181 = arith.cmpf ogt, %add3A_178, %gt3A_180 : vector<256x64xf32>
    %min3A_182 = arith.constant 0.000000e+00 : f32
    %min3A_183 = vector.broadcast %min3A_182 : f32 to vector<256x64xf32>
    %min3A_184 = arith.minimumf %add3A_178, %min3A_183 : vector<256x64xf32>
    %exp3A_185 = math.exp %min3A_184 : vector<256x64xf32>
    %sub3A_186 = arith.constant 1.000000e+00 : f32
    %sub3A_187 = vector.broadcast %sub3A_186 : f32 to vector<256x64xf32>
    %sub3A_188 = arith.subf %exp3A_185, %sub3A_187 : vector<256x64xf32>
    %select_n3A_189 = arith.select %gt3A_181, %add3A_178, %sub3A_188 : vector<256x64xi1>, vector<256x64xf32>
    %get3A_190 = arith.constant 0 : index
    %get3A_191 = arith.constant 384 : index
    %get3A_192 = vector.load %arg1[%get3A_190, %get3A_191] : memref<256x2048xf32, #tpu.memory_space<vmem>>, vector<256x128xf32>
    %concatenate3A_193 = tpu.concatenate %select_n3A_189, %get3A_192 in 1 : vector<256x64xf32>, vector<256x128xf32> -> vector<256x192xf32>
    %transpose3A_194 = tpu.transpose %concatenate3A_193, [1, 0] : vector<256x192xf32> -> vector<192x256xf32>
    %swap3A_195 = arith.constant 3 : index
    %swap3A_196 = arith.constant 0 : index
    %swap3A_197 = arith.constant 0 : index
    %swap3A_198 = vector.load %arg17[%swap3A_195, %swap3A_196, %swap3A_197] : memref<16x192x256xf32, #tpu.memory_space<vmem>>, vector<1x192x256xf32>
    %swap3A_199 = vector.shape_cast %swap3A_198 : vector<1x192x256xf32> to vector<192x256xf32>
    %swap3A_200 = vector.shape_cast %transpose3A_194 : vector<192x256xf32> to vector<1x192x256xf32>
    tpu.vector_store %arg17[%swap3A_195, %swap3A_196, %swap3A_197], %swap3A_200 {strides = array<i32>} : memref<16x192x256xf32, #tpu.memory_space<vmem>>, vector<1x192x256xf32>,
    %get3A_201 = arith.constant 576 : index
    %get3A_202 = arith.constant 0 : index
    %get3A_203 = vector.load %arg8[%get3A_201, %get3A_202] : memref<3072x256xf32, #tpu.memory_space<vmem>>, vector<192x256xf32>
    %dot_general3A_204 = arith.constant dense<0.000000e+00> : vector<256x256xf32>
    %dot_general3A_205 = tpu.matmul %concatenate3A_193, %get3A_203, %dot_general3A_204 {dimension_numbers = #tpu.dot_dimension_numbers<[1], [0], [0], [1], [0, 0, 1, 1], [], []>, transpose_lhs_hint = false} : vector<256x192xf32>, vector<192x256xf32>, vector<256x256xf32> -> vector<256x256xf32>
    %add3A_206 = arith.addf %add3A_155, %dot_general3A_205 : vector<256x256xf32>
    %get3A_207 = arith.constant 0 : index
    %get3A_208 = arith.constant 512 : index
    %get3A_209 = vector.load %arg2[%get3A_207, %get3A_208] : memref<256x2048xf32, #tpu.memory_space<vmem>>, vector<256x3xf32>
    %sub3A_210 = arith.subf %get3A_209, %get3A_1 : vector<256x3xf32>
    %dot_general3A_211 = arith.constant dense<0.000000e+00> : vector<256x64xf32>
    %dot_general3A_212 = tpu.matmul %sub3A_210, %get3A_4, %dot_general3A_211 {dimension_numbers = #tpu.dot_dimension_numbers<[1], [0], [0], [1], [0, 0, 1, 1], [], []>, transpose_lhs_hint = false} : vector<256x3xf32>, vector<3x64xf32>, vector<256x64xf32> -> vector<256x64xf32>
    %add3A_213 = vector.broadcast %get3A_7 : vector<1x64xf32> to vector<256x64xf32>
    %add3A_214 = arith.addf %dot_general3A_212, %add3A_213 : vector<256x64xf32>
    %gt3A_215 = arith.constant 0.000000e+00 : f32
    %gt3A_216 = vector.broadcast %gt3A_215 : f32 to vector<256x64xf32>
    %gt3A_217 = arith.cmpf ogt, %add3A_214, %gt3A_216 : vector<256x64xf32>
    %min3A_218 = arith.constant 0.000000e+00 : f32
    %min3A_219 = vector.broadcast %min3A_218 : f32 to vector<256x64xf32>
    %min3A_220 = arith.minimumf %add3A_214, %min3A_219 : vector<256x64xf32>
    %exp3A_221 = math.exp %min3A_220 : vector<256x64xf32>
    %sub3A_222 = arith.constant 1.000000e+00 : f32
    %sub3A_223 = vector.broadcast %sub3A_222 : f32 to vector<256x64xf32>
    %sub3A_224 = arith.subf %exp3A_221, %sub3A_223 : vector<256x64xf32>
    %select_n3A_225 = arith.select %gt3A_217, %add3A_214, %sub3A_224 : vector<256x64xi1>, vector<256x64xf32>
    %dot_general3A_226 = arith.constant dense<0.000000e+00> : vector<256x64xf32>
    %dot_general3A_227 = tpu.matmul %select_n3A_225, %get3A_10, %dot_general3A_226 {dimension_numbers = #tpu.dot_dimension_numbers<[1], [0], [0], [1], [0, 0, 1, 1], [], []>, transpose_lhs_hint = false} : vector<256x64xf32>, vector<64x64xf32>, vector<256x64xf32> -> vector<256x64xf32>
    %add3A_228 = vector.broadcast %get3A_13 : vector<1x64xf32> to vector<256x64xf32>
    %add3A_229 = arith.addf %dot_general3A_227, %add3A_228 : vector<256x64xf32>
    %gt3A_230 = arith.constant 0.000000e+00 : f32
    %gt3A_231 = vector.broadcast %gt3A_230 : f32 to vector<256x64xf32>
    %gt3A_232 = arith.cmpf ogt, %add3A_229, %gt3A_231 : vector<256x64xf32>
    %min3A_233 = arith.constant 0.000000e+00 : f32
    %min3A_234 = vector.broadcast %min3A_233 : f32 to vector<256x64xf32>
    %min3A_235 = arith.minimumf %add3A_229, %min3A_234 : vector<256x64xf32>
    %exp3A_236 = math.exp %min3A_235 : vector<256x64xf32>
    %sub3A_237 = arith.constant 1.000000e+00 : f32
    %sub3A_238 = vector.broadcast %sub3A_237 : f32 to vector<256x64xf32>
    %sub3A_239 = arith.subf %exp3A_236, %sub3A_238 : vector<256x64xf32>
    %select_n3A_240 = arith.select %gt3A_232, %add3A_229, %sub3A_239 : vector<256x64xi1>, vector<256x64xf32>
    %get3A_241 = arith.constant 0 : index
    %get3A_242 = arith.constant 512 : index
    %get3A_243 = vector.load %arg1[%get3A_241, %get3A_242] : memref<256x2048xf32, #tpu.memory_space<vmem>>, vector<256x128xf32>
    %concatenate3A_244 = tpu.concatenate %select_n3A_240, %get3A_243 in 1 : vector<256x64xf32>, vector<256x128xf32> -> vector<256x192xf32>
    %transpose3A_245 = tpu.transpose %concatenate3A_244, [1, 0] : vector<256x192xf32> -> vector<192x256xf32>
    %swap3A_246 = arith.constant 4 : index
    %swap3A_247 = arith.constant 0 : index
    %swap3A_248 = arith.constant 0 : index
    %swap3A_249 = vector.load %arg17[%swap3A_246, %swap3A_247, %swap3A_248] : memref<16x192x256xf32, #tpu.memory_space<vmem>>, vector<1x192x256xf32>
    %swap3A_250 = vector.shape_cast %swap3A_249 : vector<1x192x256xf32> to vector<192x256xf32>
    %swap3A_251 = vector.shape_cast %transpose3A_245 : vector<192x256xf32> to vector<1x192x256xf32>
    tpu.vector_store %arg17[%swap3A_246, %swap3A_247, %swap3A_248], %swap3A_251 {strides = array<i32>} : memref<16x192x256xf32, #tpu.memory_space<vmem>>, vector<1x192x256xf32>,
    %get3A_252 = arith.constant 768 : index
    %get3A_253 = arith.constant 0 : index
    %get3A_254 = vector.load %arg8[%get3A_252, %get3A_253] : memref<3072x256xf32, #tpu.memory_space<vmem>>, vector<192x256xf32>
    %dot_general3A_255 = arith.constant dense<0.000000e+00> : vector<256x256xf32>
    %dot_general3A_256 = tpu.matmul %concatenate3A_244, %get3A_254, %dot_general3A_255 {dimension_numbers = #tpu.dot_dimension_numbers<[1], [0], [0], [1], [0, 0, 1, 1], [], []>, transpose_lhs_hint = false} : vector<256x192xf32>, vector<192x256xf32>, vector<256x256xf32> -> vector<256x256xf32>
    %add3A_257 = arith.addf %add3A_206, %dot_general3A_256 : vector<256x256xf32>
    %get3A_258 = arith.constant 0 : index
    %get3A_259 = arith.constant 640 : index
    %get3A_260 = vector.load %arg2[%get3A_258, %get3A_259] : memref<256x2048xf32, #tpu.memory_space<vmem>>, vector<256x3xf32>
    %sub3A_261 = arith.subf %get3A_260, %get3A_1 : vector<256x3xf32>
    %dot_general3A_262 = arith.constant dense<0.000000e+00> : vector<256x64xf32>
    %dot_general3A_263 = tpu.matmul %sub3A_261, %get3A_4, %dot_general3A_262 {dimension_numbers = #tpu.dot_dimension_numbers<[1], [0], [0], [1], [0, 0, 1, 1], [], []>, transpose_lhs_hint = false} : vector<256x3xf32>, vector<3x64xf32>, vector<256x64xf32> -> vector<256x64xf32>
    %add3A_264 = vector.broadcast %get3A_7 : vector<1x64xf32> to vector<256x64xf32>
    %add3A_265 = arith.addf %dot_general3A_263, %add3A_264 : vector<256x64xf32>
    %gt3A_266 = arith.constant 0.000000e+00 : f32
    %gt3A_267 = vector.broadcast %gt3A_266 : f32 to vector<256x64xf32>
    %gt3A_268 = arith.cmpf ogt, %add3A_265, %gt3A_267 : vector<256x64xf32>
    %min3A_269 = arith.constant 0.000000e+00 : f32
    %min3A_270 = vector.broadcast %min3A_269 : f32 to vector<256x64xf32>
    %min3A_271 = arith.minimumf %add3A_265, %min3A_270 : vector<256x64xf32>
    %exp3A_272 = math.exp %min3A_271 : vector<256x64xf32>
    %sub3A_273 = arith.constant 1.000000e+00 : f32
    %sub3A_274 = vector.broadcast %sub3A_273 : f32 to vector<256x64xf32>
    %sub3A_275 = arith.subf %exp3A_272, %sub3A_274 : vector<256x64xf32>
    %select_n3A_276 = arith.select %gt3A_268, %add3A_265, %sub3A_275 : vector<256x64xi1>, vector<256x64xf32>
    %dot_general3A_277 = arith.constant dense<0.000000e+00> : vector<256x64xf32>
    %dot_general3A_278 = tpu.matmul %select_n3A_276, %get3A_10, %dot_general3A_277 {dimension_numbers = #tpu.dot_dimension_numbers<[1], [0], [0], [1], [0, 0, 1, 1], [], []>, transpose_lhs_hint = false} : vector<256x64xf32>, vector<64x64xf32>, vector<256x64xf32> -> vector<256x64xf32>
    %add3A_279 = vector.broadcast %get3A_13 : vector<1x64xf32> to vector<256x64xf32>
    %add3A_280 = arith.addf %dot_general3A_278, %add3A_279 : vector<256x64xf32>
    %gt3A_281 = arith.constant 0.000000e+00 : f32
    %gt3A_282 = vector.broadcast %gt3A_281 : f32 to vector<256x64xf32>
    %gt3A_283 = arith.cmpf ogt, %add3A_280, %gt3A_282 : vector<256x64xf32>
    %min3A_284 = arith.constant 0.000000e+00 : f32
    %min3A_285 = vector.broadcast %min3A_284 : f32 to vector<256x64xf32>
    %min3A_286 = arith.minimumf %add3A_280, %min3A_285 : vector<256x64xf32>
    %exp3A_287 = math.exp %min3A_286 : vector<256x64xf32>
    %sub3A_288 = arith.constant 1.000000e+00 : f32
    %sub3A_289 = vector.broadcast %sub3A_288 : f32 to vector<256x64xf32>
    %sub3A_290 = arith.subf %exp3A_287, %sub3A_289 : vector<256x64xf32>
    %select_n3A_291 = arith.select %gt3A_283, %add3A_280, %sub3A_290 : vector<256x64xi1>, vector<256x64xf32>
    %get3A_292 = arith.constant 0 : index
    %get3A_293 = arith.constant 640 : index
    %get3A_294 = vector.load %arg1[%get3A_292, %get3A_293] : memref<256x2048xf32, #tpu.memory_space<vmem>>, vector<256x128xf32>
    %concatenate3A_295 = tpu.concatenate %select_n3A_291, %get3A_294 in 1 : vector<256x64xf32>, vector<256x128xf32> -> vector<256x192xf32>
    %transpose3A_296 = tpu.transpose %concatenate3A_295, [1, 0] : vector<256x192xf32> -> vector<192x256xf32>
    %swap3A_297 = arith.constant 5 : index
    %swap3A_298 = arith.constant 0 : index
    %swap3A_299 = arith.constant 0 : index
    %swap3A_300 = vector.load %arg17[%swap3A_297, %swap3A_298, %swap3A_299] : memref<16x192x256xf32, #tpu.memory_space<vmem>>, vector<1x192x256xf32>
    %swap3A_301 = vector.shape_cast %swap3A_300 : vector<1x192x256xf32> to vector<192x256xf32>
    %swap3A_302 = vector.shape_cast %transpose3A_296 : vector<192x256xf32> to vector<1x192x256xf32>
    tpu.vector_store %arg17[%swap3A_297, %swap3A_298, %swap3A_299], %swap3A_302 {strides = array<i32>} : memref<16x192x256xf32, #tpu.memory_space<vmem>>, vector<1x192x256xf32>,
    %get3A_303 = arith.constant 960 : index
    %get3A_304 = arith.constant 0 : index
    %get3A_305 = vector.load %arg8[%get3A_303, %get3A_304] : memref<3072x256xf32, #tpu.memory_space<vmem>>, vector<192x256xf32>
    %dot_general3A_306 = arith.constant dense<0.000000e+00> : vector<256x256xf32>
    %dot_general3A_307 = tpu.matmul %concatenate3A_295, %get3A_305, %dot_general3A_306 {dimension_numbers = #tpu.dot_dimension_numbers<[1], [0], [0], [1], [0, 0, 1, 1], [], []>, transpose_lhs_hint = false} : vector<256x192xf32>, vector<192x256xf32>, vector<256x256xf32> -> vector<256x256xf32>
    %add3A_308 = arith.addf %add3A_257, %dot_general3A_307 : vector<256x256xf32>
    %get3A_309 = arith.constant 0 : index
    %get3A_310 = arith.constant 768 : index
    %get3A_311 = vector.load %arg2[%get3A_309, %get3A_310] : memref<256x2048xf32, #tpu.memory_space<vmem>>, vector<256x3xf32>
    %sub3A_312 = arith.subf %get3A_311, %get3A_1 : vector<256x3xf32>
    %dot_general3A_313 = arith.constant dense<0.000000e+00> : vector<256x64xf32>
    %dot_general3A_314 = tpu.matmul %sub3A_312, %get3A_4, %dot_general3A_313 {dimension_numbers = #tpu.dot_dimension_numbers<[1], [0], [0], [1], [0, 0, 1, 1], [], []>, transpose_lhs_hint = false} : vector<256x3xf32>, vector<3x64xf32>, vector<256x64xf32> -> vector<256x64xf32>
    %add3A_315 = vector.broadcast %get3A_7 : vector<1x64xf32> to vector<256x64xf32>
    %add3A_316 = arith.addf %dot_general3A_314, %add3A_315 : vector<256x64xf32>
    %gt3A_317 = arith.constant 0.000000e+00 : f32
    %gt3A_318 = vector.broadcast %gt3A_317 : f32 to vector<256x64xf32>
    %gt3A_319 = arith.cmpf ogt, %add3A_316, %gt3A_318 : vector<256x64xf32>
    %min3A_320 = arith.constant 0.000000e+00 : f32
    %min3A_321 = vector.broadcast %min3A_320 : f32 to vector<256x64xf32>
    %min3A_322 = arith.minimumf %add3A_316, %min3A_321 : vector<256x64xf32>
    %exp3A_323 = math.exp %min3A_322 : vector<256x64xf32>
    %sub3A_324 = arith.constant 1.000000e+00 : f32
    %sub3A_325 = vector.broadcast %sub3A_324 : f32 to vector<256x64xf32>
    %sub3A_326 = arith.subf %exp3A_323, %sub3A_325 : vector<256x64xf32>
    %select_n3A_327 = arith.select %gt3A_319, %add3A_316, %sub3A_326 : vector<256x64xi1>, vector<256x64xf32>
    %dot_general3A_328 = arith.constant dense<0.000000e+00> : vector<256x64xf32>
    %dot_general3A_329 = tpu.matmul %select_n3A_327, %get3A_10, %dot_general3A_328 {dimension_numbers = #tpu.dot_dimension_numbers<[1], [0], [0], [1], [0, 0, 1, 1], [], []>, transpose_lhs_hint = false} : vector<256x64xf32>, vector<64x64xf32>, vector<256x64xf32> -> vector<256x64xf32>
    %add3A_330 = vector.broadcast %get3A_13 : vector<1x64xf32> to vector<256x64xf32>
    %add3A_331 = arith.addf %dot_general3A_329, %add3A_330 : vector<256x64xf32>
    %gt3A_332 = arith.constant 0.000000e+00 : f32
    %gt3A_333 = vector.broadcast %gt3A_332 : f32 to vector<256x64xf32>
    %gt3A_334 = arith.cmpf ogt, %add3A_331, %gt3A_333 : vector<256x64xf32>
    %min3A_335 = arith.constant 0.000000e+00 : f32
    %min3A_336 = vector.broadcast %min3A_335 : f32 to vector<256x64xf32>
    %min3A_337 = arith.minimumf %add3A_331, %min3A_336 : vector<256x64xf32>
    %exp3A_338 = math.exp %min3A_337 : vector<256x64xf32>
    %sub3A_339 = arith.constant 1.000000e+00 : f32
    %sub3A_340 = vector.broadcast %sub3A_339 : f32 to vector<256x64xf32>
    %sub3A_341 = arith.subf %exp3A_338, %sub3A_340 : vector<256x64xf32>
    %select_n3A_342 = arith.select %gt3A_334, %add3A_331, %sub3A_341 : vector<256x64xi1>, vector<256x64xf32>
    %get3A_343 = arith.constant 0 : index
    %get3A_344 = arith.constant 768 : index
    %get3A_345 = vector.load %arg1[%get3A_343, %get3A_344] : memref<256x2048xf32, #tpu.memory_space<vmem>>, vector<256x128xf32>
    %concatenate3A_346 = tpu.concatenate %select_n3A_342, %get3A_345 in 1 : vector<256x64xf32>, vector<256x128xf32> -> vector<256x192xf32>
    %transpose3A_347 = tpu.transpose %concatenate3A_346, [1, 0] : vector<256x192xf32> -> vector<192x256xf32>
    %swap3A_348 = arith.constant 6 : index
    %swap3A_349 = arith.constant 0 : index
    %swap3A_350 = arith.constant 0 : index
    %swap3A_351 = vector.load %arg17[%swap3A_348, %swap3A_349, %swap3A_350] : memref<16x192x256xf32, #tpu.memory_space<vmem>>, vector<1x192x256xf32>
    %swap3A_352 = vector.shape_cast %swap3A_351 : vector<1x192x256xf32> to vector<192x256xf32>
    %swap3A_353 = vector.shape_cast %transpose3A_347 : vector<192x256xf32> to vector<1x192x256xf32>
    tpu.vector_store %arg17[%swap3A_348, %swap3A_349, %swap3A_350], %swap3A_353 {strides = array<i32>} : memref<16x192x256xf32, #tpu.memory_space<vmem>>, vector<1x192x256xf32>,
    %get3A_354 = arith.constant 1152 : index
    %get3A_355 = arith.constant 0 : index
    %get3A_356 = vector.load %arg8[%get3A_354, %get3A_355] : memref<3072x256xf32, #tpu.memory_space<vmem>>, vector<192x256xf32>
    %dot_general3A_357 = arith.constant dense<0.000000e+00> : vector<256x256xf32>
    %dot_general3A_358 = tpu.matmul %concatenate3A_346, %get3A_356, %dot_general3A_357 {dimension_numbers = #tpu.dot_dimension_numbers<[1], [0], [0], [1], [0, 0, 1, 1], [], []>, transpose_lhs_hint = false} : vector<256x192xf32>, vector<192x256xf32>, vector<256x256xf32> -> vector<256x256xf32>
    %add3A_359 = arith.addf %add3A_308, %dot_general3A_358 : vector<256x256xf32>
    %get3A_360 = arith.constant 0 : index
    %get3A_361 = arith.constant 896 : index
    %get3A_362 = vector.load %arg2[%get3A_360, %get3A_361] : memref<256x2048xf32, #tpu.memory_space<vmem>>, vector<256x3xf32>
    %sub3A_363 = arith.subf %get3A_362, %get3A_1 : vector<256x3xf32>
    %dot_general3A_364 = arith.constant dense<0.000000e+00> : vector<256x64xf32>
    %dot_general3A_365 = tpu.matmul %sub3A_363, %get3A_4, %dot_general3A_364 {dimension_numbers = #tpu.dot_dimension_numbers<[1], [0], [0], [1], [0, 0, 1, 1], [], []>, transpose_lhs_hint = false} : vector<256x3xf32>, vector<3x64xf32>, vector<256x64xf32> -> vector<256x64xf32>
    %add3A_366 = vector.broadcast %get3A_7 : vector<1x64xf32> to vector<256x64xf32>
    %add3A_367 = arith.addf %dot_general3A_365, %add3A_366 : vector<256x64xf32>
    %gt3A_368 = arith.constant 0.000000e+00 : f32
    %gt3A_369 = vector.broadcast %gt3A_368 : f32 to vector<256x64xf32>
    %gt3A_370 = arith.cmpf ogt, %add3A_367, %gt3A_369 : vector<256x64xf32>
    %min3A_371 = arith.constant 0.000000e+00 : f32
    %min3A_372 = vector.broadcast %min3A_371 : f32 to vector<256x64xf32>
    %min3A_373 = arith.minimumf %add3A_367, %min3A_372 : vector<256x64xf32>
    %exp3A_374 = math.exp %min3A_373 : vector<256x64xf32>
    %sub3A_375 = arith.constant 1.000000e+00 : f32
    %sub3A_376 = vector.broadcast %sub3A_375 : f32 to vector<256x64xf32>
    %sub3A_377 = arith.subf %exp3A_374, %sub3A_376 : vector<256x64xf32>
    %select_n3A_378 = arith.select %gt3A_370, %add3A_367, %sub3A_377 : vector<256x64xi1>, vector<256x64xf32>
    %dot_general3A_379 = arith.constant dense<0.000000e+00> : vector<256x64xf32>
    %dot_general3A_380 = tpu.matmul %select_n3A_378, %get3A_10, %dot_general3A_379 {dimension_numbers = #tpu.dot_dimension_numbers<[1], [0], [0], [1], [0, 0, 1, 1], [], []>, transpose_lhs_hint = false} : vector<256x64xf32>, vector<64x64xf32>, vector<256x64xf32> -> vector<256x64xf32>
    %add3A_381 = vector.broadcast %get3A_13 : vector<1x64xf32> to vector<256x64xf32>
    %add3A_382 = arith.addf %dot_general3A_380, %add3A_381 : vector<256x64xf32>
    %gt3A_383 = arith.constant 0.000000e+00 : f32
    %gt3A_384 = vector.broadcast %gt3A_383 : f32 to vector<256x64xf32>
    %gt3A_385 = arith.cmpf ogt, %add3A_382, %gt3A_384 : vector<256x64xf32>
    %min3A_386 = arith.constant 0.000000e+00 : f32
    %min3A_387 = vector.broadcast %min3A_386 : f32 to vector<256x64xf32>
    %min3A_388 = arith.minimumf %add3A_382, %min3A_387 : vector<256x64xf32>
    %exp3A_389 = math.exp %min3A_388 : vector<256x64xf32>
    %sub3A_390 = arith.constant 1.000000e+00 : f32
    %sub3A_391 = vector.broadcast %sub3A_390 : f32 to vector<256x64xf32>
    %sub3A_392 = arith.subf %exp3A_389, %sub3A_391 : vector<256x64xf32>
    %select_n3A_393 = arith.select %gt3A_385, %add3A_382, %sub3A_392 : vector<256x64xi1>, vector<256x64xf32>
    %get3A_394 = arith.constant 0 : index
    %get3A_395 = arith.constant 896 : index
    %get3A_396 = vector.load %arg1[%get3A_394, %get3A_395] : memref<256x2048xf32, #tpu.memory_space<vmem>>, vector<256x128xf32>
    %concatenate3A_397 = tpu.concatenate %select_n3A_393, %get3A_396 in 1 : vector<256x64xf32>, vector<256x128xf32> -> vector<256x192xf32>
    %transpose3A_398 = tpu.transpose %concatenate3A_397, [1, 0] : vector<256x192xf32> -> vector<192x256xf32>
    %swap3A_399 = arith.constant 7 : index
    %swap3A_400 = arith.constant 0 : index
    %swap3A_401 = arith.constant 0 : index
    %swap3A_402 = vector.load %arg17[%swap3A_399, %swap3A_400, %swap3A_401] : memref<16x192x256xf32, #tpu.memory_space<vmem>>, vector<1x192x256xf32>
    %swap3A_403 = vector.shape_cast %swap3A_402 : vector<1x192x256xf32> to vector<192x256xf32>
    %swap3A_404 = vector.shape_cast %transpose3A_398 : vector<192x256xf32> to vector<1x192x256xf32>
    tpu.vector_store %arg17[%swap3A_399, %swap3A_400, %swap3A_401], %swap3A_404 {strides = array<i32>} : memref<16x192x256xf32, #tpu.memory_space<vmem>>, vector<1x192x256xf32>,
    %get3A_405 = arith.constant 1344 : index
    %get3A_406 = arith.constant 0 : index
    %get3A_407 = vector.load %arg8[%get3A_405, %get3A_406] : memref<3072x256xf32, #tpu.memory_space<vmem>>, vector<192x256xf32>
    %dot_general3A_408 = arith.constant dense<0.000000e+00> : vector<256x256xf32>
    %dot_general3A_409 = tpu.matmul %concatenate3A_397, %get3A_407, %dot_general3A_408 {dimension_numbers = #tpu.dot_dimension_numbers<[1], [0], [0], [1], [0, 0, 1, 1], [], []>, transpose_lhs_hint = false} : vector<256x192xf32>, vector<192x256xf32>, vector<256x256xf32> -> vector<256x256xf32>
    %add3A_410 = arith.addf %add3A_359, %dot_general3A_409 : vector<256x256xf32>
    %get3A_411 = arith.constant 0 : index
    %get3A_412 = arith.constant 1024 : index
    %get3A_413 = vector.load %arg2[%get3A_411, %get3A_412] : memref<256x2048xf32, #tpu.memory_space<vmem>>, vector<256x3xf32>
    %sub3A_414 = arith.subf %get3A_413, %get3A_1 : vector<256x3xf32>
    %dot_general3A_415 = arith.constant dense<0.000000e+00> : vector<256x64xf32>
    %dot_general3A_416 = tpu.matmul %sub3A_414, %get3A_4, %dot_general3A_415 {dimension_numbers = #tpu.dot_dimension_numbers<[1], [0], [0], [1], [0, 0, 1, 1], [], []>, transpose_lhs_hint = false} : vector<256x3xf32>, vector<3x64xf32>, vector<256x64xf32> -> vector<256x64xf32>
    %add3A_417 = vector.broadcast %get3A_7 : vector<1x64xf32> to vector<256x64xf32>
    %add3A_418 = arith.addf %dot_general3A_416, %add3A_417 : vector<256x64xf32>
    %gt3A_419 = arith.constant 0.000000e+00 : f32
    %gt3A_420 = vector.broadcast %gt3A_419 : f32 to vector<256x64xf32>
    %gt3A_421 = arith.cmpf ogt, %add3A_418, %gt3A_420 : vector<256x64xf32>
    %min3A_422 = arith.constant 0.000000e+00 : f32
    %min3A_423 = vector.broadcast %min3A_422 : f32 to vector<256x64xf32>
    %min3A_424 = arith.minimumf %add3A_418, %min3A_423 : vector<256x64xf32>
    %exp3A_425 = math.exp %min3A_424 : vector<256x64xf32>
    %sub3A_426 = arith.constant 1.000000e+00 : f32
    %sub3A_427 = vector.broadcast %sub3A_426 : f32 to vector<256x64xf32>
    %sub3A_428 = arith.subf %exp3A_425, %sub3A_427 : vector<256x64xf32>
    %select_n3A_429 = arith.select %gt3A_421, %add3A_418, %sub3A_428 : vector<256x64xi1>, vector<256x64xf32>
    %dot_general3A_430 = arith.constant dense<0.000000e+00> : vector<256x64xf32>
    %dot_general3A_431 = tpu.matmul %select_n3A_429, %get3A_10, %dot_general3A_430 {dimension_numbers = #tpu.dot_dimension_numbers<[1], [0], [0], [1], [0, 0, 1, 1], [], []>, transpose_lhs_hint = false} : vector<256x64xf32>, vector<64x64xf32>, vector<256x64xf32> -> vector<256x64xf32>
    %add3A_432 = vector.broadcast %get3A_13 : vector<1x64xf32> to vector<256x64xf32>
    %add3A_433 = arith.addf %dot_general3A_431, %add3A_432 : vector<256x64xf32>
    %gt3A_434 = arith.constant 0.000000e+00 : f32
    %gt3A_435 = vector.broadcast %gt3A_434 : f32 to vector<256x64xf32>
    %gt3A_436 = arith.cmpf ogt, %add3A_433, %gt3A_435 : vector<256x64xf32>
    %min3A_437 = arith.constant 0.000000e+00 : f32
    %min3A_438 = vector.broadcast %min3A_437 : f32 to vector<256x64xf32>
    %min3A_439 = arith.minimumf %add3A_433, %min3A_438 : vector<256x64xf32>
    %exp3A_440 = math.exp %min3A_439 : vector<256x64xf32>
    %sub3A_441 = arith.constant 1.000000e+00 : f32
    %sub3A_442 = vector.broadcast %sub3A_441 : f32 to vector<256x64xf32>
    %sub3A_443 = arith.subf %exp3A_440, %sub3A_442 : vector<256x64xf32>
    %select_n3A_444 = arith.select %gt3A_436, %add3A_433, %sub3A_443 : vector<256x64xi1>, vector<256x64xf32>
    %get3A_445 = arith.constant 0 : index
    %get3A_446 = arith.constant 1024 : index
    %get3A_447 = vector.load %arg1[%get3A_445, %get3A_446] : memref<256x2048xf32, #tpu.memory_space<vmem>>, vector<256x128xf32>
    %concatenate3A_448 = tpu.concatenate %select_n3A_444, %get3A_447 in 1 : vector<256x64xf32>, vector<256x128xf32> -> vector<256x192xf32>
    %transpose3A_449 = tpu.transpose %concatenate3A_448, [1, 0] : vector<256x192xf32> -> vector<192x256xf32>
    %swap3A_450 = arith.constant 8 : index
    %swap3A_451 = arith.constant 0 : index
    %swap3A_452 = arith.constant 0 : index
    %swap3A_453 = vector.load %arg17[%swap3A_450, %swap3A_451, %swap3A_452] : memref<16x192x256xf32, #tpu.memory_space<vmem>>, vector<1x192x256xf32>
    %swap3A_454 = vector.shape_cast %swap3A_453 : vector<1x192x256xf32> to vector<192x256xf32>
    %swap3A_455 = vector.shape_cast %transpose3A_449 : vector<192x256xf32> to vector<1x192x256xf32>
    tpu.vector_store %arg17[%swap3A_450, %swap3A_451, %swap3A_452], %swap3A_455 {strides = array<i32>} : memref<16x192x256xf32, #tpu.memory_space<vmem>>, vector<1x192x256xf32>,
    %get3A_456 = arith.constant 1536 : index
    %get3A_457 = arith.constant 0 : index
    %get3A_458 = vector.load %arg8[%get3A_456, %get3A_457] : memref<3072x256xf32, #tpu.memory_space<vmem>>, vector<192x256xf32>
    %dot_general3A_459 = arith.constant dense<0.000000e+00> : vector<256x256xf32>
    %dot_general3A_460 = tpu.matmul %concatenate3A_448, %get3A_458, %dot_general3A_459 {dimension_numbers = #tpu.dot_dimension_numbers<[1], [0], [0], [1], [0, 0, 1, 1], [], []>, transpose_lhs_hint = false} : vector<256x192xf32>, vector<192x256xf32>, vector<256x256xf32> -> vector<256x256xf32>
    %add3A_461 = arith.addf %add3A_410, %dot_general3A_460 : vector<256x256xf32>
    %get3A_462 = arith.constant 0 : index
    %get3A_463 = arith.constant 1152 : index
    %get3A_464 = vector.load %arg2[%get3A_462, %get3A_463] : memref<256x2048xf32, #tpu.memory_space<vmem>>, vector<256x3xf32>
    %sub3A_465 = arith.subf %get3A_464, %get3A_1 : vector<256x3xf32>
    %dot_general3A_466 = arith.constant dense<0.000000e+00> : vector<256x64xf32>
    %dot_general3A_467 = tpu.matmul %sub3A_465, %get3A_4, %dot_general3A_466 {dimension_numbers = #tpu.dot_dimension_numbers<[1], [0], [0], [1], [0, 0, 1, 1], [], []>, transpose_lhs_hint = false} : vector<256x3xf32>, vector<3x64xf32>, vector<256x64xf32> -> vector<256x64xf32>
    %add3A_468 = vector.broadcast %get3A_7 : vector<1x64xf32> to vector<256x64xf32>
    %add3A_469 = arith.addf %dot_general3A_467, %add3A_468 : vector<256x64xf32>
    %gt3A_470 = arith.constant 0.000000e+00 : f32
    %gt3A_471 = vector.broadcast %gt3A_470 : f32 to vector<256x64xf32>
    %gt3A_472 = arith.cmpf ogt, %add3A_469, %gt3A_471 : vector<256x64xf32>
    %min3A_473 = arith.constant 0.000000e+00 : f32
    %min3A_474 = vector.broadcast %min3A_473 : f32 to vector<256x64xf32>
    %min3A_475 = arith.minimumf %add3A_469, %min3A_474 : vector<256x64xf32>
    %exp3A_476 = math.exp %min3A_475 : vector<256x64xf32>
    %sub3A_477 = arith.constant 1.000000e+00 : f32
    %sub3A_478 = vector.broadcast %sub3A_477 : f32 to vector<256x64xf32>
    %sub3A_479 = arith.subf %exp3A_476, %sub3A_478 : vector<256x64xf32>
    %select_n3A_480 = arith.select %gt3A_472, %add3A_469, %sub3A_479 : vector<256x64xi1>, vector<256x64xf32>
    %dot_general3A_481 = arith.constant dense<0.000000e+00> : vector<256x64xf32>
    %dot_general3A_482 = tpu.matmul %select_n3A_480, %get3A_10, %dot_general3A_481 {dimension_numbers = #tpu.dot_dimension_numbers<[1], [0], [0], [1], [0, 0, 1, 1], [], []>, transpose_lhs_hint = false} : vector<256x64xf32>, vector<64x64xf32>, vector<256x64xf32> -> vector<256x64xf32>
    %add3A_483 = vector.broadcast %get3A_13 : vector<1x64xf32> to vector<256x64xf32>
    %add3A_484 = arith.addf %dot_general3A_482, %add3A_483 : vector<256x64xf32>
    %gt3A_485 = arith.constant 0.000000e+00 : f32
    %gt3A_486 = vector.broadcast %gt3A_485 : f32 to vector<256x64xf32>
    %gt3A_487 = arith.cmpf ogt, %add3A_484, %gt3A_486 : vector<256x64xf32>
    %min3A_488 = arith.constant 0.000000e+00 : f32
    %min3A_489 = vector.broadcast %min3A_488 : f32 to vector<256x64xf32>
    %min3A_490 = arith.minimumf %add3A_484, %min3A_489 : vector<256x64xf32>
    %exp3A_491 = math.exp %min3A_490 : vector<256x64xf32>
    %sub3A_492 = arith.constant 1.000000e+00 : f32
    %sub3A_493 = vector.broadcast %sub3A_492 : f32 to vector<256x64xf32>
    %sub3A_494 = arith.subf %exp3A_491, %sub3A_493 : vector<256x64xf32>
    %select_n3A_495 = arith.select %gt3A_487, %add3A_484, %sub3A_494 : vector<256x64xi1>, vector<256x64xf32>
    %get3A_496 = arith.constant 0 : index
    %get3A_497 = arith.constant 1152 : index
    %get3A_498 = vector.load %arg1[%get3A_496, %get3A_497] : memref<256x2048xf32, #tpu.memory_space<vmem>>, vector<256x128xf32>
    %concatenate3A_499 = tpu.concatenate %select_n3A_495, %get3A_498 in 1 : vector<256x64xf32>, vector<256x128xf32> -> vector<256x192xf32>
    %transpose3A_500 = tpu.transpose %concatenate3A_499, [1, 0] : vector<256x192xf32> -> vector<192x256xf32>
    %swap3A_501 = arith.constant 9 : index
    %swap3A_502 = arith.constant 0 : index
    %swap3A_503 = arith.constant 0 : index
    %swap3A_504 = vector.load %arg17[%swap3A_501, %swap3A_502, %swap3A_503] : memref<16x192x256xf32, #tpu.memory_space<vmem>>, vector<1x192x256xf32>
    %swap3A_505 = vector.shape_cast %swap3A_504 : vector<1x192x256xf32> to vector<192x256xf32>
    %swap3A_506 = vector.shape_cast %transpose3A_500 : vector<192x256xf32> to vector<1x192x256xf32>
    tpu.vector_store %arg17[%swap3A_501, %swap3A_502, %swap3A_503], %swap3A_506 {strides = array<i32>} : memref<16x192x256xf32, #tpu.memory_space<vmem>>, vector<1x192x256xf32>,
    %get3A_507 = arith.constant 1728 : index
    %get3A_508 = arith.constant 0 : index
    %get3A_509 = vector.load %arg8[%get3A_507, %get3A_508] : memref<3072x256xf32, #tpu.memory_space<vmem>>, vector<192x256xf32>
    %dot_general3A_510 = arith.constant dense<0.000000e+00> : vector<256x256xf32>
    %dot_general3A_511 = tpu.matmul %concatenate3A_499, %get3A_509, %dot_general3A_510 {dimension_numbers = #tpu.dot_dimension_numbers<[1], [0], [0], [1], [0, 0, 1, 1], [], []>, transpose_lhs_hint = false} : vector<256x192xf32>, vector<192x256xf32>, vector<256x256xf32> -> vector<256x256xf32>
    %add3A_512 = arith.addf %add3A_461, %dot_general3A_511 : vector<256x256xf32>
    %get3A_513 = arith.constant 0 : index
    %get3A_514 = arith.constant 1280 : index
    %get3A_515 = vector.load %arg2[%get3A_513, %get3A_514] : memref<256x2048xf32, #tpu.memory_space<vmem>>, vector<256x3xf32>
    %sub3A_516 = arith.subf %get3A_515, %get3A_1 : vector<256x3xf32>
    %dot_general3A_517 = arith.constant dense<0.000000e+00> : vector<256x64xf32>
    %dot_general3A_518 = tpu.matmul %sub3A_516, %get3A_4, %dot_general3A_517 {dimension_numbers = #tpu.dot_dimension_numbers<[1], [0], [0], [1], [0, 0, 1, 1], [], []>, transpose_lhs_hint = false} : vector<256x3xf32>, vector<3x64xf32>, vector<256x64xf32> -> vector<256x64xf32>
    %add3A_519 = vector.broadcast %get3A_7 : vector<1x64xf32> to vector<256x64xf32>
    %add3A_520 = arith.addf %dot_general3A_518, %add3A_519 : vector<256x64xf32>
    %gt3A_521 = arith.constant 0.000000e+00 : f32
    %gt3A_522 = vector.broadcast %gt3A_521 : f32 to vector<256x64xf32>
    %gt3A_523 = arith.cmpf ogt, %add3A_520, %gt3A_522 : vector<256x64xf32>
    %min3A_524 = arith.constant 0.000000e+00 : f32
    %min3A_525 = vector.broadcast %min3A_524 : f32 to vector<256x64xf32>
    %min3A_526 = arith.minimumf %add3A_520, %min3A_525 : vector<256x64xf32>
    %exp3A_527 = math.exp %min3A_526 : vector<256x64xf32>
    %sub3A_528 = arith.constant 1.000000e+00 : f32
    %sub3A_529 = vector.broadcast %sub3A_528 : f32 to vector<256x64xf32>
    %sub3A_530 = arith.subf %exp3A_527, %sub3A_529 : vector<256x64xf32>
    %select_n3A_531 = arith.select %gt3A_523, %add3A_520, %sub3A_530 : vector<256x64xi1>, vector<256x64xf32>
    %dot_general3A_532 = arith.constant dense<0.000000e+00> : vector<256x64xf32>
    %dot_general3A_533 = tpu.matmul %select_n3A_531, %get3A_10, %dot_general3A_532 {dimension_numbers = #tpu.dot_dimension_numbers<[1], [0], [0], [1], [0, 0, 1, 1], [], []>, transpose_lhs_hint = false} : vector<256x64xf32>, vector<64x64xf32>, vector<256x64xf32> -> vector<256x64xf32>
    %add3A_534 = vector.broadcast %get3A_13 : vector<1x64xf32> to vector<256x64xf32>
    %add3A_535 = arith.addf %dot_general3A_533, %add3A_534 : vector<256x64xf32>
    %gt3A_536 = arith.constant 0.000000e+00 : f32
    %gt3A_537 = vector.broadcast %gt3A_536 : f32 to vector<256x64xf32>
    %gt3A_538 = arith.cmpf ogt, %add3A_535, %gt3A_537 : vector<256x64xf32>
    %min3A_539 = arith.constant 0.000000e+00 : f32
    %min3A_540 = vector.broadcast %min3A_539 : f32 to vector<256x64xf32>
    %min3A_541 = arith.minimumf %add3A_535, %min3A_540 : vector<256x64xf32>
    %exp3A_542 = math.exp %min3A_541 : vector<256x64xf32>
    %sub3A_543 = arith.constant 1.000000e+00 : f32
    %sub3A_544 = vector.broadcast %sub3A_543 : f32 to vector<256x64xf32>
    %sub3A_545 = arith.subf %exp3A_542, %sub3A_544 : vector<256x64xf32>
    %select_n3A_546 = arith.select %gt3A_538, %add3A_535, %sub3A_545 : vector<256x64xi1>, vector<256x64xf32>
    %get3A_547 = arith.constant 0 : index
    %get3A_548 = arith.constant 1280 : index
    %get3A_549 = vector.load %arg1[%get3A_547, %get3A_548] : memref<256x2048xf32, #tpu.memory_space<vmem>>, vector<256x128xf32>
    %concatenate3A_550 = tpu.concatenate %select_n3A_546, %get3A_549 in 1 : vector<256x64xf32>, vector<256x128xf32> -> vector<256x192xf32>
    %transpose3A_551 = tpu.transpose %concatenate3A_550, [1, 0] : vector<256x192xf32> -> vector<192x256xf32>
    %swap3A_552 = arith.constant 10 : index
    %swap3A_553 = arith.constant 0 : index
    %swap3A_554 = arith.constant 0 : index
    %swap3A_555 = vector.load %arg17[%swap3A_552, %swap3A_553, %swap3A_554] : memref<16x192x256xf32, #tpu.memory_space<vmem>>, vector<1x192x256xf32>
    %swap3A_556 = vector.shape_cast %swap3A_555 : vector<1x192x256xf32> to vector<192x256xf32>
    %swap3A_557 = vector.shape_cast %transpose3A_551 : vector<192x256xf32> to vector<1x192x256xf32>
    tpu.vector_store %arg17[%swap3A_552, %swap3A_553, %swap3A_554], %swap3A_557 {strides = array<i32>} : memref<16x192x256xf32, #tpu.memory_space<vmem>>, vector<1x192x256xf32>,
    %get3A_558 = arith.constant 1920 : index
    %get3A_559 = arith.constant 0 : index
    %get3A_560 = vector.load %arg8[%get3A_558, %get3A_559] : memref<3072x256xf32, #tpu.memory_space<vmem>>, vector<192x256xf32>
    %dot_general3A_561 = arith.constant dense<0.000000e+00> : vector<256x256xf32>
    %dot_general3A_562 = tpu.matmul %concatenate3A_550, %get3A_560, %dot_general3A_561 {dimension_numbers = #tpu.dot_dimension_numbers<[1], [0], [0], [1], [0, 0, 1, 1], [], []>, transpose_lhs_hint = false} : vector<256x192xf32>, vector<192x256xf32>, vector<256x256xf32> -> vector<256x256xf32>
    %add3A_563 = arith.addf %add3A_512, %dot_general3A_562 : vector<256x256xf32>
    %get3A_564 = arith.constant 0 : index
    %get3A_565 = arith.constant 1408 : index
    %get3A_566 = vector.load %arg2[%get3A_564, %get3A_565] : memref<256x2048xf32, #tpu.memory_space<vmem>>, vector<256x3xf32>
    %sub3A_567 = arith.subf %get3A_566, %get3A_1 : vector<256x3xf32>
    %dot_general3A_568 = arith.constant dense<0.000000e+00> : vector<256x64xf32>
    %dot_general3A_569 = tpu.matmul %sub3A_567, %get3A_4, %dot_general3A_568 {dimension_numbers = #tpu.dot_dimension_numbers<[1], [0], [0], [1], [0, 0, 1, 1], [], []>, transpose_lhs_hint = false} : vector<256x3xf32>, vector<3x64xf32>, vector<256x64xf32> -> vector<256x64xf32>
    %add3A_570 = vector.broadcast %get3A_7 : vector<1x64xf32> to vector<256x64xf32>
    %add3A_571 = arith.addf %dot_general3A_569, %add3A_570 : vector<256x64xf32>
    %gt3A_572 = arith.constant 0.000000e+00 : f32
    %gt3A_573 = vector.broadcast %gt3A_572 : f32 to vector<256x64xf32>
    %gt3A_574 = arith.cmpf ogt, %add3A_571, %gt3A_573 : vector<256x64xf32>
    %min3A_575 = arith.constant 0.000000e+00 : f32
    %min3A_576 = vector.broadcast %min3A_575 : f32 to vector<256x64xf32>
    %min3A_577 = arith.minimumf %add3A_571, %min3A_576 : vector<256x64xf32>
    %exp3A_578 = math.exp %min3A_577 : vector<256x64xf32>
    %sub3A_579 = arith.constant 1.000000e+00 : f32
    %sub3A_580 = vector.broadcast %sub3A_579 : f32 to vector<256x64xf32>
    %sub3A_581 = arith.subf %exp3A_578, %sub3A_580 : vector<256x64xf32>
    %select_n3A_582 = arith.select %gt3A_574, %add3A_571, %sub3A_581 : vector<256x64xi1>, vector<256x64xf32>
    %dot_general3A_583 = arith.constant dense<0.000000e+00> : vector<256x64xf32>
    %dot_general3A_584 = tpu.matmul %select_n3A_582, %get3A_10, %dot_general3A_583 {dimension_numbers = #tpu.dot_dimension_numbers<[1], [0], [0], [1], [0, 0, 1, 1], [], []>, transpose_lhs_hint = false} : vector<256x64xf32>, vector<64x64xf32>, vector<256x64xf32> -> vector<256x64xf32>
    %add3A_585 = vector.broadcast %get3A_13 : vector<1x64xf32> to vector<256x64xf32>
    %add3A_586 = arith.addf %dot_general3A_584, %add3A_585 : vector<256x64xf32>
    %gt3A_587 = arith.constant 0.000000e+00 : f32
    %gt3A_588 = vector.broadcast %gt3A_587 : f32 to vector<256x64xf32>
    %gt3A_589 = arith.cmpf ogt, %add3A_586, %gt3A_588 : vector<256x64xf32>
    %min3A_590 = arith.constant 0.000000e+00 : f32
    %min3A_591 = vector.broadcast %min3A_590 : f32 to vector<256x64xf32>
    %min3A_592 = arith.minimumf %add3A_586, %min3A_591 : vector<256x64xf32>
    %exp3A_593 = math.exp %min3A_592 : vector<256x64xf32>
    %sub3A_594 = arith.constant 1.000000e+00 : f32
    %sub3A_595 = vector.broadcast %sub3A_594 : f32 to vector<256x64xf32>
    %sub3A_596 = arith.subf %exp3A_593, %sub3A_595 : vector<256x64xf32>
    %select_n3A_597 = arith.select %gt3A_589, %add3A_586, %sub3A_596 : vector<256x64xi1>, vector<256x64xf32>
    %get3A_598 = arith.constant 0 : index
    %get3A_599 = arith.constant 1408 : index
    %get3A_600 = vector.load %arg1[%get3A_598, %get3A_599] : memref<256x2048xf32, #tpu.memory_space<vmem>>, vector<256x128xf32>
    %concatenate3A_601 = tpu.concatenate %select_n3A_597, %get3A_600 in 1 : vector<256x64xf32>, vector<256x128xf32> -> vector<256x192xf32>
    %transpose3A_602 = tpu.transpose %concatenate3A_601, [1, 0] : vector<256x192xf32> -> vector<192x256xf32>
    %swap3A_603 = arith.constant 11 : index
    %swap3A_604 = arith.constant 0 : index
    %swap3A_605 = arith.constant 0 : index
    %swap3A_606 = vector.load %arg17[%swap3A_603, %swap3A_604, %swap3A_605] : memref<16x192x256xf32, #tpu.memory_space<vmem>>, vector<1x192x256xf32>
    %swap3A_607 = vector.shape_cast %swap3A_606 : vector<1x192x256xf32> to vector<192x256xf32>
    %swap3A_608 = vector.shape_cast %transpose3A_602 : vector<192x256xf32> to vector<1x192x256xf32>
    tpu.vector_store %arg17[%swap3A_603, %swap3A_604, %swap3A_605], %swap3A_608 {strides = array<i32>} : memref<16x192x256xf32, #tpu.memory_space<vmem>>, vector<1x192x256xf32>,
    %get3A_609 = arith.constant 2112 : index
    %get3A_610 = arith.constant 0 : index
    %get3A_611 = vector.load %arg8[%get3A_609, %get3A_610] : memref<3072x256xf32, #tpu.memory_space<vmem>>, vector<192x256xf32>
    %dot_general3A_612 = arith.constant dense<0.000000e+00> : vector<256x256xf32>
    %dot_general3A_613 = tpu.matmul %concatenate3A_601, %get3A_611, %dot_general3A_612 {dimension_numbers = #tpu.dot_dimension_numbers<[1], [0], [0], [1], [0, 0, 1, 1], [], []>, transpose_lhs_hint = false} : vector<256x192xf32>, vector<192x256xf32>, vector<256x256xf32> -> vector<256x256xf32>
    %add3A_614 = arith.addf %add3A_563, %dot_general3A_613 : vector<256x256xf32>
    %get3A_615 = arith.constant 0 : index
    %get3A_616 = arith.constant 1536 : index
    %get3A_617 = vector.load %arg2[%get3A_615, %get3A_616] : memref<256x2048xf32, #tpu.memory_space<vmem>>, vector<256x3xf32>
    %sub3A_618 = arith.subf %get3A_617, %get3A_1 : vector<256x3xf32>
    %dot_general3A_619 = arith.constant dense<0.000000e+00> : vector<256x64xf32>
    %dot_general3A_620 = tpu.matmul %sub3A_618, %get3A_4, %dot_general3A_619 {dimension_numbers = #tpu.dot_dimension_numbers<[1], [0], [0], [1], [0, 0, 1, 1], [], []>, transpose_lhs_hint = false} : vector<256x3xf32>, vector<3x64xf32>, vector<256x64xf32> -> vector<256x64xf32>
    %add3A_621 = vector.broadcast %get3A_7 : vector<1x64xf32> to vector<256x64xf32>
    %add3A_622 = arith.addf %dot_general3A_620, %add3A_621 : vector<256x64xf32>
    %gt3A_623 = arith.constant 0.000000e+00 : f32
    %gt3A_624 = vector.broadcast %gt3A_623 : f32 to vector<256x64xf32>
    %gt3A_625 = arith.cmpf ogt, %add3A_622, %gt3A_624 : vector<256x64xf32>
    %min3A_626 = arith.constant 0.000000e+00 : f32
    %min3A_627 = vector.broadcast %min3A_626 : f32 to vector<256x64xf32>
    %min3A_628 = arith.minimumf %add3A_622, %min3A_627 : vector<256x64xf32>
    %exp3A_629 = math.exp %min3A_628 : vector<256x64xf32>
    %sub3A_630 = arith.constant 1.000000e+00 : f32
    %sub3A_631 = vector.broadcast %sub3A_630 : f32 to vector<256x64xf32>
    %sub3A_632 = arith.subf %exp3A_629, %sub3A_631 : vector<256x64xf32>
    %select_n3A_633 = arith.select %gt3A_625, %add3A_622, %sub3A_632 : vector<256x64xi1>, vector<256x64xf32>
    %dot_general3A_634 = arith.constant dense<0.000000e+00> : vector<256x64xf32>
    %dot_general3A_635 = tpu.matmul %select_n3A_633, %get3A_10, %dot_general3A_634 {dimension_numbers = #tpu.dot_dimension_numbers<[1], [0], [0], [1], [0, 0, 1, 1], [], []>, transpose_lhs_hint = false} : vector<256x64xf32>, vector<64x64xf32>, vector<256x64xf32> -> vector<256x64xf32>
    %add3A_636 = vector.broadcast %get3A_13 : vector<1x64xf32> to vector<256x64xf32>
    %add3A_637 = arith.addf %dot_general3A_635, %add3A_636 : vector<256x64xf32>
    %gt3A_638 = arith.constant 0.000000e+00 : f32
    %gt3A_639 = vector.broadcast %gt3A_638 : f32 to vector<256x64xf32>
    %gt3A_640 = arith.cmpf ogt, %add3A_637, %gt3A_639 : vector<256x64xf32>
    %min3A_641 = arith.constant 0.000000e+00 : f32
    %min3A_642 = vector.broadcast %min3A_641 : f32 to vector<256x64xf32>
    %min3A_643 = arith.minimumf %add3A_637, %min3A_642 : vector<256x64xf32>
    %exp3A_644 = math.exp %min3A_643 : vector<256x64xf32>
    %sub3A_645 = arith.constant 1.000000e+00 : f32
    %sub3A_646 = vector.broadcast %sub3A_645 : f32 to vector<256x64xf32>
    %sub3A_647 = arith.subf %exp3A_644, %sub3A_646 : vector<256x64xf32>
    %select_n3A_648 = arith.select %gt3A_640, %add3A_637, %sub3A_647 : vector<256x64xi1>, vector<256x64xf32>
    %get3A_649 = arith.constant 0 : index
    %get3A_650 = arith.constant 1536 : index
    %get3A_651 = vector.load %arg1[%get3A_649, %get3A_650] : memref<256x2048xf32, #tpu.memory_space<vmem>>, vector<256x128xf32>
    %concatenate3A_652 = tpu.concatenate %select_n3A_648, %get3A_651 in 1 : vector<256x64xf32>, vector<256x128xf32> -> vector<256x192xf32>
    %transpose3A_653 = tpu.transpose %concatenate3A_652, [1, 0] : vector<256x192xf32> -> vector<192x256xf32>
    %swap3A_654 = arith.constant 12 : index
    %swap3A_655 = arith.constant 0 : index
    %swap3A_656 = arith.constant 0 : index
    %swap3A_657 = vector.load %arg17[%swap3A_654, %swap3A_655, %swap3A_656] : memref<16x192x256xf32, #tpu.memory_space<vmem>>, vector<1x192x256xf32>
    %swap3A_658 = vector.shape_cast %swap3A_657 : vector<1x192x256xf32> to vector<192x256xf32>
    %swap3A_659 = vector.shape_cast %transpose3A_653 : vector<192x256xf32> to vector<1x192x256xf32>
    tpu.vector_store %arg17[%swap3A_654, %swap3A_655, %swap3A_656], %swap3A_659 {strides = array<i32>} : memref<16x192x256xf32, #tpu.memory_space<vmem>>, vector<1x192x256xf32>,
    %get3A_660 = arith.constant 2304 : index
    %get3A_661 = arith.constant 0 : index
    %get3A_662 = vector.load %arg8[%get3A_660, %get3A_661] : memref<3072x256xf32, #tpu.memory_space<vmem>>, vector<192x256xf32>
    %dot_general3A_663 = arith.constant dense<0.000000e+00> : vector<256x256xf32>
    %dot_general3A_664 = tpu.matmul %concatenate3A_652, %get3A_662, %dot_general3A_663 {dimension_numbers = #tpu.dot_dimension_numbers<[1], [0], [0], [1], [0, 0, 1, 1], [], []>, transpose_lhs_hint = false} : vector<256x192xf32>, vector<192x256xf32>, vector<256x256xf32> -> vector<256x256xf32>
    %add3A_665 = arith.addf %add3A_614, %dot_general3A_664 : vector<256x256xf32>
    %get3A_666 = arith.constant 0 : index
    %get3A_667 = arith.constant 1664 : index
    %get3A_668 = vector.load %arg2[%get3A_666, %get3A_667] : memref<256x2048xf32, #tpu.memory_space<vmem>>, vector<256x3xf32>
    %sub3A_669 = arith.subf %get3A_668, %get3A_1 : vector<256x3xf32>
    %dot_general3A_670 = arith.constant dense<0.000000e+00> : vector<256x64xf32>
    %dot_general3A_671 = tpu.matmul %sub3A_669, %get3A_4, %dot_general3A_670 {dimension_numbers = #tpu.dot_dimension_numbers<[1], [0], [0], [1], [0, 0, 1, 1], [], []>, transpose_lhs_hint = false} : vector<256x3xf32>, vector<3x64xf32>, vector<256x64xf32> -> vector<256x64xf32>
    %add3A_672 = vector.broadcast %get3A_7 : vector<1x64xf32> to vector<256x64xf32>
    %add3A_673 = arith.addf %dot_general3A_671, %add3A_672 : vector<256x64xf32>
    %gt3A_674 = arith.constant 0.000000e+00 : f32
    %gt3A_675 = vector.broadcast %gt3A_674 : f32 to vector<256x64xf32>
    %gt3A_676 = arith.cmpf ogt, %add3A_673, %gt3A_675 : vector<256x64xf32>
    %min3A_677 = arith.constant 0.000000e+00 : f32
    %min3A_678 = vector.broadcast %min3A_677 : f32 to vector<256x64xf32>
    %min3A_679 = arith.minimumf %add3A_673, %min3A_678 : vector<256x64xf32>
    %exp3A_680 = math.exp %min3A_679 : vector<256x64xf32>
    %sub3A_681 = arith.constant 1.000000e+00 : f32
    %sub3A_682 = vector.broadcast %sub3A_681 : f32 to vector<256x64xf32>
    %sub3A_683 = arith.subf %exp3A_680, %sub3A_682 : vector<256x64xf32>
    %select_n3A_684 = arith.select %gt3A_676, %add3A_673, %sub3A_683 : vector<256x64xi1>, vector<256x64xf32>
    %dot_general3A_685 = arith.constant dense<0.000000e+00> : vector<256x64xf32>
    %dot_general3A_686 = tpu.matmul %select_n3A_684, %get3A_10, %dot_general3A_685 {dimension_numbers = #tpu.dot_dimension_numbers<[1], [0], [0], [1], [0, 0, 1, 1], [], []>, transpose_lhs_hint = false} : vector<256x64xf32>, vector<64x64xf32>, vector<256x64xf32> -> vector<256x64xf32>
    %add3A_687 = vector.broadcast %get3A_13 : vector<1x64xf32> to vector<256x64xf32>
    %add3A_688 = arith.addf %dot_general3A_686, %add3A_687 : vector<256x64xf32>
    %gt3A_689 = arith.constant 0.000000e+00 : f32
    %gt3A_690 = vector.broadcast %gt3A_689 : f32 to vector<256x64xf32>
    %gt3A_691 = arith.cmpf ogt, %add3A_688, %gt3A_690 : vector<256x64xf32>
    %min3A_692 = arith.constant 0.000000e+00 : f32
    %min3A_693 = vector.broadcast %min3A_692 : f32 to vector<256x64xf32>
    %min3A_694 = arith.minimumf %add3A_688, %min3A_693 : vector<256x64xf32>
    %exp3A_695 = math.exp %min3A_694 : vector<256x64xf32>
    %sub3A_696 = arith.constant 1.000000e+00 : f32
    %sub3A_697 = vector.broadcast %sub3A_696 : f32 to vector<256x64xf32>
    %sub3A_698 = arith.subf %exp3A_695, %sub3A_697 : vector<256x64xf32>
    %select_n3A_699 = arith.select %gt3A_691, %add3A_688, %sub3A_698 : vector<256x64xi1>, vector<256x64xf32>
    %get3A_700 = arith.constant 0 : index
    %get3A_701 = arith.constant 1664 : index
    %get3A_702 = vector.load %arg1[%get3A_700, %get3A_701] : memref<256x2048xf32, #tpu.memory_space<vmem>>, vector<256x128xf32>
    %concatenate3A_703 = tpu.concatenate %select_n3A_699, %get3A_702 in 1 : vector<256x64xf32>, vector<256x128xf32> -> vector<256x192xf32>
    %transpose3A_704 = tpu.transpose %concatenate3A_703, [1, 0] : vector<256x192xf32> -> vector<192x256xf32>
    %swap3A_705 = arith.constant 13 : index
    %swap3A_706 = arith.constant 0 : index
    %swap3A_707 = arith.constant 0 : index
    %swap3A_708 = vector.load %arg17[%swap3A_705, %swap3A_706, %swap3A_707] : memref<16x192x256xf32, #tpu.memory_space<vmem>>, vector<1x192x256xf32>
    %swap3A_709 = vector.shape_cast %swap3A_708 : vector<1x192x256xf32> to vector<192x256xf32>
    %swap3A_710 = vector.shape_cast %transpose3A_704 : vector<192x256xf32> to vector<1x192x256xf32>
    tpu.vector_store %arg17[%swap3A_705, %swap3A_706, %swap3A_707], %swap3A_710 {strides = array<i32>} : memref<16x192x256xf32, #tpu.memory_space<vmem>>, vector<1x192x256xf32>,
    %get3A_711 = arith.constant 2496 : index
    %get3A_712 = arith.constant 0 : index
    %get3A_713 = vector.load %arg8[%get3A_711, %get3A_712] : memref<3072x256xf32, #tpu.memory_space<vmem>>, vector<192x256xf32>
    %dot_general3A_714 = arith.constant dense<0.000000e+00> : vector<256x256xf32>
    %dot_general3A_715 = tpu.matmul %concatenate3A_703, %get3A_713, %dot_general3A_714 {dimension_numbers = #tpu.dot_dimension_numbers<[1], [0], [0], [1], [0, 0, 1, 1], [], []>, transpose_lhs_hint = false} : vector<256x192xf32>, vector<192x256xf32>, vector<256x256xf32> -> vector<256x256xf32>
    %add3A_716 = arith.addf %add3A_665, %dot_general3A_715 : vector<256x256xf32>
    %get3A_717 = arith.constant 0 : index
    %get3A_718 = arith.constant 1792 : index
    %get3A_719 = vector.load %arg2[%get3A_717, %get3A_718] : memref<256x2048xf32, #tpu.memory_space<vmem>>, vector<256x3xf32>
    %sub3A_720 = arith.subf %get3A_719, %get3A_1 : vector<256x3xf32>
    %dot_general3A_721 = arith.constant dense<0.000000e+00> : vector<256x64xf32>
    %dot_general3A_722 = tpu.matmul %sub3A_720, %get3A_4, %dot_general3A_721 {dimension_numbers = #tpu.dot_dimension_numbers<[1], [0], [0], [1], [0, 0, 1, 1], [], []>, transpose_lhs_hint = false} : vector<256x3xf32>, vector<3x64xf32>, vector<256x64xf32> -> vector<256x64xf32>
    %add3A_723 = vector.broadcast %get3A_7 : vector<1x64xf32> to vector<256x64xf32>
    %add3A_724 = arith.addf %dot_general3A_722, %add3A_723 : vector<256x64xf32>
    %gt3A_725 = arith.constant 0.000000e+00 : f32
    %gt3A_726 = vector.broadcast %gt3A_725 : f32 to vector<256x64xf32>
    %gt3A_727 = arith.cmpf ogt, %add3A_724, %gt3A_726 : vector<256x64xf32>
    %min3A_728 = arith.constant 0.000000e+00 : f32
    %min3A_729 = vector.broadcast %min3A_728 : f32 to vector<256x64xf32>
    %min3A_730 = arith.minimumf %add3A_724, %min3A_729 : vector<256x64xf32>
    %exp3A_731 = math.exp %min3A_730 : vector<256x64xf32>
    %sub3A_732 = arith.constant 1.000000e+00 : f32
    %sub3A_733 = vector.broadcast %sub3A_732 : f32 to vector<256x64xf32>
    %sub3A_734 = arith.subf %exp3A_731, %sub3A_733 : vector<256x64xf32>
    %select_n3A_735 = arith.select %gt3A_727, %add3A_724, %sub3A_734 : vector<256x64xi1>, vector<256x64xf32>
    %dot_general3A_736 = arith.constant dense<0.000000e+00> : vector<256x64xf32>
    %dot_general3A_737 = tpu.matmul %select_n3A_735, %get3A_10, %dot_general3A_736 {dimension_numbers = #tpu.dot_dimension_numbers<[1], [0], [0], [1], [0, 0, 1, 1], [], []>, transpose_lhs_hint = false} : vector<256x64xf32>, vector<64x64xf32>, vector<256x64xf32> -> vector<256x64xf32>
    %add3A_738 = vector.broadcast %get3A_13 : vector<1x64xf32> to vector<256x64xf32>
    %add3A_739 = arith.addf %dot_general3A_737, %add3A_738 : vector<256x64xf32>
    %gt3A_740 = arith.constant 0.000000e+00 : f32
    %gt3A_741 = vector.broadcast %gt3A_740 : f32 to vector<256x64xf32>
    %gt3A_742 = arith.cmpf ogt, %add3A_739, %gt3A_741 : vector<256x64xf32>
    %min3A_743 = arith.constant 0.000000e+00 : f32
    %min3A_744 = vector.broadcast %min3A_743 : f32 to vector<256x64xf32>
    %min3A_745 = arith.minimumf %add3A_739, %min3A_744 : vector<256x64xf32>
    %exp3A_746 = math.exp %min3A_745 : vector<256x64xf32>
    %sub3A_747 = arith.constant 1.000000e+00 : f32
    %sub3A_748 = vector.broadcast %sub3A_747 : f32 to vector<256x64xf32>
    %sub3A_749 = arith.subf %exp3A_746, %sub3A_748 : vector<256x64xf32>
    %select_n3A_750 = arith.select %gt3A_742, %add3A_739, %sub3A_749 : vector<256x64xi1>, vector<256x64xf32>
    %get3A_751 = arith.constant 0 : index
    %get3A_752 = arith.constant 1792 : index
    %get3A_753 = vector.load %arg1[%get3A_751, %get3A_752] : memref<256x2048xf32, #tpu.memory_space<vmem>>, vector<256x128xf32>
    %concatenate3A_754 = tpu.concatenate %select_n3A_750, %get3A_753 in 1 : vector<256x64xf32>, vector<256x128xf32> -> vector<256x192xf32>
    %transpose3A_755 = tpu.transpose %concatenate3A_754, [1, 0] : vector<256x192xf32> -> vector<192x256xf32>
    %swap3A_756 = arith.constant 14 : index
    %swap3A_757 = arith.constant 0 : index
    %swap3A_758 = arith.constant 0 : index
    %swap3A_759 = vector.load %arg17[%swap3A_756, %swap3A_757, %swap3A_758] : memref<16x192x256xf32, #tpu.memory_space<vmem>>, vector<1x192x256xf32>
    %swap3A_760 = vector.shape_cast %swap3A_759 : vector<1x192x256xf32> to vector<192x256xf32>
    %swap3A_761 = vector.shape_cast %transpose3A_755 : vector<192x256xf32> to vector<1x192x256xf32>
    tpu.vector_store %arg17[%swap3A_756, %swap3A_757, %swap3A_758], %swap3A_761 {strides = array<i32>} : memref<16x192x256xf32, #tpu.memory_space<vmem>>, vector<1x192x256xf32>,
    %get3A_762 = arith.constant 2688 : index
    %get3A_763 = arith.constant 0 : index
    %get3A_764 = vector.load %arg8[%get3A_762, %get3A_763] : memref<3072x256xf32, #tpu.memory_space<vmem>>, vector<192x256xf32>
    %dot_general3A_765 = arith.constant dense<0.000000e+00> : vector<256x256xf32>
    %dot_general3A_766 = tpu.matmul %concatenate3A_754, %get3A_764, %dot_general3A_765 {dimension_numbers = #tpu.dot_dimension_numbers<[1], [0], [0], [1], [0, 0, 1, 1], [], []>, transpose_lhs_hint = false} : vector<256x192xf32>, vector<192x256xf32>, vector<256x256xf32> -> vector<256x256xf32>
    %add3A_767 = arith.addf %add3A_716, %dot_general3A_766 : vector<256x256xf32>
    %get3A_768 = arith.constant 0 : index
    %get3A_769 = arith.constant 1920 : index
    %get3A_770 = vector.load %arg2[%get3A_768, %get3A_769] : memref<256x2048xf32, #tpu.memory_space<vmem>>, vector<256x3xf32>
    %sub3A_771 = arith.subf %get3A_770, %get3A_1 : vector<256x3xf32>
    %dot_general3A_772 = arith.constant dense<0.000000e+00> : vector<256x64xf32>
    %dot_general3A_773 = tpu.matmul %sub3A_771, %get3A_4, %dot_general3A_772 {dimension_numbers = #tpu.dot_dimension_numbers<[1], [0], [0], [1], [0, 0, 1, 1], [], []>, transpose_lhs_hint = false} : vector<256x3xf32>, vector<3x64xf32>, vector<256x64xf32> -> vector<256x64xf32>
    %add3A_774 = vector.broadcast %get3A_7 : vector<1x64xf32> to vector<256x64xf32>
    %add3A_775 = arith.addf %dot_general3A_773, %add3A_774 : vector<256x64xf32>
    %gt3A_776 = arith.constant 0.000000e+00 : f32
    %gt3A_777 = vector.broadcast %gt3A_776 : f32 to vector<256x64xf32>
    %gt3A_778 = arith.cmpf ogt, %add3A_775, %gt3A_777 : vector<256x64xf32>
    %min3A_779 = arith.constant 0.000000e+00 : f32
    %min3A_780 = vector.broadcast %min3A_779 : f32 to vector<256x64xf32>
    %min3A_781 = arith.minimumf %add3A_775, %min3A_780 : vector<256x64xf32>
    %exp3A_782 = math.exp %min3A_781 : vector<256x64xf32>
    %sub3A_783 = arith.constant 1.000000e+00 : f32
    %sub3A_784 = vector.broadcast %sub3A_783 : f32 to vector<256x64xf32>
    %sub3A_785 = arith.subf %exp3A_782, %sub3A_784 : vector<256x64xf32>
    %select_n3A_786 = arith.select %gt3A_778, %add3A_775, %sub3A_785 : vector<256x64xi1>, vector<256x64xf32>
    %dot_general3A_787 = arith.constant dense<0.000000e+00> : vector<256x64xf32>
    %dot_general3A_788 = tpu.matmul %select_n3A_786, %get3A_10, %dot_general3A_787 {dimension_numbers = #tpu.dot_dimension_numbers<[1], [0], [0], [1], [0, 0, 1, 1], [], []>, transpose_lhs_hint = false} : vector<256x64xf32>, vector<64x64xf32>, vector<256x64xf32> -> vector<256x64xf32>
    %add3A_789 = vector.broadcast %get3A_13 : vector<1x64xf32> to vector<256x64xf32>
    %add3A_790 = arith.addf %dot_general3A_788, %add3A_789 : vector<256x64xf32>
    %gt3A_791 = arith.constant 0.000000e+00 : f32
    %gt3A_792 = vector.broadcast %gt3A_791 : f32 to vector<256x64xf32>
    %gt3A_793 = arith.cmpf ogt, %add3A_790, %gt3A_792 : vector<256x64xf32>
    %min3A_794 = arith.constant 0.000000e+00 : f32
    %min3A_795 = vector.broadcast %min3A_794 : f32 to vector<256x64xf32>
    %min3A_796 = arith.minimumf %add3A_790, %min3A_795 : vector<256x64xf32>
    %exp3A_797 = math.exp %min3A_796 : vector<256x64xf32>
    %sub3A_798 = arith.constant 1.000000e+00 : f32
    %sub3A_799 = vector.broadcast %sub3A_798 : f32 to vector<256x64xf32>
    %sub3A_800 = arith.subf %exp3A_797, %sub3A_799 : vector<256x64xf32>
    %select_n3A_801 = arith.select %gt3A_793, %add3A_790, %sub3A_800 : vector<256x64xi1>, vector<256x64xf32>
    %get3A_802 = arith.constant 0 : index
    %get3A_803 = arith.constant 1920 : index
    %get3A_804 = vector.load %arg1[%get3A_802, %get3A_803] : memref<256x2048xf32, #tpu.memory_space<vmem>>, vector<256x128xf32>
    %concatenate3A_805 = tpu.concatenate %select_n3A_801, %get3A_804 in 1 : vector<256x64xf32>, vector<256x128xf32> -> vector<256x192xf32>
    %transpose3A_806 = tpu.transpose %concatenate3A_805, [1, 0] : vector<256x192xf32> -> vector<192x256xf32>
    %swap3A_807 = arith.constant 15 : index
    %swap3A_808 = arith.constant 0 : index
    %swap3A_809 = arith.constant 0 : index
    %swap3A_810 = vector.load %arg17[%swap3A_807, %swap3A_808, %swap3A_809] : memref<16x192x256xf32, #tpu.memory_space<vmem>>, vector<1x192x256xf32>
    %swap3A_811 = vector.shape_cast %swap3A_810 : vector<1x192x256xf32> to vector<192x256xf32>
    %swap3A_812 = vector.shape_cast %transpose3A_806 : vector<192x256xf32> to vector<1x192x256xf32>
    tpu.vector_store %arg17[%swap3A_807, %swap3A_808, %swap3A_809], %swap3A_812 {strides = array<i32>} : memref<16x192x256xf32, #tpu.memory_space<vmem>>, vector<1x192x256xf32>,
    %get3A_813 = arith.constant 2880 : index
    %get3A_814 = arith.constant 0 : index
    %get3A_815 = vector.load %arg8[%get3A_813, %get3A_814] : memref<3072x256xf32, #tpu.memory_space<vmem>>, vector<192x256xf32>
    %dot_general3A_816 = arith.constant dense<0.000000e+00> : vector<256x256xf32>
    %dot_general3A_817 = tpu.matmul %concatenate3A_805, %get3A_815, %dot_general3A_816 {dimension_numbers = #tpu.dot_dimension_numbers<[1], [0], [0], [1], [0, 0, 1, 1], [], []>, transpose_lhs_hint = false} : vector<256x192xf32>, vector<192x256xf32>, vector<256x256xf32> -> vector<256x256xf32>
    %add3A_818 = arith.addf %add3A_767, %dot_general3A_817 : vector<256x256xf32>
    %get3A_819 = arith.constant 0 : index
    %get3A_820 = arith.constant 0 : index
    %get3A_821 = vector.load %arg9[%get3A_819, %get3A_820] : memref<1x256xf32, #tpu.memory_space<vmem>>, vector<1x256xf32>
    %add3A_822 = vector.broadcast %get3A_821 : vector<1x256xf32> to vector<256x256xf32>
    %add3A_823 = arith.addf %add3A_818, %add3A_822 : vector<256x256xf32>
    %gt3A_824 = arith.constant 0.000000e+00 : f32
    %gt3A_825 = vector.broadcast %gt3A_824 : f32 to vector<256x256xf32>
    %gt3A_826 = arith.cmpf ogt, %add3A_823, %gt3A_825 : vector<256x256xf32>
    %min3A_827 = arith.constant 0.000000e+00 : f32
    %min3A_828 = vector.broadcast %min3A_827 : f32 to vector<256x256xf32>
    %min3A_829 = arith.minimumf %add3A_823, %min3A_828 : vector<256x256xf32>
    %exp3A_830 = math.exp %min3A_829 : vector<256x256xf32>
    %sub3A_831 = arith.constant 1.000000e+00 : f32
    %sub3A_832 = vector.broadcast %sub3A_831 : f32 to vector<256x256xf32>
    %sub3A_833 = arith.subf %exp3A_830, %sub3A_832 : vector<256x256xf32>
    %select_n3A_834 = arith.select %gt3A_826, %add3A_823, %sub3A_833 : vector<256x256xi1>, vector<256x256xf32>
    %get3A_835 = arith.constant 0 : index
    %get3A_836 = arith.constant 0 : index
    %get3A_837 = vector.load %arg10[%get3A_835, %get3A_836] : memref<256x256xf32, #tpu.memory_space<vmem>>, vector<256x256xf32>
    %dot_general3A_838 = arith.constant dense<0.000000e+00> : vector<256x256xf32>
    %dot_general3A_839 = tpu.matmul %select_n3A_834, %get3A_837, %dot_general3A_838 {dimension_numbers = #tpu.dot_dimension_numbers<[1], [0], [0], [1], [0, 0, 1, 1], [], []>, transpose_lhs_hint = false} : vector<256x256xf32>, vector<256x256xf32>, vector<256x256xf32> -> vector<256x256xf32>
    %get3A_840 = arith.constant 0 : index
    %get3A_841 = arith.constant 0 : index
    %get3A_842 = vector.load %arg11[%get3A_840, %get3A_841] : memref<1x256xf32, #tpu.memory_space<vmem>>, vector<1x256xf32>
    %add3A_843 = vector.broadcast %get3A_842 : vector<1x256xf32> to vector<256x256xf32>
    %add3A_844 = arith.addf %dot_general3A_839, %add3A_843 : vector<256x256xf32>
    %gt3A_845 = arith.constant 0.000000e+00 : f32
    %gt3A_846 = vector.broadcast %gt3A_845 : f32 to vector<256x256xf32>
    %gt3A_847 = arith.cmpf ogt, %add3A_844, %gt3A_846 : vector<256x256xf32>
    %min3A_848 = arith.constant 0.000000e+00 : f32
    %min3A_849 = vector.broadcast %min3A_848 : f32 to vector<256x256xf32>
    %min3A_850 = arith.minimumf %add3A_844, %min3A_849 : vector<256x256xf32>
    %exp3A_851 = math.exp %min3A_850 : vector<256x256xf32>
    %sub3A_852 = arith.constant 1.000000e+00 : f32
    %sub3A_853 = vector.broadcast %sub3A_852 : f32 to vector<256x256xf32>
    %sub3A_854 = arith.subf %exp3A_851, %sub3A_853 : vector<256x256xf32>
    %select_n3A_855 = arith.select %gt3A_847, %add3A_844, %sub3A_854 : vector<256x256xi1>, vector<256x256xf32>
    %get3A_856 = arith.constant 0 : index
    %get3A_857 = arith.constant 0 : index
    %get3A_858 = vector.load %arg12[%get3A_856, %get3A_857] : memref<256x256xf32, #tpu.memory_space<vmem>>, vector<256x256xf32>
    %dot_general3A_859 = arith.constant dense<0.000000e+00> : vector<256x256xf32>
    %dot_general3A_860 = tpu.matmul %select_n3A_855, %get3A_858, %dot_general3A_859 {dimension_numbers = #tpu.dot_dimension_numbers<[1], [0], [0], [1], [0, 0, 1, 1], [], []>, transpose_lhs_hint = false} : vector<256x256xf32>, vector<256x256xf32>, vector<256x256xf32> -> vector<256x256xf32>
    %get3A_861 = arith.constant 0 : index
    %get3A_862 = arith.constant 0 : index
    %get3A_863 = vector.load %arg13[%get3A_861, %get3A_862] : memref<1x256xf32, #tpu.memory_space<vmem>>, vector<1x256xf32>
    %add3A_864 = vector.broadcast %get3A_863 : vector<1x256xf32> to vector<256x256xf32>
    %add3A_865 = arith.addf %dot_general3A_860, %add3A_864 : vector<256x256xf32>
    %transpose3A_866 = tpu.transpose %add3A_865, [1, 0] : vector<256x256xf32> -> vector<256x256xf32>
    %slice3A = vector.extract_strided_slice %transpose3A_866 {offsets = [0, 0], sizes = [1, 256], strides = [1, 1]} : vector<256x256xf32> to vector<1x256xf32>
    %get3A_867 = arith.constant 0 : index
    %get3A_868 = arith.constant 0 : index
    %get3A_869 = arith.constant 0 : index
    %get3A_870 = vector.load %arg17[%get3A_867, %get3A_868, %get3A_869] : memref<16x192x256xf32, #tpu.memory_space<vmem>>, vector<1x192x256xf32>
    %get3A_871 = vector.shape_cast %get3A_870 : vector<1x192x256xf32> to vector<192x256xf32>
    %mul3A = vector.broadcast %slice3A : vector<1x256xf32> to vector<192x256xf32>
    %mul3A_872 = arith.mulf %mul3A, %get3A_871 : vector<192x256xf32>
    %slice3A_873 = vector.extract_strided_slice %transpose3A_866 {offsets = [1, 0], sizes = [1, 256], strides = [1, 1]} : vector<256x256xf32> to vector<1x256xf32>
    %get3A_874 = arith.constant 1 : index
    %get3A_875 = arith.constant 0 : index
    %get3A_876 = arith.constant 0 : index
    %get3A_877 = vector.load %arg17[%get3A_874, %get3A_875, %get3A_876] : memref<16x192x256xf32, #tpu.memory_space<vmem>>, vector<1x192x256xf32>
    %get3A_878 = vector.shape_cast %get3A_877 : vector<1x192x256xf32> to vector<192x256xf32>
    %mul3A_879 = vector.broadcast %slice3A_873 : vector<1x256xf32> to vector<192x256xf32>
    %mul3A_880 = arith.mulf %mul3A_879, %get3A_878 : vector<192x256xf32>
    %add3A_881 = arith.addf %mul3A_872, %mul3A_880 : vector<192x256xf32>
    %slice3A_882 = vector.extract_strided_slice %transpose3A_866 {offsets = [2, 0], sizes = [1, 256], strides = [1, 1]} : vector<256x256xf32> to vector<1x256xf32>
    %get3A_883 = arith.constant 2 : index
    %get3A_884 = arith.constant 0 : index
    %get3A_885 = arith.constant 0 : index
    %get3A_886 = vector.load %arg17[%get3A_883, %get3A_884, %get3A_885] : memref<16x192x256xf32, #tpu.memory_space<vmem>>, vector<1x192x256xf32>
    %get3A_887 = vector.shape_cast %get3A_886 : vector<1x192x256xf32> to vector<192x256xf32>
    %mul3A_888 = vector.broadcast %slice3A_882 : vector<1x256xf32> to vector<192x256xf32>
    %mul3A_889 = arith.mulf %mul3A_888, %get3A_887 : vector<192x256xf32>
    %add3A_890 = arith.addf %add3A_881, %mul3A_889 : vector<192x256xf32>
    %slice3A_891 = vector.extract_strided_slice %transpose3A_866 {offsets = [3, 0], sizes = [1, 256], strides = [1, 1]} : vector<256x256xf32> to vector<1x256xf32>
    %get3A_892 = arith.constant 3 : index
    %get3A_893 = arith.constant 0 : index
    %get3A_894 = arith.constant 0 : index
    %get3A_895 = vector.load %arg17[%get3A_892, %get3A_893, %get3A_894] : memref<16x192x256xf32, #tpu.memory_space<vmem>>, vector<1x192x256xf32>
    %get3A_896 = vector.shape_cast %get3A_895 : vector<1x192x256xf32> to vector<192x256xf32>
    %mul3A_897 = vector.broadcast %slice3A_891 : vector<1x256xf32> to vector<192x256xf32>
    %mul3A_898 = arith.mulf %mul3A_897, %get3A_896 : vector<192x256xf32>
    %add3A_899 = arith.addf %add3A_890, %mul3A_898 : vector<192x256xf32>
    %slice3A_900 = vector.extract_strided_slice %transpose3A_866 {offsets = [4, 0], sizes = [1, 256], strides = [1, 1]} : vector<256x256xf32> to vector<1x256xf32>
    %get3A_901 = arith.constant 4 : index
    %get3A_902 = arith.constant 0 : index
    %get3A_903 = arith.constant 0 : index
    %get3A_904 = vector.load %arg17[%get3A_901, %get3A_902, %get3A_903] : memref<16x192x256xf32, #tpu.memory_space<vmem>>, vector<1x192x256xf32>
    %get3A_905 = vector.shape_cast %get3A_904 : vector<1x192x256xf32> to vector<192x256xf32>
    %mul3A_906 = vector.broadcast %slice3A_900 : vector<1x256xf32> to vector<192x256xf32>
    %mul3A_907 = arith.mulf %mul3A_906, %get3A_905 : vector<192x256xf32>
    %add3A_908 = arith.addf %add3A_899, %mul3A_907 : vector<192x256xf32>
    %slice3A_909 = vector.extract_strided_slice %transpose3A_866 {offsets = [5, 0], sizes = [1, 256], strides = [1, 1]} : vector<256x256xf32> to vector<1x256xf32>
    %get3A_910 = arith.constant 5 : index
    %get3A_911 = arith.constant 0 : index
    %get3A_912 = arith.constant 0 : index
    %get3A_913 = vector.load %arg17[%get3A_910, %get3A_911, %get3A_912] : memref<16x192x256xf32, #tpu.memory_space<vmem>>, vector<1x192x256xf32>
    %get3A_914 = vector.shape_cast %get3A_913 : vector<1x192x256xf32> to vector<192x256xf32>
    %mul3A_915 = vector.broadcast %slice3A_909 : vector<1x256xf32> to vector<192x256xf32>
    %mul3A_916 = arith.mulf %mul3A_915, %get3A_914 : vector<192x256xf32>
    %add3A_917 = arith.addf %add3A_908, %mul3A_916 : vector<192x256xf32>
    %slice3A_918 = vector.extract_strided_slice %transpose3A_866 {offsets = [6, 0], sizes = [1, 256], strides = [1, 1]} : vector<256x256xf32> to vector<1x256xf32>
    %get3A_919 = arith.constant 6 : index
    %get3A_920 = arith.constant 0 : index
    %get3A_921 = arith.constant 0 : index
    %get3A_922 = vector.load %arg17[%get3A_919, %get3A_920, %get3A_921] : memref<16x192x256xf32, #tpu.memory_space<vmem>>, vector<1x192x256xf32>
    %get3A_923 = vector.shape_cast %get3A_922 : vector<1x192x256xf32> to vector<192x256xf32>
    %mul3A_924 = vector.broadcast %slice3A_918 : vector<1x256xf32> to vector<192x256xf32>
    %mul3A_925 = arith.mulf %mul3A_924, %get3A_923 : vector<192x256xf32>
    %add3A_926 = arith.addf %add3A_917, %mul3A_925 : vector<192x256xf32>
    %slice3A_927 = vector.extract_strided_slice %transpose3A_866 {offsets = [7, 0], sizes = [1, 256], strides = [1, 1]} : vector<256x256xf32> to vector<1x256xf32>
    %get3A_928 = arith.constant 7 : index
    %get3A_929 = arith.constant 0 : index
    %get3A_930 = arith.constant 0 : index
    %get3A_931 = vector.load %arg17[%get3A_928, %get3A_929, %get3A_930] : memref<16x192x256xf32, #tpu.memory_space<vmem>>, vector<1x192x256xf32>
    %get3A_932 = vector.shape_cast %get3A_931 : vector<1x192x256xf32> to vector<192x256xf32>
    %mul3A_933 = vector.broadcast %slice3A_927 : vector<1x256xf32> to vector<192x256xf32>
    %mul3A_934 = arith.mulf %mul3A_933, %get3A_932 : vector<192x256xf32>
    %add3A_935 = arith.addf %add3A_926, %mul3A_934 : vector<192x256xf32>
    %slice3A_936 = vector.extract_strided_slice %transpose3A_866 {offsets = [8, 0], sizes = [1, 256], strides = [1, 1]} : vector<256x256xf32> to vector<1x256xf32>
    %get3A_937 = arith.constant 8 : index
    %get3A_938 = arith.constant 0 : index
    %get3A_939 = arith.constant 0 : index
    %get3A_940 = vector.load %arg17[%get3A_937, %get3A_938, %get3A_939] : memref<16x192x256xf32, #tpu.memory_space<vmem>>, vector<1x192x256xf32>
    %get3A_941 = vector.shape_cast %get3A_940 : vector<1x192x256xf32> to vector<192x256xf32>
    %mul3A_942 = vector.broadcast %slice3A_936 : vector<1x256xf32> to vector<192x256xf32>
    %mul3A_943 = arith.mulf %mul3A_942, %get3A_941 : vector<192x256xf32>
    %add3A_944 = arith.addf %add3A_935, %mul3A_943 : vector<192x256xf32>
    %slice3A_945 = vector.extract_strided_slice %transpose3A_866 {offsets = [9, 0], sizes = [1, 256], strides = [1, 1]} : vector<256x256xf32> to vector<1x256xf32>
    %get3A_946 = arith.constant 9 : index
    %get3A_947 = arith.constant 0 : index
    %get3A_948 = arith.constant 0 : index
    %get3A_949 = vector.load %arg17[%get3A_946, %get3A_947, %get3A_948] : memref<16x192x256xf32, #tpu.memory_space<vmem>>, vector<1x192x256xf32>
    %get3A_950 = vector.shape_cast %get3A_949 : vector<1x192x256xf32> to vector<192x256xf32>
    %mul3A_951 = vector.broadcast %slice3A_945 : vector<1x256xf32> to vector<192x256xf32>
    %mul3A_952 = arith.mulf %mul3A_951, %get3A_950 : vector<192x256xf32>
    %add3A_953 = arith.addf %add3A_944, %mul3A_952 : vector<192x256xf32>
    %slice3A_954 = vector.extract_strided_slice %transpose3A_866 {offsets = [10, 0], sizes = [1, 256], strides = [1, 1]} : vector<256x256xf32> to vector<1x256xf32>
    %get3A_955 = arith.constant 10 : index
    %get3A_956 = arith.constant 0 : index
    %get3A_957 = arith.constant 0 : index
    %get3A_958 = vector.load %arg17[%get3A_955, %get3A_956, %get3A_957] : memref<16x192x256xf32, #tpu.memory_space<vmem>>, vector<1x192x256xf32>
    %get3A_959 = vector.shape_cast %get3A_958 : vector<1x192x256xf32> to vector<192x256xf32>
    %mul3A_960 = vector.broadcast %slice3A_954 : vector<1x256xf32> to vector<192x256xf32>
    %mul3A_961 = arith.mulf %mul3A_960, %get3A_959 : vector<192x256xf32>
    %add3A_962 = arith.addf %add3A_953, %mul3A_961 : vector<192x256xf32>
    %slice3A_963 = vector.extract_strided_slice %transpose3A_866 {offsets = [11, 0], sizes = [1, 256], strides = [1, 1]} : vector<256x256xf32> to vector<1x256xf32>
    %get3A_964 = arith.constant 11 : index
    %get3A_965 = arith.constant 0 : index
    %get3A_966 = arith.constant 0 : index
    %get3A_967 = vector.load %arg17[%get3A_964, %get3A_965, %get3A_966] : memref<16x192x256xf32, #tpu.memory_space<vmem>>, vector<1x192x256xf32>
    %get3A_968 = vector.shape_cast %get3A_967 : vector<1x192x256xf32> to vector<192x256xf32>
    %mul3A_969 = vector.broadcast %slice3A_963 : vector<1x256xf32> to vector<192x256xf32>
    %mul3A_970 = arith.mulf %mul3A_969, %get3A_968 : vector<192x256xf32>
    %add3A_971 = arith.addf %add3A_962, %mul3A_970 : vector<192x256xf32>
    %slice3A_972 = vector.extract_strided_slice %transpose3A_866 {offsets = [12, 0], sizes = [1, 256], strides = [1, 1]} : vector<256x256xf32> to vector<1x256xf32>
    %get3A_973 = arith.constant 12 : index
    %get3A_974 = arith.constant 0 : index
    %get3A_975 = arith.constant 0 : index
    %get3A_976 = vector.load %arg17[%get3A_973, %get3A_974, %get3A_975] : memref<16x192x256xf32, #tpu.memory_space<vmem>>, vector<1x192x256xf32>
    %get3A_977 = vector.shape_cast %get3A_976 : vector<1x192x256xf32> to vector<192x256xf32>
    %mul3A_978 = vector.broadcast %slice3A_972 : vector<1x256xf32> to vector<192x256xf32>
    %mul3A_979 = arith.mulf %mul3A_978, %get3A_977 : vector<192x256xf32>
    %add3A_980 = arith.addf %add3A_971, %mul3A_979 : vector<192x256xf32>
    %slice3A_981 = vector.extract_strided_slice %transpose3A_866 {offsets = [13, 0], sizes = [1, 256], strides = [1, 1]} : vector<256x256xf32> to vector<1x256xf32>
    %get3A_982 = arith.constant 13 : index
    %get3A_983 = arith.constant 0 : index
    %get3A_984 = arith.constant 0 : index
    %get3A_985 = vector.load %arg17[%get3A_982, %get3A_983, %get3A_984] : memref<16x192x256xf32, #tpu.memory_space<vmem>>, vector<1x192x256xf32>
    %get3A_986 = vector.shape_cast %get3A_985 : vector<1x192x256xf32> to vector<192x256xf32>
    %mul3A_987 = vector.broadcast %slice3A_981 : vector<1x256xf32> to vector<192x256xf32>
    %mul3A_988 = arith.mulf %mul3A_987, %get3A_986 : vector<192x256xf32>
    %add3A_989 = arith.addf %add3A_980, %mul3A_988 : vector<192x256xf32>
    %slice3A_990 = vector.extract_strided_slice %transpose3A_866 {offsets = [14, 0], sizes = [1, 256], strides = [1, 1]} : vector<256x256xf32> to vector<1x256xf32>
    %get3A_991 = arith.constant 14 : index
    %get3A_992 = arith.constant 0 : index
    %get3A_993 = arith.constant 0 : index
    %get3A_994 = vector.load %arg17[%get3A_991, %get3A_992, %get3A_993] : memref<16x192x256xf32, #tpu.memory_space<vmem>>, vector<1x192x256xf32>
    %get3A_995 = vector.shape_cast %get3A_994 : vector<1x192x256xf32> to vector<192x256xf32>
    %mul3A_996 = vector.broadcast %slice3A_990 : vector<1x256xf32> to vector<192x256xf32>
    %mul3A_997 = arith.mulf %mul3A_996, %get3A_995 : vector<192x256xf32>
    %add3A_998 = arith.addf %add3A_989, %mul3A_997 : vector<192x256xf32>
    %slice3A_999 = vector.extract_strided_slice %transpose3A_866 {offsets = [15, 0], sizes = [1, 256], strides = [1, 1]} : vector<256x256xf32> to vector<1x256xf32>
    %get3A_1000 = arith.constant 15 : index
    %get3A_1001 = arith.constant 0 : index
    %get3A_1002 = arith.constant 0 : index
    %get3A_1003 = vector.load %arg17[%get3A_1000, %get3A_1001, %get3A_1002] : memref<16x192x256xf32, #tpu.memory_space<vmem>>, vector<1x192x256xf32>
    %get3A_1004 = vector.shape_cast %get3A_1003 : vector<1x192x256xf32> to vector<192x256xf32>
    %mul3A_1005 = vector.broadcast %slice3A_999 : vector<1x256xf32> to vector<192x256xf32>
    %mul3A_1006 = arith.mulf %mul3A_1005, %get3A_1004 : vector<192x256xf32>
    %add3A_1007 = arith.addf %add3A_998, %mul3A_1006 : vector<192x256xf32>
    %get3A_1008 = arith.constant 0 : index
    %get3A_1009 = arith.constant 0 : index
    %get3A_1010 = vector.load %arg14[%get3A_1008, %get3A_1009] : memref<256x3072xf32, #tpu.memory_space<vmem>>, vector<256x192xf32>
    %dot_general3A_1011 = arith.constant dense<0.000000e+00> : vector<256x256xf32>
    %dot_general3A_1012 = tpu.matmul %get3A_1010, %add3A_1007, %dot_general3A_1011 {dimension_numbers = #tpu.dot_dimension_numbers<[1], [0], [0], [1], [0, 0, 1, 1], [], []>, transpose_lhs_hint = false} : vector<256x192xf32>, vector<192x256xf32>, vector<256x256xf32> -> vector<256x256xf32>
    %slice3A_1013 = vector.extract_strided_slice %transpose3A_866 {offsets = [16, 0], sizes = [1, 256], strides = [1, 1]} : vector<256x256xf32> to vector<1x256xf32>
    %get3A_1014 = arith.constant 0 : index
    %get3A_1015 = arith.constant 0 : index
    %get3A_1016 = arith.constant 0 : index
    %get3A_1017 = vector.load %arg17[%get3A_1014, %get3A_1015, %get3A_1016] : memref<16x192x256xf32, #tpu.memory_space<vmem>>, vector<1x192x256xf32>
    %get3A_1018 = vector.shape_cast %get3A_1017 : vector<1x192x256xf32> to vector<192x256xf32>
    %mul3A_1019 = vector.broadcast %slice3A_1013 : vector<1x256xf32> to vector<192x256xf32>
    %mul3A_1020 = arith.mulf %mul3A_1019, %get3A_1018 : vector<192x256xf32>
    %slice3A_1021 = vector.extract_strided_slice %transpose3A_866 {offsets = [17, 0], sizes = [1, 256], strides = [1, 1]} : vector<256x256xf32> to vector<1x256xf32>
    %get3A_1022 = arith.constant 1 : index
    %get3A_1023 = arith.constant 0 : index
    %get3A_1024 = arith.constant 0 : index
    %get3A_1025 = vector.load %arg17[%get3A_1022, %get3A_1023, %get3A_1024] : memref<16x192x256xf32, #tpu.memory_space<vmem>>, vector<1x192x256xf32>
    %get3A_1026 = vector.shape_cast %get3A_1025 : vector<1x192x256xf32> to vector<192x256xf32>
    %mul3A_1027 = vector.broadcast %slice3A_1021 : vector<1x256xf32> to vector<192x256xf32>
    %mul3A_1028 = arith.mulf %mul3A_1027, %get3A_1026 : vector<192x256xf32>
    %add3A_1029 = arith.addf %mul3A_1020, %mul3A_1028 : vector<192x256xf32>
    %slice3A_1030 = vector.extract_strided_slice %transpose3A_866 {offsets = [18, 0], sizes = [1, 256], strides = [1, 1]} : vector<256x256xf32> to vector<1x256xf32>
    %get3A_1031 = arith.constant 2 : index
    %get3A_1032 = arith.constant 0 : index
    %get3A_1033 = arith.constant 0 : index
    %get3A_1034 = vector.load %arg17[%get3A_1031, %get3A_1032, %get3A_1033] : memref<16x192x256xf32, #tpu.memory_space<vmem>>, vector<1x192x256xf32>
    %get3A_1035 = vector.shape_cast %get3A_1034 : vector<1x192x256xf32> to vector<192x256xf32>
    %mul3A_1036 = vector.broadcast %slice3A_1030 : vector<1x256xf32> to vector<192x256xf32>
    %mul3A_1037 = arith.mulf %mul3A_1036, %get3A_1035 : vector<192x256xf32>
    %add3A_1038 = arith.addf %add3A_1029, %mul3A_1037 : vector<192x256xf32>
    %slice3A_1039 = vector.extract_strided_slice %transpose3A_866 {offsets = [19, 0], sizes = [1, 256], strides = [1, 1]} : vector<256x256xf32> to vector<1x256xf32>
    %get3A_1040 = arith.constant 3 : index
    %get3A_1041 = arith.constant 0 : index
    %get3A_1042 = arith.constant 0 : index
    %get3A_1043 = vector.load %arg17[%get3A_1040, %get3A_1041, %get3A_1042] : memref<16x192x256xf32, #tpu.memory_space<vmem>>, vector<1x192x256xf32>
    %get3A_1044 = vector.shape_cast %get3A_1043 : vector<1x192x256xf32> to vector<192x256xf32>
    %mul3A_1045 = vector.broadcast %slice3A_1039 : vector<1x256xf32> to vector<192x256xf32>
    %mul3A_1046 = arith.mulf %mul3A_1045, %get3A_1044 : vector<192x256xf32>
    %add3A_1047 = arith.addf %add3A_1038, %mul3A_1046 : vector<192x256xf32>
    %slice3A_1048 = vector.extract_strided_slice %transpose3A_866 {offsets = [20, 0], sizes = [1, 256], strides = [1, 1]} : vector<256x256xf32> to vector<1x256xf32>
    %get3A_1049 = arith.constant 4 : index
    %get3A_1050 = arith.constant 0 : index
    %get3A_1051 = arith.constant 0 : index
    %get3A_1052 = vector.load %arg17[%get3A_1049, %get3A_1050, %get3A_1051] : memref<16x192x256xf32, #tpu.memory_space<vmem>>, vector<1x192x256xf32>
    %get3A_1053 = vector.shape_cast %get3A_1052 : vector<1x192x256xf32> to vector<192x256xf32>
    %mul3A_1054 = vector.broadcast %slice3A_1048 : vector<1x256xf32> to vector<192x256xf32>
    %mul3A_1055 = arith.mulf %mul3A_1054, %get3A_1053 : vector<192x256xf32>
    %add3A_1056 = arith.addf %add3A_1047, %mul3A_1055 : vector<192x256xf32>
    %slice3A_1057 = vector.extract_strided_slice %transpose3A_866 {offsets = [21, 0], sizes = [1, 256], strides = [1, 1]} : vector<256x256xf32> to vector<1x256xf32>
    %get3A_1058 = arith.constant 5 : index
    %get3A_1059 = arith.constant 0 : index
    %get3A_1060 = arith.constant 0 : index
    %get3A_1061 = vector.load %arg17[%get3A_1058, %get3A_1059, %get3A_1060] : memref<16x192x256xf32, #tpu.memory_space<vmem>>, vector<1x192x256xf32>
    %get3A_1062 = vector.shape_cast %get3A_1061 : vector<1x192x256xf32> to vector<192x256xf32>
    %mul3A_1063 = vector.broadcast %slice3A_1057 : vector<1x256xf32> to vector<192x256xf32>
    %mul3A_1064 = arith.mulf %mul3A_1063, %get3A_1062 : vector<192x256xf32>
    %add3A_1065 = arith.addf %add3A_1056, %mul3A_1064 : vector<192x256xf32>
    %slice3A_1066 = vector.extract_strided_slice %transpose3A_866 {offsets = [22, 0], sizes = [1, 256], strides = [1, 1]} : vector<256x256xf32> to vector<1x256xf32>
    %get3A_1067 = arith.constant 6 : index
    %get3A_1068 = arith.constant 0 : index
    %get3A_1069 = arith.constant 0 : index
    %get3A_1070 = vector.load %arg17[%get3A_1067, %get3A_1068, %get3A_1069] : memref<16x192x256xf32, #tpu.memory_space<vmem>>, vector<1x192x256xf32>
    %get3A_1071 = vector.shape_cast %get3A_1070 : vector<1x192x256xf32> to vector<192x256xf32>
    %mul3A_1072 = vector.broadcast %slice3A_1066 : vector<1x256xf32> to vector<192x256xf32>
    %mul3A_1073 = arith.mulf %mul3A_1072, %get3A_1071 : vector<192x256xf32>
    %add3A_1074 = arith.addf %add3A_1065, %mul3A_1073 : vector<192x256xf32>
    %slice3A_1075 = vector.extract_strided_slice %transpose3A_866 {offsets = [23, 0], sizes = [1, 256], strides = [1, 1]} : vector<256x256xf32> to vector<1x256xf32>
    %get3A_1076 = arith.constant 7 : index
    %get3A_1077 = arith.constant 0 : index
    %get3A_1078 = arith.constant 0 : index
    %get3A_1079 = vector.load %arg17[%get3A_1076, %get3A_1077, %get3A_1078] : memref<16x192x256xf32, #tpu.memory_space<vmem>>, vector<1x192x256xf32>
    %get3A_1080 = vector.shape_cast %get3A_1079 : vector<1x192x256xf32> to vector<192x256xf32>
    %mul3A_1081 = vector.broadcast %slice3A_1075 : vector<1x256xf32> to vector<192x256xf32>
    %mul3A_1082 = arith.mulf %mul3A_1081, %get3A_1080 : vector<192x256xf32>
    %add3A_1083 = arith.addf %add3A_1074, %mul3A_1082 : vector<192x256xf32>
    %slice3A_1084 = vector.extract_strided_slice %transpose3A_866 {offsets = [24, 0], sizes = [1, 256], strides = [1, 1]} : vector<256x256xf32> to vector<1x256xf32>
    %get3A_1085 = arith.constant 8 : index
    %get3A_1086 = arith.constant 0 : index
    %get3A_1087 = arith.constant 0 : index
    %get3A_1088 = vector.load %arg17[%get3A_1085, %get3A_1086, %get3A_1087] : memref<16x192x256xf32, #tpu.memory_space<vmem>>, vector<1x192x256xf32>
    %get3A_1089 = vector.shape_cast %get3A_1088 : vector<1x192x256xf32> to vector<192x256xf32>
    %mul3A_1090 = vector.broadcast %slice3A_1084 : vector<1x256xf32> to vector<192x256xf32>
    %mul3A_1091 = arith.mulf %mul3A_1090, %get3A_1089 : vector<192x256xf32>
    %add3A_1092 = arith.addf %add3A_1083, %mul3A_1091 : vector<192x256xf32>
    %slice3A_1093 = vector.extract_strided_slice %transpose3A_866 {offsets = [25, 0], sizes = [1, 256], strides = [1, 1]} : vector<256x256xf32> to vector<1x256xf32>
    %get3A_1094 = arith.constant 9 : index
    %get3A_1095 = arith.constant 0 : index
    %get3A_1096 = arith.constant 0 : index
    %get3A_1097 = vector.load %arg17[%get3A_1094, %get3A_1095, %get3A_1096] : memref<16x192x256xf32, #tpu.memory_space<vmem>>, vector<1x192x256xf32>
    %get3A_1098 = vector.shape_cast %get3A_1097 : vector<1x192x256xf32> to vector<192x256xf32>
    %mul3A_1099 = vector.broadcast %slice3A_1093 : vector<1x256xf32> to vector<192x256xf32>
    %mul3A_1100 = arith.mulf %mul3A_1099, %get3A_1098 : vector<192x256xf32>
    %add3A_1101 = arith.addf %add3A_1092, %mul3A_1100 : vector<192x256xf32>
    %slice3A_1102 = vector.extract_strided_slice %transpose3A_866 {offsets = [26, 0], sizes = [1, 256], strides = [1, 1]} : vector<256x256xf32> to vector<1x256xf32>
    %get3A_1103 = arith.constant 10 : index
    %get3A_1104 = arith.constant 0 : index
    %get3A_1105 = arith.constant 0 : index
    %get3A_1106 = vector.load %arg17[%get3A_1103, %get3A_1104, %get3A_1105] : memref<16x192x256xf32, #tpu.memory_space<vmem>>, vector<1x192x256xf32>
    %get3A_1107 = vector.shape_cast %get3A_1106 : vector<1x192x256xf32> to vector<192x256xf32>
    %mul3A_1108 = vector.broadcast %slice3A_1102 : vector<1x256xf32> to vector<192x256xf32>
    %mul3A_1109 = arith.mulf %mul3A_1108, %get3A_1107 : vector<192x256xf32>
    %add3A_1110 = arith.addf %add3A_1101, %mul3A_1109 : vector<192x256xf32>
    %slice3A_1111 = vector.extract_strided_slice %transpose3A_866 {offsets = [27, 0], sizes = [1, 256], strides = [1, 1]} : vector<256x256xf32> to vector<1x256xf32>
    %get3A_1112 = arith.constant 11 : index
    %get3A_1113 = arith.constant 0 : index
    %get3A_1114 = arith.constant 0 : index
    %get3A_1115 = vector.load %arg17[%get3A_1112, %get3A_1113, %get3A_1114] : memref<16x192x256xf32, #tpu.memory_space<vmem>>, vector<1x192x256xf32>
    %get3A_1116 = vector.shape_cast %get3A_1115 : vector<1x192x256xf32> to vector<192x256xf32>
    %mul3A_1117 = vector.broadcast %slice3A_1111 : vector<1x256xf32> to vector<192x256xf32>
    %mul3A_1118 = arith.mulf %mul3A_1117, %get3A_1116 : vector<192x256xf32>
    %add3A_1119 = arith.addf %add3A_1110, %mul3A_1118 : vector<192x256xf32>
    %slice3A_1120 = vector.extract_strided_slice %transpose3A_866 {offsets = [28, 0], sizes = [1, 256], strides = [1, 1]} : vector<256x256xf32> to vector<1x256xf32>
    %get3A_1121 = arith.constant 12 : index
    %get3A_1122 = arith.constant 0 : index
    %get3A_1123 = arith.constant 0 : index
    %get3A_1124 = vector.load %arg17[%get3A_1121, %get3A_1122, %get3A_1123] : memref<16x192x256xf32, #tpu.memory_space<vmem>>, vector<1x192x256xf32>
    %get3A_1125 = vector.shape_cast %get3A_1124 : vector<1x192x256xf32> to vector<192x256xf32>
    %mul3A_1126 = vector.broadcast %slice3A_1120 : vector<1x256xf32> to vector<192x256xf32>
    %mul3A_1127 = arith.mulf %mul3A_1126, %get3A_1125 : vector<192x256xf32>
    %add3A_1128 = arith.addf %add3A_1119, %mul3A_1127 : vector<192x256xf32>
    %slice3A_1129 = vector.extract_strided_slice %transpose3A_866 {offsets = [29, 0], sizes = [1, 256], strides = [1, 1]} : vector<256x256xf32> to vector<1x256xf32>
    %get3A_1130 = arith.constant 13 : index
    %get3A_1131 = arith.constant 0 : index
    %get3A_1132 = arith.constant 0 : index
    %get3A_1133 = vector.load %arg17[%get3A_1130, %get3A_1131, %get3A_1132] : memref<16x192x256xf32, #tpu.memory_space<vmem>>, vector<1x192x256xf32>
    %get3A_1134 = vector.shape_cast %get3A_1133 : vector<1x192x256xf32> to vector<192x256xf32>
    %mul3A_1135 = vector.broadcast %slice3A_1129 : vector<1x256xf32> to vector<192x256xf32>
    %mul3A_1136 = arith.mulf %mul3A_1135, %get3A_1134 : vector<192x256xf32>
    %add3A_1137 = arith.addf %add3A_1128, %mul3A_1136 : vector<192x256xf32>
    %slice3A_1138 = vector.extract_strided_slice %transpose3A_866 {offsets = [30, 0], sizes = [1, 256], strides = [1, 1]} : vector<256x256xf32> to vector<1x256xf32>
    %get3A_1139 = arith.constant 14 : index
    %get3A_1140 = arith.constant 0 : index
    %get3A_1141 = arith.constant 0 : index
    %get3A_1142 = vector.load %arg17[%get3A_1139, %get3A_1140, %get3A_1141] : memref<16x192x256xf32, #tpu.memory_space<vmem>>, vector<1x192x256xf32>
    %get3A_1143 = vector.shape_cast %get3A_1142 : vector<1x192x256xf32> to vector<192x256xf32>
    %mul3A_1144 = vector.broadcast %slice3A_1138 : vector<1x256xf32> to vector<192x256xf32>
    %mul3A_1145 = arith.mulf %mul3A_1144, %get3A_1143 : vector<192x256xf32>
    %add3A_1146 = arith.addf %add3A_1137, %mul3A_1145 : vector<192x256xf32>
    %slice3A_1147 = vector.extract_strided_slice %transpose3A_866 {offsets = [31, 0], sizes = [1, 256], strides = [1, 1]} : vector<256x256xf32> to vector<1x256xf32>
    %get3A_1148 = arith.constant 15 : index
    %get3A_1149 = arith.constant 0 : index
    %get3A_1150 = arith.constant 0 : index
    %get3A_1151 = vector.load %arg17[%get3A_1148, %get3A_1149, %get3A_1150] : memref<16x192x256xf32, #tpu.memory_space<vmem>>, vector<1x192x256xf32>
    %get3A_1152 = vector.shape_cast %get3A_1151 : vector<1x192x256xf32> to vector<192x256xf32>
    %mul3A_1153 = vector.broadcast %slice3A_1147 : vector<1x256xf32> to vector<192x256xf32>
    %mul3A_1154 = arith.mulf %mul3A_1153, %get3A_1152 : vector<192x256xf32>
    %add3A_1155 = arith.addf %add3A_1146, %mul3A_1154 : vector<192x256xf32>
    %get3A_1156 = arith.constant 0 : index
    %get3A_1157 = arith.constant 192 : index
    %get3A_1158 = vector.load %arg14[%get3A_1156, %get3A_1157] : memref<256x3072xf32, #tpu.memory_space<vmem>>, vector<256x192xf32>
    %dot_general3A_1159 = arith.constant dense<0.000000e+00> : vector<256x256xf32>
    %dot_general3A_1160 = tpu.matmul %get3A_1158, %add3A_1155, %dot_general3A_1159 {dimension_numbers = #tpu.dot_dimension_numbers<[1], [0], [0], [1], [0, 0, 1, 1], [], []>, transpose_lhs_hint = false} : vector<256x192xf32>, vector<192x256xf32>, vector<256x256xf32> -> vector<256x256xf32>
    %add3A_1161 = arith.addf %dot_general3A_1012, %dot_general3A_1160 : vector<256x256xf32>
    %slice3A_1162 = vector.extract_strided_slice %transpose3A_866 {offsets = [32, 0], sizes = [1, 256], strides = [1, 1]} : vector<256x256xf32> to vector<1x256xf32>
    %get3A_1163 = arith.constant 0 : index
    %get3A_1164 = arith.constant 0 : index
    %get3A_1165 = arith.constant 0 : index
    %get3A_1166 = vector.load %arg17[%get3A_1163, %get3A_1164, %get3A_1165] : memref<16x192x256xf32, #tpu.memory_space<vmem>>, vector<1x192x256xf32>
    %get3A_1167 = vector.shape_cast %get3A_1166 : vector<1x192x256xf32> to vector<192x256xf32>
    %mul3A_1168 = vector.broadcast %slice3A_1162 : vector<1x256xf32> to vector<192x256xf32>
    %mul3A_1169 = arith.mulf %mul3A_1168, %get3A_1167 : vector<192x256xf32>
    %slice3A_1170 = vector.extract_strided_slice %transpose3A_866 {offsets = [33, 0], sizes = [1, 256], strides = [1, 1]} : vector<256x256xf32> to vector<1x256xf32>
    %get3A_1171 = arith.constant 1 : index
    %get3A_1172 = arith.constant 0 : index
    %get3A_1173 = arith.constant 0 : index
    %get3A_1174 = vector.load %arg17[%get3A_1171, %get3A_1172, %get3A_1173] : memref<16x192x256xf32, #tpu.memory_space<vmem>>, vector<1x192x256xf32>
    %get3A_1175 = vector.shape_cast %get3A_1174 : vector<1x192x256xf32> to vector<192x256xf32>
    %mul3A_1176 = vector.broadcast %slice3A_1170 : vector<1x256xf32> to vector<192x256xf32>
    %mul3A_1177 = arith.mulf %mul3A_1176, %get3A_1175 : vector<192x256xf32>
    %add3A_1178 = arith.addf %mul3A_1169, %mul3A_1177 : vector<192x256xf32>
    %slice3A_1179 = vector.extract_strided_slice %transpose3A_866 {offsets = [34, 0], sizes = [1, 256], strides = [1, 1]} : vector<256x256xf32> to vector<1x256xf32>
    %get3A_1180 = arith.constant 2 : index
    %get3A_1181 = arith.constant 0 : index
    %get3A_1182 = arith.constant 0 : index
    %get3A_1183 = vector.load %arg17[%get3A_1180, %get3A_1181, %get3A_1182] : memref<16x192x256xf32, #tpu.memory_space<vmem>>, vector<1x192x256xf32>
    %get3A_1184 = vector.shape_cast %get3A_1183 : vector<1x192x256xf32> to vector<192x256xf32>
    %mul3A_1185 = vector.broadcast %slice3A_1179 : vector<1x256xf32> to vector<192x256xf32>
    %mul3A_1186 = arith.mulf %mul3A_1185, %get3A_1184 : vector<192x256xf32>
    %add3A_1187 = arith.addf %add3A_1178, %mul3A_1186 : vector<192x256xf32>
    %slice3A_1188 = vector.extract_strided_slice %transpose3A_866 {offsets = [35, 0], sizes = [1, 256], strides = [1, 1]} : vector<256x256xf32> to vector<1x256xf32>
    %get3A_1189 = arith.constant 3 : index
    %get3A_1190 = arith.constant 0 : index
    %get3A_1191 = arith.constant 0 : index
    %get3A_1192 = vector.load %arg17[%get3A_1189, %get3A_1190, %get3A_1191] : memref<16x192x256xf32, #tpu.memory_space<vmem>>, vector<1x192x256xf32>
    %get3A_1193 = vector.shape_cast %get3A_1192 : vector<1x192x256xf32> to vector<192x256xf32>
    %mul3A_1194 = vector.broadcast %slice3A_1188 : vector<1x256xf32> to vector<192x256xf32>
    %mul3A_1195 = arith.mulf %mul3A_1194, %get3A_1193 : vector<192x256xf32>
    %add3A_1196 = arith.addf %add3A_1187, %mul3A_1195 : vector<192x256xf32>
    %slice3A_1197 = vector.extract_strided_slice %transpose3A_866 {offsets = [36, 0], sizes = [1, 256], strides = [1, 1]} : vector<256x256xf32> to vector<1x256xf32>
    %get3A_1198 = arith.constant 4 : index
    %get3A_1199 = arith.constant 0 : index
    %get3A_1200 = arith.constant 0 : index
    %get3A_1201 = vector.load %arg17[%get3A_1198, %get3A_1199, %get3A_1200] : memref<16x192x256xf32, #tpu.memory_space<vmem>>, vector<1x192x256xf32>
    %get3A_1202 = vector.shape_cast %get3A_1201 : vector<1x192x256xf32> to vector<192x256xf32>
    %mul3A_1203 = vector.broadcast %slice3A_1197 : vector<1x256xf32> to vector<192x256xf32>
    %mul3A_1204 = arith.mulf %mul3A_1203, %get3A_1202 : vector<192x256xf32>
    %add3A_1205 = arith.addf %add3A_1196, %mul3A_1204 : vector<192x256xf32>
    %slice3A_1206 = vector.extract_strided_slice %transpose3A_866 {offsets = [37, 0], sizes = [1, 256], strides = [1, 1]} : vector<256x256xf32> to vector<1x256xf32>
    %get3A_1207 = arith.constant 5 : index
    %get3A_1208 = arith.constant 0 : index
    %get3A_1209 = arith.constant 0 : index
    %get3A_1210 = vector.load %arg17[%get3A_1207, %get3A_1208, %get3A_1209] : memref<16x192x256xf32, #tpu.memory_space<vmem>>, vector<1x192x256xf32>
    %get3A_1211 = vector.shape_cast %get3A_1210 : vector<1x192x256xf32> to vector<192x256xf32>
    %mul3A_1212 = vector.broadcast %slice3A_1206 : vector<1x256xf32> to vector<192x256xf32>
    %mul3A_1213 = arith.mulf %mul3A_1212, %get3A_1211 : vector<192x256xf32>
    %add3A_1214 = arith.addf %add3A_1205, %mul3A_1213 : vector<192x256xf32>
    %slice3A_1215 = vector.extract_strided_slice %transpose3A_866 {offsets = [38, 0], sizes = [1, 256], strides = [1, 1]} : vector<256x256xf32> to vector<1x256xf32>
    %get3A_1216 = arith.constant 6 : index
    %get3A_1217 = arith.constant 0 : index
    %get3A_1218 = arith.constant 0 : index
    %get3A_1219 = vector.load %arg17[%get3A_1216, %get3A_1217, %get3A_1218] : memref<16x192x256xf32, #tpu.memory_space<vmem>>, vector<1x192x256xf32>
    %get3A_1220 = vector.shape_cast %get3A_1219 : vector<1x192x256xf32> to vector<192x256xf32>
    %mul3A_1221 = vector.broadcast %slice3A_1215 : vector<1x256xf32> to vector<192x256xf32>
    %mul3A_1222 = arith.mulf %mul3A_1221, %get3A_1220 : vector<192x256xf32>
    %add3A_1223 = arith.addf %add3A_1214, %mul3A_1222 : vector<192x256xf32>
    %slice3A_1224 = vector.extract_strided_slice %transpose3A_866 {offsets = [39, 0], sizes = [1, 256], strides = [1, 1]} : vector<256x256xf32> to vector<1x256xf32>
    %get3A_1225 = arith.constant 7 : index
    %get3A_1226 = arith.constant 0 : index
    %get3A_1227 = arith.constant 0 : index
    %get3A_1228 = vector.load %arg17[%get3A_1225, %get3A_1226, %get3A_1227] : memref<16x192x256xf32, #tpu.memory_space<vmem>>, vector<1x192x256xf32>
    %get3A_1229 = vector.shape_cast %get3A_1228 : vector<1x192x256xf32> to vector<192x256xf32>
    %mul3A_1230 = vector.broadcast %slice3A_1224 : vector<1x256xf32> to vector<192x256xf32>
    %mul3A_1231 = arith.mulf %mul3A_1230, %get3A_1229 : vector<192x256xf32>
    %add3A_1232 = arith.addf %add3A_1223, %mul3A_1231 : vector<192x256xf32>
    %slice3A_1233 = vector.extract_strided_slice %transpose3A_866 {offsets = [40, 0], sizes = [1, 256], strides = [1, 1]} : vector<256x256xf32> to vector<1x256xf32>
    %get3A_1234 = arith.constant 8 : index
    %get3A_1235 = arith.constant 0 : index
    %get3A_1236 = arith.constant 0 : index
    %get3A_1237 = vector.load %arg17[%get3A_1234, %get3A_1235, %get3A_1236] : memref<16x192x256xf32, #tpu.memory_space<vmem>>, vector<1x192x256xf32>
    %get3A_1238 = vector.shape_cast %get3A_1237 : vector<1x192x256xf32> to vector<192x256xf32>
    %mul3A_1239 = vector.broadcast %slice3A_1233 : vector<1x256xf32> to vector<192x256xf32>
    %mul3A_1240 = arith.mulf %mul3A_1239, %get3A_1238 : vector<192x256xf32>
    %add3A_1241 = arith.addf %add3A_1232, %mul3A_1240 : vector<192x256xf32>
    %slice3A_1242 = vector.extract_strided_slice %transpose3A_866 {offsets = [41, 0], sizes = [1, 256], strides = [1, 1]} : vector<256x256xf32> to vector<1x256xf32>
    %get3A_1243 = arith.constant 9 : index
    %get3A_1244 = arith.constant 0 : index
    %get3A_1245 = arith.constant 0 : index
    %get3A_1246 = vector.load %arg17[%get3A_1243, %get3A_1244, %get3A_1245] : memref<16x192x256xf32, #tpu.memory_space<vmem>>, vector<1x192x256xf32>
    %get3A_1247 = vector.shape_cast %get3A_1246 : vector<1x192x256xf32> to vector<192x256xf32>
    %mul3A_1248 = vector.broadcast %slice3A_1242 : vector<1x256xf32> to vector<192x256xf32>
    %mul3A_1249 = arith.mulf %mul3A_1248, %get3A_1247 : vector<192x256xf32>
    %add3A_1250 = arith.addf %add3A_1241, %mul3A_1249 : vector<192x256xf32>
    %slice3A_1251 = vector.extract_strided_slice %transpose3A_866 {offsets = [42, 0], sizes = [1, 256], strides = [1, 1]} : vector<256x256xf32> to vector<1x256xf32>
    %get3A_1252 = arith.constant 10 : index
    %get3A_1253 = arith.constant 0 : index
    %get3A_1254 = arith.constant 0 : index
    %get3A_1255 = vector.load %arg17[%get3A_1252, %get3A_1253, %get3A_1254] : memref<16x192x256xf32, #tpu.memory_space<vmem>>, vector<1x192x256xf32>
    %get3A_1256 = vector.shape_cast %get3A_1255 : vector<1x192x256xf32> to vector<192x256xf32>
    %mul3A_1257 = vector.broadcast %slice3A_1251 : vector<1x256xf32> to vector<192x256xf32>
    %mul3A_1258 = arith.mulf %mul3A_1257, %get3A_1256 : vector<192x256xf32>
    %add3A_1259 = arith.addf %add3A_1250, %mul3A_1258 : vector<192x256xf32>
    %slice3A_1260 = vector.extract_strided_slice %transpose3A_866 {offsets = [43, 0], sizes = [1, 256], strides = [1, 1]} : vector<256x256xf32> to vector<1x256xf32>
    %get3A_1261 = arith.constant 11 : index
    %get3A_1262 = arith.constant 0 : index
    %get3A_1263 = arith.constant 0 : index
    %get3A_1264 = vector.load %arg17[%get3A_1261, %get3A_1262, %get3A_1263] : memref<16x192x256xf32, #tpu.memory_space<vmem>>, vector<1x192x256xf32>
    %get3A_1265 = vector.shape_cast %get3A_1264 : vector<1x192x256xf32> to vector<192x256xf32>
    %mul3A_1266 = vector.broadcast %slice3A_1260 : vector<1x256xf32> to vector<192x256xf32>
    %mul3A_1267 = arith.mulf %mul3A_1266, %get3A_1265 : vector<192x256xf32>
    %add3A_1268 = arith.addf %add3A_1259, %mul3A_1267 : vector<192x256xf32>
    %slice3A_1269 = vector.extract_strided_slice %transpose3A_866 {offsets = [44, 0], sizes = [1, 256], strides = [1, 1]} : vector<256x256xf32> to vector<1x256xf32>
    %get3A_1270 = arith.constant 12 : index
    %get3A_1271 = arith.constant 0 : index
    %get3A_1272 = arith.constant 0 : index
    %get3A_1273 = vector.load %arg17[%get3A_1270, %get3A_1271, %get3A_1272] : memref<16x192x256xf32, #tpu.memory_space<vmem>>, vector<1x192x256xf32>
    %get3A_1274 = vector.shape_cast %get3A_1273 : vector<1x192x256xf32> to vector<192x256xf32>
    %mul3A_1275 = vector.broadcast %slice3A_1269 : vector<1x256xf32> to vector<192x256xf32>
    %mul3A_1276 = arith.mulf %mul3A_1275, %get3A_1274 : vector<192x256xf32>
    %add3A_1277 = arith.addf %add3A_1268, %mul3A_1276 : vector<192x256xf32>
    %slice3A_1278 = vector.extract_strided_slice %transpose3A_866 {offsets = [45, 0], sizes = [1, 256], strides = [1, 1]} : vector<256x256xf32> to vector<1x256xf32>
    %get3A_1279 = arith.constant 13 : index
    %get3A_1280 = arith.constant 0 : index
    %get3A_1281 = arith.constant 0 : index
    %get3A_1282 = vector.load %arg17[%get3A_1279, %get3A_1280, %get3A_1281] : memref<16x192x256xf32, #tpu.memory_space<vmem>>, vector<1x192x256xf32>
    %get3A_1283 = vector.shape_cast %get3A_1282 : vector<1x192x256xf32> to vector<192x256xf32>
    %mul3A_1284 = vector.broadcast %slice3A_1278 : vector<1x256xf32> to vector<192x256xf32>
    %mul3A_1285 = arith.mulf %mul3A_1284, %get3A_1283 : vector<192x256xf32>
    %add3A_1286 = arith.addf %add3A_1277, %mul3A_1285 : vector<192x256xf32>
    %slice3A_1287 = vector.extract_strided_slice %transpose3A_866 {offsets = [46, 0], sizes = [1, 256], strides = [1, 1]} : vector<256x256xf32> to vector<1x256xf32>
    %get3A_1288 = arith.constant 14 : index
    %get3A_1289 = arith.constant 0 : index
    %get3A_1290 = arith.constant 0 : index
    %get3A_1291 = vector.load %arg17[%get3A_1288, %get3A_1289, %get3A_1290] : memref<16x192x256xf32, #tpu.memory_space<vmem>>, vector<1x192x256xf32>
    %get3A_1292 = vector.shape_cast %get3A_1291 : vector<1x192x256xf32> to vector<192x256xf32>
    %mul3A_1293 = vector.broadcast %slice3A_1287 : vector<1x256xf32> to vector<192x256xf32>
    %mul3A_1294 = arith.mulf %mul3A_1293, %get3A_1292 : vector<192x256xf32>
    %add3A_1295 = arith.addf %add3A_1286, %mul3A_1294 : vector<192x256xf32>
    %slice3A_1296 = vector.extract_strided_slice %transpose3A_866 {offsets = [47, 0], sizes = [1, 256], strides = [1, 1]} : vector<256x256xf32> to vector<1x256xf32>
    %get3A_1297 = arith.constant 15 : index
    %get3A_1298 = arith.constant 0 : index
    %get3A_1299 = arith.constant 0 : index
    %get3A_1300 = vector.load %arg17[%get3A_1297, %get3A_1298, %get3A_1299] : memref<16x192x256xf32, #tpu.memory_space<vmem>>, vector<1x192x256xf32>
    %get3A_1301 = vector.shape_cast %get3A_1300 : vector<1x192x256xf32> to vector<192x256xf32>
    %mul3A_1302 = vector.broadcast %slice3A_1296 : vector<1x256xf32> to vector<192x256xf32>
    %mul3A_1303 = arith.mulf %mul3A_1302, %get3A_1301 : vector<192x256xf32>
    %add3A_1304 = arith.addf %add3A_1295, %mul3A_1303 : vector<192x256xf32>
    %get3A_1305 = arith.constant 0 : index
    %get3A_1306 = arith.constant 384 : index
    %get3A_1307 = vector.load %arg14[%get3A_1305, %get3A_1306] : memref<256x3072xf32, #tpu.memory_space<vmem>>, vector<256x192xf32>
    %dot_general3A_1308 = arith.constant dense<0.000000e+00> : vector<256x256xf32>
    %dot_general3A_1309 = tpu.matmul %get3A_1307, %add3A_1304, %dot_general3A_1308 {dimension_numbers = #tpu.dot_dimension_numbers<[1], [0], [0], [1], [0, 0, 1, 1], [], []>, transpose_lhs_hint = false} : vector<256x192xf32>, vector<192x256xf32>, vector<256x256xf32> -> vector<256x256xf32>
    %add3A_1310 = arith.addf %add3A_1161, %dot_general3A_1309 : vector<256x256xf32>
    %slice3A_1311 = vector.extract_strided_slice %transpose3A_866 {offsets = [48, 0], sizes = [1, 256], strides = [1, 1]} : vector<256x256xf32> to vector<1x256xf32>
    %get3A_1312 = arith.constant 0 : index
    %get3A_1313 = arith.constant 0 : index
    %get3A_1314 = arith.constant 0 : index
    %get3A_1315 = vector.load %arg17[%get3A_1312, %get3A_1313, %get3A_1314] : memref<16x192x256xf32, #tpu.memory_space<vmem>>, vector<1x192x256xf32>
    %get3A_1316 = vector.shape_cast %get3A_1315 : vector<1x192x256xf32> to vector<192x256xf32>
    %mul3A_1317 = vector.broadcast %slice3A_1311 : vector<1x256xf32> to vector<192x256xf32>
    %mul3A_1318 = arith.mulf %mul3A_1317, %get3A_1316 : vector<192x256xf32>
    %slice3A_1319 = vector.extract_strided_slice %transpose3A_866 {offsets = [49, 0], sizes = [1, 256], strides = [1, 1]} : vector<256x256xf32> to vector<1x256xf32>
    %get3A_1320 = arith.constant 1 : index
    %get3A_1321 = arith.constant 0 : index
    %get3A_1322 = arith.constant 0 : index
    %get3A_1323 = vector.load %arg17[%get3A_1320, %get3A_1321, %get3A_1322] : memref<16x192x256xf32, #tpu.memory_space<vmem>>, vector<1x192x256xf32>
    %get3A_1324 = vector.shape_cast %get3A_1323 : vector<1x192x256xf32> to vector<192x256xf32>
    %mul3A_1325 = vector.broadcast %slice3A_1319 : vector<1x256xf32> to vector<192x256xf32>
    %mul3A_1326 = arith.mulf %mul3A_1325, %get3A_1324 : vector<192x256xf32>
    %add3A_1327 = arith.addf %mul3A_1318, %mul3A_1326 : vector<192x256xf32>
    %slice3A_1328 = vector.extract_strided_slice %transpose3A_866 {offsets = [50, 0], sizes = [1, 256], strides = [1, 1]} : vector<256x256xf32> to vector<1x256xf32>
    %get3A_1329 = arith.constant 2 : index
    %get3A_1330 = arith.constant 0 : index
    %get3A_1331 = arith.constant 0 : index
    %get3A_1332 = vector.load %arg17[%get3A_1329, %get3A_1330, %get3A_1331] : memref<16x192x256xf32, #tpu.memory_space<vmem>>, vector<1x192x256xf32>
    %get3A_1333 = vector.shape_cast %get3A_1332 : vector<1x192x256xf32> to vector<192x256xf32>
    %mul3A_1334 = vector.broadcast %slice3A_1328 : vector<1x256xf32> to vector<192x256xf32>
    %mul3A_1335 = arith.mulf %mul3A_1334, %get3A_1333 : vector<192x256xf32>
    %add3A_1336 = arith.addf %add3A_1327, %mul3A_1335 : vector<192x256xf32>
    %slice3A_1337 = vector.extract_strided_slice %transpose3A_866 {offsets = [51, 0], sizes = [1, 256], strides = [1, 1]} : vector<256x256xf32> to vector<1x256xf32>
    %get3A_1338 = arith.constant 3 : index
    %get3A_1339 = arith.constant 0 : index
    %get3A_1340 = arith.constant 0 : index
    %get3A_1341 = vector.load %arg17[%get3A_1338, %get3A_1339, %get3A_1340] : memref<16x192x256xf32, #tpu.memory_space<vmem>>, vector<1x192x256xf32>
    %get3A_1342 = vector.shape_cast %get3A_1341 : vector<1x192x256xf32> to vector<192x256xf32>
    %mul3A_1343 = vector.broadcast %slice3A_1337 : vector<1x256xf32> to vector<192x256xf32>
    %mul3A_1344 = arith.mulf %mul3A_1343, %get3A_1342 : vector<192x256xf32>
    %add3A_1345 = arith.addf %add3A_1336, %mul3A_1344 : vector<192x256xf32>
    %slice3A_1346 = vector.extract_strided_slice %transpose3A_866 {offsets = [52, 0], sizes = [1, 256], strides = [1, 1]} : vector<256x256xf32> to vector<1x256xf32>
    %get3A_1347 = arith.constant 4 : index
    %get3A_1348 = arith.constant 0 : index
    %get3A_1349 = arith.constant 0 : index
    %get3A_1350 = vector.load %arg17[%get3A_1347, %get3A_1348, %get3A_1349] : memref<16x192x256xf32, #tpu.memory_space<vmem>>, vector<1x192x256xf32>
    %get3A_1351 = vector.shape_cast %get3A_1350 : vector<1x192x256xf32> to vector<192x256xf32>
    %mul3A_1352 = vector.broadcast %slice3A_1346 : vector<1x256xf32> to vector<192x256xf32>
    %mul3A_1353 = arith.mulf %mul3A_1352, %get3A_1351 : vector<192x256xf32>
    %add3A_1354 = arith.addf %add3A_1345, %mul3A_1353 : vector<192x256xf32>
    %slice3A_1355 = vector.extract_strided_slice %transpose3A_866 {offsets = [53, 0], sizes = [1, 256], strides = [1, 1]} : vector<256x256xf32> to vector<1x256xf32>
    %get3A_1356 = arith.constant 5 : index
    %get3A_1357 = arith.constant 0 : index
    %get3A_1358 = arith.constant 0 : index
    %get3A_1359 = vector.load %arg17[%get3A_1356, %get3A_1357, %get3A_1358] : memref<16x192x256xf32, #tpu.memory_space<vmem>>, vector<1x192x256xf32>
    %get3A_1360 = vector.shape_cast %get3A_1359 : vector<1x192x256xf32> to vector<192x256xf32>
    %mul3A_1361 = vector.broadcast %slice3A_1355 : vector<1x256xf32> to vector<192x256xf32>
    %mul3A_1362 = arith.mulf %mul3A_1361, %get3A_1360 : vector<192x256xf32>
    %add3A_1363 = arith.addf %add3A_1354, %mul3A_1362 : vector<192x256xf32>
    %slice3A_1364 = vector.extract_strided_slice %transpose3A_866 {offsets = [54, 0], sizes = [1, 256], strides = [1, 1]} : vector<256x256xf32> to vector<1x256xf32>
    %get3A_1365 = arith.constant 6 : index
    %get3A_1366 = arith.constant 0 : index
    %get3A_1367 = arith.constant 0 : index
    %get3A_1368 = vector.load %arg17[%get3A_1365, %get3A_1366, %get3A_1367] : memref<16x192x256xf32, #tpu.memory_space<vmem>>, vector<1x192x256xf32>
    %get3A_1369 = vector.shape_cast %get3A_1368 : vector<1x192x256xf32> to vector<192x256xf32>
    %mul3A_1370 = vector.broadcast %slice3A_1364 : vector<1x256xf32> to vector<192x256xf32>
    %mul3A_1371 = arith.mulf %mul3A_1370, %get3A_1369 : vector<192x256xf32>
    %add3A_1372 = arith.addf %add3A_1363, %mul3A_1371 : vector<192x256xf32>
    %slice3A_1373 = vector.extract_strided_slice %transpose3A_866 {offsets = [55, 0], sizes = [1, 256], strides = [1, 1]} : vector<256x256xf32> to vector<1x256xf32>
    %get3A_1374 = arith.constant 7 : index
    %get3A_1375 = arith.constant 0 : index
    %get3A_1376 = arith.constant 0 : index
    %get3A_1377 = vector.load %arg17[%get3A_1374, %get3A_1375, %get3A_1376] : memref<16x192x256xf32, #tpu.memory_space<vmem>>, vector<1x192x256xf32>
    %get3A_1378 = vector.shape_cast %get3A_1377 : vector<1x192x256xf32> to vector<192x256xf32>
    %mul3A_1379 = vector.broadcast %slice3A_1373 : vector<1x256xf32> to vector<192x256xf32>
    %mul3A_1380 = arith.mulf %mul3A_1379, %get3A_1378 : vector<192x256xf32>
    %add3A_1381 = arith.addf %add3A_1372, %mul3A_1380 : vector<192x256xf32>
    %slice3A_1382 = vector.extract_strided_slice %transpose3A_866 {offsets = [56, 0], sizes = [1, 256], strides = [1, 1]} : vector<256x256xf32> to vector<1x256xf32>
    %get3A_1383 = arith.constant 8 : index
    %get3A_1384 = arith.constant 0 : index
    %get3A_1385 = arith.constant 0 : index
    %get3A_1386 = vector.load %arg17[%get3A_1383, %get3A_1384, %get3A_1385] : memref<16x192x256xf32, #tpu.memory_space<vmem>>, vector<1x192x256xf32>
    %get3A_1387 = vector.shape_cast %get3A_1386 : vector<1x192x256xf32> to vector<192x256xf32>
    %mul3A_1388 = vector.broadcast %slice3A_1382 : vector<1x256xf32> to vector<192x256xf32>
    %mul3A_1389 = arith.mulf %mul3A_1388, %get3A_1387 : vector<192x256xf32>
    %add3A_1390 = arith.addf %add3A_1381, %mul3A_1389 : vector<192x256xf32>
    %slice3A_1391 = vector.extract_strided_slice %transpose3A_866 {offsets = [57, 0], sizes = [1, 256], strides = [1, 1]} : vector<256x256xf32> to vector<1x256xf32>
    %get3A_1392 = arith.constant 9 : index
    %get3A_1393 = arith.constant 0 : index
    %get3A_1394 = arith.constant 0 : index
    %get3A_1395 = vector.load %arg17[%get3A_1392, %get3A_1393, %get3A_1394] : memref<16x192x256xf32, #tpu.memory_space<vmem>>, vector<1x192x256xf32>
    %get3A_1396 = vector.shape_cast %get3A_1395 : vector<1x192x256xf32> to vector<192x256xf32>
    %mul3A_1397 = vector.broadcast %slice3A_1391 : vector<1x256xf32> to vector<192x256xf32>
    %mul3A_1398 = arith.mulf %mul3A_1397, %get3A_1396 : vector<192x256xf32>
    %add3A_1399 = arith.addf %add3A_1390, %mul3A_1398 : vector<192x256xf32>
    %slice3A_1400 = vector.extract_strided_slice %transpose3A_866 {offsets = [58, 0], sizes = [1, 256], strides = [1, 1]} : vector<256x256xf32> to vector<1x256xf32>
    %get3A_1401 = arith.constant 10 : index
    %get3A_1402 = arith.constant 0 : index
    %get3A_1403 = arith.constant 0 : index
    %get3A_1404 = vector.load %arg17[%get3A_1401, %get3A_1402, %get3A_1403] : memref<16x192x256xf32, #tpu.memory_space<vmem>>, vector<1x192x256xf32>
    %get3A_1405 = vector.shape_cast %get3A_1404 : vector<1x192x256xf32> to vector<192x256xf32>
    %mul3A_1406 = vector.broadcast %slice3A_1400 : vector<1x256xf32> to vector<192x256xf32>
    %mul3A_1407 = arith.mulf %mul3A_1406, %get3A_1405 : vector<192x256xf32>
    %add3A_1408 = arith.addf %add3A_1399, %mul3A_1407 : vector<192x256xf32>
    %slice3A_1409 = vector.extract_strided_slice %transpose3A_866 {offsets = [59, 0], sizes = [1, 256], strides = [1, 1]} : vector<256x256xf32> to vector<1x256xf32>
    %get3A_1410 = arith.constant 11 : index
    %get3A_1411 = arith.constant 0 : index
    %get3A_1412 = arith.constant 0 : index
    %get3A_1413 = vector.load %arg17[%get3A_1410, %get3A_1411, %get3A_1412] : memref<16x192x256xf32, #tpu.memory_space<vmem>>, vector<1x192x256xf32>
    %get3A_1414 = vector.shape_cast %get3A_1413 : vector<1x192x256xf32> to vector<192x256xf32>
    %mul3A_1415 = vector.broadcast %slice3A_1409 : vector<1x256xf32> to vector<192x256xf32>
    %mul3A_1416 = arith.mulf %mul3A_1415, %get3A_1414 : vector<192x256xf32>
    %add3A_1417 = arith.addf %add3A_1408, %mul3A_1416 : vector<192x256xf32>
    %slice3A_1418 = vector.extract_strided_slice %transpose3A_866 {offsets = [60, 0], sizes = [1, 256], strides = [1, 1]} : vector<256x256xf32> to vector<1x256xf32>
    %get3A_1419 = arith.constant 12 : index
    %get3A_1420 = arith.constant 0 : index
    %get3A_1421 = arith.constant 0 : index
    %get3A_1422 = vector.load %arg17[%get3A_1419, %get3A_1420, %get3A_1421] : memref<16x192x256xf32, #tpu.memory_space<vmem>>, vector<1x192x256xf32>
    %get3A_1423 = vector.shape_cast %get3A_1422 : vector<1x192x256xf32> to vector<192x256xf32>
    %mul3A_1424 = vector.broadcast %slice3A_1418 : vector<1x256xf32> to vector<192x256xf32>
    %mul3A_1425 = arith.mulf %mul3A_1424, %get3A_1423 : vector<192x256xf32>
    %add3A_1426 = arith.addf %add3A_1417, %mul3A_1425 : vector<192x256xf32>
    %slice3A_1427 = vector.extract_strided_slice %transpose3A_866 {offsets = [61, 0], sizes = [1, 256], strides = [1, 1]} : vector<256x256xf32> to vector<1x256xf32>
    %get3A_1428 = arith.constant 13 : index
    %get3A_1429 = arith.constant 0 : index
    %get3A_1430 = arith.constant 0 : index
    %get3A_1431 = vector.load %arg17[%get3A_1428, %get3A_1429, %get3A_1430] : memref<16x192x256xf32, #tpu.memory_space<vmem>>, vector<1x192x256xf32>
    %get3A_1432 = vector.shape_cast %get3A_1431 : vector<1x192x256xf32> to vector<192x256xf32>
    %mul3A_1433 = vector.broadcast %slice3A_1427 : vector<1x256xf32> to vector<192x256xf32>
    %mul3A_1434 = arith.mulf %mul3A_1433, %get3A_1432 : vector<192x256xf32>
    %add3A_1435 = arith.addf %add3A_1426, %mul3A_1434 : vector<192x256xf32>
    %slice3A_1436 = vector.extract_strided_slice %transpose3A_866 {offsets = [62, 0], sizes = [1, 256], strides = [1, 1]} : vector<256x256xf32> to vector<1x256xf32>
    %get3A_1437 = arith.constant 14 : index
    %get3A_1438 = arith.constant 0 : index
    %get3A_1439 = arith.constant 0 : index
    %get3A_1440 = vector.load %arg17[%get3A_1437, %get3A_1438, %get3A_1439] : memref<16x192x256xf32, #tpu.memory_space<vmem>>, vector<1x192x256xf32>
    %get3A_1441 = vector.shape_cast %get3A_1440 : vector<1x192x256xf32> to vector<192x256xf32>
    %mul3A_1442 = vector.broadcast %slice3A_1436 : vector<1x256xf32> to vector<192x256xf32>
    %mul3A_1443 = arith.mulf %mul3A_1442, %get3A_1441 : vector<192x256xf32>
    %add3A_1444 = arith.addf %add3A_1435, %mul3A_1443 : vector<192x256xf32>
    %slice3A_1445 = vector.extract_strided_slice %transpose3A_866 {offsets = [63, 0], sizes = [1, 256], strides = [1, 1]} : vector<256x256xf32> to vector<1x256xf32>
    %get3A_1446 = arith.constant 15 : index
    %get3A_1447 = arith.constant 0 : index
    %get3A_1448 = arith.constant 0 : index
    %get3A_1449 = vector.load %arg17[%get3A_1446, %get3A_1447, %get3A_1448] : memref<16x192x256xf32, #tpu.memory_space<vmem>>, vector<1x192x256xf32>
    %get3A_1450 = vector.shape_cast %get3A_1449 : vector<1x192x256xf32> to vector<192x256xf32>
    %mul3A_1451 = vector.broadcast %slice3A_1445 : vector<1x256xf32> to vector<192x256xf32>
    %mul3A_1452 = arith.mulf %mul3A_1451, %get3A_1450 : vector<192x256xf32>
    %add3A_1453 = arith.addf %add3A_1444, %mul3A_1452 : vector<192x256xf32>
    %get3A_1454 = arith.constant 0 : index
    %get3A_1455 = arith.constant 576 : index
    %get3A_1456 = vector.load %arg14[%get3A_1454, %get3A_1455] : memref<256x3072xf32, #tpu.memory_space<vmem>>, vector<256x192xf32>
    %dot_general3A_1457 = arith.constant dense<0.000000e+00> : vector<256x256xf32>
    %dot_general3A_1458 = tpu.matmul %get3A_1456, %add3A_1453, %dot_general3A_1457 {dimension_numbers = #tpu.dot_dimension_numbers<[1], [0], [0], [1], [0, 0, 1, 1], [], []>, transpose_lhs_hint = false} : vector<256x192xf32>, vector<192x256xf32>, vector<256x256xf32> -> vector<256x256xf32>
    %add3A_1459 = arith.addf %add3A_1310, %dot_general3A_1458 : vector<256x256xf32>
    %slice3A_1460 = vector.extract_strided_slice %transpose3A_866 {offsets = [64, 0], sizes = [1, 256], strides = [1, 1]} : vector<256x256xf32> to vector<1x256xf32>
    %get3A_1461 = arith.constant 0 : index
    %get3A_1462 = arith.constant 0 : index
    %get3A_1463 = arith.constant 0 : index
    %get3A_1464 = vector.load %arg17[%get3A_1461, %get3A_1462, %get3A_1463] : memref<16x192x256xf32, #tpu.memory_space<vmem>>, vector<1x192x256xf32>
    %get3A_1465 = vector.shape_cast %get3A_1464 : vector<1x192x256xf32> to vector<192x256xf32>
    %mul3A_1466 = vector.broadcast %slice3A_1460 : vector<1x256xf32> to vector<192x256xf32>
    %mul3A_1467 = arith.mulf %mul3A_1466, %get3A_1465 : vector<192x256xf32>
    %slice3A_1468 = vector.extract_strided_slice %transpose3A_866 {offsets = [65, 0], sizes = [1, 256], strides = [1, 1]} : vector<256x256xf32> to vector<1x256xf32>
    %get3A_1469 = arith.constant 1 : index
    %get3A_1470 = arith.constant 0 : index
    %get3A_1471 = arith.constant 0 : index
    %get3A_1472 = vector.load %arg17[%get3A_1469, %get3A_1470, %get3A_1471] : memref<16x192x256xf32, #tpu.memory_space<vmem>>, vector<1x192x256xf32>
    %get3A_1473 = vector.shape_cast %get3A_1472 : vector<1x192x256xf32> to vector<192x256xf32>
    %mul3A_1474 = vector.broadcast %slice3A_1468 : vector<1x256xf32> to vector<192x256xf32>
    %mul3A_1475 = arith.mulf %mul3A_1474, %get3A_1473 : vector<192x256xf32>
    %add3A_1476 = arith.addf %mul3A_1467, %mul3A_1475 : vector<192x256xf32>
    %slice3A_1477 = vector.extract_strided_slice %transpose3A_866 {offsets = [66, 0], sizes = [1, 256], strides = [1, 1]} : vector<256x256xf32> to vector<1x256xf32>
    %get3A_1478 = arith.constant 2 : index
    %get3A_1479 = arith.constant 0 : index
    %get3A_1480 = arith.constant 0 : index
    %get3A_1481 = vector.load %arg17[%get3A_1478, %get3A_1479, %get3A_1480] : memref<16x192x256xf32, #tpu.memory_space<vmem>>, vector<1x192x256xf32>
    %get3A_1482 = vector.shape_cast %get3A_1481 : vector<1x192x256xf32> to vector<192x256xf32>
    %mul3A_1483 = vector.broadcast %slice3A_1477 : vector<1x256xf32> to vector<192x256xf32>
    %mul3A_1484 = arith.mulf %mul3A_1483, %get3A_1482 : vector<192x256xf32>
    %add3A_1485 = arith.addf %add3A_1476, %mul3A_1484 : vector<192x256xf32>
    %slice3A_1486 = vector.extract_strided_slice %transpose3A_866 {offsets = [67, 0], sizes = [1, 256], strides = [1, 1]} : vector<256x256xf32> to vector<1x256xf32>
    %get3A_1487 = arith.constant 3 : index
    %get3A_1488 = arith.constant 0 : index
    %get3A_1489 = arith.constant 0 : index
    %get3A_1490 = vector.load %arg17[%get3A_1487, %get3A_1488, %get3A_1489] : memref<16x192x256xf32, #tpu.memory_space<vmem>>, vector<1x192x256xf32>
    %get3A_1491 = vector.shape_cast %get3A_1490 : vector<1x192x256xf32> to vector<192x256xf32>
    %mul3A_1492 = vector.broadcast %slice3A_1486 : vector<1x256xf32> to vector<192x256xf32>
    %mul3A_1493 = arith.mulf %mul3A_1492, %get3A_1491 : vector<192x256xf32>
    %add3A_1494 = arith.addf %add3A_1485, %mul3A_1493 : vector<192x256xf32>
    %slice3A_1495 = vector.extract_strided_slice %transpose3A_866 {offsets = [68, 0], sizes = [1, 256], strides = [1, 1]} : vector<256x256xf32> to vector<1x256xf32>
    %get3A_1496 = arith.constant 4 : index
    %get3A_1497 = arith.constant 0 : index
    %get3A_1498 = arith.constant 0 : index
    %get3A_1499 = vector.load %arg17[%get3A_1496, %get3A_1497, %get3A_1498] : memref<16x192x256xf32, #tpu.memory_space<vmem>>, vector<1x192x256xf32>
    %get3A_1500 = vector.shape_cast %get3A_1499 : vector<1x192x256xf32> to vector<192x256xf32>
    %mul3A_1501 = vector.broadcast %slice3A_1495 : vector<1x256xf32> to vector<192x256xf32>
    %mul3A_1502 = arith.mulf %mul3A_1501, %get3A_1500 : vector<192x256xf32>
    %add3A_1503 = arith.addf %add3A_1494, %mul3A_1502 : vector<192x256xf32>
    %slice3A_1504 = vector.extract_strided_slice %transpose3A_866 {offsets = [69, 0], sizes = [1, 256], strides = [1, 1]} : vector<256x256xf32> to vector<1x256xf32>
    %get3A_1505 = arith.constant 5 : index
    %get3A_1506 = arith.constant 0 : index
    %get3A_1507 = arith.constant 0 : index
    %get3A_1508 = vector.load %arg17[%get3A_1505, %get3A_1506, %get3A_1507] : memref<16x192x256xf32, #tpu.memory_space<vmem>>, vector<1x192x256xf32>
    %get3A_1509 = vector.shape_cast %get3A_1508 : vector<1x192x256xf32> to vector<192x256xf32>
    %mul3A_1510 = vector.broadcast %slice3A_1504 : vector<1x256xf32> to vector<192x256xf32>
    %mul3A_1511 = arith.mulf %mul3A_1510, %get3A_1509 : vector<192x256xf32>
    %add3A_1512 = arith.addf %add3A_1503, %mul3A_1511 : vector<192x256xf32>
    %slice3A_1513 = vector.extract_strided_slice %transpose3A_866 {offsets = [70, 0], sizes = [1, 256], strides = [1, 1]} : vector<256x256xf32> to vector<1x256xf32>
    %get3A_1514 = arith.constant 6 : index
    %get3A_1515 = arith.constant 0 : index
    %get3A_1516 = arith.constant 0 : index
    %get3A_1517 = vector.load %arg17[%get3A_1514, %get3A_1515, %get3A_1516] : memref<16x192x256xf32, #tpu.memory_space<vmem>>, vector<1x192x256xf32>
    %get3A_1518 = vector.shape_cast %get3A_1517 : vector<1x192x256xf32> to vector<192x256xf32>
    %mul3A_1519 = vector.broadcast %slice3A_1513 : vector<1x256xf32> to vector<192x256xf32>
    %mul3A_1520 = arith.mulf %mul3A_1519, %get3A_1518 : vector<192x256xf32>
    %add3A_1521 = arith.addf %add3A_1512, %mul3A_1520 : vector<192x256xf32>
    %slice3A_1522 = vector.extract_strided_slice %transpose3A_866 {offsets = [71, 0], sizes = [1, 256], strides = [1, 1]} : vector<256x256xf32> to vector<1x256xf32>
    %get3A_1523 = arith.constant 7 : index
    %get3A_1524 = arith.constant 0 : index
    %get3A_1525 = arith.constant 0 : index
    %get3A_1526 = vector.load %arg17[%get3A_1523, %get3A_1524, %get3A_1525] : memref<16x192x256xf32, #tpu.memory_space<vmem>>, vector<1x192x256xf32>
    %get3A_1527 = vector.shape_cast %get3A_1526 : vector<1x192x256xf32> to vector<192x256xf32>
    %mul3A_1528 = vector.broadcast %slice3A_1522 : vector<1x256xf32> to vector<192x256xf32>
    %mul3A_1529 = arith.mulf %mul3A_1528, %get3A_1527 : vector<192x256xf32>
    %add3A_1530 = arith.addf %add3A_1521, %mul3A_1529 : vector<192x256xf32>
    %slice3A_1531 = vector.extract_strided_slice %transpose3A_866 {offsets = [72, 0], sizes = [1, 256], strides = [1, 1]} : vector<256x256xf32> to vector<1x256xf32>
    %get3A_1532 = arith.constant 8 : index
    %get3A_1533 = arith.constant 0 : index
    %get3A_1534 = arith.constant 0 : index
    %get3A_1535 = vector.load %arg17[%get3A_1532, %get3A_1533, %get3A_1534] : memref<16x192x256xf32, #tpu.memory_space<vmem>>, vector<1x192x256xf32>
    %get3A_1536 = vector.shape_cast %get3A_1535 : vector<1x192x256xf32> to vector<192x256xf32>
    %mul3A_1537 = vector.broadcast %slice3A_1531 : vector<1x256xf32> to vector<192x256xf32>
    %mul3A_1538 = arith.mulf %mul3A_1537, %get3A_1536 : vector<192x256xf32>
    %add3A_1539 = arith.addf %add3A_1530, %mul3A_1538 : vector<192x256xf32>
    %slice3A_1540 = vector.extract_strided_slice %transpose3A_866 {offsets = [73, 0], sizes = [1, 256], strides = [1, 1]} : vector<256x256xf32> to vector<1x256xf32>
    %get3A_1541 = arith.constant 9 : index
    %get3A_1542 = arith.constant 0 : index
    %get3A_1543 = arith.constant 0 : index
    %get3A_1544 = vector.load %arg17[%get3A_1541, %get3A_1542, %get3A_1543] : memref<16x192x256xf32, #tpu.memory_space<vmem>>, vector<1x192x256xf32>
    %get3A_1545 = vector.shape_cast %get3A_1544 : vector<1x192x256xf32> to vector<192x256xf32>
    %mul3A_1546 = vector.broadcast %slice3A_1540 : vector<1x256xf32> to vector<192x256xf32>
    %mul3A_1547 = arith.mulf %mul3A_1546, %get3A_1545 : vector<192x256xf32>
    %add3A_1548 = arith.addf %add3A_1539, %mul3A_1547 : vector<192x256xf32>
    %slice3A_1549 = vector.extract_strided_slice %transpose3A_866 {offsets = [74, 0], sizes = [1, 256], strides = [1, 1]} : vector<256x256xf32> to vector<1x256xf32>
    %get3A_1550 = arith.constant 10 : index
    %get3A_1551 = arith.constant 0 : index
    %get3A_1552 = arith.constant 0 : index
    %get3A_1553 = vector.load %arg17[%get3A_1550, %get3A_1551, %get3A_1552] : memref<16x192x256xf32, #tpu.memory_space<vmem>>, vector<1x192x256xf32>
    %get3A_1554 = vector.shape_cast %get3A_1553 : vector<1x192x256xf32> to vector<192x256xf32>
    %mul3A_1555 = vector.broadcast %slice3A_1549 : vector<1x256xf32> to vector<192x256xf32>
    %mul3A_1556 = arith.mulf %mul3A_1555, %get3A_1554 : vector<192x256xf32>
    %add3A_1557 = arith.addf %add3A_1548, %mul3A_1556 : vector<192x256xf32>
    %slice3A_1558 = vector.extract_strided_slice %transpose3A_866 {offsets = [75, 0], sizes = [1, 256], strides = [1, 1]} : vector<256x256xf32> to vector<1x256xf32>
    %get3A_1559 = arith.constant 11 : index
    %get3A_1560 = arith.constant 0 : index
    %get3A_1561 = arith.constant 0 : index
    %get3A_1562 = vector.load %arg17[%get3A_1559, %get3A_1560, %get3A_1561] : memref<16x192x256xf32, #tpu.memory_space<vmem>>, vector<1x192x256xf32>
    %get3A_1563 = vector.shape_cast %get3A_1562 : vector<1x192x256xf32> to vector<192x256xf32>
    %mul3A_1564 = vector.broadcast %slice3A_1558 : vector<1x256xf32> to vector<192x256xf32>
    %mul3A_1565 = arith.mulf %mul3A_1564, %get3A_1563 : vector<192x256xf32>
    %add3A_1566 = arith.addf %add3A_1557, %mul3A_1565 : vector<192x256xf32>
    %slice3A_1567 = vector.extract_strided_slice %transpose3A_866 {offsets = [76, 0], sizes = [1, 256], strides = [1, 1]} : vector<256x256xf32> to vector<1x256xf32>
    %get3A_1568 = arith.constant 12 : index
    %get3A_1569 = arith.constant 0 : index
    %get3A_1570 = arith.constant 0 : index
    %get3A_1571 = vector.load %arg17[%get3A_1568, %get3A_1569, %get3A_1570] : memref<16x192x256xf32, #tpu.memory_space<vmem>>, vector<1x192x256xf32>
    %get3A_1572 = vector.shape_cast %get3A_1571 : vector<1x192x256xf32> to vector<192x256xf32>
    %mul3A_1573 = vector.broadcast %slice3A_1567 : vector<1x256xf32> to vector<192x256xf32>
    %mul3A_1574 = arith.mulf %mul3A_1573, %get3A_1572 : vector<192x256xf32>
    %add3A_1575 = arith.addf %add3A_1566, %mul3A_1574 : vector<192x256xf32>
    %slice3A_1576 = vector.extract_strided_slice %transpose3A_866 {offsets = [77, 0], sizes = [1, 256], strides = [1, 1]} : vector<256x256xf32> to vector<1x256xf32>
    %get3A_1577 = arith.constant 13 : index
    %get3A_1578 = arith.constant 0 : index
    %get3A_1579 = arith.constant 0 : index
    %get3A_1580 = vector.load %arg17[%get3A_1577, %get3A_1578, %get3A_1579] : memref<16x192x256xf32, #tpu.memory_space<vmem>>, vector<1x192x256xf32>
    %get3A_1581 = vector.shape_cast %get3A_1580 : vector<1x192x256xf32> to vector<192x256xf32>
    %mul3A_1582 = vector.broadcast %slice3A_1576 : vector<1x256xf32> to vector<192x256xf32>
    %mul3A_1583 = arith.mulf %mul3A_1582, %get3A_1581 : vector<192x256xf32>
    %add3A_1584 = arith.addf %add3A_1575, %mul3A_1583 : vector<192x256xf32>
    %slice3A_1585 = vector.extract_strided_slice %transpose3A_866 {offsets = [78, 0], sizes = [1, 256], strides = [1, 1]} : vector<256x256xf32> to vector<1x256xf32>
    %get3A_1586 = arith.constant 14 : index
    %get3A_1587 = arith.constant 0 : index
    %get3A_1588 = arith.constant 0 : index
    %get3A_1589 = vector.load %arg17[%get3A_1586, %get3A_1587, %get3A_1588] : memref<16x192x256xf32, #tpu.memory_space<vmem>>, vector<1x192x256xf32>
    %get3A_1590 = vector.shape_cast %get3A_1589 : vector<1x192x256xf32> to vector<192x256xf32>
    %mul3A_1591 = vector.broadcast %slice3A_1585 : vector<1x256xf32> to vector<192x256xf32>
    %mul3A_1592 = arith.mulf %mul3A_1591, %get3A_1590 : vector<192x256xf32>
    %add3A_1593 = arith.addf %add3A_1584, %mul3A_1592 : vector<192x256xf32>
    %slice3A_1594 = vector.extract_strided_slice %transpose3A_866 {offsets = [79, 0], sizes = [1, 256], strides = [1, 1]} : vector<256x256xf32> to vector<1x256xf32>
    %get3A_1595 = arith.constant 15 : index
    %get3A_1596 = arith.constant 0 : index
    %get3A_1597 = arith.constant 0 : index
    %get3A_1598 = vector.load %arg17[%get3A_1595, %get3A_1596, %get3A_1597] : memref<16x192x256xf32, #tpu.memory_space<vmem>>, vector<1x192x256xf32>
    %get3A_1599 = vector.shape_cast %get3A_1598 : vector<1x192x256xf32> to vector<192x256xf32>
    %mul3A_1600 = vector.broadcast %slice3A_1594 : vector<1x256xf32> to vector<192x256xf32>
    %mul3A_1601 = arith.mulf %mul3A_1600, %get3A_1599 : vector<192x256xf32>
    %add3A_1602 = arith.addf %add3A_1593, %mul3A_1601 : vector<192x256xf32>
    %get3A_1603 = arith.constant 0 : index
    %get3A_1604 = arith.constant 768 : index
    %get3A_1605 = vector.load %arg14[%get3A_1603, %get3A_1604] : memref<256x3072xf32, #tpu.memory_space<vmem>>, vector<256x192xf32>
    %dot_general3A_1606 = arith.constant dense<0.000000e+00> : vector<256x256xf32>
    %dot_general3A_1607 = tpu.matmul %get3A_1605, %add3A_1602, %dot_general3A_1606 {dimension_numbers = #tpu.dot_dimension_numbers<[1], [0], [0], [1], [0, 0, 1, 1], [], []>, transpose_lhs_hint = false} : vector<256x192xf32>, vector<192x256xf32>, vector<256x256xf32> -> vector<256x256xf32>
    %add3A_1608 = arith.addf %add3A_1459, %dot_general3A_1607 : vector<256x256xf32>
    %slice3A_1609 = vector.extract_strided_slice %transpose3A_866 {offsets = [80, 0], sizes = [1, 256], strides = [1, 1]} : vector<256x256xf32> to vector<1x256xf32>
    %get3A_1610 = arith.constant 0 : index
    %get3A_1611 = arith.constant 0 : index
    %get3A_1612 = arith.constant 0 : index
    %get3A_1613 = vector.load %arg17[%get3A_1610, %get3A_1611, %get3A_1612] : memref<16x192x256xf32, #tpu.memory_space<vmem>>, vector<1x192x256xf32>
    %get3A_1614 = vector.shape_cast %get3A_1613 : vector<1x192x256xf32> to vector<192x256xf32>
    %mul3A_1615 = vector.broadcast %slice3A_1609 : vector<1x256xf32> to vector<192x256xf32>
    %mul3A_1616 = arith.mulf %mul3A_1615, %get3A_1614 : vector<192x256xf32>
    %slice3A_1617 = vector.extract_strided_slice %transpose3A_866 {offsets = [81, 0], sizes = [1, 256], strides = [1, 1]} : vector<256x256xf32> to vector<1x256xf32>
    %get3A_1618 = arith.constant 1 : index
    %get3A_1619 = arith.constant 0 : index
    %get3A_1620 = arith.constant 0 : index
    %get3A_1621 = vector.load %arg17[%get3A_1618, %get3A_1619, %get3A_1620] : memref<16x192x256xf32, #tpu.memory_space<vmem>>, vector<1x192x256xf32>
    %get3A_1622 = vector.shape_cast %get3A_1621 : vector<1x192x256xf32> to vector<192x256xf32>
    %mul3A_1623 = vector.broadcast %slice3A_1617 : vector<1x256xf32> to vector<192x256xf32>
    %mul3A_1624 = arith.mulf %mul3A_1623, %get3A_1622 : vector<192x256xf32>
    %add3A_1625 = arith.addf %mul3A_1616, %mul3A_1624 : vector<192x256xf32>
    %slice3A_1626 = vector.extract_strided_slice %transpose3A_866 {offsets = [82, 0], sizes = [1, 256], strides = [1, 1]} : vector<256x256xf32> to vector<1x256xf32>
    %get3A_1627 = arith.constant 2 : index
    %get3A_1628 = arith.constant 0 : index
    %get3A_1629 = arith.constant 0 : index
    %get3A_1630 = vector.load %arg17[%get3A_1627, %get3A_1628, %get3A_1629] : memref<16x192x256xf32, #tpu.memory_space<vmem>>, vector<1x192x256xf32>
    %get3A_1631 = vector.shape_cast %get3A_1630 : vector<1x192x256xf32> to vector<192x256xf32>
    %mul3A_1632 = vector.broadcast %slice3A_1626 : vector<1x256xf32> to vector<192x256xf32>
    %mul3A_1633 = arith.mulf %mul3A_1632, %get3A_1631 : vector<192x256xf32>
    %add3A_1634 = arith.addf %add3A_1625, %mul3A_1633 : vector<192x256xf32>
    %slice3A_1635 = vector.extract_strided_slice %transpose3A_866 {offsets = [83, 0], sizes = [1, 256], strides = [1, 1]} : vector<256x256xf32> to vector<1x256xf32>
    %get3A_1636 = arith.constant 3 : index
    %get3A_1637 = arith.constant 0 : index
    %get3A_1638 = arith.constant 0 : index
    %get3A_1639 = vector.load %arg17[%get3A_1636, %get3A_1637, %get3A_1638] : memref<16x192x256xf32, #tpu.memory_space<vmem>>, vector<1x192x256xf32>
    %get3A_1640 = vector.shape_cast %get3A_1639 : vector<1x192x256xf32> to vector<192x256xf32>
    %mul3A_1641 = vector.broadcast %slice3A_1635 : vector<1x256xf32> to vector<192x256xf32>
    %mul3A_1642 = arith.mulf %mul3A_1641, %get3A_1640 : vector<192x256xf32>
    %add3A_1643 = arith.addf %add3A_1634, %mul3A_1642 : vector<192x256xf32>
    %slice3A_1644 = vector.extract_strided_slice %transpose3A_866 {offsets = [84, 0], sizes = [1, 256], strides = [1, 1]} : vector<256x256xf32> to vector<1x256xf32>
    %get3A_1645 = arith.constant 4 : index
    %get3A_1646 = arith.constant 0 : index
    %get3A_1647 = arith.constant 0 : index
    %get3A_1648 = vector.load %arg17[%get3A_1645, %get3A_1646, %get3A_1647] : memref<16x192x256xf32, #tpu.memory_space<vmem>>, vector<1x192x256xf32>
    %get3A_1649 = vector.shape_cast %get3A_1648 : vector<1x192x256xf32> to vector<192x256xf32>
    %mul3A_1650 = vector.broadcast %slice3A_1644 : vector<1x256xf32> to vector<192x256xf32>
    %mul3A_1651 = arith.mulf %mul3A_1650, %get3A_1649 : vector<192x256xf32>
    %add3A_1652 = arith.addf %add3A_1643, %mul3A_1651 : vector<192x256xf32>
    %slice3A_1653 = vector.extract_strided_slice %transpose3A_866 {offsets = [85, 0], sizes = [1, 256], strides = [1, 1]} : vector<256x256xf32> to vector<1x256xf32>
    %get3A_1654 = arith.constant 5 : index
    %get3A_1655 = arith.constant 0 : index
    %get3A_1656 = arith.constant 0 : index
    %get3A_1657 = vector.load %arg17[%get3A_1654, %get3A_1655, %get3A_1656] : memref<16x192x256xf32, #tpu.memory_space<vmem>>, vector<1x192x256xf32>
    %get3A_1658 = vector.shape_cast %get3A_1657 : vector<1x192x256xf32> to vector<192x256xf32>
    %mul3A_1659 = vector.broadcast %slice3A_1653 : vector<1x256xf32> to vector<192x256xf32>
    %mul3A_1660 = arith.mulf %mul3A_1659, %get3A_1658 : vector<192x256xf32>
    %add3A_1661 = arith.addf %add3A_1652, %mul3A_1660 : vector<192x256xf32>
    %slice3A_1662 = vector.extract_strided_slice %transpose3A_866 {offsets = [86, 0], sizes = [1, 256], strides = [1, 1]} : vector<256x256xf32> to vector<1x256xf32>
    %get3A_1663 = arith.constant 6 : index
    %get3A_1664 = arith.constant 0 : index
    %get3A_1665 = arith.constant 0 : index
    %get3A_1666 = vector.load %arg17[%get3A_1663, %get3A_1664, %get3A_1665] : memref<16x192x256xf32, #tpu.memory_space<vmem>>, vector<1x192x256xf32>
    %get3A_1667 = vector.shape_cast %get3A_1666 : vector<1x192x256xf32> to vector<192x256xf32>
    %mul3A_1668 = vector.broadcast %slice3A_1662 : vector<1x256xf32> to vector<192x256xf32>
    %mul3A_1669 = arith.mulf %mul3A_1668, %get3A_1667 : vector<192x256xf32>
    %add3A_1670 = arith.addf %add3A_1661, %mul3A_1669 : vector<192x256xf32>
    %slice3A_1671 = vector.extract_strided_slice %transpose3A_866 {offsets = [87, 0], sizes = [1, 256], strides = [1, 1]} : vector<256x256xf32> to vector<1x256xf32>
    %get3A_1672 = arith.constant 7 : index
    %get3A_1673 = arith.constant 0 : index
    %get3A_1674 = arith.constant 0 : index
    %get3A_1675 = vector.load %arg17[%get3A_1672, %get3A_1673, %get3A_1674] : memref<16x192x256xf32, #tpu.memory_space<vmem>>, vector<1x192x256xf32>
    %get3A_1676 = vector.shape_cast %get3A_1675 : vector<1x192x256xf32> to vector<192x256xf32>
    %mul3A_1677 = vector.broadcast %slice3A_1671 : vector<1x256xf32> to vector<192x256xf32>
    %mul3A_1678 = arith.mulf %mul3A_1677, %get3A_1676 : vector<192x256xf32>
    %add3A_1679 = arith.addf %add3A_1670, %mul3A_1678 : vector<192x256xf32>
    %slice3A_1680 = vector.extract_strided_slice %transpose3A_866 {offsets = [88, 0], sizes = [1, 256], strides = [1, 1]} : vector<256x256xf32> to vector<1x256xf32>
    %get3A_1681 = arith.constant 8 : index
    %get3A_1682 = arith.constant 0 : index
    %get3A_1683 = arith.constant 0 : index
    %get3A_1684 = vector.load %arg17[%get3A_1681, %get3A_1682, %get3A_1683] : memref<16x192x256xf32, #tpu.memory_space<vmem>>, vector<1x192x256xf32>
    %get3A_1685 = vector.shape_cast %get3A_1684 : vector<1x192x256xf32> to vector<192x256xf32>
    %mul3A_1686 = vector.broadcast %slice3A_1680 : vector<1x256xf32> to vector<192x256xf32>
    %mul3A_1687 = arith.mulf %mul3A_1686, %get3A_1685 : vector<192x256xf32>
    %add3A_1688 = arith.addf %add3A_1679, %mul3A_1687 : vector<192x256xf32>
    %slice3A_1689 = vector.extract_strided_slice %transpose3A_866 {offsets = [89, 0], sizes = [1, 256], strides = [1, 1]} : vector<256x256xf32> to vector<1x256xf32>
    %get3A_1690 = arith.constant 9 : index
    %get3A_1691 = arith.constant 0 : index
    %get3A_1692 = arith.constant 0 : index
    %get3A_1693 = vector.load %arg17[%get3A_1690, %get3A_1691, %get3A_1692] : memref<16x192x256xf32, #tpu.memory_space<vmem>>, vector<1x192x256xf32>
    %get3A_1694 = vector.shape_cast %get3A_1693 : vector<1x192x256xf32> to vector<192x256xf32>
    %mul3A_1695 = vector.broadcast %slice3A_1689 : vector<1x256xf32> to vector<192x256xf32>
    %mul3A_1696 = arith.mulf %mul3A_1695, %get3A_1694 : vector<192x256xf32>
    %add3A_1697 = arith.addf %add3A_1688, %mul3A_1696 : vector<192x256xf32>
    %slice3A_1698 = vector.extract_strided_slice %transpose3A_866 {offsets = [90, 0], sizes = [1, 256], strides = [1, 1]} : vector<256x256xf32> to vector<1x256xf32>
    %get3A_1699 = arith.constant 10 : index
    %get3A_1700 = arith.constant 0 : index
    %get3A_1701 = arith.constant 0 : index
    %get3A_1702 = vector.load %arg17[%get3A_1699, %get3A_1700, %get3A_1701] : memref<16x192x256xf32, #tpu.memory_space<vmem>>, vector<1x192x256xf32>
    %get3A_1703 = vector.shape_cast %get3A_1702 : vector<1x192x256xf32> to vector<192x256xf32>
    %mul3A_1704 = vector.broadcast %slice3A_1698 : vector<1x256xf32> to vector<192x256xf32>
    %mul3A_1705 = arith.mulf %mul3A_1704, %get3A_1703 : vector<192x256xf32>
    %add3A_1706 = arith.addf %add3A_1697, %mul3A_1705 : vector<192x256xf32>
    %slice3A_1707 = vector.extract_strided_slice %transpose3A_866 {offsets = [91, 0], sizes = [1, 256], strides = [1, 1]} : vector<256x256xf32> to vector<1x256xf32>
    %get3A_1708 = arith.constant 11 : index
    %get3A_1709 = arith.constant 0 : index
    %get3A_1710 = arith.constant 0 : index
    %get3A_1711 = vector.load %arg17[%get3A_1708, %get3A_1709, %get3A_1710] : memref<16x192x256xf32, #tpu.memory_space<vmem>>, vector<1x192x256xf32>
    %get3A_1712 = vector.shape_cast %get3A_1711 : vector<1x192x256xf32> to vector<192x256xf32>
    %mul3A_1713 = vector.broadcast %slice3A_1707 : vector<1x256xf32> to vector<192x256xf32>
    %mul3A_1714 = arith.mulf %mul3A_1713, %get3A_1712 : vector<192x256xf32>
    %add3A_1715 = arith.addf %add3A_1706, %mul3A_1714 : vector<192x256xf32>
    %slice3A_1716 = vector.extract_strided_slice %transpose3A_866 {offsets = [92, 0], sizes = [1, 256], strides = [1, 1]} : vector<256x256xf32> to vector<1x256xf32>
    %get3A_1717 = arith.constant 12 : index
    %get3A_1718 = arith.constant 0 : index
    %get3A_1719 = arith.constant 0 : index
    %get3A_1720 = vector.load %arg17[%get3A_1717, %get3A_1718, %get3A_1719] : memref<16x192x256xf32, #tpu.memory_space<vmem>>, vector<1x192x256xf32>
    %get3A_1721 = vector.shape_cast %get3A_1720 : vector<1x192x256xf32> to vector<192x256xf32>
    %mul3A_1722 = vector.broadcast %slice3A_1716 : vector<1x256xf32> to vector<192x256xf32>
    %mul3A_1723 = arith.mulf %mul3A_1722, %get3A_1721 : vector<192x256xf32>
    %add3A_1724 = arith.addf %add3A_1715, %mul3A_1723 : vector<192x256xf32>
    %slice3A_1725 = vector.extract_strided_slice %transpose3A_866 {offsets = [93, 0], sizes = [1, 256], strides = [1, 1]} : vector<256x256xf32> to vector<1x256xf32>
    %get3A_1726 = arith.constant 13 : index
    %get3A_1727 = arith.constant 0 : index
    %get3A_1728 = arith.constant 0 : index
    %get3A_1729 = vector.load %arg17[%get3A_1726, %get3A_1727, %get3A_1728] : memref<16x192x256xf32, #tpu.memory_space<vmem>>, vector<1x192x256xf32>
    %get3A_1730 = vector.shape_cast %get3A_1729 : vector<1x192x256xf32> to vector<192x256xf32>
    %mul3A_1731 = vector.broadcast %slice3A_1725 : vector<1x256xf32> to vector<192x256xf32>
    %mul3A_1732 = arith.mulf %mul3A_1731, %get3A_1730 : vector<192x256xf32>
    %add3A_1733 = arith.addf %add3A_1724, %mul3A_1732 : vector<192x256xf32>
    %slice3A_1734 = vector.extract_strided_slice %transpose3A_866 {offsets = [94, 0], sizes = [1, 256], strides = [1, 1]} : vector<256x256xf32> to vector<1x256xf32>
    %get3A_1735 = arith.constant 14 : index
    %get3A_1736 = arith.constant 0 : index
    %get3A_1737 = arith.constant 0 : index
    %get3A_1738 = vector.load %arg17[%get3A_1735, %get3A_1736, %get3A_1737] : memref<16x192x256xf32, #tpu.memory_space<vmem>>, vector<1x192x256xf32>
    %get3A_1739 = vector.shape_cast %get3A_1738 : vector<1x192x256xf32> to vector<192x256xf32>
    %mul3A_1740 = vector.broadcast %slice3A_1734 : vector<1x256xf32> to vector<192x256xf32>
    %mul3A_1741 = arith.mulf %mul3A_1740, %get3A_1739 : vector<192x256xf32>
    %add3A_1742 = arith.addf %add3A_1733, %mul3A_1741 : vector<192x256xf32>
    %slice3A_1743 = vector.extract_strided_slice %transpose3A_866 {offsets = [95, 0], sizes = [1, 256], strides = [1, 1]} : vector<256x256xf32> to vector<1x256xf32>
    %get3A_1744 = arith.constant 15 : index
    %get3A_1745 = arith.constant 0 : index
    %get3A_1746 = arith.constant 0 : index
    %get3A_1747 = vector.load %arg17[%get3A_1744, %get3A_1745, %get3A_1746] : memref<16x192x256xf32, #tpu.memory_space<vmem>>, vector<1x192x256xf32>
    %get3A_1748 = vector.shape_cast %get3A_1747 : vector<1x192x256xf32> to vector<192x256xf32>
    %mul3A_1749 = vector.broadcast %slice3A_1743 : vector<1x256xf32> to vector<192x256xf32>
    %mul3A_1750 = arith.mulf %mul3A_1749, %get3A_1748 : vector<192x256xf32>
    %add3A_1751 = arith.addf %add3A_1742, %mul3A_1750 : vector<192x256xf32>
    %get3A_1752 = arith.constant 0 : index
    %get3A_1753 = arith.constant 960 : index
    %get3A_1754 = vector.load %arg14[%get3A_1752, %get3A_1753] : memref<256x3072xf32, #tpu.memory_space<vmem>>, vector<256x192xf32>
    %dot_general3A_1755 = arith.constant dense<0.000000e+00> : vector<256x256xf32>
    %dot_general3A_1756 = tpu.matmul %get3A_1754, %add3A_1751, %dot_general3A_1755 {dimension_numbers = #tpu.dot_dimension_numbers<[1], [0], [0], [1], [0, 0, 1, 1], [], []>, transpose_lhs_hint = false} : vector<256x192xf32>, vector<192x256xf32>, vector<256x256xf32> -> vector<256x256xf32>
    %add3A_1757 = arith.addf %add3A_1608, %dot_general3A_1756 : vector<256x256xf32>
    %slice3A_1758 = vector.extract_strided_slice %transpose3A_866 {offsets = [96, 0], sizes = [1, 256], strides = [1, 1]} : vector<256x256xf32> to vector<1x256xf32>
    %get3A_1759 = arith.constant 0 : index
    %get3A_1760 = arith.constant 0 : index
    %get3A_1761 = arith.constant 0 : index
    %get3A_1762 = vector.load %arg17[%get3A_1759, %get3A_1760, %get3A_1761] : memref<16x192x256xf32, #tpu.memory_space<vmem>>, vector<1x192x256xf32>
    %get3A_1763 = vector.shape_cast %get3A_1762 : vector<1x192x256xf32> to vector<192x256xf32>
    %mul3A_1764 = vector.broadcast %slice3A_1758 : vector<1x256xf32> to vector<192x256xf32>
    %mul3A_1765 = arith.mulf %mul3A_1764, %get3A_1763 : vector<192x256xf32>
    %slice3A_1766 = vector.extract_strided_slice %transpose3A_866 {offsets = [97, 0], sizes = [1, 256], strides = [1, 1]} : vector<256x256xf32> to vector<1x256xf32>
    %get3A_1767 = arith.constant 1 : index
    %get3A_1768 = arith.constant 0 : index
    %get3A_1769 = arith.constant 0 : index
    %get3A_1770 = vector.load %arg17[%get3A_1767, %get3A_1768, %get3A_1769] : memref<16x192x256xf32, #tpu.memory_space<vmem>>, vector<1x192x256xf32>
    %get3A_1771 = vector.shape_cast %get3A_1770 : vector<1x192x256xf32> to vector<192x256xf32>
    %mul3A_1772 = vector.broadcast %slice3A_1766 : vector<1x256xf32> to vector<192x256xf32>
    %mul3A_1773 = arith.mulf %mul3A_1772, %get3A_1771 : vector<192x256xf32>
    %add3A_1774 = arith.addf %mul3A_1765, %mul3A_1773 : vector<192x256xf32>
    %slice3A_1775 = vector.extract_strided_slice %transpose3A_866 {offsets = [98, 0], sizes = [1, 256], strides = [1, 1]} : vector<256x256xf32> to vector<1x256xf32>
    %get3A_1776 = arith.constant 2 : index
    %get3A_1777 = arith.constant 0 : index
    %get3A_1778 = arith.constant 0 : index
    %get3A_1779 = vector.load %arg17[%get3A_1776, %get3A_1777, %get3A_1778] : memref<16x192x256xf32, #tpu.memory_space<vmem>>, vector<1x192x256xf32>
    %get3A_1780 = vector.shape_cast %get3A_1779 : vector<1x192x256xf32> to vector<192x256xf32>
    %mul3A_1781 = vector.broadcast %slice3A_1775 : vector<1x256xf32> to vector<192x256xf32>
    %mul3A_1782 = arith.mulf %mul3A_1781, %get3A_1780 : vector<192x256xf32>
    %add3A_1783 = arith.addf %add3A_1774, %mul3A_1782 : vector<192x256xf32>
    %slice3A_1784 = vector.extract_strided_slice %transpose3A_866 {offsets = [99, 0], sizes = [1, 256], strides = [1, 1]} : vector<256x256xf32> to vector<1x256xf32>
    %get3A_1785 = arith.constant 3 : index
    %get3A_1786 = arith.constant 0 : index
    %get3A_1787 = arith.constant 0 : index
    %get3A_1788 = vector.load %arg17[%get3A_1785, %get3A_1786, %get3A_1787] : memref<16x192x256xf32, #tpu.memory_space<vmem>>, vector<1x192x256xf32>
    %get3A_1789 = vector.shape_cast %get3A_1788 : vector<1x192x256xf32> to vector<192x256xf32>
    %mul3A_1790 = vector.broadcast %slice3A_1784 : vector<1x256xf32> to vector<192x256xf32>
    %mul3A_1791 = arith.mulf %mul3A_1790, %get3A_1789 : vector<192x256xf32>
    %add3A_1792 = arith.addf %add3A_1783, %mul3A_1791 : vector<192x256xf32>
    %slice3A_1793 = vector.extract_strided_slice %transpose3A_866 {offsets = [100, 0], sizes = [1, 256], strides = [1, 1]} : vector<256x256xf32> to vector<1x256xf32>
    %get3A_1794 = arith.constant 4 : index
    %get3A_1795 = arith.constant 0 : index
    %get3A_1796 = arith.constant 0 : index
    %get3A_1797 = vector.load %arg17[%get3A_1794, %get3A_1795, %get3A_1796] : memref<16x192x256xf32, #tpu.memory_space<vmem>>, vector<1x192x256xf32>
    %get3A_1798 = vector.shape_cast %get3A_1797 : vector<1x192x256xf32> to vector<192x256xf32>
    %mul3A_1799 = vector.broadcast %slice3A_1793 : vector<1x256xf32> to vector<192x256xf32>
    %mul3A_1800 = arith.mulf %mul3A_1799, %get3A_1798 : vector<192x256xf32>
    %add3A_1801 = arith.addf %add3A_1792, %mul3A_1800 : vector<192x256xf32>
    %slice3A_1802 = vector.extract_strided_slice %transpose3A_866 {offsets = [101, 0], sizes = [1, 256], strides = [1, 1]} : vector<256x256xf32> to vector<1x256xf32>
    %get3A_1803 = arith.constant 5 : index
    %get3A_1804 = arith.constant 0 : index
    %get3A_1805 = arith.constant 0 : index
    %get3A_1806 = vector.load %arg17[%get3A_1803, %get3A_1804, %get3A_1805] : memref<16x192x256xf32, #tpu.memory_space<vmem>>, vector<1x192x256xf32>
    %get3A_1807 = vector.shape_cast %get3A_1806 : vector<1x192x256xf32> to vector<192x256xf32>
    %mul3A_1808 = vector.broadcast %slice3A_1802 : vector<1x256xf32> to vector<192x256xf32>
    %mul3A_1809 = arith.mulf %mul3A_1808, %get3A_1807 : vector<192x256xf32>
    %add3A_1810 = arith.addf %add3A_1801, %mul3A_1809 : vector<192x256xf32>
    %slice3A_1811 = vector.extract_strided_slice %transpose3A_866 {offsets = [102, 0], sizes = [1, 256], strides = [1, 1]} : vector<256x256xf32> to vector<1x256xf32>
    %get3A_1812 = arith.constant 6 : index
    %get3A_1813 = arith.constant 0 : index
    %get3A_1814 = arith.constant 0 : index
    %get3A_1815 = vector.load %arg17[%get3A_1812, %get3A_1813, %get3A_1814] : memref<16x192x256xf32, #tpu.memory_space<vmem>>, vector<1x192x256xf32>
    %get3A_1816 = vector.shape_cast %get3A_1815 : vector<1x192x256xf32> to vector<192x256xf32>
    %mul3A_1817 = vector.broadcast %slice3A_1811 : vector<1x256xf32> to vector<192x256xf32>
    %mul3A_1818 = arith.mulf %mul3A_1817, %get3A_1816 : vector<192x256xf32>
    %add3A_1819 = arith.addf %add3A_1810, %mul3A_1818 : vector<192x256xf32>
    %slice3A_1820 = vector.extract_strided_slice %transpose3A_866 {offsets = [103, 0], sizes = [1, 256], strides = [1, 1]} : vector<256x256xf32> to vector<1x256xf32>
    %get3A_1821 = arith.constant 7 : index
    %get3A_1822 = arith.constant 0 : index
    %get3A_1823 = arith.constant 0 : index
    %get3A_1824 = vector.load %arg17[%get3A_1821, %get3A_1822, %get3A_1823] : memref<16x192x256xf32, #tpu.memory_space<vmem>>, vector<1x192x256xf32>
    %get3A_1825 = vector.shape_cast %get3A_1824 : vector<1x192x256xf32> to vector<192x256xf32>
    %mul3A_1826 = vector.broadcast %slice3A_1820 : vector<1x256xf32> to vector<192x256xf32>
    %mul3A_1827 = arith.mulf %mul3A_1826, %get3A_1825 : vector<192x256xf32>
    %add3A_1828 = arith.addf %add3A_1819, %mul3A_1827 : vector<192x256xf32>
    %slice3A_1829 = vector.extract_strided_slice %transpose3A_866 {offsets = [104, 0], sizes = [1, 256], strides = [1, 1]} : vector<256x256xf32> to vector<1x256xf32>
    %get3A_1830 = arith.constant 8 : index
    %get3A_1831 = arith.constant 0 : index
    %get3A_1832 = arith.constant 0 : index
    %get3A_1833 = vector.load %arg17[%get3A_1830, %get3A_1831, %get3A_1832] : memref<16x192x256xf32, #tpu.memory_space<vmem>>, vector<1x192x256xf32>
    %get3A_1834 = vector.shape_cast %get3A_1833 : vector<1x192x256xf32> to vector<192x256xf32>
    %mul3A_1835 = vector.broadcast %slice3A_1829 : vector<1x256xf32> to vector<192x256xf32>
    %mul3A_1836 = arith.mulf %mul3A_1835, %get3A_1834 : vector<192x256xf32>
    %add3A_1837 = arith.addf %add3A_1828, %mul3A_1836 : vector<192x256xf32>
    %slice3A_1838 = vector.extract_strided_slice %transpose3A_866 {offsets = [105, 0], sizes = [1, 256], strides = [1, 1]} : vector<256x256xf32> to vector<1x256xf32>
    %get3A_1839 = arith.constant 9 : index
    %get3A_1840 = arith.constant 0 : index
    %get3A_1841 = arith.constant 0 : index
    %get3A_1842 = vector.load %arg17[%get3A_1839, %get3A_1840, %get3A_1841] : memref<16x192x256xf32, #tpu.memory_space<vmem>>, vector<1x192x256xf32>
    %get3A_1843 = vector.shape_cast %get3A_1842 : vector<1x192x256xf32> to vector<192x256xf32>
    %mul3A_1844 = vector.broadcast %slice3A_1838 : vector<1x256xf32> to vector<192x256xf32>
    %mul3A_1845 = arith.mulf %mul3A_1844, %get3A_1843 : vector<192x256xf32>
    %add3A_1846 = arith.addf %add3A_1837, %mul3A_1845 : vector<192x256xf32>
    %slice3A_1847 = vector.extract_strided_slice %transpose3A_866 {offsets = [106, 0], sizes = [1, 256], strides = [1, 1]} : vector<256x256xf32> to vector<1x256xf32>
    %get3A_1848 = arith.constant 10 : index
    %get3A_1849 = arith.constant 0 : index
    %get3A_1850 = arith.constant 0 : index
    %get3A_1851 = vector.load %arg17[%get3A_1848, %get3A_1849, %get3A_1850] : memref<16x192x256xf32, #tpu.memory_space<vmem>>, vector<1x192x256xf32>
    %get3A_1852 = vector.shape_cast %get3A_1851 : vector<1x192x256xf32> to vector<192x256xf32>
    %mul3A_1853 = vector.broadcast %slice3A_1847 : vector<1x256xf32> to vector<192x256xf32>
    %mul3A_1854 = arith.mulf %mul3A_1853, %get3A_1852 : vector<192x256xf32>
    %add3A_1855 = arith.addf %add3A_1846, %mul3A_1854 : vector<192x256xf32>
    %slice3A_1856 = vector.extract_strided_slice %transpose3A_866 {offsets = [107, 0], sizes = [1, 256], strides = [1, 1]} : vector<256x256xf32> to vector<1x256xf32>
    %get3A_1857 = arith.constant 11 : index
    %get3A_1858 = arith.constant 0 : index
    %get3A_1859 = arith.constant 0 : index
    %get3A_1860 = vector.load %arg17[%get3A_1857, %get3A_1858, %get3A_1859] : memref<16x192x256xf32, #tpu.memory_space<vmem>>, vector<1x192x256xf32>
    %get3A_1861 = vector.shape_cast %get3A_1860 : vector<1x192x256xf32> to vector<192x256xf32>
    %mul3A_1862 = vector.broadcast %slice3A_1856 : vector<1x256xf32> to vector<192x256xf32>
    %mul3A_1863 = arith.mulf %mul3A_1862, %get3A_1861 : vector<192x256xf32>
    %add3A_1864 = arith.addf %add3A_1855, %mul3A_1863 : vector<192x256xf32>
    %slice3A_1865 = vector.extract_strided_slice %transpose3A_866 {offsets = [108, 0], sizes = [1, 256], strides = [1, 1]} : vector<256x256xf32> to vector<1x256xf32>
    %get3A_1866 = arith.constant 12 : index
    %get3A_1867 = arith.constant 0 : index
    %get3A_1868 = arith.constant 0 : index
    %get3A_1869 = vector.load %arg17[%get3A_1866, %get3A_1867, %get3A_1868] : memref<16x192x256xf32, #tpu.memory_space<vmem>>, vector<1x192x256xf32>
    %get3A_1870 = vector.shape_cast %get3A_1869 : vector<1x192x256xf32> to vector<192x256xf32>
    %mul3A_1871 = vector.broadcast %slice3A_1865 : vector<1x256xf32> to vector<192x256xf32>
    %mul3A_1872 = arith.mulf %mul3A_1871, %get3A_1870 : vector<192x256xf32>
    %add3A_1873 = arith.addf %add3A_1864, %mul3A_1872 : vector<192x256xf32>
    %slice3A_1874 = vector.extract_strided_slice %transpose3A_866 {offsets = [109, 0], sizes = [1, 256], strides = [1, 1]} : vector<256x256xf32> to vector<1x256xf32>
    %get3A_1875 = arith.constant 13 : index
    %get3A_1876 = arith.constant 0 : index
    %get3A_1877 = arith.constant 0 : index
    %get3A_1878 = vector.load %arg17[%get3A_1875, %get3A_1876, %get3A_1877] : memref<16x192x256xf32, #tpu.memory_space<vmem>>, vector<1x192x256xf32>
    %get3A_1879 = vector.shape_cast %get3A_1878 : vector<1x192x256xf32> to vector<192x256xf32>
    %mul3A_1880 = vector.broadcast %slice3A_1874 : vector<1x256xf32> to vector<192x256xf32>
    %mul3A_1881 = arith.mulf %mul3A_1880, %get3A_1879 : vector<192x256xf32>
    %add3A_1882 = arith.addf %add3A_1873, %mul3A_1881 : vector<192x256xf32>
    %slice3A_1883 = vector.extract_strided_slice %transpose3A_866 {offsets = [110, 0], sizes = [1, 256], strides = [1, 1]} : vector<256x256xf32> to vector<1x256xf32>
    %get3A_1884 = arith.constant 14 : index
    %get3A_1885 = arith.constant 0 : index
    %get3A_1886 = arith.constant 0 : index
    %get3A_1887 = vector.load %arg17[%get3A_1884, %get3A_1885, %get3A_1886] : memref<16x192x256xf32, #tpu.memory_space<vmem>>, vector<1x192x256xf32>
    %get3A_1888 = vector.shape_cast %get3A_1887 : vector<1x192x256xf32> to vector<192x256xf32>
    %mul3A_1889 = vector.broadcast %slice3A_1883 : vector<1x256xf32> to vector<192x256xf32>
    %mul3A_1890 = arith.mulf %mul3A_1889, %get3A_1888 : vector<192x256xf32>
    %add3A_1891 = arith.addf %add3A_1882, %mul3A_1890 : vector<192x256xf32>
    %slice3A_1892 = vector.extract_strided_slice %transpose3A_866 {offsets = [111, 0], sizes = [1, 256], strides = [1, 1]} : vector<256x256xf32> to vector<1x256xf32>
    %get3A_1893 = arith.constant 15 : index
    %get3A_1894 = arith.constant 0 : index
    %get3A_1895 = arith.constant 0 : index
    %get3A_1896 = vector.load %arg17[%get3A_1893, %get3A_1894, %get3A_1895] : memref<16x192x256xf32, #tpu.memory_space<vmem>>, vector<1x192x256xf32>
    %get3A_1897 = vector.shape_cast %get3A_1896 : vector<1x192x256xf32> to vector<192x256xf32>
    %mul3A_1898 = vector.broadcast %slice3A_1892 : vector<1x256xf32> to vector<192x256xf32>
    %mul3A_1899 = arith.mulf %mul3A_1898, %get3A_1897 : vector<192x256xf32>
    %add3A_1900 = arith.addf %add3A_1891, %mul3A_1899 : vector<192x256xf32>
    %get3A_1901 = arith.constant 0 : index
    %get3A_1902 = arith.constant 1152 : index
    %get3A_1903 = vector.load %arg14[%get3A_1901, %get3A_1902] : memref<256x3072xf32, #tpu.memory_space<vmem>>, vector<256x192xf32>
    %dot_general3A_1904 = arith.constant dense<0.000000e+00> : vector<256x256xf32>
    %dot_general3A_1905 = tpu.matmul %get3A_1903, %add3A_1900, %dot_general3A_1904 {dimension_numbers = #tpu.dot_dimension_numbers<[1], [0], [0], [1], [0, 0, 1, 1], [], []>, transpose_lhs_hint = false} : vector<256x192xf32>, vector<192x256xf32>, vector<256x256xf32> -> vector<256x256xf32>
    %add3A_1906 = arith.addf %add3A_1757, %dot_general3A_1905 : vector<256x256xf32>
    %slice3A_1907 = vector.extract_strided_slice %transpose3A_866 {offsets = [112, 0], sizes = [1, 256], strides = [1, 1]} : vector<256x256xf32> to vector<1x256xf32>
    %get3A_1908 = arith.constant 0 : index
    %get3A_1909 = arith.constant 0 : index
    %get3A_1910 = arith.constant 0 : index
    %get3A_1911 = vector.load %arg17[%get3A_1908, %get3A_1909, %get3A_1910] : memref<16x192x256xf32, #tpu.memory_space<vmem>>, vector<1x192x256xf32>
    %get3A_1912 = vector.shape_cast %get3A_1911 : vector<1x192x256xf32> to vector<192x256xf32>
    %mul3A_1913 = vector.broadcast %slice3A_1907 : vector<1x256xf32> to vector<192x256xf32>
    %mul3A_1914 = arith.mulf %mul3A_1913, %get3A_1912 : vector<192x256xf32>
    %slice3A_1915 = vector.extract_strided_slice %transpose3A_866 {offsets = [113, 0], sizes = [1, 256], strides = [1, 1]} : vector<256x256xf32> to vector<1x256xf32>
    %get3A_1916 = arith.constant 1 : index
    %get3A_1917 = arith.constant 0 : index
    %get3A_1918 = arith.constant 0 : index
    %get3A_1919 = vector.load %arg17[%get3A_1916, %get3A_1917, %get3A_1918] : memref<16x192x256xf32, #tpu.memory_space<vmem>>, vector<1x192x256xf32>
    %get3A_1920 = vector.shape_cast %get3A_1919 : vector<1x192x256xf32> to vector<192x256xf32>
    %mul3A_1921 = vector.broadcast %slice3A_1915 : vector<1x256xf32> to vector<192x256xf32>
    %mul3A_1922 = arith.mulf %mul3A_1921, %get3A_1920 : vector<192x256xf32>
    %add3A_1923 = arith.addf %mul3A_1914, %mul3A_1922 : vector<192x256xf32>
    %slice3A_1924 = vector.extract_strided_slice %transpose3A_866 {offsets = [114, 0], sizes = [1, 256], strides = [1, 1]} : vector<256x256xf32> to vector<1x256xf32>
    %get3A_1925 = arith.constant 2 : index
    %get3A_1926 = arith.constant 0 : index
    %get3A_1927 = arith.constant 0 : index
    %get3A_1928 = vector.load %arg17[%get3A_1925, %get3A_1926, %get3A_1927] : memref<16x192x256xf32, #tpu.memory_space<vmem>>, vector<1x192x256xf32>
    %get3A_1929 = vector.shape_cast %get3A_1928 : vector<1x192x256xf32> to vector<192x256xf32>
    %mul3A_1930 = vector.broadcast %slice3A_1924 : vector<1x256xf32> to vector<192x256xf32>
    %mul3A_1931 = arith.mulf %mul3A_1930, %get3A_1929 : vector<192x256xf32>
    %add3A_1932 = arith.addf %add3A_1923, %mul3A_1931 : vector<192x256xf32>
    %slice3A_1933 = vector.extract_strided_slice %transpose3A_866 {offsets = [115, 0], sizes = [1, 256], strides = [1, 1]} : vector<256x256xf32> to vector<1x256xf32>
    %get3A_1934 = arith.constant 3 : index
    %get3A_1935 = arith.constant 0 : index
    %get3A_1936 = arith.constant 0 : index
    %get3A_1937 = vector.load %arg17[%get3A_1934, %get3A_1935, %get3A_1936] : memref<16x192x256xf32, #tpu.memory_space<vmem>>, vector<1x192x256xf32>
    %get3A_1938 = vector.shape_cast %get3A_1937 : vector<1x192x256xf32> to vector<192x256xf32>
    %mul3A_1939 = vector.broadcast %slice3A_1933 : vector<1x256xf32> to vector<192x256xf32>
    %mul3A_1940 = arith.mulf %mul3A_1939, %get3A_1938 : vector<192x256xf32>
    %add3A_1941 = arith.addf %add3A_1932, %mul3A_1940 : vector<192x256xf32>
    %slice3A_1942 = vector.extract_strided_slice %transpose3A_866 {offsets = [116, 0], sizes = [1, 256], strides = [1, 1]} : vector<256x256xf32> to vector<1x256xf32>
    %get3A_1943 = arith.constant 4 : index
    %get3A_1944 = arith.constant 0 : index
    %get3A_1945 = arith.constant 0 : index
    %get3A_1946 = vector.load %arg17[%get3A_1943, %get3A_1944, %get3A_1945] : memref<16x192x256xf32, #tpu.memory_space<vmem>>, vector<1x192x256xf32>
    %get3A_1947 = vector.shape_cast %get3A_1946 : vector<1x192x256xf32> to vector<192x256xf32>
    %mul3A_1948 = vector.broadcast %slice3A_1942 : vector<1x256xf32> to vector<192x256xf32>
    %mul3A_1949 = arith.mulf %mul3A_1948, %get3A_1947 : vector<192x256xf32>
    %add3A_1950 = arith.addf %add3A_1941, %mul3A_1949 : vector<192x256xf32>
    %slice3A_1951 = vector.extract_strided_slice %transpose3A_866 {offsets = [117, 0], sizes = [1, 256], strides = [1, 1]} : vector<256x256xf32> to vector<1x256xf32>
    %get3A_1952 = arith.constant 5 : index
    %get3A_1953 = arith.constant 0 : index
    %get3A_1954 = arith.constant 0 : index
    %get3A_1955 = vector.load %arg17[%get3A_1952, %get3A_1953, %get3A_1954] : memref<16x192x256xf32, #tpu.memory_space<vmem>>, vector<1x192x256xf32>
    %get3A_1956 = vector.shape_cast %get3A_1955 : vector<1x192x256xf32> to vector<192x256xf32>
    %mul3A_1957 = vector.broadcast %slice3A_1951 : vector<1x256xf32> to vector<192x256xf32>
    %mul3A_1958 = arith.mulf %mul3A_1957, %get3A_1956 : vector<192x256xf32>
    %add3A_1959 = arith.addf %add3A_1950, %mul3A_1958 : vector<192x256xf32>
    %slice3A_1960 = vector.extract_strided_slice %transpose3A_866 {offsets = [118, 0], sizes = [1, 256], strides = [1, 1]} : vector<256x256xf32> to vector<1x256xf32>
    %get3A_1961 = arith.constant 6 : index
    %get3A_1962 = arith.constant 0 : index
    %get3A_1963 = arith.constant 0 : index
    %get3A_1964 = vector.load %arg17[%get3A_1961, %get3A_1962, %get3A_1963] : memref<16x192x256xf32, #tpu.memory_space<vmem>>, vector<1x192x256xf32>
    %get3A_1965 = vector.shape_cast %get3A_1964 : vector<1x192x256xf32> to vector<192x256xf32>
    %mul3A_1966 = vector.broadcast %slice3A_1960 : vector<1x256xf32> to vector<192x256xf32>
    %mul3A_1967 = arith.mulf %mul3A_1966, %get3A_1965 : vector<192x256xf32>
    %add3A_1968 = arith.addf %add3A_1959, %mul3A_1967 : vector<192x256xf32>
    %slice3A_1969 = vector.extract_strided_slice %transpose3A_866 {offsets = [119, 0], sizes = [1, 256], strides = [1, 1]} : vector<256x256xf32> to vector<1x256xf32>
    %get3A_1970 = arith.constant 7 : index
    %get3A_1971 = arith.constant 0 : index
    %get3A_1972 = arith.constant 0 : index
    %get3A_1973 = vector.load %arg17[%get3A_1970, %get3A_1971, %get3A_1972] : memref<16x192x256xf32, #tpu.memory_space<vmem>>, vector<1x192x256xf32>
    %get3A_1974 = vector.shape_cast %get3A_1973 : vector<1x192x256xf32> to vector<192x256xf32>
    %mul3A_1975 = vector.broadcast %slice3A_1969 : vector<1x256xf32> to vector<192x256xf32>
    %mul3A_1976 = arith.mulf %mul3A_1975, %get3A_1974 : vector<192x256xf32>
    %add3A_1977 = arith.addf %add3A_1968, %mul3A_1976 : vector<192x256xf32>
    %slice3A_1978 = vector.extract_strided_slice %transpose3A_866 {offsets = [120, 0], sizes = [1, 256], strides = [1, 1]} : vector<256x256xf32> to vector<1x256xf32>
    %get3A_1979 = arith.constant 8 : index
    %get3A_1980 = arith.constant 0 : index
    %get3A_1981 = arith.constant 0 : index
    %get3A_1982 = vector.load %arg17[%get3A_1979, %get3A_1980, %get3A_1981] : memref<16x192x256xf32, #tpu.memory_space<vmem>>, vector<1x192x256xf32>
    %get3A_1983 = vector.shape_cast %get3A_1982 : vector<1x192x256xf32> to vector<192x256xf32>
    %mul3A_1984 = vector.broadcast %slice3A_1978 : vector<1x256xf32> to vector<192x256xf32>
    %mul3A_1985 = arith.mulf %mul3A_1984, %get3A_1983 : vector<192x256xf32>
    %add3A_1986 = arith.addf %add3A_1977, %mul3A_1985 : vector<192x256xf32>
    %slice3A_1987 = vector.extract_strided_slice %transpose3A_866 {offsets = [121, 0], sizes = [1, 256], strides = [1, 1]} : vector<256x256xf32> to vector<1x256xf32>
    %get3A_1988 = arith.constant 9 : index
    %get3A_1989 = arith.constant 0 : index
    %get3A_1990 = arith.constant 0 : index
    %get3A_1991 = vector.load %arg17[%get3A_1988, %get3A_1989, %get3A_1990] : memref<16x192x256xf32, #tpu.memory_space<vmem>>, vector<1x192x256xf32>
    %get3A_1992 = vector.shape_cast %get3A_1991 : vector<1x192x256xf32> to vector<192x256xf32>
    %mul3A_1993 = vector.broadcast %slice3A_1987 : vector<1x256xf32> to vector<192x256xf32>
    %mul3A_1994 = arith.mulf %mul3A_1993, %get3A_1992 : vector<192x256xf32>
    %add3A_1995 = arith.addf %add3A_1986, %mul3A_1994 : vector<192x256xf32>
    %slice3A_1996 = vector.extract_strided_slice %transpose3A_866 {offsets = [122, 0], sizes = [1, 256], strides = [1, 1]} : vector<256x256xf32> to vector<1x256xf32>
    %get3A_1997 = arith.constant 10 : index
    %get3A_1998 = arith.constant 0 : index
    %get3A_1999 = arith.constant 0 : index
    %get3A_2000 = vector.load %arg17[%get3A_1997, %get3A_1998, %get3A_1999] : memref<16x192x256xf32, #tpu.memory_space<vmem>>, vector<1x192x256xf32>
    %get3A_2001 = vector.shape_cast %get3A_2000 : vector<1x192x256xf32> to vector<192x256xf32>
    %mul3A_2002 = vector.broadcast %slice3A_1996 : vector<1x256xf32> to vector<192x256xf32>
    %mul3A_2003 = arith.mulf %mul3A_2002, %get3A_2001 : vector<192x256xf32>
    %add3A_2004 = arith.addf %add3A_1995, %mul3A_2003 : vector<192x256xf32>
    %slice3A_2005 = vector.extract_strided_slice %transpose3A_866 {offsets = [123, 0], sizes = [1, 256], strides = [1, 1]} : vector<256x256xf32> to vector<1x256xf32>
    %get3A_2006 = arith.constant 11 : index
    %get3A_2007 = arith.constant 0 : index
    %get3A_2008 = arith.constant 0 : index
    %get3A_2009 = vector.load %arg17[%get3A_2006, %get3A_2007, %get3A_2008] : memref<16x192x256xf32, #tpu.memory_space<vmem>>, vector<1x192x256xf32>
    %get3A_2010 = vector.shape_cast %get3A_2009 : vector<1x192x256xf32> to vector<192x256xf32>
    %mul3A_2011 = vector.broadcast %slice3A_2005 : vector<1x256xf32> to vector<192x256xf32>
    %mul3A_2012 = arith.mulf %mul3A_2011, %get3A_2010 : vector<192x256xf32>
    %add3A_2013 = arith.addf %add3A_2004, %mul3A_2012 : vector<192x256xf32>
    %slice3A_2014 = vector.extract_strided_slice %transpose3A_866 {offsets = [124, 0], sizes = [1, 256], strides = [1, 1]} : vector<256x256xf32> to vector<1x256xf32>
    %get3A_2015 = arith.constant 12 : index
    %get3A_2016 = arith.constant 0 : index
    %get3A_2017 = arith.constant 0 : index
    %get3A_2018 = vector.load %arg17[%get3A_2015, %get3A_2016, %get3A_2017] : memref<16x192x256xf32, #tpu.memory_space<vmem>>, vector<1x192x256xf32>
    %get3A_2019 = vector.shape_cast %get3A_2018 : vector<1x192x256xf32> to vector<192x256xf32>
    %mul3A_2020 = vector.broadcast %slice3A_2014 : vector<1x256xf32> to vector<192x256xf32>
    %mul3A_2021 = arith.mulf %mul3A_2020, %get3A_2019 : vector<192x256xf32>
    %add3A_2022 = arith.addf %add3A_2013, %mul3A_2021 : vector<192x256xf32>
    %slice3A_2023 = vector.extract_strided_slice %transpose3A_866 {offsets = [125, 0], sizes = [1, 256], strides = [1, 1]} : vector<256x256xf32> to vector<1x256xf32>
    %get3A_2024 = arith.constant 13 : index
    %get3A_2025 = arith.constant 0 : index
    %get3A_2026 = arith.constant 0 : index
    %get3A_2027 = vector.load %arg17[%get3A_2024, %get3A_2025, %get3A_2026] : memref<16x192x256xf32, #tpu.memory_space<vmem>>, vector<1x192x256xf32>
    %get3A_2028 = vector.shape_cast %get3A_2027 : vector<1x192x256xf32> to vector<192x256xf32>
    %mul3A_2029 = vector.broadcast %slice3A_2023 : vector<1x256xf32> to vector<192x256xf32>
    %mul3A_2030 = arith.mulf %mul3A_2029, %get3A_2028 : vector<192x256xf32>
    %add3A_2031 = arith.addf %add3A_2022, %mul3A_2030 : vector<192x256xf32>
    %slice3A_2032 = vector.extract_strided_slice %transpose3A_866 {offsets = [126, 0], sizes = [1, 256], strides = [1, 1]} : vector<256x256xf32> to vector<1x256xf32>
    %get3A_2033 = arith.constant 14 : index
    %get3A_2034 = arith.constant 0 : index
    %get3A_2035 = arith.constant 0 : index
    %get3A_2036 = vector.load %arg17[%get3A_2033, %get3A_2034, %get3A_2035] : memref<16x192x256xf32, #tpu.memory_space<vmem>>, vector<1x192x256xf32>
    %get3A_2037 = vector.shape_cast %get3A_2036 : vector<1x192x256xf32> to vector<192x256xf32>
    %mul3A_2038 = vector.broadcast %slice3A_2032 : vector<1x256xf32> to vector<192x256xf32>
    %mul3A_2039 = arith.mulf %mul3A_2038, %get3A_2037 : vector<192x256xf32>
    %add3A_2040 = arith.addf %add3A_2031, %mul3A_2039 : vector<192x256xf32>
    %slice3A_2041 = vector.extract_strided_slice %transpose3A_866 {offsets = [127, 0], sizes = [1, 256], strides = [1, 1]} : vector<256x256xf32> to vector<1x256xf32>
    %get3A_2042 = arith.constant 15 : index
    %get3A_2043 = arith.constant 0 : index
    %get3A_2044 = arith.constant 0 : index
    %get3A_2045 = vector.load %arg17[%get3A_2042, %get3A_2043, %get3A_2044] : memref<16x192x256xf32, #tpu.memory_space<vmem>>, vector<1x192x256xf32>
    %get3A_2046 = vector.shape_cast %get3A_2045 : vector<1x192x256xf32> to vector<192x256xf32>
    %mul3A_2047 = vector.broadcast %slice3A_2041 : vector<1x256xf32> to vector<192x256xf32>
    %mul3A_2048 = arith.mulf %mul3A_2047, %get3A_2046 : vector<192x256xf32>
    %add3A_2049 = arith.addf %add3A_2040, %mul3A_2048 : vector<192x256xf32>
    %get3A_2050 = arith.constant 0 : index
    %get3A_2051 = arith.constant 1344 : index
    %get3A_2052 = vector.load %arg14[%get3A_2050, %get3A_2051] : memref<256x3072xf32, #tpu.memory_space<vmem>>, vector<256x192xf32>
    %dot_general3A_2053 = arith.constant dense<0.000000e+00> : vector<256x256xf32>
    %dot_general3A_2054 = tpu.matmul %get3A_2052, %add3A_2049, %dot_general3A_2053 {dimension_numbers = #tpu.dot_dimension_numbers<[1], [0], [0], [1], [0, 0, 1, 1], [], []>, transpose_lhs_hint = false} : vector<256x192xf32>, vector<192x256xf32>, vector<256x256xf32> -> vector<256x256xf32>
    %add3A_2055 = arith.addf %add3A_1906, %dot_general3A_2054 : vector<256x256xf32>
    %slice3A_2056 = vector.extract_strided_slice %transpose3A_866 {offsets = [128, 0], sizes = [1, 256], strides = [1, 1]} : vector<256x256xf32> to vector<1x256xf32>
    %get3A_2057 = arith.constant 0 : index
    %get3A_2058 = arith.constant 0 : index
    %get3A_2059 = arith.constant 0 : index
    %get3A_2060 = vector.load %arg17[%get3A_2057, %get3A_2058, %get3A_2059] : memref<16x192x256xf32, #tpu.memory_space<vmem>>, vector<1x192x256xf32>
    %get3A_2061 = vector.shape_cast %get3A_2060 : vector<1x192x256xf32> to vector<192x256xf32>
    %mul3A_2062 = vector.broadcast %slice3A_2056 : vector<1x256xf32> to vector<192x256xf32>
    %mul3A_2063 = arith.mulf %mul3A_2062, %get3A_2061 : vector<192x256xf32>
    %slice3A_2064 = vector.extract_strided_slice %transpose3A_866 {offsets = [129, 0], sizes = [1, 256], strides = [1, 1]} : vector<256x256xf32> to vector<1x256xf32>
    %get3A_2065 = arith.constant 1 : index
    %get3A_2066 = arith.constant 0 : index
    %get3A_2067 = arith.constant 0 : index
    %get3A_2068 = vector.load %arg17[%get3A_2065, %get3A_2066, %get3A_2067] : memref<16x192x256xf32, #tpu.memory_space<vmem>>, vector<1x192x256xf32>
    %get3A_2069 = vector.shape_cast %get3A_2068 : vector<1x192x256xf32> to vector<192x256xf32>
    %mul3A_2070 = vector.broadcast %slice3A_2064 : vector<1x256xf32> to vector<192x256xf32>
    %mul3A_2071 = arith.mulf %mul3A_2070, %get3A_2069 : vector<192x256xf32>
    %add3A_2072 = arith.addf %mul3A_2063, %mul3A_2071 : vector<192x256xf32>
    %slice3A_2073 = vector.extract_strided_slice %transpose3A_866 {offsets = [130, 0], sizes = [1, 256], strides = [1, 1]} : vector<256x256xf32> to vector<1x256xf32>
    %get3A_2074 = arith.constant 2 : index
    %get3A_2075 = arith.constant 0 : index
    %get3A_2076 = arith.constant 0 : index
    %get3A_2077 = vector.load %arg17[%get3A_2074, %get3A_2075, %get3A_2076] : memref<16x192x256xf32, #tpu.memory_space<vmem>>, vector<1x192x256xf32>
    %get3A_2078 = vector.shape_cast %get3A_2077 : vector<1x192x256xf32> to vector<192x256xf32>
    %mul3A_2079 = vector.broadcast %slice3A_2073 : vector<1x256xf32> to vector<192x256xf32>
    %mul3A_2080 = arith.mulf %mul3A_2079, %get3A_2078 : vector<192x256xf32>
    %add3A_2081 = arith.addf %add3A_2072, %mul3A_2080 : vector<192x256xf32>
    %slice3A_2082 = vector.extract_strided_slice %transpose3A_866 {offsets = [131, 0], sizes = [1, 256], strides = [1, 1]} : vector<256x256xf32> to vector<1x256xf32>
    %get3A_2083 = arith.constant 3 : index
    %get3A_2084 = arith.constant 0 : index
    %get3A_2085 = arith.constant 0 : index
    %get3A_2086 = vector.load %arg17[%get3A_2083, %get3A_2084, %get3A_2085] : memref<16x192x256xf32, #tpu.memory_space<vmem>>, vector<1x192x256xf32>
    %get3A_2087 = vector.shape_cast %get3A_2086 : vector<1x192x256xf32> to vector<192x256xf32>
    %mul3A_2088 = vector.broadcast %slice3A_2082 : vector<1x256xf32> to vector<192x256xf32>
    %mul3A_2089 = arith.mulf %mul3A_2088, %get3A_2087 : vector<192x256xf32>
    %add3A_2090 = arith.addf %add3A_2081, %mul3A_2089 : vector<192x256xf32>
    %slice3A_2091 = vector.extract_strided_slice %transpose3A_866 {offsets = [132, 0], sizes = [1, 256], strides = [1, 1]} : vector<256x256xf32> to vector<1x256xf32>
    %get3A_2092 = arith.constant 4 : index
    %get3A_2093 = arith.constant 0 : index
    %get3A_2094 = arith.constant 0 : index
    %get3A_2095 = vector.load %arg17[%get3A_2092, %get3A_2093, %get3A_2094] : memref<16x192x256xf32, #tpu.memory_space<vmem>>, vector<1x192x256xf32>
    %get3A_2096 = vector.shape_cast %get3A_2095 : vector<1x192x256xf32> to vector<192x256xf32>
    %mul3A_2097 = vector.broadcast %slice3A_2091 : vector<1x256xf32> to vector<192x256xf32>
    %mul3A_2098 = arith.mulf %mul3A_2097, %get3A_2096 : vector<192x256xf32>
    %add3A_2099 = arith.addf %add3A_2090, %mul3A_2098 : vector<192x256xf32>
    %slice3A_2100 = vector.extract_strided_slice %transpose3A_866 {offsets = [133, 0], sizes = [1, 256], strides = [1, 1]} : vector<256x256xf32> to vector<1x256xf32>
    %get3A_2101 = arith.constant 5 : index
    %get3A_2102 = arith.constant 0 : index
    %get3A_2103 = arith.constant 0 : index
    %get3A_2104 = vector.load %arg17[%get3A_2101, %get3A_2102, %get3A_2103] : memref<16x192x256xf32, #tpu.memory_space<vmem>>, vector<1x192x256xf32>
    %get3A_2105 = vector.shape_cast %get3A_2104 : vector<1x192x256xf32> to vector<192x256xf32>
    %mul3A_2106 = vector.broadcast %slice3A_2100 : vector<1x256xf32> to vector<192x256xf32>
    %mul3A_2107 = arith.mulf %mul3A_2106, %get3A_2105 : vector<192x256xf32>
    %add3A_2108 = arith.addf %add3A_2099, %mul3A_2107 : vector<192x256xf32>
    %slice3A_2109 = vector.extract_strided_slice %transpose3A_866 {offsets = [134, 0], sizes = [1, 256], strides = [1, 1]} : vector<256x256xf32> to vector<1x256xf32>
    %get3A_2110 = arith.constant 6 : index
    %get3A_2111 = arith.constant 0 : index
    %get3A_2112 = arith.constant 0 : index
    %get3A_2113 = vector.load %arg17[%get3A_2110, %get3A_2111, %get3A_2112] : memref<16x192x256xf32, #tpu.memory_space<vmem>>, vector<1x192x256xf32>
    %get3A_2114 = vector.shape_cast %get3A_2113 : vector<1x192x256xf32> to vector<192x256xf32>
    %mul3A_2115 = vector.broadcast %slice3A_2109 : vector<1x256xf32> to vector<192x256xf32>
    %mul3A_2116 = arith.mulf %mul3A_2115, %get3A_2114 : vector<192x256xf32>
    %add3A_2117 = arith.addf %add3A_2108, %mul3A_2116 : vector<192x256xf32>
    %slice3A_2118 = vector.extract_strided_slice %transpose3A_866 {offsets = [135, 0], sizes = [1, 256], strides = [1, 1]} : vector<256x256xf32> to vector<1x256xf32>
    %get3A_2119 = arith.constant 7 : index
    %get3A_2120 = arith.constant 0 : index
    %get3A_2121 = arith.constant 0 : index
    %get3A_2122 = vector.load %arg17[%get3A_2119, %get3A_2120, %get3A_2121] : memref<16x192x256xf32, #tpu.memory_space<vmem>>, vector<1x192x256xf32>
    %get3A_2123 = vector.shape_cast %get3A_2122 : vector<1x192x256xf32> to vector<192x256xf32>
    %mul3A_2124 = vector.broadcast %slice3A_2118 : vector<1x256xf32> to vector<192x256xf32>
    %mul3A_2125 = arith.mulf %mul3A_2124, %get3A_2123 : vector<192x256xf32>
    %add3A_2126 = arith.addf %add3A_2117, %mul3A_2125 : vector<192x256xf32>
    %slice3A_2127 = vector.extract_strided_slice %transpose3A_866 {offsets = [136, 0], sizes = [1, 256], strides = [1, 1]} : vector<256x256xf32> to vector<1x256xf32>
    %get3A_2128 = arith.constant 8 : index
    %get3A_2129 = arith.constant 0 : index
    %get3A_2130 = arith.constant 0 : index
    %get3A_2131 = vector.load %arg17[%get3A_2128, %get3A_2129, %get3A_2130] : memref<16x192x256xf32, #tpu.memory_space<vmem>>, vector<1x192x256xf32>
    %get3A_2132 = vector.shape_cast %get3A_2131 : vector<1x192x256xf32> to vector<192x256xf32>
    %mul3A_2133 = vector.broadcast %slice3A_2127 : vector<1x256xf32> to vector<192x256xf32>
    %mul3A_2134 = arith.mulf %mul3A_2133, %get3A_2132 : vector<192x256xf32>
    %add3A_2135 = arith.addf %add3A_2126, %mul3A_2134 : vector<192x256xf32>
    %slice3A_2136 = vector.extract_strided_slice %transpose3A_866 {offsets = [137, 0], sizes = [1, 256], strides = [1, 1]} : vector<256x256xf32> to vector<1x256xf32>
    %get3A_2137 = arith.constant 9 : index
    %get3A_2138 = arith.constant 0 : index
    %get3A_2139 = arith.constant 0 : index
    %get3A_2140 = vector.load %arg17[%get3A_2137, %get3A_2138, %get3A_2139] : memref<16x192x256xf32, #tpu.memory_space<vmem>>, vector<1x192x256xf32>
    %get3A_2141 = vector.shape_cast %get3A_2140 : vector<1x192x256xf32> to vector<192x256xf32>
    %mul3A_2142 = vector.broadcast %slice3A_2136 : vector<1x256xf32> to vector<192x256xf32>
    %mul3A_2143 = arith.mulf %mul3A_2142, %get3A_2141 : vector<192x256xf32>
    %add3A_2144 = arith.addf %add3A_2135, %mul3A_2143 : vector<192x256xf32>
    %slice3A_2145 = vector.extract_strided_slice %transpose3A_866 {offsets = [138, 0], sizes = [1, 256], strides = [1, 1]} : vector<256x256xf32> to vector<1x256xf32>
    %get3A_2146 = arith.constant 10 : index
    %get3A_2147 = arith.constant 0 : index
    %get3A_2148 = arith.constant 0 : index
    %get3A_2149 = vector.load %arg17[%get3A_2146, %get3A_2147, %get3A_2148] : memref<16x192x256xf32, #tpu.memory_space<vmem>>, vector<1x192x256xf32>
    %get3A_2150 = vector.shape_cast %get3A_2149 : vector<1x192x256xf32> to vector<192x256xf32>
    %mul3A_2151 = vector.broadcast %slice3A_2145 : vector<1x256xf32> to vector<192x256xf32>
    %mul3A_2152 = arith.mulf %mul3A_2151, %get3A_2150 : vector<192x256xf32>
    %add3A_2153 = arith.addf %add3A_2144, %mul3A_2152 : vector<192x256xf32>
    %slice3A_2154 = vector.extract_strided_slice %transpose3A_866 {offsets = [139, 0], sizes = [1, 256], strides = [1, 1]} : vector<256x256xf32> to vector<1x256xf32>
    %get3A_2155 = arith.constant 11 : index
    %get3A_2156 = arith.constant 0 : index
    %get3A_2157 = arith.constant 0 : index
    %get3A_2158 = vector.load %arg17[%get3A_2155, %get3A_2156, %get3A_2157] : memref<16x192x256xf32, #tpu.memory_space<vmem>>, vector<1x192x256xf32>
    %get3A_2159 = vector.shape_cast %get3A_2158 : vector<1x192x256xf32> to vector<192x256xf32>
    %mul3A_2160 = vector.broadcast %slice3A_2154 : vector<1x256xf32> to vector<192x256xf32>
    %mul3A_2161 = arith.mulf %mul3A_2160, %get3A_2159 : vector<192x256xf32>
    %add3A_2162 = arith.addf %add3A_2153, %mul3A_2161 : vector<192x256xf32>
    %slice3A_2163 = vector.extract_strided_slice %transpose3A_866 {offsets = [140, 0], sizes = [1, 256], strides = [1, 1]} : vector<256x256xf32> to vector<1x256xf32>
    %get3A_2164 = arith.constant 12 : index
    %get3A_2165 = arith.constant 0 : index
    %get3A_2166 = arith.constant 0 : index
    %get3A_2167 = vector.load %arg17[%get3A_2164, %get3A_2165, %get3A_2166] : memref<16x192x256xf32, #tpu.memory_space<vmem>>, vector<1x192x256xf32>
    %get3A_2168 = vector.shape_cast %get3A_2167 : vector<1x192x256xf32> to vector<192x256xf32>
    %mul3A_2169 = vector.broadcast %slice3A_2163 : vector<1x256xf32> to vector<192x256xf32>
    %mul3A_2170 = arith.mulf %mul3A_2169, %get3A_2168 : vector<192x256xf32>
    %add3A_2171 = arith.addf %add3A_2162, %mul3A_2170 : vector<192x256xf32>
    %slice3A_2172 = vector.extract_strided_slice %transpose3A_866 {offsets = [141, 0], sizes = [1, 256], strides = [1, 1]} : vector<256x256xf32> to vector<1x256xf32>
    %get3A_2173 = arith.constant 13 : index
    %get3A_2174 = arith.constant 0 : index
    %get3A_2175 = arith.constant 0 : index
    %get3A_2176 = vector.load %arg17[%get3A_2173, %get3A_2174, %get3A_2175] : memref<16x192x256xf32, #tpu.memory_space<vmem>>, vector<1x192x256xf32>
    %get3A_2177 = vector.shape_cast %get3A_2176 : vector<1x192x256xf32> to vector<192x256xf32>
    %mul3A_2178 = vector.broadcast %slice3A_2172 : vector<1x256xf32> to vector<192x256xf32>
    %mul3A_2179 = arith.mulf %mul3A_2178, %get3A_2177 : vector<192x256xf32>
    %add3A_2180 = arith.addf %add3A_2171, %mul3A_2179 : vector<192x256xf32>
    %slice3A_2181 = vector.extract_strided_slice %transpose3A_866 {offsets = [142, 0], sizes = [1, 256], strides = [1, 1]} : vector<256x256xf32> to vector<1x256xf32>
    %get3A_2182 = arith.constant 14 : index
    %get3A_2183 = arith.constant 0 : index
    %get3A_2184 = arith.constant 0 : index
    %get3A_2185 = vector.load %arg17[%get3A_2182, %get3A_2183, %get3A_2184] : memref<16x192x256xf32, #tpu.memory_space<vmem>>, vector<1x192x256xf32>
    %get3A_2186 = vector.shape_cast %get3A_2185 : vector<1x192x256xf32> to vector<192x256xf32>
    %mul3A_2187 = vector.broadcast %slice3A_2181 : vector<1x256xf32> to vector<192x256xf32>
    %mul3A_2188 = arith.mulf %mul3A_2187, %get3A_2186 : vector<192x256xf32>
    %add3A_2189 = arith.addf %add3A_2180, %mul3A_2188 : vector<192x256xf32>
    %slice3A_2190 = vector.extract_strided_slice %transpose3A_866 {offsets = [143, 0], sizes = [1, 256], strides = [1, 1]} : vector<256x256xf32> to vector<1x256xf32>
    %get3A_2191 = arith.constant 15 : index
    %get3A_2192 = arith.constant 0 : index
    %get3A_2193 = arith.constant 0 : index
    %get3A_2194 = vector.load %arg17[%get3A_2191, %get3A_2192, %get3A_2193] : memref<16x192x256xf32, #tpu.memory_space<vmem>>, vector<1x192x256xf32>
    %get3A_2195 = vector.shape_cast %get3A_2194 : vector<1x192x256xf32> to vector<192x256xf32>
    %mul3A_2196 = vector.broadcast %slice3A_2190 : vector<1x256xf32> to vector<192x256xf32>
    %mul3A_2197 = arith.mulf %mul3A_2196, %get3A_2195 : vector<192x256xf32>
    %add3A_2198 = arith.addf %add3A_2189, %mul3A_2197 : vector<192x256xf32>
    %get3A_2199 = arith.constant 0 : index
    %get3A_2200 = arith.constant 1536 : index
    %get3A_2201 = vector.load %arg14[%get3A_2199, %get3A_2200] : memref<256x3072xf32, #tpu.memory_space<vmem>>, vector<256x192xf32>
    %dot_general3A_2202 = arith.constant dense<0.000000e+00> : vector<256x256xf32>
    %dot_general3A_2203 = tpu.matmul %get3A_2201, %add3A_2198, %dot_general3A_2202 {dimension_numbers = #tpu.dot_dimension_numbers<[1], [0], [0], [1], [0, 0, 1, 1], [], []>, transpose_lhs_hint = false} : vector<256x192xf32>, vector<192x256xf32>, vector<256x256xf32> -> vector<256x256xf32>
    %add3A_2204 = arith.addf %add3A_2055, %dot_general3A_2203 : vector<256x256xf32>
    %slice3A_2205 = vector.extract_strided_slice %transpose3A_866 {offsets = [144, 0], sizes = [1, 256], strides = [1, 1]} : vector<256x256xf32> to vector<1x256xf32>
    %get3A_2206 = arith.constant 0 : index
    %get3A_2207 = arith.constant 0 : index
    %get3A_2208 = arith.constant 0 : index
    %get3A_2209 = vector.load %arg17[%get3A_2206, %get3A_2207, %get3A_2208] : memref<16x192x256xf32, #tpu.memory_space<vmem>>, vector<1x192x256xf32>
    %get3A_2210 = vector.shape_cast %get3A_2209 : vector<1x192x256xf32> to vector<192x256xf32>
    %mul3A_2211 = vector.broadcast %slice3A_2205 : vector<1x256xf32> to vector<192x256xf32>
    %mul3A_2212 = arith.mulf %mul3A_2211, %get3A_2210 : vector<192x256xf32>
    %slice3A_2213 = vector.extract_strided_slice %transpose3A_866 {offsets = [145, 0], sizes = [1, 256], strides = [1, 1]} : vector<256x256xf32> to vector<1x256xf32>
    %get3A_2214 = arith.constant 1 : index
    %get3A_2215 = arith.constant 0 : index
    %get3A_2216 = arith.constant 0 : index
    %get3A_2217 = vector.load %arg17[%get3A_2214, %get3A_2215, %get3A_2216] : memref<16x192x256xf32, #tpu.memory_space<vmem>>, vector<1x192x256xf32>
    %get3A_2218 = vector.shape_cast %get3A_2217 : vector<1x192x256xf32> to vector<192x256xf32>
    %mul3A_2219 = vector.broadcast %slice3A_2213 : vector<1x256xf32> to vector<192x256xf32>
    %mul3A_2220 = arith.mulf %mul3A_2219, %get3A_2218 : vector<192x256xf32>
    %add3A_2221 = arith.addf %mul3A_2212, %mul3A_2220 : vector<192x256xf32>
    %slice3A_2222 = vector.extract_strided_slice %transpose3A_866 {offsets = [146, 0], sizes = [1, 256], strides = [1, 1]} : vector<256x256xf32> to vector<1x256xf32>
    %get3A_2223 = arith.constant 2 : index
    %get3A_2224 = arith.constant 0 : index
    %get3A_2225 = arith.constant 0 : index
    %get3A_2226 = vector.load %arg17[%get3A_2223, %get3A_2224, %get3A_2225] : memref<16x192x256xf32, #tpu.memory_space<vmem>>, vector<1x192x256xf32>
    %get3A_2227 = vector.shape_cast %get3A_2226 : vector<1x192x256xf32> to vector<192x256xf32>
    %mul3A_2228 = vector.broadcast %slice3A_2222 : vector<1x256xf32> to vector<192x256xf32>
    %mul3A_2229 = arith.mulf %mul3A_2228, %get3A_2227 : vector<192x256xf32>
    %add3A_2230 = arith.addf %add3A_2221, %mul3A_2229 : vector<192x256xf32>
    %slice3A_2231 = vector.extract_strided_slice %transpose3A_866 {offsets = [147, 0], sizes = [1, 256], strides = [1, 1]} : vector<256x256xf32> to vector<1x256xf32>
    %get3A_2232 = arith.constant 3 : index
    %get3A_2233 = arith.constant 0 : index
    %get3A_2234 = arith.constant 0 : index
    %get3A_2235 = vector.load %arg17[%get3A_2232, %get3A_2233, %get3A_2234] : memref<16x192x256xf32, #tpu.memory_space<vmem>>, vector<1x192x256xf32>
    %get3A_2236 = vector.shape_cast %get3A_2235 : vector<1x192x256xf32> to vector<192x256xf32>
    %mul3A_2237 = vector.broadcast %slice3A_2231 : vector<1x256xf32> to vector<192x256xf32>
    %mul3A_2238 = arith.mulf %mul3A_2237, %get3A_2236 : vector<192x256xf32>
    %add3A_2239 = arith.addf %add3A_2230, %mul3A_2238 : vector<192x256xf32>
    %slice3A_2240 = vector.extract_strided_slice %transpose3A_866 {offsets = [148, 0], sizes = [1, 256], strides = [1, 1]} : vector<256x256xf32> to vector<1x256xf32>
    %get3A_2241 = arith.constant 4 : index
    %get3A_2242 = arith.constant 0 : index
    %get3A_2243 = arith.constant 0 : index
    %get3A_2244 = vector.load %arg17[%get3A_2241, %get3A_2242, %get3A_2243] : memref<16x192x256xf32, #tpu.memory_space<vmem>>, vector<1x192x256xf32>
    %get3A_2245 = vector.shape_cast %get3A_2244 : vector<1x192x256xf32> to vector<192x256xf32>
    %mul3A_2246 = vector.broadcast %slice3A_2240 : vector<1x256xf32> to vector<192x256xf32>
    %mul3A_2247 = arith.mulf %mul3A_2246, %get3A_2245 : vector<192x256xf32>
    %add3A_2248 = arith.addf %add3A_2239, %mul3A_2247 : vector<192x256xf32>
    %slice3A_2249 = vector.extract_strided_slice %transpose3A_866 {offsets = [149, 0], sizes = [1, 256], strides = [1, 1]} : vector<256x256xf32> to vector<1x256xf32>
    %get3A_2250 = arith.constant 5 : index
    %get3A_2251 = arith.constant 0 : index
    %get3A_2252 = arith.constant 0 : index
    %get3A_2253 = vector.load %arg17[%get3A_2250, %get3A_2251, %get3A_2252] : memref<16x192x256xf32, #tpu.memory_space<vmem>>, vector<1x192x256xf32>
    %get3A_2254 = vector.shape_cast %get3A_2253 : vector<1x192x256xf32> to vector<192x256xf32>
    %mul3A_2255 = vector.broadcast %slice3A_2249 : vector<1x256xf32> to vector<192x256xf32>
    %mul3A_2256 = arith.mulf %mul3A_2255, %get3A_2254 : vector<192x256xf32>
    %add3A_2257 = arith.addf %add3A_2248, %mul3A_2256 : vector<192x256xf32>
    %slice3A_2258 = vector.extract_strided_slice %transpose3A_866 {offsets = [150, 0], sizes = [1, 256], strides = [1, 1]} : vector<256x256xf32> to vector<1x256xf32>
    %get3A_2259 = arith.constant 6 : index
    %get3A_2260 = arith.constant 0 : index
    %get3A_2261 = arith.constant 0 : index
    %get3A_2262 = vector.load %arg17[%get3A_2259, %get3A_2260, %get3A_2261] : memref<16x192x256xf32, #tpu.memory_space<vmem>>, vector<1x192x256xf32>
    %get3A_2263 = vector.shape_cast %get3A_2262 : vector<1x192x256xf32> to vector<192x256xf32>
    %mul3A_2264 = vector.broadcast %slice3A_2258 : vector<1x256xf32> to vector<192x256xf32>
    %mul3A_2265 = arith.mulf %mul3A_2264, %get3A_2263 : vector<192x256xf32>
    %add3A_2266 = arith.addf %add3A_2257, %mul3A_2265 : vector<192x256xf32>
    %slice3A_2267 = vector.extract_strided_slice %transpose3A_866 {offsets = [151, 0], sizes = [1, 256], strides = [1, 1]} : vector<256x256xf32> to vector<1x256xf32>
    %get3A_2268 = arith.constant 7 : index
    %get3A_2269 = arith.constant 0 : index
    %get3A_2270 = arith.constant 0 : index
    %get3A_2271 = vector.load %arg17[%get3A_2268, %get3A_2269, %get3A_2270] : memref<16x192x256xf32, #tpu.memory_space<vmem>>, vector<1x192x256xf32>
    %get3A_2272 = vector.shape_cast %get3A_2271 : vector<1x192x256xf32> to vector<192x256xf32>
    %mul3A_2273 = vector.broadcast %slice3A_2267 : vector<1x256xf32> to vector<192x256xf32>
    %mul3A_2274 = arith.mulf %mul3A_2273, %get3A_2272 : vector<192x256xf32>
    %add3A_2275 = arith.addf %add3A_2266, %mul3A_2274 : vector<192x256xf32>
    %slice3A_2276 = vector.extract_strided_slice %transpose3A_866 {offsets = [152, 0], sizes = [1, 256], strides = [1, 1]} : vector<256x256xf32> to vector<1x256xf32>
    %get3A_2277 = arith.constant 8 : index
    %get3A_2278 = arith.constant 0 : index
    %get3A_2279 = arith.constant 0 : index
    %get3A_2280 = vector.load %arg17[%get3A_2277, %get3A_2278, %get3A_2279] : memref<16x192x256xf32, #tpu.memory_space<vmem>>, vector<1x192x256xf32>
    %get3A_2281 = vector.shape_cast %get3A_2280 : vector<1x192x256xf32> to vector<192x256xf32>
    %mul3A_2282 = vector.broadcast %slice3A_2276 : vector<1x256xf32> to vector<192x256xf32>
    %mul3A_2283 = arith.mulf %mul3A_2282, %get3A_2281 : vector<192x256xf32>
    %add3A_2284 = arith.addf %add3A_2275, %mul3A_2283 : vector<192x256xf32>
    %slice3A_2285 = vector.extract_strided_slice %transpose3A_866 {offsets = [153, 0], sizes = [1, 256], strides = [1, 1]} : vector<256x256xf32> to vector<1x256xf32>
    %get3A_2286 = arith.constant 9 : index
    %get3A_2287 = arith.constant 0 : index
    %get3A_2288 = arith.constant 0 : index
    %get3A_2289 = vector.load %arg17[%get3A_2286, %get3A_2287, %get3A_2288] : memref<16x192x256xf32, #tpu.memory_space<vmem>>, vector<1x192x256xf32>
    %get3A_2290 = vector.shape_cast %get3A_2289 : vector<1x192x256xf32> to vector<192x256xf32>
    %mul3A_2291 = vector.broadcast %slice3A_2285 : vector<1x256xf32> to vector<192x256xf32>
    %mul3A_2292 = arith.mulf %mul3A_2291, %get3A_2290 : vector<192x256xf32>
    %add3A_2293 = arith.addf %add3A_2284, %mul3A_2292 : vector<192x256xf32>
    %slice3A_2294 = vector.extract_strided_slice %transpose3A_866 {offsets = [154, 0], sizes = [1, 256], strides = [1, 1]} : vector<256x256xf32> to vector<1x256xf32>
    %get3A_2295 = arith.constant 10 : index
    %get3A_2296 = arith.constant 0 : index
    %get3A_2297 = arith.constant 0 : index
    %get3A_2298 = vector.load %arg17[%get3A_2295, %get3A_2296, %get3A_2297] : memref<16x192x256xf32, #tpu.memory_space<vmem>>, vector<1x192x256xf32>
    %get3A_2299 = vector.shape_cast %get3A_2298 : vector<1x192x256xf32> to vector<192x256xf32>
    %mul3A_2300 = vector.broadcast %slice3A_2294 : vector<1x256xf32> to vector<192x256xf32>
    %mul3A_2301 = arith.mulf %mul3A_2300, %get3A_2299 : vector<192x256xf32>
    %add3A_2302 = arith.addf %add3A_2293, %mul3A_2301 : vector<192x256xf32>
    %slice3A_2303 = vector.extract_strided_slice %transpose3A_866 {offsets = [155, 0], sizes = [1, 256], strides = [1, 1]} : vector<256x256xf32> to vector<1x256xf32>
    %get3A_2304 = arith.constant 11 : index
    %get3A_2305 = arith.constant 0 : index
    %get3A_2306 = arith.constant 0 : index
    %get3A_2307 = vector.load %arg17[%get3A_2304, %get3A_2305, %get3A_2306] : memref<16x192x256xf32, #tpu.memory_space<vmem>>, vector<1x192x256xf32>
    %get3A_2308 = vector.shape_cast %get3A_2307 : vector<1x192x256xf32> to vector<192x256xf32>
    %mul3A_2309 = vector.broadcast %slice3A_2303 : vector<1x256xf32> to vector<192x256xf32>
    %mul3A_2310 = arith.mulf %mul3A_2309, %get3A_2308 : vector<192x256xf32>
    %add3A_2311 = arith.addf %add3A_2302, %mul3A_2310 : vector<192x256xf32>
    %slice3A_2312 = vector.extract_strided_slice %transpose3A_866 {offsets = [156, 0], sizes = [1, 256], strides = [1, 1]} : vector<256x256xf32> to vector<1x256xf32>
    %get3A_2313 = arith.constant 12 : index
    %get3A_2314 = arith.constant 0 : index
    %get3A_2315 = arith.constant 0 : index
    %get3A_2316 = vector.load %arg17[%get3A_2313, %get3A_2314, %get3A_2315] : memref<16x192x256xf32, #tpu.memory_space<vmem>>, vector<1x192x256xf32>
    %get3A_2317 = vector.shape_cast %get3A_2316 : vector<1x192x256xf32> to vector<192x256xf32>
    %mul3A_2318 = vector.broadcast %slice3A_2312 : vector<1x256xf32> to vector<192x256xf32>
    %mul3A_2319 = arith.mulf %mul3A_2318, %get3A_2317 : vector<192x256xf32>
    %add3A_2320 = arith.addf %add3A_2311, %mul3A_2319 : vector<192x256xf32>
    %slice3A_2321 = vector.extract_strided_slice %transpose3A_866 {offsets = [157, 0], sizes = [1, 256], strides = [1, 1]} : vector<256x256xf32> to vector<1x256xf32>
    %get3A_2322 = arith.constant 13 : index
    %get3A_2323 = arith.constant 0 : index
    %get3A_2324 = arith.constant 0 : index
    %get3A_2325 = vector.load %arg17[%get3A_2322, %get3A_2323, %get3A_2324] : memref<16x192x256xf32, #tpu.memory_space<vmem>>, vector<1x192x256xf32>
    %get3A_2326 = vector.shape_cast %get3A_2325 : vector<1x192x256xf32> to vector<192x256xf32>
    %mul3A_2327 = vector.broadcast %slice3A_2321 : vector<1x256xf32> to vector<192x256xf32>
    %mul3A_2328 = arith.mulf %mul3A_2327, %get3A_2326 : vector<192x256xf32>
    %add3A_2329 = arith.addf %add3A_2320, %mul3A_2328 : vector<192x256xf32>
    %slice3A_2330 = vector.extract_strided_slice %transpose3A_866 {offsets = [158, 0], sizes = [1, 256], strides = [1, 1]} : vector<256x256xf32> to vector<1x256xf32>
    %get3A_2331 = arith.constant 14 : index
    %get3A_2332 = arith.constant 0 : index
    %get3A_2333 = arith.constant 0 : index
    %get3A_2334 = vector.load %arg17[%get3A_2331, %get3A_2332, %get3A_2333] : memref<16x192x256xf32, #tpu.memory_space<vmem>>, vector<1x192x256xf32>
    %get3A_2335 = vector.shape_cast %get3A_2334 : vector<1x192x256xf32> to vector<192x256xf32>
    %mul3A_2336 = vector.broadcast %slice3A_2330 : vector<1x256xf32> to vector<192x256xf32>
    %mul3A_2337 = arith.mulf %mul3A_2336, %get3A_2335 : vector<192x256xf32>
    %add3A_2338 = arith.addf %add3A_2329, %mul3A_2337 : vector<192x256xf32>
    %slice3A_2339 = vector.extract_strided_slice %transpose3A_866 {offsets = [159, 0], sizes = [1, 256], strides = [1, 1]} : vector<256x256xf32> to vector<1x256xf32>
    %get3A_2340 = arith.constant 15 : index
    %get3A_2341 = arith.constant 0 : index
    %get3A_2342 = arith.constant 0 : index
    %get3A_2343 = vector.load %arg17[%get3A_2340, %get3A_2341, %get3A_2342] : memref<16x192x256xf32, #tpu.memory_space<vmem>>, vector<1x192x256xf32>
    %get3A_2344 = vector.shape_cast %get3A_2343 : vector<1x192x256xf32> to vector<192x256xf32>
    %mul3A_2345 = vector.broadcast %slice3A_2339 : vector<1x256xf32> to vector<192x256xf32>
    %mul3A_2346 = arith.mulf %mul3A_2345, %get3A_2344 : vector<192x256xf32>
    %add3A_2347 = arith.addf %add3A_2338, %mul3A_2346 : vector<192x256xf32>
    %get3A_2348 = arith.constant 0 : index
    %get3A_2349 = arith.constant 1728 : index
    %get3A_2350 = vector.load %arg14[%get3A_2348, %get3A_2349] : memref<256x3072xf32, #tpu.memory_space<vmem>>, vector<256x192xf32>
    %dot_general3A_2351 = arith.constant dense<0.000000e+00> : vector<256x256xf32>
    %dot_general3A_2352 = tpu.matmul %get3A_2350, %add3A_2347, %dot_general3A_2351 {dimension_numbers = #tpu.dot_dimension_numbers<[1], [0], [0], [1], [0, 0, 1, 1], [], []>, transpose_lhs_hint = false} : vector<256x192xf32>, vector<192x256xf32>, vector<256x256xf32> -> vector<256x256xf32>
    %add3A_2353 = arith.addf %add3A_2204, %dot_general3A_2352 : vector<256x256xf32>
    %slice3A_2354 = vector.extract_strided_slice %transpose3A_866 {offsets = [160, 0], sizes = [1, 256], strides = [1, 1]} : vector<256x256xf32> to vector<1x256xf32>
    %get3A_2355 = arith.constant 0 : index
    %get3A_2356 = arith.constant 0 : index
    %get3A_2357 = arith.constant 0 : index
    %get3A_2358 = vector.load %arg17[%get3A_2355, %get3A_2356, %get3A_2357] : memref<16x192x256xf32, #tpu.memory_space<vmem>>, vector<1x192x256xf32>
    %get3A_2359 = vector.shape_cast %get3A_2358 : vector<1x192x256xf32> to vector<192x256xf32>
    %mul3A_2360 = vector.broadcast %slice3A_2354 : vector<1x256xf32> to vector<192x256xf32>
    %mul3A_2361 = arith.mulf %mul3A_2360, %get3A_2359 : vector<192x256xf32>
    %slice3A_2362 = vector.extract_strided_slice %transpose3A_866 {offsets = [161, 0], sizes = [1, 256], strides = [1, 1]} : vector<256x256xf32> to vector<1x256xf32>
    %get3A_2363 = arith.constant 1 : index
    %get3A_2364 = arith.constant 0 : index
    %get3A_2365 = arith.constant 0 : index
    %get3A_2366 = vector.load %arg17[%get3A_2363, %get3A_2364, %get3A_2365] : memref<16x192x256xf32, #tpu.memory_space<vmem>>, vector<1x192x256xf32>
    %get3A_2367 = vector.shape_cast %get3A_2366 : vector<1x192x256xf32> to vector<192x256xf32>
    %mul3A_2368 = vector.broadcast %slice3A_2362 : vector<1x256xf32> to vector<192x256xf32>
    %mul3A_2369 = arith.mulf %mul3A_2368, %get3A_2367 : vector<192x256xf32>
    %add3A_2370 = arith.addf %mul3A_2361, %mul3A_2369 : vector<192x256xf32>
    %slice3A_2371 = vector.extract_strided_slice %transpose3A_866 {offsets = [162, 0], sizes = [1, 256], strides = [1, 1]} : vector<256x256xf32> to vector<1x256xf32>
    %get3A_2372 = arith.constant 2 : index
    %get3A_2373 = arith.constant 0 : index
    %get3A_2374 = arith.constant 0 : index
    %get3A_2375 = vector.load %arg17[%get3A_2372, %get3A_2373, %get3A_2374] : memref<16x192x256xf32, #tpu.memory_space<vmem>>, vector<1x192x256xf32>
    %get3A_2376 = vector.shape_cast %get3A_2375 : vector<1x192x256xf32> to vector<192x256xf32>
    %mul3A_2377 = vector.broadcast %slice3A_2371 : vector<1x256xf32> to vector<192x256xf32>
    %mul3A_2378 = arith.mulf %mul3A_2377, %get3A_2376 : vector<192x256xf32>
    %add3A_2379 = arith.addf %add3A_2370, %mul3A_2378 : vector<192x256xf32>
    %slice3A_2380 = vector.extract_strided_slice %transpose3A_866 {offsets = [163, 0], sizes = [1, 256], strides = [1, 1]} : vector<256x256xf32> to vector<1x256xf32>
    %get3A_2381 = arith.constant 3 : index
    %get3A_2382 = arith.constant 0 : index
    %get3A_2383 = arith.constant 0 : index
    %get3A_2384 = vector.load %arg17[%get3A_2381, %get3A_2382, %get3A_2383] : memref<16x192x256xf32, #tpu.memory_space<vmem>>, vector<1x192x256xf32>
    %get3A_2385 = vector.shape_cast %get3A_2384 : vector<1x192x256xf32> to vector<192x256xf32>
    %mul3A_2386 = vector.broadcast %slice3A_2380 : vector<1x256xf32> to vector<192x256xf32>
    %mul3A_2387 = arith.mulf %mul3A_2386, %get3A_2385 : vector<192x256xf32>
    %add3A_2388 = arith.addf %add3A_2379, %mul3A_2387 : vector<192x256xf32>
    %slice3A_2389 = vector.extract_strided_slice %transpose3A_866 {offsets = [164, 0], sizes = [1, 256], strides = [1, 1]} : vector<256x256xf32> to vector<1x256xf32>
    %get3A_2390 = arith.constant 4 : index
    %get3A_2391 = arith.constant 0 : index
    %get3A_2392 = arith.constant 0 : index
    %get3A_2393 = vector.load %arg17[%get3A_2390, %get3A_2391, %get3A_2392] : memref<16x192x256xf32, #tpu.memory_space<vmem>>, vector<1x192x256xf32>
    %get3A_2394 = vector.shape_cast %get3A_2393 : vector<1x192x256xf32> to vector<192x256xf32>
    %mul3A_2395 = vector.broadcast %slice3A_2389 : vector<1x256xf32> to vector<192x256xf32>
    %mul3A_2396 = arith.mulf %mul3A_2395, %get3A_2394 : vector<192x256xf32>
    %add3A_2397 = arith.addf %add3A_2388, %mul3A_2396 : vector<192x256xf32>
    %slice3A_2398 = vector.extract_strided_slice %transpose3A_866 {offsets = [165, 0], sizes = [1, 256], strides = [1, 1]} : vector<256x256xf32> to vector<1x256xf32>
    %get3A_2399 = arith.constant 5 : index
    %get3A_2400 = arith.constant 0 : index
    %get3A_2401 = arith.constant 0 : index
    %get3A_2402 = vector.load %arg17[%get3A_2399, %get3A_2400, %get3A_2401] : memref<16x192x256xf32, #tpu.memory_space<vmem>>, vector<1x192x256xf32>
    %get3A_2403 = vector.shape_cast %get3A_2402 : vector<1x192x256xf32> to vector<192x256xf32>
    %mul3A_2404 = vector.broadcast %slice3A_2398 : vector<1x256xf32> to vector<192x256xf32>
    %mul3A_2405 = arith.mulf %mul3A_2404, %get3A_2403 : vector<192x256xf32>
    %add3A_2406 = arith.addf %add3A_2397, %mul3A_2405 : vector<192x256xf32>
    %slice3A_2407 = vector.extract_strided_slice %transpose3A_866 {offsets = [166, 0], sizes = [1, 256], strides = [1, 1]} : vector<256x256xf32> to vector<1x256xf32>
    %get3A_2408 = arith.constant 6 : index
    %get3A_2409 = arith.constant 0 : index
    %get3A_2410 = arith.constant 0 : index
    %get3A_2411 = vector.load %arg17[%get3A_2408, %get3A_2409, %get3A_2410] : memref<16x192x256xf32, #tpu.memory_space<vmem>>, vector<1x192x256xf32>
    %get3A_2412 = vector.shape_cast %get3A_2411 : vector<1x192x256xf32> to vector<192x256xf32>
    %mul3A_2413 = vector.broadcast %slice3A_2407 : vector<1x256xf32> to vector<192x256xf32>
    %mul3A_2414 = arith.mulf %mul3A_2413, %get3A_2412 : vector<192x256xf32>
    %add3A_2415 = arith.addf %add3A_2406, %mul3A_2414 : vector<192x256xf32>
    %slice3A_2416 = vector.extract_strided_slice %transpose3A_866 {offsets = [167, 0], sizes = [1, 256], strides = [1, 1]} : vector<256x256xf32> to vector<1x256xf32>
    %get3A_2417 = arith.constant 7 : index
    %get3A_2418 = arith.constant 0 : index
    %get3A_2419 = arith.constant 0 : index
    %get3A_2420 = vector.load %arg17[%get3A_2417, %get3A_2418, %get3A_2419] : memref<16x192x256xf32, #tpu.memory_space<vmem>>, vector<1x192x256xf32>
    %get3A_2421 = vector.shape_cast %get3A_2420 : vector<1x192x256xf32> to vector<192x256xf32>
    %mul3A_2422 = vector.broadcast %slice3A_2416 : vector<1x256xf32> to vector<192x256xf32>
    %mul3A_2423 = arith.mulf %mul3A_2422, %get3A_2421 : vector<192x256xf32>
    %add3A_2424 = arith.addf %add3A_2415, %mul3A_2423 : vector<192x256xf32>
    %slice3A_2425 = vector.extract_strided_slice %transpose3A_866 {offsets = [168, 0], sizes = [1, 256], strides = [1, 1]} : vector<256x256xf32> to vector<1x256xf32>
    %get3A_2426 = arith.constant 8 : index
    %get3A_2427 = arith.constant 0 : index
    %get3A_2428 = arith.constant 0 : index
    %get3A_2429 = vector.load %arg17[%get3A_2426, %get3A_2427, %get3A_2428] : memref<16x192x256xf32, #tpu.memory_space<vmem>>, vector<1x192x256xf32>
    %get3A_2430 = vector.shape_cast %get3A_2429 : vector<1x192x256xf32> to vector<192x256xf32>
    %mul3A_2431 = vector.broadcast %slice3A_2425 : vector<1x256xf32> to vector<192x256xf32>
    %mul3A_2432 = arith.mulf %mul3A_2431, %get3A_2430 : vector<192x256xf32>
    %add3A_2433 = arith.addf %add3A_2424, %mul3A_2432 : vector<192x256xf32>
    %slice3A_2434 = vector.extract_strided_slice %transpose3A_866 {offsets = [169, 0], sizes = [1, 256], strides = [1, 1]} : vector<256x256xf32> to vector<1x256xf32>
    %get3A_2435 = arith.constant 9 : index
    %get3A_2436 = arith.constant 0 : index
    %get3A_2437 = arith.constant 0 : index
    %get3A_2438 = vector.load %arg17[%get3A_2435, %get3A_2436, %get3A_2437] : memref<16x192x256xf32, #tpu.memory_space<vmem>>, vector<1x192x256xf32>
    %get3A_2439 = vector.shape_cast %get3A_2438 : vector<1x192x256xf32> to vector<192x256xf32>
    %mul3A_2440 = vector.broadcast %slice3A_2434 : vector<1x256xf32> to vector<192x256xf32>
    %mul3A_2441 = arith.mulf %mul3A_2440, %get3A_2439 : vector<192x256xf32>
    %add3A_2442 = arith.addf %add3A_2433, %mul3A_2441 : vector<192x256xf32>
    %slice3A_2443 = vector.extract_strided_slice %transpose3A_866 {offsets = [170, 0], sizes = [1, 256], strides = [1, 1]} : vector<256x256xf32> to vector<1x256xf32>
    %get3A_2444 = arith.constant 10 : index
    %get3A_2445 = arith.constant 0 : index
    %get3A_2446 = arith.constant 0 : index
    %get3A_2447 = vector.load %arg17[%get3A_2444, %get3A_2445, %get3A_2446] : memref<16x192x256xf32, #tpu.memory_space<vmem>>, vector<1x192x256xf32>
    %get3A_2448 = vector.shape_cast %get3A_2447 : vector<1x192x256xf32> to vector<192x256xf32>
    %mul3A_2449 = vector.broadcast %slice3A_2443 : vector<1x256xf32> to vector<192x256xf32>
    %mul3A_2450 = arith.mulf %mul3A_2449, %get3A_2448 : vector<192x256xf32>
    %add3A_2451 = arith.addf %add3A_2442, %mul3A_2450 : vector<192x256xf32>
    %slice3A_2452 = vector.extract_strided_slice %transpose3A_866 {offsets = [171, 0], sizes = [1, 256], strides = [1, 1]} : vector<256x256xf32> to vector<1x256xf32>
    %get3A_2453 = arith.constant 11 : index
    %get3A_2454 = arith.constant 0 : index
    %get3A_2455 = arith.constant 0 : index
    %get3A_2456 = vector.load %arg17[%get3A_2453, %get3A_2454, %get3A_2455] : memref<16x192x256xf32, #tpu.memory_space<vmem>>, vector<1x192x256xf32>
    %get3A_2457 = vector.shape_cast %get3A_2456 : vector<1x192x256xf32> to vector<192x256xf32>
    %mul3A_2458 = vector.broadcast %slice3A_2452 : vector<1x256xf32> to vector<192x256xf32>
    %mul3A_2459 = arith.mulf %mul3A_2458, %get3A_2457 : vector<192x256xf32>
    %add3A_2460 = arith.addf %add3A_2451, %mul3A_2459 : vector<192x256xf32>
    %slice3A_2461 = vector.extract_strided_slice %transpose3A_866 {offsets = [172, 0], sizes = [1, 256], strides = [1, 1]} : vector<256x256xf32> to vector<1x256xf32>
    %get3A_2462 = arith.constant 12 : index
    %get3A_2463 = arith.constant 0 : index
    %get3A_2464 = arith.constant 0 : index
    %get3A_2465 = vector.load %arg17[%get3A_2462, %get3A_2463, %get3A_2464] : memref<16x192x256xf32, #tpu.memory_space<vmem>>, vector<1x192x256xf32>
    %get3A_2466 = vector.shape_cast %get3A_2465 : vector<1x192x256xf32> to vector<192x256xf32>
    %mul3A_2467 = vector.broadcast %slice3A_2461 : vector<1x256xf32> to vector<192x256xf32>
    %mul3A_2468 = arith.mulf %mul3A_2467, %get3A_2466 : vector<192x256xf32>
    %add3A_2469 = arith.addf %add3A_2460, %mul3A_2468 : vector<192x256xf32>
    %slice3A_2470 = vector.extract_strided_slice %transpose3A_866 {offsets = [173, 0], sizes = [1, 256], strides = [1, 1]} : vector<256x256xf32> to vector<1x256xf32>
    %get3A_2471 = arith.constant 13 : index
    %get3A_2472 = arith.constant 0 : index
    %get3A_2473 = arith.constant 0 : index
    %get3A_2474 = vector.load %arg17[%get3A_2471, %get3A_2472, %get3A_2473] : memref<16x192x256xf32, #tpu.memory_space<vmem>>, vector<1x192x256xf32>
    %get3A_2475 = vector.shape_cast %get3A_2474 : vector<1x192x256xf32> to vector<192x256xf32>
    %mul3A_2476 = vector.broadcast %slice3A_2470 : vector<1x256xf32> to vector<192x256xf32>
    %mul3A_2477 = arith.mulf %mul3A_2476, %get3A_2475 : vector<192x256xf32>
    %add3A_2478 = arith.addf %add3A_2469, %mul3A_2477 : vector<192x256xf32>
    %slice3A_2479 = vector.extract_strided_slice %transpose3A_866 {offsets = [174, 0], sizes = [1, 256], strides = [1, 1]} : vector<256x256xf32> to vector<1x256xf32>
    %get3A_2480 = arith.constant 14 : index
    %get3A_2481 = arith.constant 0 : index
    %get3A_2482 = arith.constant 0 : index
    %get3A_2483 = vector.load %arg17[%get3A_2480, %get3A_2481, %get3A_2482] : memref<16x192x256xf32, #tpu.memory_space<vmem>>, vector<1x192x256xf32>
    %get3A_2484 = vector.shape_cast %get3A_2483 : vector<1x192x256xf32> to vector<192x256xf32>
    %mul3A_2485 = vector.broadcast %slice3A_2479 : vector<1x256xf32> to vector<192x256xf32>
    %mul3A_2486 = arith.mulf %mul3A_2485, %get3A_2484 : vector<192x256xf32>
    %add3A_2487 = arith.addf %add3A_2478, %mul3A_2486 : vector<192x256xf32>
    %slice3A_2488 = vector.extract_strided_slice %transpose3A_866 {offsets = [175, 0], sizes = [1, 256], strides = [1, 1]} : vector<256x256xf32> to vector<1x256xf32>
    %get3A_2489 = arith.constant 15 : index
    %get3A_2490 = arith.constant 0 : index
    %get3A_2491 = arith.constant 0 : index
    %get3A_2492 = vector.load %arg17[%get3A_2489, %get3A_2490, %get3A_2491] : memref<16x192x256xf32, #tpu.memory_space<vmem>>, vector<1x192x256xf32>
    %get3A_2493 = vector.shape_cast %get3A_2492 : vector<1x192x256xf32> to vector<192x256xf32>
    %mul3A_2494 = vector.broadcast %slice3A_2488 : vector<1x256xf32> to vector<192x256xf32>
    %mul3A_2495 = arith.mulf %mul3A_2494, %get3A_2493 : vector<192x256xf32>
    %add3A_2496 = arith.addf %add3A_2487, %mul3A_2495 : vector<192x256xf32>
    %get3A_2497 = arith.constant 0 : index
    %get3A_2498 = arith.constant 1920 : index
    %get3A_2499 = vector.load %arg14[%get3A_2497, %get3A_2498] : memref<256x3072xf32, #tpu.memory_space<vmem>>, vector<256x192xf32>
    %dot_general3A_2500 = arith.constant dense<0.000000e+00> : vector<256x256xf32>
    %dot_general3A_2501 = tpu.matmul %get3A_2499, %add3A_2496, %dot_general3A_2500 {dimension_numbers = #tpu.dot_dimension_numbers<[1], [0], [0], [1], [0, 0, 1, 1], [], []>, transpose_lhs_hint = false} : vector<256x192xf32>, vector<192x256xf32>, vector<256x256xf32> -> vector<256x256xf32>
    %add3A_2502 = arith.addf %add3A_2353, %dot_general3A_2501 : vector<256x256xf32>
    %slice3A_2503 = vector.extract_strided_slice %transpose3A_866 {offsets = [176, 0], sizes = [1, 256], strides = [1, 1]} : vector<256x256xf32> to vector<1x256xf32>
    %get3A_2504 = arith.constant 0 : index
    %get3A_2505 = arith.constant 0 : index
    %get3A_2506 = arith.constant 0 : index
    %get3A_2507 = vector.load %arg17[%get3A_2504, %get3A_2505, %get3A_2506] : memref<16x192x256xf32, #tpu.memory_space<vmem>>, vector<1x192x256xf32>
    %get3A_2508 = vector.shape_cast %get3A_2507 : vector<1x192x256xf32> to vector<192x256xf32>
    %mul3A_2509 = vector.broadcast %slice3A_2503 : vector<1x256xf32> to vector<192x256xf32>
    %mul3A_2510 = arith.mulf %mul3A_2509, %get3A_2508 : vector<192x256xf32>
    %slice3A_2511 = vector.extract_strided_slice %transpose3A_866 {offsets = [177, 0], sizes = [1, 256], strides = [1, 1]} : vector<256x256xf32> to vector<1x256xf32>
    %get3A_2512 = arith.constant 1 : index
    %get3A_2513 = arith.constant 0 : index
    %get3A_2514 = arith.constant 0 : index
    %get3A_2515 = vector.load %arg17[%get3A_2512, %get3A_2513, %get3A_2514] : memref<16x192x256xf32, #tpu.memory_space<vmem>>, vector<1x192x256xf32>
    %get3A_2516 = vector.shape_cast %get3A_2515 : vector<1x192x256xf32> to vector<192x256xf32>
    %mul3A_2517 = vector.broadcast %slice3A_2511 : vector<1x256xf32> to vector<192x256xf32>
    %mul3A_2518 = arith.mulf %mul3A_2517, %get3A_2516 : vector<192x256xf32>
    %add3A_2519 = arith.addf %mul3A_2510, %mul3A_2518 : vector<192x256xf32>
    %slice3A_2520 = vector.extract_strided_slice %transpose3A_866 {offsets = [178, 0], sizes = [1, 256], strides = [1, 1]} : vector<256x256xf32> to vector<1x256xf32>
    %get3A_2521 = arith.constant 2 : index
    %get3A_2522 = arith.constant 0 : index
    %get3A_2523 = arith.constant 0 : index
    %get3A_2524 = vector.load %arg17[%get3A_2521, %get3A_2522, %get3A_2523] : memref<16x192x256xf32, #tpu.memory_space<vmem>>, vector<1x192x256xf32>
    %get3A_2525 = vector.shape_cast %get3A_2524 : vector<1x192x256xf32> to vector<192x256xf32>
    %mul3A_2526 = vector.broadcast %slice3A_2520 : vector<1x256xf32> to vector<192x256xf32>
    %mul3A_2527 = arith.mulf %mul3A_2526, %get3A_2525 : vector<192x256xf32>
    %add3A_2528 = arith.addf %add3A_2519, %mul3A_2527 : vector<192x256xf32>
    %slice3A_2529 = vector.extract_strided_slice %transpose3A_866 {offsets = [179, 0], sizes = [1, 256], strides = [1, 1]} : vector<256x256xf32> to vector<1x256xf32>
    %get3A_2530 = arith.constant 3 : index
    %get3A_2531 = arith.constant 0 : index
    %get3A_2532 = arith.constant 0 : index
    %get3A_2533 = vector.load %arg17[%get3A_2530, %get3A_2531, %get3A_2532] : memref<16x192x256xf32, #tpu.memory_space<vmem>>, vector<1x192x256xf32>
    %get3A_2534 = vector.shape_cast %get3A_2533 : vector<1x192x256xf32> to vector<192x256xf32>
    %mul3A_2535 = vector.broadcast %slice3A_2529 : vector<1x256xf32> to vector<192x256xf32>
    %mul3A_2536 = arith.mulf %mul3A_2535, %get3A_2534 : vector<192x256xf32>
    %add3A_2537 = arith.addf %add3A_2528, %mul3A_2536 : vector<192x256xf32>
    %slice3A_2538 = vector.extract_strided_slice %transpose3A_866 {offsets = [180, 0], sizes = [1, 256], strides = [1, 1]} : vector<256x256xf32> to vector<1x256xf32>
    %get3A_2539 = arith.constant 4 : index
    %get3A_2540 = arith.constant 0 : index
    %get3A_2541 = arith.constant 0 : index
    %get3A_2542 = vector.load %arg17[%get3A_2539, %get3A_2540, %get3A_2541] : memref<16x192x256xf32, #tpu.memory_space<vmem>>, vector<1x192x256xf32>
    %get3A_2543 = vector.shape_cast %get3A_2542 : vector<1x192x256xf32> to vector<192x256xf32>
    %mul3A_2544 = vector.broadcast %slice3A_2538 : vector<1x256xf32> to vector<192x256xf32>
    %mul3A_2545 = arith.mulf %mul3A_2544, %get3A_2543 : vector<192x256xf32>
    %add3A_2546 = arith.addf %add3A_2537, %mul3A_2545 : vector<192x256xf32>
    %slice3A_2547 = vector.extract_strided_slice %transpose3A_866 {offsets = [181, 0], sizes = [1, 256], strides = [1, 1]} : vector<256x256xf32> to vector<1x256xf32>
    %get3A_2548 = arith.constant 5 : index
    %get3A_2549 = arith.constant 0 : index
    %get3A_2550 = arith.constant 0 : index
    %get3A_2551 = vector.load %arg17[%get3A_2548, %get3A_2549, %get3A_2550] : memref<16x192x256xf32, #tpu.memory_space<vmem>>, vector<1x192x256xf32>
    %get3A_2552 = vector.shape_cast %get3A_2551 : vector<1x192x256xf32> to vector<192x256xf32>
    %mul3A_2553 = vector.broadcast %slice3A_2547 : vector<1x256xf32> to vector<192x256xf32>
    %mul3A_2554 = arith.mulf %mul3A_2553, %get3A_2552 : vector<192x256xf32>
    %add3A_2555 = arith.addf %add3A_2546, %mul3A_2554 : vector<192x256xf32>
    %slice3A_2556 = vector.extract_strided_slice %transpose3A_866 {offsets = [182, 0], sizes = [1, 256], strides = [1, 1]} : vector<256x256xf32> to vector<1x256xf32>
    %get3A_2557 = arith.constant 6 : index
    %get3A_2558 = arith.constant 0 : index
    %get3A_2559 = arith.constant 0 : index
    %get3A_2560 = vector.load %arg17[%get3A_2557, %get3A_2558, %get3A_2559] : memref<16x192x256xf32, #tpu.memory_space<vmem>>, vector<1x192x256xf32>
    %get3A_2561 = vector.shape_cast %get3A_2560 : vector<1x192x256xf32> to vector<192x256xf32>
    %mul3A_2562 = vector.broadcast %slice3A_2556 : vector<1x256xf32> to vector<192x256xf32>
    %mul3A_2563 = arith.mulf %mul3A_2562, %get3A_2561 : vector<192x256xf32>
    %add3A_2564 = arith.addf %add3A_2555, %mul3A_2563 : vector<192x256xf32>
    %slice3A_2565 = vector.extract_strided_slice %transpose3A_866 {offsets = [183, 0], sizes = [1, 256], strides = [1, 1]} : vector<256x256xf32> to vector<1x256xf32>
    %get3A_2566 = arith.constant 7 : index
    %get3A_2567 = arith.constant 0 : index
    %get3A_2568 = arith.constant 0 : index
    %get3A_2569 = vector.load %arg17[%get3A_2566, %get3A_2567, %get3A_2568] : memref<16x192x256xf32, #tpu.memory_space<vmem>>, vector<1x192x256xf32>
    %get3A_2570 = vector.shape_cast %get3A_2569 : vector<1x192x256xf32> to vector<192x256xf32>
    %mul3A_2571 = vector.broadcast %slice3A_2565 : vector<1x256xf32> to vector<192x256xf32>
    %mul3A_2572 = arith.mulf %mul3A_2571, %get3A_2570 : vector<192x256xf32>
    %add3A_2573 = arith.addf %add3A_2564, %mul3A_2572 : vector<192x256xf32>
    %slice3A_2574 = vector.extract_strided_slice %transpose3A_866 {offsets = [184, 0], sizes = [1, 256], strides = [1, 1]} : vector<256x256xf32> to vector<1x256xf32>
    %get3A_2575 = arith.constant 8 : index
    %get3A_2576 = arith.constant 0 : index
    %get3A_2577 = arith.constant 0 : index
    %get3A_2578 = vector.load %arg17[%get3A_2575, %get3A_2576, %get3A_2577] : memref<16x192x256xf32, #tpu.memory_space<vmem>>, vector<1x192x256xf32>
    %get3A_2579 = vector.shape_cast %get3A_2578 : vector<1x192x256xf32> to vector<192x256xf32>
    %mul3A_2580 = vector.broadcast %slice3A_2574 : vector<1x256xf32> to vector<192x256xf32>
    %mul3A_2581 = arith.mulf %mul3A_2580, %get3A_2579 : vector<192x256xf32>
    %add3A_2582 = arith.addf %add3A_2573, %mul3A_2581 : vector<192x256xf32>
    %slice3A_2583 = vector.extract_strided_slice %transpose3A_866 {offsets = [185, 0], sizes = [1, 256], strides = [1, 1]} : vector<256x256xf32> to vector<1x256xf32>
    %get3A_2584 = arith.constant 9 : index
    %get3A_2585 = arith.constant 0 : index
    %get3A_2586 = arith.constant 0 : index
    %get3A_2587 = vector.load %arg17[%get3A_2584, %get3A_2585, %get3A_2586] : memref<16x192x256xf32, #tpu.memory_space<vmem>>, vector<1x192x256xf32>
    %get3A_2588 = vector.shape_cast %get3A_2587 : vector<1x192x256xf32> to vector<192x256xf32>
    %mul3A_2589 = vector.broadcast %slice3A_2583 : vector<1x256xf32> to vector<192x256xf32>
    %mul3A_2590 = arith.mulf %mul3A_2589, %get3A_2588 : vector<192x256xf32>
    %add3A_2591 = arith.addf %add3A_2582, %mul3A_2590 : vector<192x256xf32>
    %slice3A_2592 = vector.extract_strided_slice %transpose3A_866 {offsets = [186, 0], sizes = [1, 256], strides = [1, 1]} : vector<256x256xf32> to vector<1x256xf32>
    %get3A_2593 = arith.constant 10 : index
    %get3A_2594 = arith.constant 0 : index
    %get3A_2595 = arith.constant 0 : index
    %get3A_2596 = vector.load %arg17[%get3A_2593, %get3A_2594, %get3A_2595] : memref<16x192x256xf32, #tpu.memory_space<vmem>>, vector<1x192x256xf32>
    %get3A_2597 = vector.shape_cast %get3A_2596 : vector<1x192x256xf32> to vector<192x256xf32>
    %mul3A_2598 = vector.broadcast %slice3A_2592 : vector<1x256xf32> to vector<192x256xf32>
    %mul3A_2599 = arith.mulf %mul3A_2598, %get3A_2597 : vector<192x256xf32>
    %add3A_2600 = arith.addf %add3A_2591, %mul3A_2599 : vector<192x256xf32>
    %slice3A_2601 = vector.extract_strided_slice %transpose3A_866 {offsets = [187, 0], sizes = [1, 256], strides = [1, 1]} : vector<256x256xf32> to vector<1x256xf32>
    %get3A_2602 = arith.constant 11 : index
    %get3A_2603 = arith.constant 0 : index
    %get3A_2604 = arith.constant 0 : index
    %get3A_2605 = vector.load %arg17[%get3A_2602, %get3A_2603, %get3A_2604] : memref<16x192x256xf32, #tpu.memory_space<vmem>>, vector<1x192x256xf32>
    %get3A_2606 = vector.shape_cast %get3A_2605 : vector<1x192x256xf32> to vector<192x256xf32>
    %mul3A_2607 = vector.broadcast %slice3A_2601 : vector<1x256xf32> to vector<192x256xf32>
    %mul3A_2608 = arith.mulf %mul3A_2607, %get3A_2606 : vector<192x256xf32>
    %add3A_2609 = arith.addf %add3A_2600, %mul3A_2608 : vector<192x256xf32>
    %slice3A_2610 = vector.extract_strided_slice %transpose3A_866 {offsets = [188, 0], sizes = [1, 256], strides = [1, 1]} : vector<256x256xf32> to vector<1x256xf32>
    %get3A_2611 = arith.constant 12 : index
    %get3A_2612 = arith.constant 0 : index
    %get3A_2613 = arith.constant 0 : index
    %get3A_2614 = vector.load %arg17[%get3A_2611, %get3A_2612, %get3A_2613] : memref<16x192x256xf32, #tpu.memory_space<vmem>>, vector<1x192x256xf32>
    %get3A_2615 = vector.shape_cast %get3A_2614 : vector<1x192x256xf32> to vector<192x256xf32>
    %mul3A_2616 = vector.broadcast %slice3A_2610 : vector<1x256xf32> to vector<192x256xf32>
    %mul3A_2617 = arith.mulf %mul3A_2616, %get3A_2615 : vector<192x256xf32>
    %add3A_2618 = arith.addf %add3A_2609, %mul3A_2617 : vector<192x256xf32>
    %slice3A_2619 = vector.extract_strided_slice %transpose3A_866 {offsets = [189, 0], sizes = [1, 256], strides = [1, 1]} : vector<256x256xf32> to vector<1x256xf32>
    %get3A_2620 = arith.constant 13 : index
    %get3A_2621 = arith.constant 0 : index
    %get3A_2622 = arith.constant 0 : index
    %get3A_2623 = vector.load %arg17[%get3A_2620, %get3A_2621, %get3A_2622] : memref<16x192x256xf32, #tpu.memory_space<vmem>>, vector<1x192x256xf32>
    %get3A_2624 = vector.shape_cast %get3A_2623 : vector<1x192x256xf32> to vector<192x256xf32>
    %mul3A_2625 = vector.broadcast %slice3A_2619 : vector<1x256xf32> to vector<192x256xf32>
    %mul3A_2626 = arith.mulf %mul3A_2625, %get3A_2624 : vector<192x256xf32>
    %add3A_2627 = arith.addf %add3A_2618, %mul3A_2626 : vector<192x256xf32>
    %slice3A_2628 = vector.extract_strided_slice %transpose3A_866 {offsets = [190, 0], sizes = [1, 256], strides = [1, 1]} : vector<256x256xf32> to vector<1x256xf32>
    %get3A_2629 = arith.constant 14 : index
    %get3A_2630 = arith.constant 0 : index
    %get3A_2631 = arith.constant 0 : index
    %get3A_2632 = vector.load %arg17[%get3A_2629, %get3A_2630, %get3A_2631] : memref<16x192x256xf32, #tpu.memory_space<vmem>>, vector<1x192x256xf32>
    %get3A_2633 = vector.shape_cast %get3A_2632 : vector<1x192x256xf32> to vector<192x256xf32>
    %mul3A_2634 = vector.broadcast %slice3A_2628 : vector<1x256xf32> to vector<192x256xf32>
    %mul3A_2635 = arith.mulf %mul3A_2634, %get3A_2633 : vector<192x256xf32>
    %add3A_2636 = arith.addf %add3A_2627, %mul3A_2635 : vector<192x256xf32>
    %slice3A_2637 = vector.extract_strided_slice %transpose3A_866 {offsets = [191, 0], sizes = [1, 256], strides = [1, 1]} : vector<256x256xf32> to vector<1x256xf32>
    %get3A_2638 = arith.constant 15 : index
    %get3A_2639 = arith.constant 0 : index
    %get3A_2640 = arith.constant 0 : index
    %get3A_2641 = vector.load %arg17[%get3A_2638, %get3A_2639, %get3A_2640] : memref<16x192x256xf32, #tpu.memory_space<vmem>>, vector<1x192x256xf32>
    %get3A_2642 = vector.shape_cast %get3A_2641 : vector<1x192x256xf32> to vector<192x256xf32>
    %mul3A_2643 = vector.broadcast %slice3A_2637 : vector<1x256xf32> to vector<192x256xf32>
    %mul3A_2644 = arith.mulf %mul3A_2643, %get3A_2642 : vector<192x256xf32>
    %add3A_2645 = arith.addf %add3A_2636, %mul3A_2644 : vector<192x256xf32>
    %get3A_2646 = arith.constant 0 : index
    %get3A_2647 = arith.constant 2112 : index
    %get3A_2648 = vector.load %arg14[%get3A_2646, %get3A_2647] : memref<256x3072xf32, #tpu.memory_space<vmem>>, vector<256x192xf32>
    %dot_general3A_2649 = arith.constant dense<0.000000e+00> : vector<256x256xf32>
    %dot_general3A_2650 = tpu.matmul %get3A_2648, %add3A_2645, %dot_general3A_2649 {dimension_numbers = #tpu.dot_dimension_numbers<[1], [0], [0], [1], [0, 0, 1, 1], [], []>, transpose_lhs_hint = false} : vector<256x192xf32>, vector<192x256xf32>, vector<256x256xf32> -> vector<256x256xf32>
    %add3A_2651 = arith.addf %add3A_2502, %dot_general3A_2650 : vector<256x256xf32>
    %slice3A_2652 = vector.extract_strided_slice %transpose3A_866 {offsets = [192, 0], sizes = [1, 256], strides = [1, 1]} : vector<256x256xf32> to vector<1x256xf32>
    %get3A_2653 = arith.constant 0 : index
    %get3A_2654 = arith.constant 0 : index
    %get3A_2655 = arith.constant 0 : index
    %get3A_2656 = vector.load %arg17[%get3A_2653, %get3A_2654, %get3A_2655] : memref<16x192x256xf32, #tpu.memory_space<vmem>>, vector<1x192x256xf32>
    %get3A_2657 = vector.shape_cast %get3A_2656 : vector<1x192x256xf32> to vector<192x256xf32>
    %mul3A_2658 = vector.broadcast %slice3A_2652 : vector<1x256xf32> to vector<192x256xf32>
    %mul3A_2659 = arith.mulf %mul3A_2658, %get3A_2657 : vector<192x256xf32>
    %slice3A_2660 = vector.extract_strided_slice %transpose3A_866 {offsets = [193, 0], sizes = [1, 256], strides = [1, 1]} : vector<256x256xf32> to vector<1x256xf32>
    %get3A_2661 = arith.constant 1 : index
    %get3A_2662 = arith.constant 0 : index
    %get3A_2663 = arith.constant 0 : index
    %get3A_2664 = vector.load %arg17[%get3A_2661, %get3A_2662, %get3A_2663] : memref<16x192x256xf32, #tpu.memory_space<vmem>>, vector<1x192x256xf32>
    %get3A_2665 = vector.shape_cast %get3A_2664 : vector<1x192x256xf32> to vector<192x256xf32>
    %mul3A_2666 = vector.broadcast %slice3A_2660 : vector<1x256xf32> to vector<192x256xf32>
    %mul3A_2667 = arith.mulf %mul3A_2666, %get3A_2665 : vector<192x256xf32>
    %add3A_2668 = arith.addf %mul3A_2659, %mul3A_2667 : vector<192x256xf32>
    %slice3A_2669 = vector.extract_strided_slice %transpose3A_866 {offsets = [194, 0], sizes = [1, 256], strides = [1, 1]} : vector<256x256xf32> to vector<1x256xf32>
    %get3A_2670 = arith.constant 2 : index
    %get3A_2671 = arith.constant 0 : index
    %get3A_2672 = arith.constant 0 : index
    %get3A_2673 = vector.load %arg17[%get3A_2670, %get3A_2671, %get3A_2672] : memref<16x192x256xf32, #tpu.memory_space<vmem>>, vector<1x192x256xf32>
    %get3A_2674 = vector.shape_cast %get3A_2673 : vector<1x192x256xf32> to vector<192x256xf32>
    %mul3A_2675 = vector.broadcast %slice3A_2669 : vector<1x256xf32> to vector<192x256xf32>
    %mul3A_2676 = arith.mulf %mul3A_2675, %get3A_2674 : vector<192x256xf32>
    %add3A_2677 = arith.addf %add3A_2668, %mul3A_2676 : vector<192x256xf32>
    %slice3A_2678 = vector.extract_strided_slice %transpose3A_866 {offsets = [195, 0], sizes = [1, 256], strides = [1, 1]} : vector<256x256xf32> to vector<1x256xf32>
    %get3A_2679 = arith.constant 3 : index
    %get3A_2680 = arith.constant 0 : index
    %get3A_2681 = arith.constant 0 : index
    %get3A_2682 = vector.load %arg17[%get3A_2679, %get3A_2680, %get3A_2681] : memref<16x192x256xf32, #tpu.memory_space<vmem>>, vector<1x192x256xf32>
    %get3A_2683 = vector.shape_cast %get3A_2682 : vector<1x192x256xf32> to vector<192x256xf32>
    %mul3A_2684 = vector.broadcast %slice3A_2678 : vector<1x256xf32> to vector<192x256xf32>
    %mul3A_2685 = arith.mulf %mul3A_2684, %get3A_2683 : vector<192x256xf32>
    %add3A_2686 = arith.addf %add3A_2677, %mul3A_2685 : vector<192x256xf32>
    %slice3A_2687 = vector.extract_strided_slice %transpose3A_866 {offsets = [196, 0], sizes = [1, 256], strides = [1, 1]} : vector<256x256xf32> to vector<1x256xf32>
    %get3A_2688 = arith.constant 4 : index
    %get3A_2689 = arith.constant 0 : index
    %get3A_2690 = arith.constant 0 : index
    %get3A_2691 = vector.load %arg17[%get3A_2688, %get3A_2689, %get3A_2690] : memref<16x192x256xf32, #tpu.memory_space<vmem>>, vector<1x192x256xf32>
    %get3A_2692 = vector.shape_cast %get3A_2691 : vector<1x192x256xf32> to vector<192x256xf32>
    %mul3A_2693 = vector.broadcast %slice3A_2687 : vector<1x256xf32> to vector<192x256xf32>
    %mul3A_2694 = arith.mulf %mul3A_2693, %get3A_2692 : vector<192x256xf32>
    %add3A_2695 = arith.addf %add3A_2686, %mul3A_2694 : vector<192x256xf32>
    %slice3A_2696 = vector.extract_strided_slice %transpose3A_866 {offsets = [197, 0], sizes = [1, 256], strides = [1, 1]} : vector<256x256xf32> to vector<1x256xf32>
    %get3A_2697 = arith.constant 5 : index
    %get3A_2698 = arith.constant 0 : index
    %get3A_2699 = arith.constant 0 : index
    %get3A_2700 = vector.load %arg17[%get3A_2697, %get3A_2698, %get3A_2699] : memref<16x192x256xf32, #tpu.memory_space<vmem>>, vector<1x192x256xf32>
    %get3A_2701 = vector.shape_cast %get3A_2700 : vector<1x192x256xf32> to vector<192x256xf32>
    %mul3A_2702 = vector.broadcast %slice3A_2696 : vector<1x256xf32> to vector<192x256xf32>
    %mul3A_2703 = arith.mulf %mul3A_2702, %get3A_2701 : vector<192x256xf32>
    %add3A_2704 = arith.addf %add3A_2695, %mul3A_2703 : vector<192x256xf32>
    %slice3A_2705 = vector.extract_strided_slice %transpose3A_866 {offsets = [198, 0], sizes = [1, 256], strides = [1, 1]} : vector<256x256xf32> to vector<1x256xf32>
    %get3A_2706 = arith.constant 6 : index
    %get3A_2707 = arith.constant 0 : index
    %get3A_2708 = arith.constant 0 : index
    %get3A_2709 = vector.load %arg17[%get3A_2706, %get3A_2707, %get3A_2708] : memref<16x192x256xf32, #tpu.memory_space<vmem>>, vector<1x192x256xf32>
    %get3A_2710 = vector.shape_cast %get3A_2709 : vector<1x192x256xf32> to vector<192x256xf32>
    %mul3A_2711 = vector.broadcast %slice3A_2705 : vector<1x256xf32> to vector<192x256xf32>
    %mul3A_2712 = arith.mulf %mul3A_2711, %get3A_2710 : vector<192x256xf32>
    %add3A_2713 = arith.addf %add3A_2704, %mul3A_2712 : vector<192x256xf32>
    %slice3A_2714 = vector.extract_strided_slice %transpose3A_866 {offsets = [199, 0], sizes = [1, 256], strides = [1, 1]} : vector<256x256xf32> to vector<1x256xf32>
    %get3A_2715 = arith.constant 7 : index
    %get3A_2716 = arith.constant 0 : index
    %get3A_2717 = arith.constant 0 : index
    %get3A_2718 = vector.load %arg17[%get3A_2715, %get3A_2716, %get3A_2717] : memref<16x192x256xf32, #tpu.memory_space<vmem>>, vector<1x192x256xf32>
    %get3A_2719 = vector.shape_cast %get3A_2718 : vector<1x192x256xf32> to vector<192x256xf32>
    %mul3A_2720 = vector.broadcast %slice3A_2714 : vector<1x256xf32> to vector<192x256xf32>
    %mul3A_2721 = arith.mulf %mul3A_2720, %get3A_2719 : vector<192x256xf32>
    %add3A_2722 = arith.addf %add3A_2713, %mul3A_2721 : vector<192x256xf32>
    %slice3A_2723 = vector.extract_strided_slice %transpose3A_866 {offsets = [200, 0], sizes = [1, 256], strides = [1, 1]} : vector<256x256xf32> to vector<1x256xf32>
    %get3A_2724 = arith.constant 8 : index
    %get3A_2725 = arith.constant 0 : index
    %get3A_2726 = arith.constant 0 : index
    %get3A_2727 = vector.load %arg17[%get3A_2724, %get3A_2725, %get3A_2726] : memref<16x192x256xf32, #tpu.memory_space<vmem>>, vector<1x192x256xf32>
    %get3A_2728 = vector.shape_cast %get3A_2727 : vector<1x192x256xf32> to vector<192x256xf32>
    %mul3A_2729 = vector.broadcast %slice3A_2723 : vector<1x256xf32> to vector<192x256xf32>
    %mul3A_2730 = arith.mulf %mul3A_2729, %get3A_2728 : vector<192x256xf32>
    %add3A_2731 = arith.addf %add3A_2722, %mul3A_2730 : vector<192x256xf32>
    %slice3A_2732 = vector.extract_strided_slice %transpose3A_866 {offsets = [201, 0], sizes = [1, 256], strides = [1, 1]} : vector<256x256xf32> to vector<1x256xf32>
    %get3A_2733 = arith.constant 9 : index
    %get3A_2734 = arith.constant 0 : index
    %get3A_2735 = arith.constant 0 : index
    %get3A_2736 = vector.load %arg17[%get3A_2733, %get3A_2734, %get3A_2735] : memref<16x192x256xf32, #tpu.memory_space<vmem>>, vector<1x192x256xf32>
    %get3A_2737 = vector.shape_cast %get3A_2736 : vector<1x192x256xf32> to vector<192x256xf32>
    %mul3A_2738 = vector.broadcast %slice3A_2732 : vector<1x256xf32> to vector<192x256xf32>
    %mul3A_2739 = arith.mulf %mul3A_2738, %get3A_2737 : vector<192x256xf32>
    %add3A_2740 = arith.addf %add3A_2731, %mul3A_2739 : vector<192x256xf32>
    %slice3A_2741 = vector.extract_strided_slice %transpose3A_866 {offsets = [202, 0], sizes = [1, 256], strides = [1, 1]} : vector<256x256xf32> to vector<1x256xf32>
    %get3A_2742 = arith.constant 10 : index
    %get3A_2743 = arith.constant 0 : index
    %get3A_2744 = arith.constant 0 : index
    %get3A_2745 = vector.load %arg17[%get3A_2742, %get3A_2743, %get3A_2744] : memref<16x192x256xf32, #tpu.memory_space<vmem>>, vector<1x192x256xf32>
    %get3A_2746 = vector.shape_cast %get3A_2745 : vector<1x192x256xf32> to vector<192x256xf32>
    %mul3A_2747 = vector.broadcast %slice3A_2741 : vector<1x256xf32> to vector<192x256xf32>
    %mul3A_2748 = arith.mulf %mul3A_2747, %get3A_2746 : vector<192x256xf32>
    %add3A_2749 = arith.addf %add3A_2740, %mul3A_2748 : vector<192x256xf32>
    %slice3A_2750 = vector.extract_strided_slice %transpose3A_866 {offsets = [203, 0], sizes = [1, 256], strides = [1, 1]} : vector<256x256xf32> to vector<1x256xf32>
    %get3A_2751 = arith.constant 11 : index
    %get3A_2752 = arith.constant 0 : index
    %get3A_2753 = arith.constant 0 : index
    %get3A_2754 = vector.load %arg17[%get3A_2751, %get3A_2752, %get3A_2753] : memref<16x192x256xf32, #tpu.memory_space<vmem>>, vector<1x192x256xf32>
    %get3A_2755 = vector.shape_cast %get3A_2754 : vector<1x192x256xf32> to vector<192x256xf32>
    %mul3A_2756 = vector.broadcast %slice3A_2750 : vector<1x256xf32> to vector<192x256xf32>
    %mul3A_2757 = arith.mulf %mul3A_2756, %get3A_2755 : vector<192x256xf32>
    %add3A_2758 = arith.addf %add3A_2749, %mul3A_2757 : vector<192x256xf32>
    %slice3A_2759 = vector.extract_strided_slice %transpose3A_866 {offsets = [204, 0], sizes = [1, 256], strides = [1, 1]} : vector<256x256xf32> to vector<1x256xf32>
    %get3A_2760 = arith.constant 12 : index
    %get3A_2761 = arith.constant 0 : index
    %get3A_2762 = arith.constant 0 : index
    %get3A_2763 = vector.load %arg17[%get3A_2760, %get3A_2761, %get3A_2762] : memref<16x192x256xf32, #tpu.memory_space<vmem>>, vector<1x192x256xf32>
    %get3A_2764 = vector.shape_cast %get3A_2763 : vector<1x192x256xf32> to vector<192x256xf32>
    %mul3A_2765 = vector.broadcast %slice3A_2759 : vector<1x256xf32> to vector<192x256xf32>
    %mul3A_2766 = arith.mulf %mul3A_2765, %get3A_2764 : vector<192x256xf32>
    %add3A_2767 = arith.addf %add3A_2758, %mul3A_2766 : vector<192x256xf32>
    %slice3A_2768 = vector.extract_strided_slice %transpose3A_866 {offsets = [205, 0], sizes = [1, 256], strides = [1, 1]} : vector<256x256xf32> to vector<1x256xf32>
    %get3A_2769 = arith.constant 13 : index
    %get3A_2770 = arith.constant 0 : index
    %get3A_2771 = arith.constant 0 : index
    %get3A_2772 = vector.load %arg17[%get3A_2769, %get3A_2770, %get3A_2771] : memref<16x192x256xf32, #tpu.memory_space<vmem>>, vector<1x192x256xf32>
    %get3A_2773 = vector.shape_cast %get3A_2772 : vector<1x192x256xf32> to vector<192x256xf32>
    %mul3A_2774 = vector.broadcast %slice3A_2768 : vector<1x256xf32> to vector<192x256xf32>
    %mul3A_2775 = arith.mulf %mul3A_2774, %get3A_2773 : vector<192x256xf32>
    %add3A_2776 = arith.addf %add3A_2767, %mul3A_2775 : vector<192x256xf32>
    %slice3A_2777 = vector.extract_strided_slice %transpose3A_866 {offsets = [206, 0], sizes = [1, 256], strides = [1, 1]} : vector<256x256xf32> to vector<1x256xf32>
    %get3A_2778 = arith.constant 14 : index
    %get3A_2779 = arith.constant 0 : index
    %get3A_2780 = arith.constant 0 : index
    %get3A_2781 = vector.load %arg17[%get3A_2778, %get3A_2779, %get3A_2780] : memref<16x192x256xf32, #tpu.memory_space<vmem>>, vector<1x192x256xf32>
    %get3A_2782 = vector.shape_cast %get3A_2781 : vector<1x192x256xf32> to vector<192x256xf32>
    %mul3A_2783 = vector.broadcast %slice3A_2777 : vector<1x256xf32> to vector<192x256xf32>
    %mul3A_2784 = arith.mulf %mul3A_2783, %get3A_2782 : vector<192x256xf32>
    %add3A_2785 = arith.addf %add3A_2776, %mul3A_2784 : vector<192x256xf32>
    %slice3A_2786 = vector.extract_strided_slice %transpose3A_866 {offsets = [207, 0], sizes = [1, 256], strides = [1, 1]} : vector<256x256xf32> to vector<1x256xf32>
    %get3A_2787 = arith.constant 15 : index
    %get3A_2788 = arith.constant 0 : index
    %get3A_2789 = arith.constant 0 : index
    %get3A_2790 = vector.load %arg17[%get3A_2787, %get3A_2788, %get3A_2789] : memref<16x192x256xf32, #tpu.memory_space<vmem>>, vector<1x192x256xf32>
    %get3A_2791 = vector.shape_cast %get3A_2790 : vector<1x192x256xf32> to vector<192x256xf32>
    %mul3A_2792 = vector.broadcast %slice3A_2786 : vector<1x256xf32> to vector<192x256xf32>
    %mul3A_2793 = arith.mulf %mul3A_2792, %get3A_2791 : vector<192x256xf32>
    %add3A_2794 = arith.addf %add3A_2785, %mul3A_2793 : vector<192x256xf32>
    %get3A_2795 = arith.constant 0 : index
    %get3A_2796 = arith.constant 2304 : index
    %get3A_2797 = vector.load %arg14[%get3A_2795, %get3A_2796] : memref<256x3072xf32, #tpu.memory_space<vmem>>, vector<256x192xf32>
    %dot_general3A_2798 = arith.constant dense<0.000000e+00> : vector<256x256xf32>
    %dot_general3A_2799 = tpu.matmul %get3A_2797, %add3A_2794, %dot_general3A_2798 {dimension_numbers = #tpu.dot_dimension_numbers<[1], [0], [0], [1], [0, 0, 1, 1], [], []>, transpose_lhs_hint = false} : vector<256x192xf32>, vector<192x256xf32>, vector<256x256xf32> -> vector<256x256xf32>
    %add3A_2800 = arith.addf %add3A_2651, %dot_general3A_2799 : vector<256x256xf32>
    %slice3A_2801 = vector.extract_strided_slice %transpose3A_866 {offsets = [208, 0], sizes = [1, 256], strides = [1, 1]} : vector<256x256xf32> to vector<1x256xf32>
    %get3A_2802 = arith.constant 0 : index
    %get3A_2803 = arith.constant 0 : index
    %get3A_2804 = arith.constant 0 : index
    %get3A_2805 = vector.load %arg17[%get3A_2802, %get3A_2803, %get3A_2804] : memref<16x192x256xf32, #tpu.memory_space<vmem>>, vector<1x192x256xf32>
    %get3A_2806 = vector.shape_cast %get3A_2805 : vector<1x192x256xf32> to vector<192x256xf32>
    %mul3A_2807 = vector.broadcast %slice3A_2801 : vector<1x256xf32> to vector<192x256xf32>
    %mul3A_2808 = arith.mulf %mul3A_2807, %get3A_2806 : vector<192x256xf32>
    %slice3A_2809 = vector.extract_strided_slice %transpose3A_866 {offsets = [209, 0], sizes = [1, 256], strides = [1, 1]} : vector<256x256xf32> to vector<1x256xf32>
    %get3A_2810 = arith.constant 1 : index
    %get3A_2811 = arith.constant 0 : index
    %get3A_2812 = arith.constant 0 : index
    %get3A_2813 = vector.load %arg17[%get3A_2810, %get3A_2811, %get3A_2812] : memref<16x192x256xf32, #tpu.memory_space<vmem>>, vector<1x192x256xf32>
    %get3A_2814 = vector.shape_cast %get3A_2813 : vector<1x192x256xf32> to vector<192x256xf32>
    %mul3A_2815 = vector.broadcast %slice3A_2809 : vector<1x256xf32> to vector<192x256xf32>
    %mul3A_2816 = arith.mulf %mul3A_2815, %get3A_2814 : vector<192x256xf32>
    %add3A_2817 = arith.addf %mul3A_2808, %mul3A_2816 : vector<192x256xf32>
    %slice3A_2818 = vector.extract_strided_slice %transpose3A_866 {offsets = [210, 0], sizes = [1, 256], strides = [1, 1]} : vector<256x256xf32> to vector<1x256xf32>
    %get3A_2819 = arith.constant 2 : index
    %get3A_2820 = arith.constant 0 : index
    %get3A_2821 = arith.constant 0 : index
    %get3A_2822 = vector.load %arg17[%get3A_2819, %get3A_2820, %get3A_2821] : memref<16x192x256xf32, #tpu.memory_space<vmem>>, vector<1x192x256xf32>
    %get3A_2823 = vector.shape_cast %get3A_2822 : vector<1x192x256xf32> to vector<192x256xf32>
    %mul3A_2824 = vector.broadcast %slice3A_2818 : vector<1x256xf32> to vector<192x256xf32>
    %mul3A_2825 = arith.mulf %mul3A_2824, %get3A_2823 : vector<192x256xf32>
    %add3A_2826 = arith.addf %add3A_2817, %mul3A_2825 : vector<192x256xf32>
    %slice3A_2827 = vector.extract_strided_slice %transpose3A_866 {offsets = [211, 0], sizes = [1, 256], strides = [1, 1]} : vector<256x256xf32> to vector<1x256xf32>
    %get3A_2828 = arith.constant 3 : index
    %get3A_2829 = arith.constant 0 : index
    %get3A_2830 = arith.constant 0 : index
    %get3A_2831 = vector.load %arg17[%get3A_2828, %get3A_2829, %get3A_2830] : memref<16x192x256xf32, #tpu.memory_space<vmem>>, vector<1x192x256xf32>
    %get3A_2832 = vector.shape_cast %get3A_2831 : vector<1x192x256xf32> to vector<192x256xf32>
    %mul3A_2833 = vector.broadcast %slice3A_2827 : vector<1x256xf32> to vector<192x256xf32>
    %mul3A_2834 = arith.mulf %mul3A_2833, %get3A_2832 : vector<192x256xf32>
    %add3A_2835 = arith.addf %add3A_2826, %mul3A_2834 : vector<192x256xf32>
    %slice3A_2836 = vector.extract_strided_slice %transpose3A_866 {offsets = [212, 0], sizes = [1, 256], strides = [1, 1]} : vector<256x256xf32> to vector<1x256xf32>
    %get3A_2837 = arith.constant 4 : index
    %get3A_2838 = arith.constant 0 : index
    %get3A_2839 = arith.constant 0 : index
    %get3A_2840 = vector.load %arg17[%get3A_2837, %get3A_2838, %get3A_2839] : memref<16x192x256xf32, #tpu.memory_space<vmem>>, vector<1x192x256xf32>
    %get3A_2841 = vector.shape_cast %get3A_2840 : vector<1x192x256xf32> to vector<192x256xf32>
    %mul3A_2842 = vector.broadcast %slice3A_2836 : vector<1x256xf32> to vector<192x256xf32>
    %mul3A_2843 = arith.mulf %mul3A_2842, %get3A_2841 : vector<192x256xf32>
    %add3A_2844 = arith.addf %add3A_2835, %mul3A_2843 : vector<192x256xf32>
    %slice3A_2845 = vector.extract_strided_slice %transpose3A_866 {offsets = [213, 0], sizes = [1, 256], strides = [1, 1]} : vector<256x256xf32> to vector<1x256xf32>
    %get3A_2846 = arith.constant 5 : index
    %get3A_2847 = arith.constant 0 : index
    %get3A_2848 = arith.constant 0 : index
    %get3A_2849 = vector.load %arg17[%get3A_2846, %get3A_2847, %get3A_2848] : memref<16x192x256xf32, #tpu.memory_space<vmem>>, vector<1x192x256xf32>
    %get3A_2850 = vector.shape_cast %get3A_2849 : vector<1x192x256xf32> to vector<192x256xf32>
    %mul3A_2851 = vector.broadcast %slice3A_2845 : vector<1x256xf32> to vector<192x256xf32>
    %mul3A_2852 = arith.mulf %mul3A_2851, %get3A_2850 : vector<192x256xf32>
    %add3A_2853 = arith.addf %add3A_2844, %mul3A_2852 : vector<192x256xf32>
    %slice3A_2854 = vector.extract_strided_slice %transpose3A_866 {offsets = [214, 0], sizes = [1, 256], strides = [1, 1]} : vector<256x256xf32> to vector<1x256xf32>
    %get3A_2855 = arith.constant 6 : index
    %get3A_2856 = arith.constant 0 : index
    %get3A_2857 = arith.constant 0 : index
    %get3A_2858 = vector.load %arg17[%get3A_2855, %get3A_2856, %get3A_2857] : memref<16x192x256xf32, #tpu.memory_space<vmem>>, vector<1x192x256xf32>
    %get3A_2859 = vector.shape_cast %get3A_2858 : vector<1x192x256xf32> to vector<192x256xf32>
    %mul3A_2860 = vector.broadcast %slice3A_2854 : vector<1x256xf32> to vector<192x256xf32>
    %mul3A_2861 = arith.mulf %mul3A_2860, %get3A_2859 : vector<192x256xf32>
    %add3A_2862 = arith.addf %add3A_2853, %mul3A_2861 : vector<192x256xf32>
    %slice3A_2863 = vector.extract_strided_slice %transpose3A_866 {offsets = [215, 0], sizes = [1, 256], strides = [1, 1]} : vector<256x256xf32> to vector<1x256xf32>
    %get3A_2864 = arith.constant 7 : index
    %get3A_2865 = arith.constant 0 : index
    %get3A_2866 = arith.constant 0 : index
    %get3A_2867 = vector.load %arg17[%get3A_2864, %get3A_2865, %get3A_2866] : memref<16x192x256xf32, #tpu.memory_space<vmem>>, vector<1x192x256xf32>
    %get3A_2868 = vector.shape_cast %get3A_2867 : vector<1x192x256xf32> to vector<192x256xf32>
    %mul3A_2869 = vector.broadcast %slice3A_2863 : vector<1x256xf32> to vector<192x256xf32>
    %mul3A_2870 = arith.mulf %mul3A_2869, %get3A_2868 : vector<192x256xf32>
    %add3A_2871 = arith.addf %add3A_2862, %mul3A_2870 : vector<192x256xf32>
    %slice3A_2872 = vector.extract_strided_slice %transpose3A_866 {offsets = [216, 0], sizes = [1, 256], strides = [1, 1]} : vector<256x256xf32> to vector<1x256xf32>
    %get3A_2873 = arith.constant 8 : index
    %get3A_2874 = arith.constant 0 : index
    %get3A_2875 = arith.constant 0 : index
    %get3A_2876 = vector.load %arg17[%get3A_2873, %get3A_2874, %get3A_2875] : memref<16x192x256xf32, #tpu.memory_space<vmem>>, vector<1x192x256xf32>
    %get3A_2877 = vector.shape_cast %get3A_2876 : vector<1x192x256xf32> to vector<192x256xf32>
    %mul3A_2878 = vector.broadcast %slice3A_2872 : vector<1x256xf32> to vector<192x256xf32>
    %mul3A_2879 = arith.mulf %mul3A_2878, %get3A_2877 : vector<192x256xf32>
    %add3A_2880 = arith.addf %add3A_2871, %mul3A_2879 : vector<192x256xf32>
    %slice3A_2881 = vector.extract_strided_slice %transpose3A_866 {offsets = [217, 0], sizes = [1, 256], strides = [1, 1]} : vector<256x256xf32> to vector<1x256xf32>
    %get3A_2882 = arith.constant 9 : index
    %get3A_2883 = arith.constant 0 : index
    %get3A_2884 = arith.constant 0 : index
    %get3A_2885 = vector.load %arg17[%get3A_2882, %get3A_2883, %get3A_2884] : memref<16x192x256xf32, #tpu.memory_space<vmem>>, vector<1x192x256xf32>
    %get3A_2886 = vector.shape_cast %get3A_2885 : vector<1x192x256xf32> to vector<192x256xf32>
    %mul3A_2887 = vector.broadcast %slice3A_2881 : vector<1x256xf32> to vector<192x256xf32>
    %mul3A_2888 = arith.mulf %mul3A_2887, %get3A_2886 : vector<192x256xf32>
    %add3A_2889 = arith.addf %add3A_2880, %mul3A_2888 : vector<192x256xf32>
    %slice3A_2890 = vector.extract_strided_slice %transpose3A_866 {offsets = [218, 0], sizes = [1, 256], strides = [1, 1]} : vector<256x256xf32> to vector<1x256xf32>
    %get3A_2891 = arith.constant 10 : index
    %get3A_2892 = arith.constant 0 : index
    %get3A_2893 = arith.constant 0 : index
    %get3A_2894 = vector.load %arg17[%get3A_2891, %get3A_2892, %get3A_2893] : memref<16x192x256xf32, #tpu.memory_space<vmem>>, vector<1x192x256xf32>
    %get3A_2895 = vector.shape_cast %get3A_2894 : vector<1x192x256xf32> to vector<192x256xf32>
    %mul3A_2896 = vector.broadcast %slice3A_2890 : vector<1x256xf32> to vector<192x256xf32>
    %mul3A_2897 = arith.mulf %mul3A_2896, %get3A_2895 : vector<192x256xf32>
    %add3A_2898 = arith.addf %add3A_2889, %mul3A_2897 : vector<192x256xf32>
    %slice3A_2899 = vector.extract_strided_slice %transpose3A_866 {offsets = [219, 0], sizes = [1, 256], strides = [1, 1]} : vector<256x256xf32> to vector<1x256xf32>
    %get3A_2900 = arith.constant 11 : index
    %get3A_2901 = arith.constant 0 : index
    %get3A_2902 = arith.constant 0 : index
    %get3A_2903 = vector.load %arg17[%get3A_2900, %get3A_2901, %get3A_2902] : memref<16x192x256xf32, #tpu.memory_space<vmem>>, vector<1x192x256xf32>
    %get3A_2904 = vector.shape_cast %get3A_2903 : vector<1x192x256xf32> to vector<192x256xf32>
    %mul3A_2905 = vector.broadcast %slice3A_2899 : vector<1x256xf32> to vector<192x256xf32>
    %mul3A_2906 = arith.mulf %mul3A_2905, %get3A_2904 : vector<192x256xf32>
    %add3A_2907 = arith.addf %add3A_2898, %mul3A_2906 : vector<192x256xf32>
    %slice3A_2908 = vector.extract_strided_slice %transpose3A_866 {offsets = [220, 0], sizes = [1, 256], strides = [1, 1]} : vector<256x256xf32> to vector<1x256xf32>
    %get3A_2909 = arith.constant 12 : index
    %get3A_2910 = arith.constant 0 : index
    %get3A_2911 = arith.constant 0 : index
    %get3A_2912 = vector.load %arg17[%get3A_2909, %get3A_2910, %get3A_2911] : memref<16x192x256xf32, #tpu.memory_space<vmem>>, vector<1x192x256xf32>
    %get3A_2913 = vector.shape_cast %get3A_2912 : vector<1x192x256xf32> to vector<192x256xf32>
    %mul3A_2914 = vector.broadcast %slice3A_2908 : vector<1x256xf32> to vector<192x256xf32>
    %mul3A_2915 = arith.mulf %mul3A_2914, %get3A_2913 : vector<192x256xf32>
    %add3A_2916 = arith.addf %add3A_2907, %mul3A_2915 : vector<192x256xf32>
    %slice3A_2917 = vector.extract_strided_slice %transpose3A_866 {offsets = [221, 0], sizes = [1, 256], strides = [1, 1]} : vector<256x256xf32> to vector<1x256xf32>
    %get3A_2918 = arith.constant 13 : index
    %get3A_2919 = arith.constant 0 : index
    %get3A_2920 = arith.constant 0 : index
    %get3A_2921 = vector.load %arg17[%get3A_2918, %get3A_2919, %get3A_2920] : memref<16x192x256xf32, #tpu.memory_space<vmem>>, vector<1x192x256xf32>
    %get3A_2922 = vector.shape_cast %get3A_2921 : vector<1x192x256xf32> to vector<192x256xf32>
    %mul3A_2923 = vector.broadcast %slice3A_2917 : vector<1x256xf32> to vector<192x256xf32>
    %mul3A_2924 = arith.mulf %mul3A_2923, %get3A_2922 : vector<192x256xf32>
    %add3A_2925 = arith.addf %add3A_2916, %mul3A_2924 : vector<192x256xf32>
    %slice3A_2926 = vector.extract_strided_slice %transpose3A_866 {offsets = [222, 0], sizes = [1, 256], strides = [1, 1]} : vector<256x256xf32> to vector<1x256xf32>
    %get3A_2927 = arith.constant 14 : index
    %get3A_2928 = arith.constant 0 : index
    %get3A_2929 = arith.constant 0 : index
    %get3A_2930 = vector.load %arg17[%get3A_2927, %get3A_2928, %get3A_2929] : memref<16x192x256xf32, #tpu.memory_space<vmem>>, vector<1x192x256xf32>
    %get3A_2931 = vector.shape_cast %get3A_2930 : vector<1x192x256xf32> to vector<192x256xf32>
    %mul3A_2932 = vector.broadcast %slice3A_2926 : vector<1x256xf32> to vector<192x256xf32>
    %mul3A_2933 = arith.mulf %mul3A_2932, %get3A_2931 : vector<192x256xf32>
    %add3A_2934 = arith.addf %add3A_2925, %mul3A_2933 : vector<192x256xf32>
    %slice3A_2935 = vector.extract_strided_slice %transpose3A_866 {offsets = [223, 0], sizes = [1, 256], strides = [1, 1]} : vector<256x256xf32> to vector<1x256xf32>
    %get3A_2936 = arith.constant 15 : index
    %get3A_2937 = arith.constant 0 : index
    %get3A_2938 = arith.constant 0 : index
    %get3A_2939 = vector.load %arg17[%get3A_2936, %get3A_2937, %get3A_2938] : memref<16x192x256xf32, #tpu.memory_space<vmem>>, vector<1x192x256xf32>
    %get3A_2940 = vector.shape_cast %get3A_2939 : vector<1x192x256xf32> to vector<192x256xf32>
    %mul3A_2941 = vector.broadcast %slice3A_2935 : vector<1x256xf32> to vector<192x256xf32>
    %mul3A_2942 = arith.mulf %mul3A_2941, %get3A_2940 : vector<192x256xf32>
    %add3A_2943 = arith.addf %add3A_2934, %mul3A_2942 : vector<192x256xf32>
    %get3A_2944 = arith.constant 0 : index
    %get3A_2945 = arith.constant 2496 : index
    %get3A_2946 = vector.load %arg14[%get3A_2944, %get3A_2945] : memref<256x3072xf32, #tpu.memory_space<vmem>>, vector<256x192xf32>
    %dot_general3A_2947 = arith.constant dense<0.000000e+00> : vector<256x256xf32>
    %dot_general3A_2948 = tpu.matmul %get3A_2946, %add3A_2943, %dot_general3A_2947 {dimension_numbers = #tpu.dot_dimension_numbers<[1], [0], [0], [1], [0, 0, 1, 1], [], []>, transpose_lhs_hint = false} : vector<256x192xf32>, vector<192x256xf32>, vector<256x256xf32> -> vector<256x256xf32>
    %add3A_2949 = arith.addf %add3A_2800, %dot_general3A_2948 : vector<256x256xf32>
    %slice3A_2950 = vector.extract_strided_slice %transpose3A_866 {offsets = [224, 0], sizes = [1, 256], strides = [1, 1]} : vector<256x256xf32> to vector<1x256xf32>
    %get3A_2951 = arith.constant 0 : index
    %get3A_2952 = arith.constant 0 : index
    %get3A_2953 = arith.constant 0 : index
    %get3A_2954 = vector.load %arg17[%get3A_2951, %get3A_2952, %get3A_2953] : memref<16x192x256xf32, #tpu.memory_space<vmem>>, vector<1x192x256xf32>
    %get3A_2955 = vector.shape_cast %get3A_2954 : vector<1x192x256xf32> to vector<192x256xf32>
    %mul3A_2956 = vector.broadcast %slice3A_2950 : vector<1x256xf32> to vector<192x256xf32>
    %mul3A_2957 = arith.mulf %mul3A_2956, %get3A_2955 : vector<192x256xf32>
    %slice3A_2958 = vector.extract_strided_slice %transpose3A_866 {offsets = [225, 0], sizes = [1, 256], strides = [1, 1]} : vector<256x256xf32> to vector<1x256xf32>
    %get3A_2959 = arith.constant 1 : index
    %get3A_2960 = arith.constant 0 : index
    %get3A_2961 = arith.constant 0 : index
    %get3A_2962 = vector.load %arg17[%get3A_2959, %get3A_2960, %get3A_2961] : memref<16x192x256xf32, #tpu.memory_space<vmem>>, vector<1x192x256xf32>
    %get3A_2963 = vector.shape_cast %get3A_2962 : vector<1x192x256xf32> to vector<192x256xf32>
    %mul3A_2964 = vector.broadcast %slice3A_2958 : vector<1x256xf32> to vector<192x256xf32>
    %mul3A_2965 = arith.mulf %mul3A_2964, %get3A_2963 : vector<192x256xf32>
    %add3A_2966 = arith.addf %mul3A_2957, %mul3A_2965 : vector<192x256xf32>
    %slice3A_2967 = vector.extract_strided_slice %transpose3A_866 {offsets = [226, 0], sizes = [1, 256], strides = [1, 1]} : vector<256x256xf32> to vector<1x256xf32>
    %get3A_2968 = arith.constant 2 : index
    %get3A_2969 = arith.constant 0 : index
    %get3A_2970 = arith.constant 0 : index
    %get3A_2971 = vector.load %arg17[%get3A_2968, %get3A_2969, %get3A_2970] : memref<16x192x256xf32, #tpu.memory_space<vmem>>, vector<1x192x256xf32>
    %get3A_2972 = vector.shape_cast %get3A_2971 : vector<1x192x256xf32> to vector<192x256xf32>
    %mul3A_2973 = vector.broadcast %slice3A_2967 : vector<1x256xf32> to vector<192x256xf32>
    %mul3A_2974 = arith.mulf %mul3A_2973, %get3A_2972 : vector<192x256xf32>
    %add3A_2975 = arith.addf %add3A_2966, %mul3A_2974 : vector<192x256xf32>
    %slice3A_2976 = vector.extract_strided_slice %transpose3A_866 {offsets = [227, 0], sizes = [1, 256], strides = [1, 1]} : vector<256x256xf32> to vector<1x256xf32>
    %get3A_2977 = arith.constant 3 : index
    %get3A_2978 = arith.constant 0 : index
    %get3A_2979 = arith.constant 0 : index
    %get3A_2980 = vector.load %arg17[%get3A_2977, %get3A_2978, %get3A_2979] : memref<16x192x256xf32, #tpu.memory_space<vmem>>, vector<1x192x256xf32>
    %get3A_2981 = vector.shape_cast %get3A_2980 : vector<1x192x256xf32> to vector<192x256xf32>
    %mul3A_2982 = vector.broadcast %slice3A_2976 : vector<1x256xf32> to vector<192x256xf32>
    %mul3A_2983 = arith.mulf %mul3A_2982, %get3A_2981 : vector<192x256xf32>
    %add3A_2984 = arith.addf %add3A_2975, %mul3A_2983 : vector<192x256xf32>
    %slice3A_2985 = vector.extract_strided_slice %transpose3A_866 {offsets = [228, 0], sizes = [1, 256], strides = [1, 1]} : vector<256x256xf32> to vector<1x256xf32>
    %get3A_2986 = arith.constant 4 : index
    %get3A_2987 = arith.constant 0 : index
    %get3A_2988 = arith.constant 0 : index
    %get3A_2989 = vector.load %arg17[%get3A_2986, %get3A_2987, %get3A_2988] : memref<16x192x256xf32, #tpu.memory_space<vmem>>, vector<1x192x256xf32>
    %get3A_2990 = vector.shape_cast %get3A_2989 : vector<1x192x256xf32> to vector<192x256xf32>
    %mul3A_2991 = vector.broadcast %slice3A_2985 : vector<1x256xf32> to vector<192x256xf32>
    %mul3A_2992 = arith.mulf %mul3A_2991, %get3A_2990 : vector<192x256xf32>
    %add3A_2993 = arith.addf %add3A_2984, %mul3A_2992 : vector<192x256xf32>
    %slice3A_2994 = vector.extract_strided_slice %transpose3A_866 {offsets = [229, 0], sizes = [1, 256], strides = [1, 1]} : vector<256x256xf32> to vector<1x256xf32>
    %get3A_2995 = arith.constant 5 : index
    %get3A_2996 = arith.constant 0 : index
    %get3A_2997 = arith.constant 0 : index
    %get3A_2998 = vector.load %arg17[%get3A_2995, %get3A_2996, %get3A_2997] : memref<16x192x256xf32, #tpu.memory_space<vmem>>, vector<1x192x256xf32>
    %get3A_2999 = vector.shape_cast %get3A_2998 : vector<1x192x256xf32> to vector<192x256xf32>
    %mul3A_3000 = vector.broadcast %slice3A_2994 : vector<1x256xf32> to vector<192x256xf32>
    %mul3A_3001 = arith.mulf %mul3A_3000, %get3A_2999 : vector<192x256xf32>
    %add3A_3002 = arith.addf %add3A_2993, %mul3A_3001 : vector<192x256xf32>
    %slice3A_3003 = vector.extract_strided_slice %transpose3A_866 {offsets = [230, 0], sizes = [1, 256], strides = [1, 1]} : vector<256x256xf32> to vector<1x256xf32>
    %get3A_3004 = arith.constant 6 : index
    %get3A_3005 = arith.constant 0 : index
    %get3A_3006 = arith.constant 0 : index
    %get3A_3007 = vector.load %arg17[%get3A_3004, %get3A_3005, %get3A_3006] : memref<16x192x256xf32, #tpu.memory_space<vmem>>, vector<1x192x256xf32>
    %get3A_3008 = vector.shape_cast %get3A_3007 : vector<1x192x256xf32> to vector<192x256xf32>
    %mul3A_3009 = vector.broadcast %slice3A_3003 : vector<1x256xf32> to vector<192x256xf32>
    %mul3A_3010 = arith.mulf %mul3A_3009, %get3A_3008 : vector<192x256xf32>
    %add3A_3011 = arith.addf %add3A_3002, %mul3A_3010 : vector<192x256xf32>
    %slice3A_3012 = vector.extract_strided_slice %transpose3A_866 {offsets = [231, 0], sizes = [1, 256], strides = [1, 1]} : vector<256x256xf32> to vector<1x256xf32>
    %get3A_3013 = arith.constant 7 : index
    %get3A_3014 = arith.constant 0 : index
    %get3A_3015 = arith.constant 0 : index
    %get3A_3016 = vector.load %arg17[%get3A_3013, %get3A_3014, %get3A_3015] : memref<16x192x256xf32, #tpu.memory_space<vmem>>, vector<1x192x256xf32>
    %get3A_3017 = vector.shape_cast %get3A_3016 : vector<1x192x256xf32> to vector<192x256xf32>
    %mul3A_3018 = vector.broadcast %slice3A_3012 : vector<1x256xf32> to vector<192x256xf32>
    %mul3A_3019 = arith.mulf %mul3A_3018, %get3A_3017 : vector<192x256xf32>
    %add3A_3020 = arith.addf %add3A_3011, %mul3A_3019 : vector<192x256xf32>
    %slice3A_3021 = vector.extract_strided_slice %transpose3A_866 {offsets = [232, 0], sizes = [1, 256], strides = [1, 1]} : vector<256x256xf32> to vector<1x256xf32>
    %get3A_3022 = arith.constant 8 : index
    %get3A_3023 = arith.constant 0 : index
    %get3A_3024 = arith.constant 0 : index
    %get3A_3025 = vector.load %arg17[%get3A_3022, %get3A_3023, %get3A_3024] : memref<16x192x256xf32, #tpu.memory_space<vmem>>, vector<1x192x256xf32>
    %get3A_3026 = vector.shape_cast %get3A_3025 : vector<1x192x256xf32> to vector<192x256xf32>
    %mul3A_3027 = vector.broadcast %slice3A_3021 : vector<1x256xf32> to vector<192x256xf32>
    %mul3A_3028 = arith.mulf %mul3A_3027, %get3A_3026 : vector<192x256xf32>
    %add3A_3029 = arith.addf %add3A_3020, %mul3A_3028 : vector<192x256xf32>
    %slice3A_3030 = vector.extract_strided_slice %transpose3A_866 {offsets = [233, 0], sizes = [1, 256], strides = [1, 1]} : vector<256x256xf32> to vector<1x256xf32>
    %get3A_3031 = arith.constant 9 : index
    %get3A_3032 = arith.constant 0 : index
    %get3A_3033 = arith.constant 0 : index
    %get3A_3034 = vector.load %arg17[%get3A_3031, %get3A_3032, %get3A_3033] : memref<16x192x256xf32, #tpu.memory_space<vmem>>, vector<1x192x256xf32>
    %get3A_3035 = vector.shape_cast %get3A_3034 : vector<1x192x256xf32> to vector<192x256xf32>
    %mul3A_3036 = vector.broadcast %slice3A_3030 : vector<1x256xf32> to vector<192x256xf32>
    %mul3A_3037 = arith.mulf %mul3A_3036, %get3A_3035 : vector<192x256xf32>
    %add3A_3038 = arith.addf %add3A_3029, %mul3A_3037 : vector<192x256xf32>
    %slice3A_3039 = vector.extract_strided_slice %transpose3A_866 {offsets = [234, 0], sizes = [1, 256], strides = [1, 1]} : vector<256x256xf32> to vector<1x256xf32>
    %get3A_3040 = arith.constant 10 : index
    %get3A_3041 = arith.constant 0 : index
    %get3A_3042 = arith.constant 0 : index
    %get3A_3043 = vector.load %arg17[%get3A_3040, %get3A_3041, %get3A_3042] : memref<16x192x256xf32, #tpu.memory_space<vmem>>, vector<1x192x256xf32>
    %get3A_3044 = vector.shape_cast %get3A_3043 : vector<1x192x256xf32> to vector<192x256xf32>
    %mul3A_3045 = vector.broadcast %slice3A_3039 : vector<1x256xf32> to vector<192x256xf32>
    %mul3A_3046 = arith.mulf %mul3A_3045, %get3A_3044 : vector<192x256xf32>
    %add3A_3047 = arith.addf %add3A_3038, %mul3A_3046 : vector<192x256xf32>
    %slice3A_3048 = vector.extract_strided_slice %transpose3A_866 {offsets = [235, 0], sizes = [1, 256], strides = [1, 1]} : vector<256x256xf32> to vector<1x256xf32>
    %get3A_3049 = arith.constant 11 : index
    %get3A_3050 = arith.constant 0 : index
    %get3A_3051 = arith.constant 0 : index
    %get3A_3052 = vector.load %arg17[%get3A_3049, %get3A_3050, %get3A_3051] : memref<16x192x256xf32, #tpu.memory_space<vmem>>, vector<1x192x256xf32>
    %get3A_3053 = vector.shape_cast %get3A_3052 : vector<1x192x256xf32> to vector<192x256xf32>
    %mul3A_3054 = vector.broadcast %slice3A_3048 : vector<1x256xf32> to vector<192x256xf32>
    %mul3A_3055 = arith.mulf %mul3A_3054, %get3A_3053 : vector<192x256xf32>
    %add3A_3056 = arith.addf %add3A_3047, %mul3A_3055 : vector<192x256xf32>
    %slice3A_3057 = vector.extract_strided_slice %transpose3A_866 {offsets = [236, 0], sizes = [1, 256], strides = [1, 1]} : vector<256x256xf32> to vector<1x256xf32>
    %get3A_3058 = arith.constant 12 : index
    %get3A_3059 = arith.constant 0 : index
    %get3A_3060 = arith.constant 0 : index
    %get3A_3061 = vector.load %arg17[%get3A_3058, %get3A_3059, %get3A_3060] : memref<16x192x256xf32, #tpu.memory_space<vmem>>, vector<1x192x256xf32>
    %get3A_3062 = vector.shape_cast %get3A_3061 : vector<1x192x256xf32> to vector<192x256xf32>
    %mul3A_3063 = vector.broadcast %slice3A_3057 : vector<1x256xf32> to vector<192x256xf32>
    %mul3A_3064 = arith.mulf %mul3A_3063, %get3A_3062 : vector<192x256xf32>
    %add3A_3065 = arith.addf %add3A_3056, %mul3A_3064 : vector<192x256xf32>
    %slice3A_3066 = vector.extract_strided_slice %transpose3A_866 {offsets = [237, 0], sizes = [1, 256], strides = [1, 1]} : vector<256x256xf32> to vector<1x256xf32>
    %get3A_3067 = arith.constant 13 : index
    %get3A_3068 = arith.constant 0 : index
    %get3A_3069 = arith.constant 0 : index
    %get3A_3070 = vector.load %arg17[%get3A_3067, %get3A_3068, %get3A_3069] : memref<16x192x256xf32, #tpu.memory_space<vmem>>, vector<1x192x256xf32>
    %get3A_3071 = vector.shape_cast %get3A_3070 : vector<1x192x256xf32> to vector<192x256xf32>
    %mul3A_3072 = vector.broadcast %slice3A_3066 : vector<1x256xf32> to vector<192x256xf32>
    %mul3A_3073 = arith.mulf %mul3A_3072, %get3A_3071 : vector<192x256xf32>
    %add3A_3074 = arith.addf %add3A_3065, %mul3A_3073 : vector<192x256xf32>
    %slice3A_3075 = vector.extract_strided_slice %transpose3A_866 {offsets = [238, 0], sizes = [1, 256], strides = [1, 1]} : vector<256x256xf32> to vector<1x256xf32>
    %get3A_3076 = arith.constant 14 : index
    %get3A_3077 = arith.constant 0 : index
    %get3A_3078 = arith.constant 0 : index
    %get3A_3079 = vector.load %arg17[%get3A_3076, %get3A_3077, %get3A_3078] : memref<16x192x256xf32, #tpu.memory_space<vmem>>, vector<1x192x256xf32>
    %get3A_3080 = vector.shape_cast %get3A_3079 : vector<1x192x256xf32> to vector<192x256xf32>
    %mul3A_3081 = vector.broadcast %slice3A_3075 : vector<1x256xf32> to vector<192x256xf32>
    %mul3A_3082 = arith.mulf %mul3A_3081, %get3A_3080 : vector<192x256xf32>
    %add3A_3083 = arith.addf %add3A_3074, %mul3A_3082 : vector<192x256xf32>
    %slice3A_3084 = vector.extract_strided_slice %transpose3A_866 {offsets = [239, 0], sizes = [1, 256], strides = [1, 1]} : vector<256x256xf32> to vector<1x256xf32>
    %get3A_3085 = arith.constant 15 : index
    %get3A_3086 = arith.constant 0 : index
    %get3A_3087 = arith.constant 0 : index
    %get3A_3088 = vector.load %arg17[%get3A_3085, %get3A_3086, %get3A_3087] : memref<16x192x256xf32, #tpu.memory_space<vmem>>, vector<1x192x256xf32>
    %get3A_3089 = vector.shape_cast %get3A_3088 : vector<1x192x256xf32> to vector<192x256xf32>
    %mul3A_3090 = vector.broadcast %slice3A_3084 : vector<1x256xf32> to vector<192x256xf32>
    %mul3A_3091 = arith.mulf %mul3A_3090, %get3A_3089 : vector<192x256xf32>
    %add3A_3092 = arith.addf %add3A_3083, %mul3A_3091 : vector<192x256xf32>
    %get3A_3093 = arith.constant 0 : index
    %get3A_3094 = arith.constant 2688 : index
    %get3A_3095 = vector.load %arg14[%get3A_3093, %get3A_3094] : memref<256x3072xf32, #tpu.memory_space<vmem>>, vector<256x192xf32>
    %dot_general3A_3096 = arith.constant dense<0.000000e+00> : vector<256x256xf32>
    %dot_general3A_3097 = tpu.matmul %get3A_3095, %add3A_3092, %dot_general3A_3096 {dimension_numbers = #tpu.dot_dimension_numbers<[1], [0], [0], [1], [0, 0, 1, 1], [], []>, transpose_lhs_hint = false} : vector<256x192xf32>, vector<192x256xf32>, vector<256x256xf32> -> vector<256x256xf32>
    %add3A_3098 = arith.addf %add3A_2949, %dot_general3A_3097 : vector<256x256xf32>
    %slice3A_3099 = vector.extract_strided_slice %transpose3A_866 {offsets = [240, 0], sizes = [1, 256], strides = [1, 1]} : vector<256x256xf32> to vector<1x256xf32>
    %get3A_3100 = arith.constant 0 : index
    %get3A_3101 = arith.constant 0 : index
    %get3A_3102 = arith.constant 0 : index
    %get3A_3103 = vector.load %arg17[%get3A_3100, %get3A_3101, %get3A_3102] : memref<16x192x256xf32, #tpu.memory_space<vmem>>, vector<1x192x256xf32>
    %get3A_3104 = vector.shape_cast %get3A_3103 : vector<1x192x256xf32> to vector<192x256xf32>
    %mul3A_3105 = vector.broadcast %slice3A_3099 : vector<1x256xf32> to vector<192x256xf32>
    %mul3A_3106 = arith.mulf %mul3A_3105, %get3A_3104 : vector<192x256xf32>
    %slice3A_3107 = vector.extract_strided_slice %transpose3A_866 {offsets = [241, 0], sizes = [1, 256], strides = [1, 1]} : vector<256x256xf32> to vector<1x256xf32>
    %get3A_3108 = arith.constant 1 : index
    %get3A_3109 = arith.constant 0 : index
    %get3A_3110 = arith.constant 0 : index
    %get3A_3111 = vector.load %arg17[%get3A_3108, %get3A_3109, %get3A_3110] : memref<16x192x256xf32, #tpu.memory_space<vmem>>, vector<1x192x256xf32>
    %get3A_3112 = vector.shape_cast %get3A_3111 : vector<1x192x256xf32> to vector<192x256xf32>
    %mul3A_3113 = vector.broadcast %slice3A_3107 : vector<1x256xf32> to vector<192x256xf32>
    %mul3A_3114 = arith.mulf %mul3A_3113, %get3A_3112 : vector<192x256xf32>
    %add3A_3115 = arith.addf %mul3A_3106, %mul3A_3114 : vector<192x256xf32>
    %slice3A_3116 = vector.extract_strided_slice %transpose3A_866 {offsets = [242, 0], sizes = [1, 256], strides = [1, 1]} : vector<256x256xf32> to vector<1x256xf32>
    %get3A_3117 = arith.constant 2 : index
    %get3A_3118 = arith.constant 0 : index
    %get3A_3119 = arith.constant 0 : index
    %get3A_3120 = vector.load %arg17[%get3A_3117, %get3A_3118, %get3A_3119] : memref<16x192x256xf32, #tpu.memory_space<vmem>>, vector<1x192x256xf32>
    %get3A_3121 = vector.shape_cast %get3A_3120 : vector<1x192x256xf32> to vector<192x256xf32>
    %mul3A_3122 = vector.broadcast %slice3A_3116 : vector<1x256xf32> to vector<192x256xf32>
    %mul3A_3123 = arith.mulf %mul3A_3122, %get3A_3121 : vector<192x256xf32>
    %add3A_3124 = arith.addf %add3A_3115, %mul3A_3123 : vector<192x256xf32>
    %slice3A_3125 = vector.extract_strided_slice %transpose3A_866 {offsets = [243, 0], sizes = [1, 256], strides = [1, 1]} : vector<256x256xf32> to vector<1x256xf32>
    %get3A_3126 = arith.constant 3 : index
    %get3A_3127 = arith.constant 0 : index
    %get3A_3128 = arith.constant 0 : index
    %get3A_3129 = vector.load %arg17[%get3A_3126, %get3A_3127, %get3A_3128] : memref<16x192x256xf32, #tpu.memory_space<vmem>>, vector<1x192x256xf32>
    %get3A_3130 = vector.shape_cast %get3A_3129 : vector<1x192x256xf32> to vector<192x256xf32>
    %mul3A_3131 = vector.broadcast %slice3A_3125 : vector<1x256xf32> to vector<192x256xf32>
    %mul3A_3132 = arith.mulf %mul3A_3131, %get3A_3130 : vector<192x256xf32>
    %add3A_3133 = arith.addf %add3A_3124, %mul3A_3132 : vector<192x256xf32>
    %slice3A_3134 = vector.extract_strided_slice %transpose3A_866 {offsets = [244, 0], sizes = [1, 256], strides = [1, 1]} : vector<256x256xf32> to vector<1x256xf32>
    %get3A_3135 = arith.constant 4 : index
    %get3A_3136 = arith.constant 0 : index
    %get3A_3137 = arith.constant 0 : index
    %get3A_3138 = vector.load %arg17[%get3A_3135, %get3A_3136, %get3A_3137] : memref<16x192x256xf32, #tpu.memory_space<vmem>>, vector<1x192x256xf32>
    %get3A_3139 = vector.shape_cast %get3A_3138 : vector<1x192x256xf32> to vector<192x256xf32>
    %mul3A_3140 = vector.broadcast %slice3A_3134 : vector<1x256xf32> to vector<192x256xf32>
    %mul3A_3141 = arith.mulf %mul3A_3140, %get3A_3139 : vector<192x256xf32>
    %add3A_3142 = arith.addf %add3A_3133, %mul3A_3141 : vector<192x256xf32>
    %slice3A_3143 = vector.extract_strided_slice %transpose3A_866 {offsets = [245, 0], sizes = [1, 256], strides = [1, 1]} : vector<256x256xf32> to vector<1x256xf32>
    %get3A_3144 = arith.constant 5 : index
    %get3A_3145 = arith.constant 0 : index
    %get3A_3146 = arith.constant 0 : index
    %get3A_3147 = vector.load %arg17[%get3A_3144, %get3A_3145, %get3A_3146] : memref<16x192x256xf32, #tpu.memory_space<vmem>>, vector<1x192x256xf32>
    %get3A_3148 = vector.shape_cast %get3A_3147 : vector<1x192x256xf32> to vector<192x256xf32>
    %mul3A_3149 = vector.broadcast %slice3A_3143 : vector<1x256xf32> to vector<192x256xf32>
    %mul3A_3150 = arith.mulf %mul3A_3149, %get3A_3148 : vector<192x256xf32>
    %add3A_3151 = arith.addf %add3A_3142, %mul3A_3150 : vector<192x256xf32>
    %slice3A_3152 = vector.extract_strided_slice %transpose3A_866 {offsets = [246, 0], sizes = [1, 256], strides = [1, 1]} : vector<256x256xf32> to vector<1x256xf32>
    %get3A_3153 = arith.constant 6 : index
    %get3A_3154 = arith.constant 0 : index
    %get3A_3155 = arith.constant 0 : index
    %get3A_3156 = vector.load %arg17[%get3A_3153, %get3A_3154, %get3A_3155] : memref<16x192x256xf32, #tpu.memory_space<vmem>>, vector<1x192x256xf32>
    %get3A_3157 = vector.shape_cast %get3A_3156 : vector<1x192x256xf32> to vector<192x256xf32>
    %mul3A_3158 = vector.broadcast %slice3A_3152 : vector<1x256xf32> to vector<192x256xf32>
    %mul3A_3159 = arith.mulf %mul3A_3158, %get3A_3157 : vector<192x256xf32>
    %add3A_3160 = arith.addf %add3A_3151, %mul3A_3159 : vector<192x256xf32>
    %slice3A_3161 = vector.extract_strided_slice %transpose3A_866 {offsets = [247, 0], sizes = [1, 256], strides = [1, 1]} : vector<256x256xf32> to vector<1x256xf32>
    %get3A_3162 = arith.constant 7 : index
    %get3A_3163 = arith.constant 0 : index
    %get3A_3164 = arith.constant 0 : index
    %get3A_3165 = vector.load %arg17[%get3A_3162, %get3A_3163, %get3A_3164] : memref<16x192x256xf32, #tpu.memory_space<vmem>>, vector<1x192x256xf32>
    %get3A_3166 = vector.shape_cast %get3A_3165 : vector<1x192x256xf32> to vector<192x256xf32>
    %mul3A_3167 = vector.broadcast %slice3A_3161 : vector<1x256xf32> to vector<192x256xf32>
    %mul3A_3168 = arith.mulf %mul3A_3167, %get3A_3166 : vector<192x256xf32>
    %add3A_3169 = arith.addf %add3A_3160, %mul3A_3168 : vector<192x256xf32>
    %slice3A_3170 = vector.extract_strided_slice %transpose3A_866 {offsets = [248, 0], sizes = [1, 256], strides = [1, 1]} : vector<256x256xf32> to vector<1x256xf32>
    %get3A_3171 = arith.constant 8 : index
    %get3A_3172 = arith.constant 0 : index
    %get3A_3173 = arith.constant 0 : index
    %get3A_3174 = vector.load %arg17[%get3A_3171, %get3A_3172, %get3A_3173] : memref<16x192x256xf32, #tpu.memory_space<vmem>>, vector<1x192x256xf32>
    %get3A_3175 = vector.shape_cast %get3A_3174 : vector<1x192x256xf32> to vector<192x256xf32>
    %mul3A_3176 = vector.broadcast %slice3A_3170 : vector<1x256xf32> to vector<192x256xf32>
    %mul3A_3177 = arith.mulf %mul3A_3176, %get3A_3175 : vector<192x256xf32>
    %add3A_3178 = arith.addf %add3A_3169, %mul3A_3177 : vector<192x256xf32>
    %slice3A_3179 = vector.extract_strided_slice %transpose3A_866 {offsets = [249, 0], sizes = [1, 256], strides = [1, 1]} : vector<256x256xf32> to vector<1x256xf32>
    %get3A_3180 = arith.constant 9 : index
    %get3A_3181 = arith.constant 0 : index
    %get3A_3182 = arith.constant 0 : index
    %get3A_3183 = vector.load %arg17[%get3A_3180, %get3A_3181, %get3A_3182] : memref<16x192x256xf32, #tpu.memory_space<vmem>>, vector<1x192x256xf32>
    %get3A_3184 = vector.shape_cast %get3A_3183 : vector<1x192x256xf32> to vector<192x256xf32>
    %mul3A_3185 = vector.broadcast %slice3A_3179 : vector<1x256xf32> to vector<192x256xf32>
    %mul3A_3186 = arith.mulf %mul3A_3185, %get3A_3184 : vector<192x256xf32>
    %add3A_3187 = arith.addf %add3A_3178, %mul3A_3186 : vector<192x256xf32>
    %slice3A_3188 = vector.extract_strided_slice %transpose3A_866 {offsets = [250, 0], sizes = [1, 256], strides = [1, 1]} : vector<256x256xf32> to vector<1x256xf32>
    %get3A_3189 = arith.constant 10 : index
    %get3A_3190 = arith.constant 0 : index
    %get3A_3191 = arith.constant 0 : index
    %get3A_3192 = vector.load %arg17[%get3A_3189, %get3A_3190, %get3A_3191] : memref<16x192x256xf32, #tpu.memory_space<vmem>>, vector<1x192x256xf32>
    %get3A_3193 = vector.shape_cast %get3A_3192 : vector<1x192x256xf32> to vector<192x256xf32>
    %mul3A_3194 = vector.broadcast %slice3A_3188 : vector<1x256xf32> to vector<192x256xf32>
    %mul3A_3195 = arith.mulf %mul3A_3194, %get3A_3193 : vector<192x256xf32>
    %add3A_3196 = arith.addf %add3A_3187, %mul3A_3195 : vector<192x256xf32>
    %slice3A_3197 = vector.extract_strided_slice %transpose3A_866 {offsets = [251, 0], sizes = [1, 256], strides = [1, 1]} : vector<256x256xf32> to vector<1x256xf32>
    %get3A_3198 = arith.constant 11 : index
    %get3A_3199 = arith.constant 0 : index
    %get3A_3200 = arith.constant 0 : index
    %get3A_3201 = vector.load %arg17[%get3A_3198, %get3A_3199, %get3A_3200] : memref<16x192x256xf32, #tpu.memory_space<vmem>>, vector<1x192x256xf32>
    %get3A_3202 = vector.shape_cast %get3A_3201 : vector<1x192x256xf32> to vector<192x256xf32>
    %mul3A_3203 = vector.broadcast %slice3A_3197 : vector<1x256xf32> to vector<192x256xf32>
    %mul3A_3204 = arith.mulf %mul3A_3203, %get3A_3202 : vector<192x256xf32>
    %add3A_3205 = arith.addf %add3A_3196, %mul3A_3204 : vector<192x256xf32>
    %slice3A_3206 = vector.extract_strided_slice %transpose3A_866 {offsets = [252, 0], sizes = [1, 256], strides = [1, 1]} : vector<256x256xf32> to vector<1x256xf32>
    %get3A_3207 = arith.constant 12 : index
    %get3A_3208 = arith.constant 0 : index
    %get3A_3209 = arith.constant 0 : index
    %get3A_3210 = vector.load %arg17[%get3A_3207, %get3A_3208, %get3A_3209] : memref<16x192x256xf32, #tpu.memory_space<vmem>>, vector<1x192x256xf32>
    %get3A_3211 = vector.shape_cast %get3A_3210 : vector<1x192x256xf32> to vector<192x256xf32>
    %mul3A_3212 = vector.broadcast %slice3A_3206 : vector<1x256xf32> to vector<192x256xf32>
    %mul3A_3213 = arith.mulf %mul3A_3212, %get3A_3211 : vector<192x256xf32>
    %add3A_3214 = arith.addf %add3A_3205, %mul3A_3213 : vector<192x256xf32>
    %slice3A_3215 = vector.extract_strided_slice %transpose3A_866 {offsets = [253, 0], sizes = [1, 256], strides = [1, 1]} : vector<256x256xf32> to vector<1x256xf32>
    %get3A_3216 = arith.constant 13 : index
    %get3A_3217 = arith.constant 0 : index
    %get3A_3218 = arith.constant 0 : index
    %get3A_3219 = vector.load %arg17[%get3A_3216, %get3A_3217, %get3A_3218] : memref<16x192x256xf32, #tpu.memory_space<vmem>>, vector<1x192x256xf32>
    %get3A_3220 = vector.shape_cast %get3A_3219 : vector<1x192x256xf32> to vector<192x256xf32>
    %mul3A_3221 = vector.broadcast %slice3A_3215 : vector<1x256xf32> to vector<192x256xf32>
    %mul3A_3222 = arith.mulf %mul3A_3221, %get3A_3220 : vector<192x256xf32>
    %add3A_3223 = arith.addf %add3A_3214, %mul3A_3222 : vector<192x256xf32>
    %slice3A_3224 = vector.extract_strided_slice %transpose3A_866 {offsets = [254, 0], sizes = [1, 256], strides = [1, 1]} : vector<256x256xf32> to vector<1x256xf32>
    %get3A_3225 = arith.constant 14 : index
    %get3A_3226 = arith.constant 0 : index
    %get3A_3227 = arith.constant 0 : index
    %get3A_3228 = vector.load %arg17[%get3A_3225, %get3A_3226, %get3A_3227] : memref<16x192x256xf32, #tpu.memory_space<vmem>>, vector<1x192x256xf32>
    %get3A_3229 = vector.shape_cast %get3A_3228 : vector<1x192x256xf32> to vector<192x256xf32>
    %mul3A_3230 = vector.broadcast %slice3A_3224 : vector<1x256xf32> to vector<192x256xf32>
    %mul3A_3231 = arith.mulf %mul3A_3230, %get3A_3229 : vector<192x256xf32>
    %add3A_3232 = arith.addf %add3A_3223, %mul3A_3231 : vector<192x256xf32>
    %slice3A_3233 = vector.extract_strided_slice %transpose3A_866 {offsets = [255, 0], sizes = [1, 256], strides = [1, 1]} : vector<256x256xf32> to vector<1x256xf32>
    %get3A_3234 = arith.constant 15 : index
    %get3A_3235 = arith.constant 0 : index
    %get3A_3236 = arith.constant 0 : index
    %get3A_3237 = vector.load %arg17[%get3A_3234, %get3A_3235, %get3A_3236] : memref<16x192x256xf32, #tpu.memory_space<vmem>>, vector<1x192x256xf32>
    %get3A_3238 = vector.shape_cast %get3A_3237 : vector<1x192x256xf32> to vector<192x256xf32>
    %mul3A_3239 = vector.broadcast %slice3A_3233 : vector<1x256xf32> to vector<192x256xf32>
    %mul3A_3240 = arith.mulf %mul3A_3239, %get3A_3238 : vector<192x256xf32>
    %add3A_3241 = arith.addf %add3A_3232, %mul3A_3240 : vector<192x256xf32>
    %get3A_3242 = arith.constant 0 : index
    %get3A_3243 = arith.constant 2880 : index
    %get3A_3244 = vector.load %arg14[%get3A_3242, %get3A_3243] : memref<256x3072xf32, #tpu.memory_space<vmem>>, vector<256x192xf32>
    %dot_general3A_3245 = arith.constant dense<0.000000e+00> : vector<256x256xf32>
    %dot_general3A_3246 = tpu.matmul %get3A_3244, %add3A_3241, %dot_general3A_3245 {dimension_numbers = #tpu.dot_dimension_numbers<[1], [0], [0], [1], [0, 0, 1, 1], [], []>, transpose_lhs_hint = false} : vector<256x192xf32>, vector<192x256xf32>, vector<256x256xf32> -> vector<256x256xf32>
    %add3A_3247 = arith.addf %add3A_3098, %dot_general3A_3246 : vector<256x256xf32>
    %transpose3A_3248 = tpu.transpose %add3A_3247, [1, 0] : vector<256x256xf32> -> vector<256x256xf32>
    %get3A_3249 = arith.constant 0 : index
    %get3A_3250 = arith.constant 0 : index
    %get3A_3251 = vector.load %arg15[%get3A_3249, %get3A_3250] : memref<1x256xf32, #tpu.memory_space<vmem>>, vector<1x256xf32>
    %add3A_3252 = vector.broadcast %get3A_3251 : vector<1x256xf32> to vector<256x256xf32>
    %add3A_3253 = arith.addf %transpose3A_3248, %add3A_3252 : vector<256x256xf32>
    %swap3A_3254 = arith.constant 0 : index
    %swap3A_3255 = arith.constant 0 : index
    %swap3A_3256 = vector.load %arg16[%swap3A_3254, %swap3A_3255] : memref<256x256xf32, #tpu.memory_space<vmem>>, vector<256x256xf32>
    tpu.vector_store %arg16[%swap3A_3254, %swap3A_3255], %add3A_3253 {strides = array<i32>} : memref<256x256xf32, #tpu.memory_space<vmem>>, vector<256x256xf32>,
    return
  }
  func.func @transform_0(%arg0: i32) -> (i32, i32) {
    %c0_i32 = arith.constant 0 : i32
    %c0_i32_0 = arith.constant 0 : i32
    return %arg0, %c0_i32 : i32, i32
  }
  func.func @transform_1(%arg0: i32) -> (i32, i32) {
    %c0_i32 = arith.constant 0 : i32
    %c0_i32_0 = arith.constant 0 : i32
    return %arg0, %c0_i32 : i32, i32
  }
  func.func @transform_2(%arg0: i32) -> (i32, i32) {
    %c0_i32 = arith.constant 0 : i32
    %c0_i32_0 = arith.constant 0 : i32
    return %arg0, %c0_i32 : i32, i32
  }
  func.func @transform_3(%arg0: i32) -> (i32, i32) {
    %c0_i32 = arith.constant 0 : i32
    %c0_i32_0 = arith.constant 0 : i32
    %c0_i32_1 = arith.constant 0 : i32
    return %c0_i32, %c0_i32_0 : i32, i32
  }
  func.func @transform_4(%arg0: i32) -> (i32, i32) {
    %c0_i32 = arith.constant 0 : i32
    %c0_i32_0 = arith.constant 0 : i32
    %c0_i32_1 = arith.constant 0 : i32
    return %c0_i32, %c0_i32_0 : i32, i32
  }
  func.func @transform_5(%arg0: i32) -> (i32, i32) {
    %c0_i32 = arith.constant 0 : i32
    %c0_i32_0 = arith.constant 0 : i32
    %c0_i32_1 = arith.constant 0 : i32
    return %c0_i32, %c0_i32_0 : i32, i32
  }
  func.func @transform_6(%arg0: i32) -> (i32, i32) {
    %c0_i32 = arith.constant 0 : i32
    %c0_i32_0 = arith.constant 0 : i32
    %c0_i32_1 = arith.constant 0 : i32
    return %c0_i32, %c0_i32_0 : i32, i32
  }
  func.func @transform_7(%arg0: i32) -> (i32, i32) {
    %c0_i32 = arith.constant 0 : i32
    %c0_i32_0 = arith.constant 0 : i32
    %c0_i32_1 = arith.constant 0 : i32
    return %c0_i32, %c0_i32_0 : i32, i32
  }
  func.func @transform_8(%arg0: i32) -> (i32, i32) {
    %c0_i32 = arith.constant 0 : i32
    %c0_i32_0 = arith.constant 0 : i32
    %c0_i32_1 = arith.constant 0 : i32
    return %c0_i32, %c0_i32_0 : i32, i32
  }
  func.func @transform_9(%arg0: i32) -> (i32, i32) {
    %c0_i32 = arith.constant 0 : i32
    %c0_i32_0 = arith.constant 0 : i32
    %c0_i32_1 = arith.constant 0 : i32
    return %c0_i32, %c0_i32_0 : i32, i32
  }
  func.func @transform_10(%arg0: i32) -> (i32, i32) {
    %c0_i32 = arith.constant 0 : i32
    %c0_i32_0 = arith.constant 0 : i32
    %c0_i32_1 = arith.constant 0 : i32
    return %c0_i32, %c0_i32_0 : i32, i32
  }
  func.func @transform_11(%arg0: i32) -> (i32, i32) {
    %c0_i32 = arith.constant 0 : i32
    %c0_i32_0 = arith.constant 0 : i32
    %c0_i32_1 = arith.constant 0 : i32
    return %c0_i32, %c0_i32_0 : i32, i32
  }
  func.func @transform_12(%arg0: i32) -> (i32, i32) {
    %c0_i32 = arith.constant 0 : i32
    %c0_i32_0 = arith.constant 0 : i32
    %c0_i32_1 = arith.constant 0 : i32
    return %c0_i32, %c0_i32_0 : i32, i32
  }
  func.func @transform_13(%arg0: i32) -> (i32, i32) {
    %c0_i32 = arith.constant 0 : i32
    %c0_i32_0 = arith.constant 0 : i32
    %c0_i32_1 = arith.constant 0 : i32
    return %c0_i32, %c0_i32_0 : i32, i32
  }
  func.func @transform_14(%arg0: i32) -> (i32, i32) {
    %c0_i32 = arith.constant 0 : i32
    %c0_i32_0 = arith.constant 0 : i32
    %c0_i32_1 = arith.constant 0 : i32
    return %c0_i32, %c0_i32_0 : i32, i32
  }
  func.func @transform_15(%arg0: i32) -> (i32, i32) {
    %c0_i32 = arith.constant 0 : i32
    %c0_i32_0 = arith.constant 0 : i32
    return %arg0, %c0_i32 : i32, i32
  }
}

</mosaic_0001>

<sc_bundles>
// kernel: kernel.5.cloned.1.call-start
scs
__scs_entry_jumppad:
0x0: {  	(pc) =	sbr.rel $0x88, $3  }
0x1: {  	(tag) =	ssettag $0x0;
	lr =	simm.s32 $0x1  }
0x2: {  	[smem:$0x3F90] =	sst lr;
	_ =	strace $0xD0000000  }
0x3: {  	_ = 	snop  }
0x4: {  	_ = 	snop  }
0x5: {  	_ = 	snop  }
0x6: {  	_ = 	snop  }
0x7: {  	_ = 	snop  }
__scs_overlays_trampoline_lowered:
0x8: {  	[smem:$0x3F9F] =	sst s0  }
0x9: {  	[smem:$0x3FA0] =	sst s1  }
0xa: {  	[smem:$0x3FA1] =	sst s2  }
0xb: {  	[smem:$0x3FA2] =	sst s3  }
0xc: {  	[smem:$0x3FA3] =	sst s4  }
0xd: {  	[smem:$0x3FA4] =	sst s5  }
0xe: {  	[smem:$0x3FA5] =	sst s6  }
0xf: {  	[smem:$0x3FA6] =	sst s7  }
0x10: {  	[smem:$0x3FA7] =	sst s8  }
0x11: {  	[smem:$0x3FA8] =	sst s9;
	s0 =	simm.s32 @!p0 $0x0  }
0x12: {  	s1 =	sld [smem:$0x3F8E];
	s0 =	simm.s32 @p0 $0x1  }
0x13: {  	[smem:$0x3FA9] =	sst s0;
	s0 =	simm.s32 @!p1 $0x0  }
0x14: {  	s2 =	sld [smem:$0x3F8D];
	s0 =	simm.s32 @p1 $0x1  }
0x15: {  	[smem:$0x3FAA] =	sst s0;
	s0 =	simm.s32 @!p2 $0x0  }
0x16: {  	s3 =	sld [smem:$0x3FDB];
	s0 =	simm.s32 @p2 $0x1  }
0x17: {  	s4 =	simm.s32 $0x1BF5;
	[smem:$0x3FAC] =	sst s0  }
0x18: {  	s0 =	sld [smem:$0x3F8F];
	_ =	swait.ge [sflag:s4], $0x0  }
0x19: {  	s7 =	sld [smem:$0x3F90]  }
0x1a: {  	s8 =	sadd.s32 $0xFFFFE003, lr  }
0x1b: {  	s9 =	sadd.s32 $0xFFFFFEF7, lr;
	s5 =	simm.s32 $0xFFFFFFFF;
	p2 =	slt.u32 s8, $0xFFFFF086  }
0x1c: {  	p1 =	slt.u32 s9, $0xF7A;
	s5 =	simm.s32 @!p2 $0x0  }
0x1d: {  	s5 =	simm.s32 @p1 $0x1;
	p0 =	seq.s32 s7, s2  }
0x1e: {  	s7 =	smul.u32 @!p0 $0xF7A, s2;
	p2 =	seq.s32 @!p0 s5, $0x0  }
0x1f: {  	s9 =	smul.u32 $0xF7A, s1;
	s8 =	simm.s32 @!p0 $0x1BF5;
	p2 =	por !p2, p0  }
0x20: {  	[sflag:s8] =	ssyncset.s32 @!p0 $0xFFFFF086;
	s6 =	sadd.s32 @!p0 s3, s7;
	s7 =	simm.s32 @!p0 $0x108  }
0x21: {  	s3 =	sadd.s32 s3, s9;
	s6 =	sadd.s32 @!p0 $0x88, s6;
	s7 =	simm.s32 @p2 $0x1082  }
0x22: {  	[simem:s7], [sflag:s8] =	dma.local @!p0 [hbm:s6], $0xF7A  }
0x23: {  	s9 =	sor.u32 $0xD0000000, s2;
	s6 =	simm.s32 $0x108;
	_ =	swait.ge @!p0 [sflag:s8], $0x0  }
0x24: {  	s3 =	sadd.s32 $0x88, s3;
	s6 =	simm.s32 @!p1 $0x1082;
	[sflag:s4] =	ssyncset.s32 $0xFFFFF086  }
0x25: {  	[simem:s6], [sflag:s4] =	dma.local [hbm:s3], $0xF7A  }
0x26: {  	[smem:$0x3F90] =	sst s1;
	(tag) =	ssettag s2;
	_ =	strace s9  }
0x27: {  	s1 =	sld [smem:$0x3FA0]  }
0x28: {  	s2 =	sld [smem:$0x3FA1]  }
0x29: {  	s4 =	sld [smem:$0x3FA3]  }
0x2a: {  	p0 =	seq.s32 s5, $0x0;
	s5 =	sld [smem:$0x3FA4]  }
0x2b: {  	s6 =	sld [smem:$0x3FA5]  }
0x2c: {  	s7 =	sld [smem:$0x3FA6]  }
0x2d: {  	s3 =	simm.s32 $0x108;
	s8 =	sld [smem:$0x3FA7]  }
0x2e: {  	s3 =	simm.s32 @!p0 $0x1082;
	s9 =	sld [smem:$0x3FA8]  }
0x2f: {  	lr =	sadd.s32 s0, s3;
	s0 =	sld [smem:$0x3F9F]  }
0x30: {  	s3 =	sld [smem:$0x3FA2]  }
0x31: {  	[smem:$0x3FAB] =	sst s10  }
0x32: {  	s10 =	sld [smem:$0x3FA9];
	_ =	sdelay $0x3  }
0x33: {  	p0 =	seq.s32 s10, $0x1;
	s10 =	sld [smem:$0x3FAB];
	_ =	sdelay $0x3  }
0x34: {  	[smem:$0x3FAB] =	sst s10  }
0x35: {  	s10 =	sld [smem:$0x3FAA];
	_ =	sdelay $0x3  }
0x36: {  	p1 =	seq.s32 s10, $0x1;
	s10 =	sld [smem:$0x3FAB];
	_ =	sdelay $0x3  }
0x37: {  	[smem:$0x3FAB] =	sst s10  }
0x38: {  	s10 =	sld [smem:$0x3FAC]  }
0x39: {  	_ = 	snop;
	(pc) =	sbr.ind lr, $3  }
0x3a: {  	_ = 	snop  }
0x3b: {  	_ = 	snop  }
0x3c: {  	p2 =	seq.s32 s10, $0x1;
	s10 =	sld [smem:$0x3FAB]  }
0x3d: {  	_ =	shalt  }
0x3e: {  	_ =	shalt  }
0x3f: {  	_ =	shalt  }
0x40: {  	_ =	shalt  }
0x41: {  	_ =	shalt  }
0x42: {  	_ =	shalt  }
0x43: {  	_ =	shalt  }
0x44: {  	_ =	shalt  }
0x45: {  	_ =	shalt  }
0x46: {  	_ =	shalt  }
0x47: {  	_ =	shalt  }
0x48: {  	_ =	shalt  }
0x49: {  	_ =	shalt  }
0x4a: {  	_ =	shalt  }
0x4b: {  	_ =	shalt  }
0x4c: {  	_ =	shalt  }
0x4d: {  	_ =	shalt  }
0x4e: {  	_ =	shalt  }
0x4f: {  	_ =	shalt  }
0x50: {  	_ =	shalt  }
0x51: {  	_ =	shalt  }
0x52: {  	_ =	shalt  }
0x53: {  	_ =	shalt  }
0x54: {  	_ =	shalt  }
0x55: {  	_ =	shalt  }
0x56: {  	_ =	shalt  }
0x57: {  	_ =	shalt  }
0x58: {  	_ =	shalt  }
0x59: {  	_ =	shalt  }
0x5a: {  	_ =	shalt  }
0x5b: {  	_ =	shalt  }
0x5c: {  	_ =	shalt  }
0x5d: {  	_ =	shalt  }
0x5e: {  	_ =	shalt  }
0x5f: {  	_ =	shalt  }
0x60: {  	_ =	shalt  }
0x61: {  	_ =	shalt  }
0x62: {  	_ =	shalt  }
0x63: {  	_ =	shalt  }
0x64: {  	_ =	shalt  }
0x65: {  	_ =	shalt  }
0x66: {  	_ =	shalt  }
0x67: {  	_ =	shalt  }
0x68: {  	_ =	shalt  }
0x69: {  	_ =	shalt  }
0x6a: {  	_ =	shalt  }
0x6b: {  	_ =	shalt  }
0x6c: {  	_ =	shalt  }
0x6d: {  	_ =	shalt  }
0x6e: {  	_ =	shalt  }
0x6f: {  	_ =	shalt  }
0x70: {  	_ =	shalt  }
0x71: {  	_ =	shalt  }
0x72: {  	_ =	shalt  }
0x73: {  	_ =	shalt  }
0x74: {  	_ =	shalt  }
0x75: {  	_ =	shalt  }
0x76: {  	_ =	shalt  }
0x77: {  	_ =	shalt  }
0x78: {  	_ =	shalt  }
0x79: {  	_ =	shalt  }
0x7a: {  	_ =	shalt  }
0x7b: {  	_ =	shalt  }
0x7c: {  	_ =	shalt  }
0x7d: {  	_ =	shalt  }
0x7e: {  	_ =	shalt  }
0x7f: {  	_ =	shalt  }
0x80: {  	_ =	shalt  }
0x81: {  	_ =	shalt  }
0x82: {  	_ =	shalt  }
0x83: {  	_ =	shalt  }
0x84: {  	_ =	shalt  }
0x85: {  	_ =	shalt  }
0x86: {  	_ =	shalt  }
0x87: {  	_ =	shalt  }
.Lfunc_end0:
.L_simem_size_0:
called_computation_lowered:
.L_overlay_start_0:
0x88: {  	s2 =	sld [smem:$0x3FD9]  }
0x89: {  	s3 =	sld [smem:$0x3FFE];
	_ =	sdelay $0x1  }
0x8a: {  	s1 =	srdreg.scid  }
0x8b: {  	s0 =	sand.u32 $0x1, s1  }
0x8c: {  	s17 =	sshll.u32 s0, $0xA;
	s2 =	sadd.s32 s3, s2  }
0x8d: {  	s2 =	sadd.s32 s2, s17  }
0x8e: {  	[smem:$0x3FB7] =	sst s2  }
0x8f: {  	_ = 	snop  }
0x90: {  	s2 =	sld [smem:$0x3FC9]  }
0x91: {  	s18 =	sld [smem:$0x3FD0];
	(tm) =	ssettm $0x1  }
0x92: {  	s4 =	sld [smem:$0x3FFB];
	_ =	sdelay $0x3  }
0x93: {  	_ =	strace s4  }
0x94: {  	s4 =	sld [smem:$0x3FFC];
	_ =	sdelay $0x3  }
0x95: {  	_ =	strace s4  }
0x96: {  	s4 =	sld [smem:$0x3FFD];
	_ =	sdelay $0x3  }
0x97: {  	_ =	strace s4  }
0x98: {  	_ =	strace $0x8FFFFFFF  }
0x99: {  	s19 =	sld [smem:$0x3FDB];
	_ =	sdelay $0x1  }
0x9a: {  	s5 =	simm.s32 $_scs_section_size  }
0x9b: {  	s6 =	simm.s32 $_size__tile_overlayer_lowered;
	s7 =	simm.s32 $_tile_overlayer_lowered  }
0x9c: {  	s22 =	simm.s32 $0x1BFF;
	s21 =	sshll.u32 s7, $0x1;
	s4 =	sadd.s32 s5, s19  }
0x9d: {  	s8 =	simm.s32 $0x0;
	s20 =	sshll.u32 s6, $0x1;
	s6 =	sadd.s32 s21, s4  }
0x9e: {  	[timem:s8], [sflag:s22] =	dma.local [hbm:s6], s20  }
0x9f: {  	_ =	swait.ge [sflag:s22], s20  }
0xa0: {  	s5 =	ssub.s32 $0x0, s20;
	[sflag:s22] =	ssyncset.done $0x0  }
0xa1: {  	[sflag:s22] =	ssyncadd.s32 s5;
	_ =	sdelay $0x1  }
0xa2: {  	s23 =	simm.s32 $0x1B8B  }
0xa3: {  	_ =	swait.ge [sflag:s23], $0x1  }
0xa4: {  	[sflag:s23] =	ssyncset.done $0x0  }
0xa5: {  	s25 =	simm.s32 $0x1B8E;
	s24 =	sld [smem:$0x3FFE];
	[sflag:s23] =	ssyncadd.s32 $0xFFFFFFFF  }
0xa6: {  	s26 =	simm.s32 $execute0_lowered;
	[smem:$0x3FD2] =	sst s25  }
0xa7: {  	s6 =	sshll.u32 s26, $0x1;
	_ =	strace $0x80000046;
	[dreg:$0x1] =	wrdreg $0xFFFFFFFF  }
0xa8: {  	s28 =	simm.s32 $_size_execute0_lowered;
	s4 =	sadd.s32 s4, s6;
	[dreg:$0x0] =	wrdreg $0x0  }
0xa9: {  	s6 =	sshll.u32 s28, $0x1;
	[dreg:$0x2] =	wrdreg s4  }
0xaa: {  	[dreg:$0x3] =	wrdreg s6  }
0xab: {  	[dreg:$0x4] =	wrdreg $0xC0  }
0xac: {  	_ =	task [dreg:s8], $0x5FFFF  }
0xad: {  	[dreg:$0x1] =	wrdreg $0xFFFFFFFF  }
0xae: {  	[dreg:$0x0] =	wrdreg $0x60  }
0xaf: {  	[dreg:$0x2] =	wrdreg s18  }
0xb0: {  	[dreg:$0x3] =	wrdreg s2  }
0xb1: {  	[dreg:$0x4] =	wrdreg s24  }
0xb2: {  	[dreg:$0x5] =	wrdreg $0x9  }
0xb3: {  	_ =	task.clear_ibuf [dreg:s8], $0x6FFFF;
	_ =	strace $0x90000046  }
0xb4: {  	s29 =	simm.s32 $0x9;
	_ =	strace $0x80000048  }
0xb5: {  	_ =	swait.ge [sflag:s29], $0x1  }
0xb6: {  	[sflag:s29] =	ssyncadd.s32 $0xFFFFFFFF  }
0xb7: {  	_ =	strace $0x90000048  }
0xb8: {  	_ =	sfence  }
0xb9: {  	s30 =	sld [smem:$0x0];
	_ =	sdelay $0x2  }
0xba: {  	s31 =	sshll.u32 s1, $0xD;
	s1 =	sshrl.u32 s1, $0x2  }
0xbb: {  	s3 =	sand.u32 $0x4000, s31;
	s1 =	sadd.s32 s1, s30  }
0xbc: {  	s0 =	sor.u32 s3, s0;
	s1 =	sshll.u32 s1, $0x11  }
0xbd: {  	s0 =	sor.u32 s1, s0  }
0xbe: {  	s0 =	sadd.s32 $0x8F2B, s0  }
0xbf: {  	[sflag:s0] =	ssyncadd.remote.s32 $0x1  }
0xc0: {  	_ =	sfence.sel $0xFFFF  }
0xc1: {  	[dreg:$0x0] =	wrdreg $0xFFFFFFFF;
	(pc) =	sbr.abs _section_cstart, $3  }
0xc2: {  	[dreg:$0x1] =	wrdreg $0xFFFFFFFF  }
0xc3: {  	_ =	task.clear_ibuf [dreg:s8], $0x2FFFF;
	_ =	strace $0x9FFFFFFF  }
0xc4: {  	(tm) =	ssettm $0x7FFFFFFF  }
0xc5: {  	_ =	shalt  }
tec
execute0_lowered:
.L_overlay_start_1:
0x0: {  	(tag) =	ssettag $0x1  }
0x1: {  	s5 =	rddreg [dreg:$0x0]  }
0x2: {  	s1 =	rddreg [dreg:$0x1]  }
0x3: {  	s6 =	rddreg [dreg:$0x2]  }
0x4: {  	s0 =	rddreg [dreg:$0x3];
	s3 =	simm.s32 $0x0;
	s2 =	stileid.u32  }
0x5: {  	s7 =	srdreg.scid;
	s12 =	simm.s32 $0x5000;
	s13 =	simm.s32 $0x1  }
0x6: {  	s14 =	simm.s32 $0x2;
	s15 =	simm.s32 $0x0;
	[smem:$0x7FF] =	sst s3  }
0x7: {  	s4 =	sadd.s32 $0x2600, s6;
	s8 =	sshll.u32 s2, $0x11;
	s7 =	sand.u32 $0x1, s7  }
0x8: {  	s10 =	sshll.u32 s2, $0xD;
	_ =	strace $0x80000047;
	s9 =	ssub.s32 $0x2, s7  }
0x9: {  	s11 =	sshll.u32 s7, $0xC;
	s8 =	sadd.s32 s8, s6;
	s7 =	sshll.u32 s7, $0x10  }
0xa: {  	s30 =	sshrl.u32 s9, $0x1;
	s10 =	sor.u32 s11, s10;
	s8 =	sadd.s32 s7, s8  }
0xb: {  	s11 =	simm.s32 $0x1000;
	s6 =	ssub.s32 s9, s30;
	s31 =	sshrl.u32 s10, $0x3  }
0xc: {  	s7 =	sadd.s32 $0x82600, s8;
	s8 =	sadd.s32 $0x282600, s8;
	s9 =	simm.s32 $0x3  }
0xd: {  	s10 =	simm.s32 $0x80;
	s5 =	sadd.s32 s5, s31;
	s6 =	smax.u32 s6, $0x1  }
.LBB2_1:
0xe: {  	[tilespmem:s3], [sflag:$0x3] =	stream.linear.gather [hbm4b:s5+s3], $0x1000, $0x38;
	[tilespmem:$0x9000] =	vst v63  }
0xf: {  	_ =	swait.ge [sflag:s9], $0x1000  }
0x10: {  	[sflag:s9] =	ssyncset.done $0x0  }
0x11: {  	[sflag:s9] =	ssyncadd.s32 $0xFFFFF000  }
0x12: {  	[tilespmem:s11], [sflag:$0x1] =	stream.indirect.gather [hbm4b:s1+s10], $0x80, s3, s10, $0xb8;
	[tilespmem:$0x9000] =	vst v63  }
0x13: {  	_ = 	snop  }
0x14: {  	[tilespmem:s12], [sflag:$0x2] =	stream.indirect.gather [hbm4b:s4+s10], $0x80, s3, s10, $0xb8;
	[tilespmem:$0x9000] =	vst v63  }
0x15: {  	_ =	swait.ge [sflag:s13], $0x4000  }
0x16: {  	[sflag:s13] =	ssyncset.done $0x0  }
0x17: {  	[sflag:s13] =	ssyncadd.s32 $0xFFFFC000  }
0x18: {  	_ =	swait.ge [sflag:s14], $0x4000  }
0x19: {  	[sflag:s14] =	ssyncset.done $0x0  }
0x1a: {  	s16 =	sadd.s32 $0x0, s7;
	[sflag:s14] =	ssyncadd.s32 $0xFFFFC000  }
0x1b: {  	[hbm4b:s16+s3] =	stream.linear.scatter [tilespmem:s11], [sflag:$0x3], $0x4000, $0x38;
	[tilespmem:$0x9000] =	vst v63  }
0x1c: {  	_ =	swait.ge [sflag:s9], $0x4000  }
0x1d: {  	[sflag:s9] =	ssyncset.done $0x0  }
0x1e: {  	s31 =	sadd.s32 $0x0, s8;
	[sflag:s9] =	ssyncadd.s32 $0xFFFFC000  }
0x1f: {  	[hbm4b:s31+s3] =	stream.linear.scatter [tilespmem:s12], [sflag:$0x3], $0x4000, $0x38;
	[tilespmem:$0x9000] =	vst v63  }
0x20: {  	_ =	swait.ge [sflag:s9], $0x4000  }
0x21: {  	s17 =	simm.s32 $0x0;
	s16 =	simm.s32 $0x800;
	[sflag:s9] =	ssyncset.done $0x0  }
.LBB2_2:
0x22: {  	p0 =	sne.s32 s16, $0xF800;
	[sflag:s9] =	ssyncadd.s32 $0xFFFFC000;
	s17 =	sadd.s32 $0x80, s17  }
0x23: {  	[tilespmem:s11], [sflag:$0x1] =	stream.indirect.gather [hbm4b:s1+s10], $0x80, s17, s10, $0xb8;
	[tilespmem:$0x9000] =	vst v63  }
0x24: {  	s18 =	smov.u32 s16;
	s16 =	sadd.s32 $0x800, s16  }
0x25: {  	[tilespmem:s12], [sflag:$0x2] =	stream.indirect.gather [hbm4b:s4+s10], $0x80, s17, s10, $0xb8;
	[tilespmem:$0x9000] =	vst v63  }
0x26: {  	_ =	swait.ge [sflag:s13], $0x4000  }
0x27: {  	[sflag:s13] =	ssyncset.done $0x0  }
0x28: {  	[sflag:s13] =	ssyncadd.s32 $0xFFFFC000  }
0x29: {  	_ =	swait.ge [sflag:s14], $0x4000  }
0x2a: {  	[sflag:s14] =	ssyncset.done $0x0  }
0x2b: {  	s19 =	sadd.s32 s18, s7;
	[sflag:s14] =	ssyncadd.s32 $0xFFFFC000  }
0x2c: {  	[hbm4b:s19+s3] =	stream.linear.scatter [tilespmem:s11], [sflag:$0x3], $0x4000, $0x38;
	[tilespmem:$0x9000] =	vst v63  }
0x2d: {  	_ =	swait.ge [sflag:s9], $0x4000  }
.Ltmp0:
0x2e: {  	[sflag:s9] =	ssyncset.done $0x0;
	(pc) =	sbr.rel @p0 .LBB2_2-.Ltmp0, $4  }
0x2f: {  	s18 =	sadd.s32 s18, s8;
	[sflag:s9] =	ssyncadd.s32 $0xFFFFC000  }
0x30: {  	[hbm4b:s18+s3] =	stream.linear.scatter [tilespmem:s12], [sflag:$0x3], $0x4000, $0x38;
	[tilespmem:$0x9000] =	vst v63  }
0x31: {  	_ =	swait.ge [sflag:s9], $0x4000  }
0x32: {  	[sflag:s9] =	ssyncset.done $0x0  }
0x33: {  	s15 =	sadd.s32 $0x1, s15  }
0x34: {  	p0 =	sne.s32 s15, s6  }
.Ltmp1:
0x35: {  	_ = 	snop;
	(pc) =	sbr.rel @p0 .LBB2_1-.Ltmp1, $2  }
0x36: {  	_ =	sdelay $0x2  }
0x37: {  	[sflag:s9] =	ssyncadd.s32 $0xFFFFC000  }
0x38: {  	_ =	sfence.sel $0x180000  }
0x39: {  	[bflag:$0x0] =	sbarrier.arrive $0xFFFF  }
0x3a: {  	p0 =	sne.s32 s2, $0x0;
	_ =	strace $0x90000047  }
0x3b: {  	s0 =	sadd.s32 @!p0 $0x100000, s0;
	[bflag:$0x2] =	sbarrier.arrive $0xFFFF  }
0x3c: {  	[sflag:s0] =	ssyncadd.tile.s32 @!p0 $0x1;
	_ =	shalt  }
.Lfunc_end2:
_tile_overlayer_lowered:
.L_overlay_start_2:
0x3d: {  	(tag) =	ssettag $0x2  }
0x3e: {  	s0 =	rddreg [dreg:$0x0];
	s2 =	stileid.u32  }
0x3f: {  	s1 =	rddreg [dreg:$0x1];
	p0 =	sne.s32 s2, $0x0  }
0x40: {  	s3 =	rddreg [dreg:$0x2];
	[bflag:$0x3] =	sbarrier.arrive $0xFFFF;
	s2 =	simm.s32 @!p0 $0x1C03  }
0x41: {  	[timem:s3], [sflag:s2] =	dma.local @!p0 [hbm:s0], s1  }
0x42: {  	s0 =	simm.s32 @!p0 $0x3  }
0x43: {  	_ =	swait.ge @!p0 [sflag:s0], s1  }
0x44: {  	s1 =	ssub.s32 @!p0 $0x0, s1;
	[sflag:s0] =	ssyncset.done @!p0 $0x0  }
0x45: {  	[sflag:s0] =	ssyncadd.s32 @!p0 s1  }
0x46: {  	[bflag:$0x3] =	sbarrier.arrive $0xFFFF  }
0x47: {  	_ =	shalt  }

</sc_bundles>
